<compile_context>
chip_gen: v7x
topology: tpu7x:2x2x1
jax: 0.10.2.dev20260603
libtpu: 0.0.44.dev20260713+nightly
codegen_flags: <defaults>
</compile_context>

<pallas_src>
import functools

import jax
import jax.numpy as jnp
from jax import lax
from jax.experimental import pallas as pl
from jax.experimental.pallas import tpu as pltpu
from jax.experimental.pallas import tpu_sc as plsc


def _make_sc_pool(batch, seq, hid, n_words):
    mesh = plsc.VectorSubcoreMesh(core_axis_name="c", subcore_axis_name="s")
    nw = mesh.num_cores * mesh.num_subcores
    assert batch % nw == 0
    bpw = batch // nw
    assert bpw % 8 == 0 and hid % 16 == 0
    n_vec = hid // 16
    g_rows = 4
    assert seq % (2 * g_rows) == 0
    n_chunks = seq // g_rows

    @functools.partial(
        pl.kernel,
        mesh=mesh,
        out_type=jax.ShapeDtypeStruct((batch, hid), jnp.float32),
        scratch_types=[
            pltpu.VMEM((seq, bpw), jnp.int32),
            pltpu.VMEM((2, g_rows, bpw, hid), jnp.float32),
            pltpu.VMEM((bpw, hid), jnp.float32),
            pltpu.SemaphoreType.DMA,
            pltpu.SemaphoreType.DMA,
        ],
        compiler_params=pltpu.CompilerParams(use_tc_tiling_on_sc=False),
    )
    def sc_pool(x_hbm, emb_hbm, out_hbm, idx_v, rows_v, acc_v, sem0, sem1):
        ncores = mesh.num_cores
        wid = lax.axis_index("s") * ncores + lax.axis_index("c")
        base = wid * bpw

        pltpu.sync_copy(x_hbm.at[:, pl.ds(base, bpw)], idx_v)

        zero = jnp.zeros((16,), jnp.float32)

        @pl.loop(0, bpw)
        def _(b):
            for k in range(n_vec):
                acc_v[b, pl.ds(k * 16, 16)] = zero

        sems = (sem0, sem1)

        def fire(c, buf):
            for g in range(g_rows):
                pltpu.make_async_copy(
                    emb_hbm.at[idx_v.at[c * g_rows + g]],
                    rows_v.at[buf, g],
                    sems[buf],
                ).start()

        def drain(buf):
            for g in range(g_rows):
                pltpu.make_async_copy(
                    emb_hbm.at[idx_v.at[0]],
                    rows_v.at[buf, g],
                    sems[buf],
                ).wait()

        def reduce(buf):
            @pl.loop(0, bpw // 8)
            def _(sub):
                j0 = sub * 8
                acc = [
                    [acc_v[j0 + j, pl.ds(k * 16, 16)] for k in range(n_vec)]
                    for j in range(8)
                ]
                for g in range(g_rows):
                    for j in range(8):
                        for k in range(n_vec):
                            acc[j][k] = acc[j][k] + rows_v[
                                buf, g, j0 + j, pl.ds(k * 16, 16)
                            ]
                for j in range(8):
                    for k in range(n_vec):
                        acc_v[j0 + j, pl.ds(k * 16, 16)] = acc[j][k]

        fire(0, 0)

        @pl.loop(0, n_chunks, step=2)
        def _(c):
            fire(c + 1, 1)
            drain(0)
            reduce(0)

            @pl.when(c + 2 < n_chunks)
            def _():
                fire(c + 2, 0)

            drain(1)
            reduce(1)

        pltpu.sync_copy(acc_v, out_hbm.at[pl.ds(base, bpw)])

    return sc_pool


def _mm_body(inv_seq, h_ref, w_ref, b_ref, o_ref):
    h = h_ref[...] * inv_seq
    o_ref[...] = (
        jnp.dot(h, w_ref[...], preferred_element_type=jnp.float32) + b_ref[...]
    )


def _matmul(hsum, w, b2, inv_seq):
    batch, hid = hsum.shape
    n_class = w.shape[1]
    bm = 512
    grid = (batch // bm,)
    return pl.pallas_call(
        functools.partial(_mm_body, inv_seq),
        grid=grid,
        in_specs=[
            pl.BlockSpec((bm, hid), lambda i: (i, 0)),
            pl.BlockSpec((hid, n_class), lambda i: (0, 0)),
            pl.BlockSpec((1, n_class), lambda i: (0, 0)),
        ],
        out_specs=pl.BlockSpec((bm, n_class), lambda i: (i, 0)),
        out_shape=jax.ShapeDtypeStruct((batch, n_class), jnp.float32),
    )(hsum, w, b2)


def kernel(x, emb, W, b):
    seq, batch = x.shape
    n_words, hid = emb.shape
    sc_pool = _make_sc_pool(batch, seq, hid, n_words)
    hsum = sc_pool(x.astype(jnp.int32), emb)
    y = _matmul(hsum, W, b.reshape(1, -1), 1.0 / seq)
    return y

# --- scband reference (transcript-rebuilt; emitter-appended) ---
"""Pipeline reference for scband-model-40673340293421 (READ-ONLY COPY).

The authoritative reference and input builder live on the scoring server;
editing this copy changes nothing except your own understanding.
"""

import jax, jax.numpy as jnp
import numpy as np

N_WORD = 100000
N_HIDDEN = 64
N_CLASS = 1000
SEQ = 200
BATCH = 4096

def setup_inputs(seed: int = 0) -> dict:
    key = jax.random.key(seed)
    k1, k2, k3, k4 = jax.random.split(key, 4)
    x = jax.random.randint(k1, (SEQ, BATCH), 0, N_WORD, dtype=jnp.int64 if jax.config.jax_enable_x64 else jnp.int32)
    emb = jax.random.normal(k2, (N_WORD, N_HIDDEN), dtype=jnp.float32)
    W = jax.random.normal(k3, (N_HIDDEN, N_CLASS), dtype=jnp.float32) * (1.0 / np.sqrt(N_HIDDEN))
    b = jax.random.normal(k4, (N_CLASS,), dtype=jnp.float32) * 0.01
    return {"x": x, "emb": emb, "W": W, "b": b}

def reference(x, emb, W, b):
    # x: int[SEQ, BATCH]; embedding lookup -> [SEQ, BATCH, N_HIDDEN]
    e = jnp.take(emb, x, axis=0)
    # mean over dim=0 (sequence dim) -> [BATCH, N_HIDDEN]
    h = jnp.mean(e, axis=0)
    # linear -> [BATCH, N_CLASS]
    y = h @ W + b
    return y

if __name__ == "__main__":
    import jax
    _d = setup_inputs()
    print(jax.jit(kernel)(*tuple(_d.values())))

</pallas_src>

<mosaic_0001>
#map = affine_map<(d0, d1) -> (0, 0)>
module attributes {stable_mosaic.version = 14 : i64} {
  func.func @sc_pool(%arg0: i32, %arg1: i32, %arg2: memref<200x4096xi32, #tpu.memory_space<hbm>>, %arg3: memref<100000x64xf32, #tpu.memory_space<hbm>>, %arg4: memref<4096x64xf32, #tpu.memory_space<hbm>>, %arg5: memref<200x128xi32, #tpu.memory_space<vmem>>, %arg6: memref<2x4x128x64xf32, #tpu.memory_space<vmem>>, %arg7: memref<128x64xf32, #tpu.memory_space<vmem>>, %arg8: memref<!tpu.dma_semaphore, #tpu.memory_space<semaphore_mem>>, %arg9: memref<!tpu.dma_semaphore, #tpu.memory_space<semaphore_mem>>) attributes {dimension_semantics = [#tpu.dimension_semantics<core_parallel>, #tpu.dimension_semantics<subcore_parallel>], iteration_bounds = array<i64: 2, 16>, scalar_prefetch = 0 : i64, scratch_operands = 5 : i64, tpu.core_type = #tpu.core_type<sc_vector_subcore>, window_params = [{transform_indices = #map}, {transform_indices = #map}, {transform_indices = #map}]} {
    %mul3A = arith.constant 2 : i32
    %mul3A_0 = arith.muli %arg1, %mul3A : i32
    %add3A = arith.addi %mul3A_0, %arg0 : i32
    %mul3A_1 = arith.constant 128 : i32
    %mul3A_2 = arith.muli %add3A, %mul3A_1 : i32
    "tpu.region"() ({
      %run_scoped3A = tpu.sem_alloc : memref<!tpu.dma_semaphore, #tpu.memory_space<semaphore_mem>>
      %dma_start3A_64 = arith.constant 0 : i32
      %dma_start3A_65 = tpu.memref_slice %arg2[%dma_start3A_64, %mul3A_2] : memref<200x4096xi32, #tpu.memory_space<hbm>> -> memref<200x128xi32, #tpu.memory_space<hbm>>
      %dma_start3A_66 = arith.constant 0 : i32
      %dma_start3A_67 = tpu.memref_slice %arg2[%dma_start3A_66, %mul3A_2] : memref<200x4096xi32, #tpu.memory_space<hbm>> -> memref<200x128xi32, #tpu.memory_space<hbm>>
      tpu.enqueue_dma source(%dma_start3A_67 : memref<200x128xi32, #tpu.memory_space<hbm>>) target(%arg5 : memref<200x128xi32, #tpu.memory_space<vmem>>) target_semaphore(%run_scoped3A : memref<!tpu.dma_semaphore, #tpu.memory_space<semaphore_mem>>)
      %dma_wait3A = arith.constant 0 : i32
      %dma_wait3A_68 = tpu.memref_slice %arg2[%dma_wait3A, %mul3A_2] : memref<200x4096xi32, #tpu.memory_space<hbm>> -> memref<200x128xi32, #tpu.memory_space<hbm>>
      %dma_wait3A_69 = arith.constant 0 : i32
      %dma_wait3A_70 = tpu.memref_slice %arg2[%dma_wait3A_69, %mul3A_2] : memref<200x4096xi32, #tpu.memory_space<hbm>> -> memref<200x128xi32, #tpu.memory_space<hbm>>
      tpu.wait_dma2 semaphore(%run_scoped3A : memref<!tpu.dma_semaphore, #tpu.memory_space<semaphore_mem>>) src(%dma_wait3A_70 : memref<200x128xi32, #tpu.memory_space<hbm>>) dst(%arg5 : memref<200x128xi32, #tpu.memory_space<vmem>>)
      tpu.yield
    }) : () -> ()
    %broadcast_in_dim3A = arith.constant 0.000000e+00 : f32
    %broadcast_in_dim3A_3 = vector.broadcast %broadcast_in_dim3A : f32 to vector<16xf32>
    %scan3A = arith.constant 0 : i32
    %scan3A_4 = arith.constant 128 : i32
    %scan3A_5 = arith.addi %scan3A, %scan3A_4 : i32
    %scan3A_6 = arith.constant 1 : i32
    scf.for %scan3A_64 = %scan3A to %scan3A_5 step %scan3A_6  : i32 {
      %mul3A_65 = arith.constant 1 : i32
      %mul3A_66 = arith.muli %scan3A_64, %mul3A_65 : i32
      %add3A_67 = arith.constant 0 : i32
      %add3A_68 = arith.addi %add3A_67, %mul3A_66 : i32
      %swap3A = arith.index_cast %add3A_68 : i32 to index
      %swap3A_69 = arith.constant 0 : index
      %swap3A_70 = tpu.vector_load %arg7[%swap3A, %swap3A_69] {strides = array<i32>} : memref<128x64xf32, #tpu.memory_space<vmem>>, vector<1x16xf32>,
      %swap3A_71 = vector.shape_cast %swap3A_70 : vector<1x16xf32> to vector<16xf32>
      %swap3A_72 = vector.shape_cast %broadcast_in_dim3A_3 : vector<16xf32> to vector<1x16xf32>
      tpu.vector_store %arg7[%swap3A, %swap3A_69], %swap3A_72 {strides = array<i32>} : memref<128x64xf32, #tpu.memory_space<vmem>>, vector<1x16xf32>,
      %swap3A_73 = arith.index_cast %add3A_68 : i32 to index
      %swap3A_74 = arith.constant 16 : index
      %swap3A_75 = tpu.vector_load %arg7[%swap3A_73, %swap3A_74] {strides = array<i32>} : memref<128x64xf32, #tpu.memory_space<vmem>>, vector<1x16xf32>,
      %swap3A_76 = vector.shape_cast %swap3A_75 : vector<1x16xf32> to vector<16xf32>
      %swap3A_77 = vector.shape_cast %broadcast_in_dim3A_3 : vector<16xf32> to vector<1x16xf32>
      tpu.vector_store %arg7[%swap3A_73, %swap3A_74], %swap3A_77 {strides = array<i32>} : memref<128x64xf32, #tpu.memory_space<vmem>>, vector<1x16xf32>,
      %swap3A_78 = arith.index_cast %add3A_68 : i32 to index
      %swap3A_79 = arith.constant 32 : index
      %swap3A_80 = tpu.vector_load %arg7[%swap3A_78, %swap3A_79] {strides = array<i32>} : memref<128x64xf32, #tpu.memory_space<vmem>>, vector<1x16xf32>,
      %swap3A_81 = vector.shape_cast %swap3A_80 : vector<1x16xf32> to vector<16xf32>
      %swap3A_82 = vector.shape_cast %broadcast_in_dim3A_3 : vector<16xf32> to vector<1x16xf32>
      tpu.vector_store %arg7[%swap3A_78, %swap3A_79], %swap3A_82 {strides = array<i32>} : memref<128x64xf32, #tpu.memory_space<vmem>>, vector<1x16xf32>,
      %swap3A_83 = arith.index_cast %add3A_68 : i32 to index
      %swap3A_84 = arith.constant 48 : index
      %swap3A_85 = tpu.vector_load %arg7[%swap3A_83, %swap3A_84] {strides = array<i32>} : memref<128x64xf32, #tpu.memory_space<vmem>>, vector<1x16xf32>,
      %swap3A_86 = vector.shape_cast %swap3A_85 : vector<1x16xf32> to vector<16xf32>
      %swap3A_87 = vector.shape_cast %broadcast_in_dim3A_3 : vector<16xf32> to vector<1x16xf32>
      tpu.vector_store %arg7[%swap3A_83, %swap3A_84], %swap3A_87 {strides = array<i32>} : memref<128x64xf32, #tpu.memory_space<vmem>>, vector<1x16xf32>,
    }
    %scan3A_7 = arith.constant 128 : i32
    %dma_start3A = arith.constant 0 : i32
    %dma_start3A_8 = arith.constant 0 : i32
    %dma_start3A_9 = arith.constant 0 : i32
    %dma_start3A_10 = arith.constant 0 : i32
    %dma_start3A_11 = arith.constant 0 : i32
    %dma_start3A_12 = tpu.memref_slice %arg6[%dma_start3A_8, %dma_start3A_9, %dma_start3A_10, %dma_start3A_11] : memref<2x4x128x64xf32, #tpu.memory_space<vmem>> -> memref<1x1x128x64xf32, #tpu.memory_space<vmem>>
    %dma_start3A_13 = tpu.memref_squeeze %dma_start3A_12 : memref<1x1x128x64xf32, #tpu.memory_space<vmem>> -> memref<128x64xf32, #tpu.memory_space<vmem>>
    %dma_start3A_14 = arith.constant 0 : i32
    %dma_start3A_15 = tpu.memref_slice %arg5[%dma_start3A, %dma_start3A_14] : memref<200x128xi32, #tpu.memory_space<vmem>> -> memref<1x128xi32, #tpu.memory_space<vmem>>
    %dma_start3A_16 = tpu.memref_squeeze %dma_start3A_15 : memref<1x128xi32, #tpu.memory_space<vmem>> -> memref<128xi32, #tpu.memory_space<vmem>>
    %dma_start3A_17 = arith.constant 0 : i32
    %dma_start3A_18 = arith.constant 0 : i32
    %dma_start3A_19 = tpu.memref_slice %arg3[%dma_start3A_17, %dma_start3A_18] : memref<100000x64xf32, #tpu.memory_space<hbm>> -> memref<100000x64xf32, #tpu.memory_space<hbm>>
    tpu.enqueue_indirect_dma source(%dma_start3A_19 : memref<100000x64xf32, #tpu.memory_space<hbm>>) target(%dma_start3A_13 : memref<128x64xf32, #tpu.memory_space<vmem>>) offsets(%dma_start3A_16 : memref<128xi32, #tpu.memory_space<vmem>>) semaphore(%arg8 : memref<!tpu.dma_semaphore, #tpu.memory_space<semaphore_mem>>)
    %dma_start3A_20 = arith.constant 1 : i32
    %dma_start3A_21 = arith.constant 0 : i32
    %dma_start3A_22 = arith.constant 1 : i32
    %dma_start3A_23 = arith.constant 0 : i32
    %dma_start3A_24 = arith.constant 0 : i32
    %dma_start3A_25 = tpu.memref_slice %arg6[%dma_start3A_21, %dma_start3A_22, %dma_start3A_23, %dma_start3A_24] : memref<2x4x128x64xf32, #tpu.memory_space<vmem>> -> memref<1x1x128x64xf32, #tpu.memory_space<vmem>>
    %dma_start3A_26 = tpu.memref_squeeze %dma_start3A_25 : memref<1x1x128x64xf32, #tpu.memory_space<vmem>> -> memref<128x64xf32, #tpu.memory_space<vmem>>
    %dma_start3A_27 = arith.constant 0 : i32
    %dma_start3A_28 = tpu.memref_slice %arg5[%dma_start3A_20, %dma_start3A_27] : memref<200x128xi32, #tpu.memory_space<vmem>> -> memref<1x128xi32, #tpu.memory_space<vmem>>
    %dma_start3A_29 = tpu.memref_squeeze %dma_start3A_28 : memref<1x128xi32, #tpu.memory_space<vmem>> -> memref<128xi32, #tpu.memory_space<vmem>>
    %dma_start3A_30 = arith.constant 0 : i32
    %dma_start3A_31 = arith.constant 0 : i32
    %dma_start3A_32 = tpu.memref_slice %arg3[%dma_start3A_30, %dma_start3A_31] : memref<100000x64xf32, #tpu.memory_space<hbm>> -> memref<100000x64xf32, #tpu.memory_space<hbm>>
    tpu.enqueue_indirect_dma source(%dma_start3A_32 : memref<100000x64xf32, #tpu.memory_space<hbm>>) target(%dma_start3A_26 : memref<128x64xf32, #tpu.memory_space<vmem>>) offsets(%dma_start3A_29 : memref<128xi32, #tpu.memory_space<vmem>>) semaphore(%arg8 : memref<!tpu.dma_semaphore, #tpu.memory_space<semaphore_mem>>)
    %dma_start3A_33 = arith.constant 2 : i32
    %dma_start3A_34 = arith.constant 0 : i32
    %dma_start3A_35 = arith.constant 2 : i32
    %dma_start3A_36 = arith.constant 0 : i32
    %dma_start3A_37 = arith.constant 0 : i32
    %dma_start3A_38 = tpu.memref_slice %arg6[%dma_start3A_34, %dma_start3A_35, %dma_start3A_36, %dma_start3A_37] : memref<2x4x128x64xf32, #tpu.memory_space<vmem>> -> memref<1x1x128x64xf32, #tpu.memory_space<vmem>>
    %dma_start3A_39 = tpu.memref_squeeze %dma_start3A_38 : memref<1x1x128x64xf32, #tpu.memory_space<vmem>> -> memref<128x64xf32, #tpu.memory_space<vmem>>
    %dma_start3A_40 = arith.constant 0 : i32
    %dma_start3A_41 = tpu.memref_slice %arg5[%dma_start3A_33, %dma_start3A_40] : memref<200x128xi32, #tpu.memory_space<vmem>> -> memref<1x128xi32, #tpu.memory_space<vmem>>
    %dma_start3A_42 = tpu.memref_squeeze %dma_start3A_41 : memref<1x128xi32, #tpu.memory_space<vmem>> -> memref<128xi32, #tpu.memory_space<vmem>>
    %dma_start3A_43 = arith.constant 0 : i32
    %dma_start3A_44 = arith.constant 0 : i32
    %dma_start3A_45 = tpu.memref_slice %arg3[%dma_start3A_43, %dma_start3A_44] : memref<100000x64xf32, #tpu.memory_space<hbm>> -> memref<100000x64xf32, #tpu.memory_space<hbm>>
    tpu.enqueue_indirect_dma source(%dma_start3A_45 : memref<100000x64xf32, #tpu.memory_space<hbm>>) target(%dma_start3A_39 : memref<128x64xf32, #tpu.memory_space<vmem>>) offsets(%dma_start3A_42 : memref<128xi32, #tpu.memory_space<vmem>>) semaphore(%arg8 : memref<!tpu.dma_semaphore, #tpu.memory_space<semaphore_mem>>)
    %dma_start3A_46 = arith.constant 3 : i32
    %dma_start3A_47 = arith.constant 0 : i32
    %dma_start3A_48 = arith.constant 3 : i32
    %dma_start3A_49 = arith.constant 0 : i32
    %dma_start3A_50 = arith.constant 0 : i32
    %dma_start3A_51 = tpu.memref_slice %arg6[%dma_start3A_47, %dma_start3A_48, %dma_start3A_49, %dma_start3A_50] : memref<2x4x128x64xf32, #tpu.memory_space<vmem>> -> memref<1x1x128x64xf32, #tpu.memory_space<vmem>>
    %dma_start3A_52 = tpu.memref_squeeze %dma_start3A_51 : memref<1x1x128x64xf32, #tpu.memory_space<vmem>> -> memref<128x64xf32, #tpu.memory_space<vmem>>
    %dma_start3A_53 = arith.constant 0 : i32
    %dma_start3A_54 = tpu.memref_slice %arg5[%dma_start3A_46, %dma_start3A_53] : memref<200x128xi32, #tpu.memory_space<vmem>> -> memref<1x128xi32, #tpu.memory_space<vmem>>
    %dma_start3A_55 = tpu.memref_squeeze %dma_start3A_54 : memref<1x128xi32, #tpu.memory_space<vmem>> -> memref<128xi32, #tpu.memory_space<vmem>>
    %dma_start3A_56 = arith.constant 0 : i32
    %dma_start3A_57 = arith.constant 0 : i32
    %dma_start3A_58 = tpu.memref_slice %arg3[%dma_start3A_56, %dma_start3A_57] : memref<100000x64xf32, #tpu.memory_space<hbm>> -> memref<100000x64xf32, #tpu.memory_space<hbm>>
    tpu.enqueue_indirect_dma source(%dma_start3A_58 : memref<100000x64xf32, #tpu.memory_space<hbm>>) target(%dma_start3A_52 : memref<128x64xf32, #tpu.memory_space<vmem>>) offsets(%dma_start3A_55 : memref<128xi32, #tpu.memory_space<vmem>>) semaphore(%arg8 : memref<!tpu.dma_semaphore, #tpu.memory_space<semaphore_mem>>)
    %scan3A_59 = arith.constant 0 : i32
    %scan3A_60 = arith.constant 25 : i32
    %scan3A_61 = arith.addi %scan3A_59, %scan3A_60 : i32
    %scan3A_62 = arith.constant 1 : i32
    scf.for %scan3A_64 = %scan3A_59 to %scan3A_61 step %scan3A_62  : i32 {
      %mul3A_65 = arith.constant 2 : i32
      %mul3A_66 = arith.muli %scan3A_64, %mul3A_65 : i32
      %add3A_67 = arith.constant 0 : i32
      %add3A_68 = arith.addi %add3A_67, %mul3A_66 : i32
      %add3A_69 = arith.constant 1 : i32
      %add3A_70 = arith.addi %add3A_68, %add3A_69 : i32
      %mul3A_71 = arith.constant 4 : i32
      %mul3A_72 = arith.muli %add3A_70, %mul3A_71 : i32
      %add3A_73 = arith.constant 0 : i32
      %add3A_74 = arith.addi %mul3A_72, %add3A_73 : i32
      %dma_start3A_75 = arith.constant 1 : i32
      %dma_start3A_76 = arith.constant 0 : i32
      %dma_start3A_77 = arith.constant 0 : i32
      %dma_start3A_78 = arith.constant 0 : i32
      %dma_start3A_79 = tpu.memref_slice %arg6[%dma_start3A_75, %dma_start3A_76, %dma_start3A_77, %dma_start3A_78] : memref<2x4x128x64xf32, #tpu.memory_space<vmem>> -> memref<1x1x128x64xf32, #tpu.memory_space<vmem>>
      %dma_start3A_80 = tpu.memref_squeeze %dma_start3A_79 : memref<1x1x128x64xf32, #tpu.memory_space<vmem>> -> memref<128x64xf32, #tpu.memory_space<vmem>>
      %dma_start3A_81 = arith.constant 0 : i32
      %dma_start3A_82 = tpu.memref_slice %arg5[%add3A_74, %dma_start3A_81] : memref<200x128xi32, #tpu.memory_space<vmem>> -> memref<1x128xi32, #tpu.memory_space<vmem>>
      %dma_start3A_83 = tpu.memref_squeeze %dma_start3A_82 : memref<1x128xi32, #tpu.memory_space<vmem>> -> memref<128xi32, #tpu.memory_space<vmem>>
      %dma_start3A_84 = arith.constant 0 : i32
      %dma_start3A_85 = arith.constant 0 : i32
      %dma_start3A_86 = tpu.memref_slice %arg3[%dma_start3A_84, %dma_start3A_85] : memref<100000x64xf32, #tpu.memory_space<hbm>> -> memref<100000x64xf32, #tpu.memory_space<hbm>>
      tpu.enqueue_indirect_dma source(%dma_start3A_86 : memref<100000x64xf32, #tpu.memory_space<hbm>>) target(%dma_start3A_80 : memref<128x64xf32, #tpu.memory_space<vmem>>) offsets(%dma_start3A_83 : memref<128xi32, #tpu.memory_space<vmem>>) semaphore(%arg9 : memref<!tpu.dma_semaphore, #tpu.memory_space<semaphore_mem>>)
      %mul3A_87 = arith.constant 4 : i32
      %mul3A_88 = arith.muli %add3A_70, %mul3A_87 : i32
      %add3A_89 = arith.constant 1 : i32
      %add3A_90 = arith.addi %mul3A_88, %add3A_89 : i32
      %dma_start3A_91 = arith.constant 1 : i32
      %dma_start3A_92 = arith.constant 1 : i32
      %dma_start3A_93 = arith.constant 0 : i32
      %dma_start3A_94 = arith.constant 0 : i32
      %dma_start3A_95 = tpu.memref_slice %arg6[%dma_start3A_91, %dma_start3A_92, %dma_start3A_93, %dma_start3A_94] : memref<2x4x128x64xf32, #tpu.memory_space<vmem>> -> memref<1x1x128x64xf32, #tpu.memory_space<vmem>>
      %dma_start3A_96 = tpu.memref_squeeze %dma_start3A_95 : memref<1x1x128x64xf32, #tpu.memory_space<vmem>> -> memref<128x64xf32, #tpu.memory_space<vmem>>
      %dma_start3A_97 = arith.constant 0 : i32
      %dma_start3A_98 = tpu.memref_slice %arg5[%add3A_90, %dma_start3A_97] : memref<200x128xi32, #tpu.memory_space<vmem>> -> memref<1x128xi32, #tpu.memory_space<vmem>>
      %dma_start3A_99 = tpu.memref_squeeze %dma_start3A_98 : memref<1x128xi32, #tpu.memory_space<vmem>> -> memref<128xi32, #tpu.memory_space<vmem>>
      %dma_start3A_100 = arith.constant 0 : i32
      %dma_start3A_101 = arith.constant 0 : i32
      %dma_start3A_102 = tpu.memref_slice %arg3[%dma_start3A_100, %dma_start3A_101] : memref<100000x64xf32, #tpu.memory_space<hbm>> -> memref<100000x64xf32, #tpu.memory_space<hbm>>
      tpu.enqueue_indirect_dma source(%dma_start3A_102 : memref<100000x64xf32, #tpu.memory_space<hbm>>) target(%dma_start3A_96 : memref<128x64xf32, #tpu.memory_space<vmem>>) offsets(%dma_start3A_99 : memref<128xi32, #tpu.memory_space<vmem>>) semaphore(%arg9 : memref<!tpu.dma_semaphore, #tpu.memory_space<semaphore_mem>>)
      %mul3A_103 = arith.constant 4 : i32
      %mul3A_104 = arith.muli %add3A_70, %mul3A_103 : i32
      %add3A_105 = arith.constant 2 : i32
      %add3A_106 = arith.addi %mul3A_104, %add3A_105 : i32
      %dma_start3A_107 = arith.constant 1 : i32
      %dma_start3A_108 = arith.constant 2 : i32
      %dma_start3A_109 = arith.constant 0 : i32
      %dma_start3A_110 = arith.constant 0 : i32
      %dma_start3A_111 = tpu.memref_slice %arg6[%dma_start3A_107, %dma_start3A_108, %dma_start3A_109, %dma_start3A_110] : memref<2x4x128x64xf32, #tpu.memory_space<vmem>> -> memref<1x1x128x64xf32, #tpu.memory_space<vmem>>
      %dma_start3A_112 = tpu.memref_squeeze %dma_start3A_111 : memref<1x1x128x64xf32, #tpu.memory_space<vmem>> -> memref<128x64xf32, #tpu.memory_space<vmem>>
      %dma_start3A_113 = arith.constant 0 : i32
      %dma_start3A_114 = tpu.memref_slice %arg5[%add3A_106, %dma_start3A_113] : memref<200x128xi32, #tpu.memory_space<vmem>> -> memref<1x128xi32, #tpu.memory_space<vmem>>
      %dma_start3A_115 = tpu.memref_squeeze %dma_start3A_114 : memref<1x128xi32, #tpu.memory_space<vmem>> -> memref<128xi32, #tpu.memory_space<vmem>>
      %dma_start3A_116 = arith.constant 0 : i32
      %dma_start3A_117 = arith.constant 0 : i32
      %dma_start3A_118 = tpu.memref_slice %arg3[%dma_start3A_116, %dma_start3A_117] : memref<100000x64xf32, #tpu.memory_space<hbm>> -> memref<100000x64xf32, #tpu.memory_space<hbm>>
      tpu.enqueue_indirect_dma source(%dma_start3A_118 : memref<100000x64xf32, #tpu.memory_space<hbm>>) target(%dma_start3A_112 : memref<128x64xf32, #tpu.memory_space<vmem>>) offsets(%dma_start3A_115 : memref<128xi32, #tpu.memory_space<vmem>>) semaphore(%arg9 : memref<!tpu.dma_semaphore, #tpu.memory_space<semaphore_mem>>)
      %mul3A_119 = arith.constant 4 : i32
      %mul3A_120 = arith.muli %add3A_70, %mul3A_119 : i32
      %add3A_121 = arith.constant 3 : i32
      %add3A_122 = arith.addi %mul3A_120, %add3A_121 : i32
      %dma_start3A_123 = arith.constant 1 : i32
      %dma_start3A_124 = arith.constant 3 : i32
      %dma_start3A_125 = arith.constant 0 : i32
      %dma_start3A_126 = arith.constant 0 : i32
      %dma_start3A_127 = tpu.memref_slice %arg6[%dma_start3A_123, %dma_start3A_124, %dma_start3A_125, %dma_start3A_126] : memref<2x4x128x64xf32, #tpu.memory_space<vmem>> -> memref<1x1x128x64xf32, #tpu.memory_space<vmem>>
      %dma_start3A_128 = tpu.memref_squeeze %dma_start3A_127 : memref<1x1x128x64xf32, #tpu.memory_space<vmem>> -> memref<128x64xf32, #tpu.memory_space<vmem>>
      %dma_start3A_129 = arith.constant 0 : i32
      %dma_start3A_130 = tpu.memref_slice %arg5[%add3A_122, %dma_start3A_129] : memref<200x128xi32, #tpu.memory_space<vmem>> -> memref<1x128xi32, #tpu.memory_space<vmem>>
      %dma_start3A_131 = tpu.memref_squeeze %dma_start3A_130 : memref<1x128xi32, #tpu.memory_space<vmem>> -> memref<128xi32, #tpu.memory_space<vmem>>
      %dma_start3A_132 = arith.constant 0 : i32
      %dma_start3A_133 = arith.constant 0 : i32
      %dma_start3A_134 = tpu.memref_slice %arg3[%dma_start3A_132, %dma_start3A_133] : memref<100000x64xf32, #tpu.memory_space<hbm>> -> memref<100000x64xf32, #tpu.memory_space<hbm>>
      tpu.enqueue_indirect_dma source(%dma_start3A_134 : memref<100000x64xf32, #tpu.memory_space<hbm>>) target(%dma_start3A_128 : memref<128x64xf32, #tpu.memory_space<vmem>>) offsets(%dma_start3A_131 : memref<128xi32, #tpu.memory_space<vmem>>) semaphore(%arg9 : memref<!tpu.dma_semaphore, #tpu.memory_space<semaphore_mem>>)
      %dma_wait3A = arith.constant 0 : i32
      %dma_wait3A_135 = arith.constant 0 : i32
      %dma_wait3A_136 = arith.constant 0 : i32
      %dma_wait3A_137 = arith.constant 0 : i32
      %dma_wait3A_138 = arith.constant 0 : i32
      %dma_wait3A_139 = tpu.memref_slice %arg6[%dma_wait3A_135, %dma_wait3A_136, %dma_wait3A_137, %dma_wait3A_138] : memref<2x4x128x64xf32, #tpu.memory_space<vmem>> -> memref<1x1x128x64xf32, #tpu.memory_space<vmem>>
      %dma_wait3A_140 = tpu.memref_squeeze %dma_wait3A_139 : memref<1x1x128x64xf32, #tpu.memory_space<vmem>> -> memref<128x64xf32, #tpu.memory_space<vmem>>
      %dma_wait3A_141 = arith.constant 0 : i32
      %dma_wait3A_142 = tpu.memref_slice %arg5[%dma_wait3A, %dma_wait3A_141] : memref<200x128xi32, #tpu.memory_space<vmem>> -> memref<1x128xi32, #tpu.memory_space<vmem>>
      %dma_wait3A_143 = tpu.memref_squeeze %dma_wait3A_142 : memref<1x128xi32, #tpu.memory_space<vmem>> -> memref<128xi32, #tpu.memory_space<vmem>>
      %dma_wait3A_144 = arith.constant 0 : i32
      %dma_wait3A_145 = arith.constant 0 : i32
      %dma_wait3A_146 = tpu.memref_slice %arg3[%dma_wait3A_144, %dma_wait3A_145] : memref<100000x64xf32, #tpu.memory_space<hbm>> -> memref<100000x64xf32, #tpu.memory_space<hbm>>
      tpu.wait_indirect_dma semaphore(%arg8 : memref<!tpu.dma_semaphore, #tpu.memory_space<semaphore_mem>>) src(%dma_wait3A_146 : memref<100000x64xf32, #tpu.memory_space<hbm>>) dst(%dma_wait3A_140 : memref<128x64xf32, #tpu.memory_space<vmem>>)
      %dma_wait3A_147 = arith.constant 0 : i32
      %dma_wait3A_148 = arith.constant 0 : i32
      %dma_wait3A_149 = arith.constant 1 : i32
      %dma_wait3A_150 = arith.constant 0 : i32
      %dma_wait3A_151 = arith.constant 0 : i32
      %dma_wait3A_152 = tpu.memref_slice %arg6[%dma_wait3A_148, %dma_wait3A_149, %dma_wait3A_150, %dma_wait3A_151] : memref<2x4x128x64xf32, #tpu.memory_space<vmem>> -> memref<1x1x128x64xf32, #tpu.memory_space<vmem>>
      %dma_wait3A_153 = tpu.memref_squeeze %dma_wait3A_152 : memref<1x1x128x64xf32, #tpu.memory_space<vmem>> -> memref<128x64xf32, #tpu.memory_space<vmem>>
      %dma_wait3A_154 = arith.constant 0 : i32
      %dma_wait3A_155 = tpu.memref_slice %arg5[%dma_wait3A_147, %dma_wait3A_154] : memref<200x128xi32, #tpu.memory_space<vmem>> -> memref<1x128xi32, #tpu.memory_space<vmem>>
      %dma_wait3A_156 = tpu.memref_squeeze %dma_wait3A_155 : memref<1x128xi32, #tpu.memory_space<vmem>> -> memref<128xi32, #tpu.memory_space<vmem>>
      %dma_wait3A_157 = arith.constant 0 : i32
      %dma_wait3A_158 = arith.constant 0 : i32
      %dma_wait3A_159 = tpu.memref_slice %arg3[%dma_wait3A_157, %dma_wait3A_158] : memref<100000x64xf32, #tpu.memory_space<hbm>> -> memref<100000x64xf32, #tpu.memory_space<hbm>>
      tpu.wait_indirect_dma semaphore(%arg8 : memref<!tpu.dma_semaphore, #tpu.memory_space<semaphore_mem>>) src(%dma_wait3A_159 : memref<100000x64xf32, #tpu.memory_space<hbm>>) dst(%dma_wait3A_153 : memref<128x64xf32, #tpu.memory_space<vmem>>)
      %dma_wait3A_160 = arith.constant 0 : i32
      %dma_wait3A_161 = arith.constant 0 : i32
      %dma_wait3A_162 = arith.constant 2 : i32
      %dma_wait3A_163 = arith.constant 0 : i32
      %dma_wait3A_164 = arith.constant 0 : i32
      %dma_wait3A_165 = tpu.memref_slice %arg6[%dma_wait3A_161, %dma_wait3A_162, %dma_wait3A_163, %dma_wait3A_164] : memref<2x4x128x64xf32, #tpu.memory_space<vmem>> -> memref<1x1x128x64xf32, #tpu.memory_space<vmem>>
      %dma_wait3A_166 = tpu.memref_squeeze %dma_wait3A_165 : memref<1x1x128x64xf32, #tpu.memory_space<vmem>> -> memref<128x64xf32, #tpu.memory_space<vmem>>
      %dma_wait3A_167 = arith.constant 0 : i32
      %dma_wait3A_168 = tpu.memref_slice %arg5[%dma_wait3A_160, %dma_wait3A_167] : memref<200x128xi32, #tpu.memory_space<vmem>> -> memref<1x128xi32, #tpu.memory_space<vmem>>
      %dma_wait3A_169 = tpu.memref_squeeze %dma_wait3A_168 : memref<1x128xi32, #tpu.memory_space<vmem>> -> memref<128xi32, #tpu.memory_space<vmem>>
      %dma_wait3A_170 = arith.constant 0 : i32
      %dma_wait3A_171 = arith.constant 0 : i32
      %dma_wait3A_172 = tpu.memref_slice %arg3[%dma_wait3A_170, %dma_wait3A_171] : memref<100000x64xf32, #tpu.memory_space<hbm>> -> memref<100000x64xf32, #tpu.memory_space<hbm>>
      tpu.wait_indirect_dma semaphore(%arg8 : memref<!tpu.dma_semaphore, #tpu.memory_space<semaphore_mem>>) src(%dma_wait3A_172 : memref<100000x64xf32, #tpu.memory_space<hbm>>) dst(%dma_wait3A_166 : memref<128x64xf32, #tpu.memory_space<vmem>>)
      %dma_wait3A_173 = arith.constant 0 : i32
      %dma_wait3A_174 = arith.constant 0 : i32
      %dma_wait3A_175 = arith.constant 3 : i32
      %dma_wait3A_176 = arith.constant 0 : i32
      %dma_wait3A_177 = arith.constant 0 : i32
      %dma_wait3A_178 = tpu.memref_slice %arg6[%dma_wait3A_174, %dma_wait3A_175, %dma_wait3A_176, %dma_wait3A_177] : memref<2x4x128x64xf32, #tpu.memory_space<vmem>> -> memref<1x1x128x64xf32, #tpu.memory_space<vmem>>
      %dma_wait3A_179 = tpu.memref_squeeze %dma_wait3A_178 : memref<1x1x128x64xf32, #tpu.memory_space<vmem>> -> memref<128x64xf32, #tpu.memory_space<vmem>>
      %dma_wait3A_180 = arith.constant 0 : i32
      %dma_wait3A_181 = tpu.memref_slice %arg5[%dma_wait3A_173, %dma_wait3A_180] : memref<200x128xi32, #tpu.memory_space<vmem>> -> memref<1x128xi32, #tpu.memory_space<vmem>>
      %dma_wait3A_182 = tpu.memref_squeeze %dma_wait3A_181 : memref<1x128xi32, #tpu.memory_space<vmem>> -> memref<128xi32, #tpu.memory_space<vmem>>
      %dma_wait3A_183 = arith.constant 0 : i32
      %dma_wait3A_184 = arith.constant 0 : i32
      %dma_wait3A_185 = tpu.memref_slice %arg3[%dma_wait3A_183, %dma_wait3A_184] : memref<100000x64xf32, #tpu.memory_space<hbm>> -> memref<100000x64xf32, #tpu.memory_space<hbm>>
      tpu.wait_indirect_dma semaphore(%arg8 : memref<!tpu.dma_semaphore, #tpu.memory_space<semaphore_mem>>) src(%dma_wait3A_185 : memref<100000x64xf32, #tpu.memory_space<hbm>>) dst(%dma_wait3A_179 : memref<128x64xf32, #tpu.memory_space<vmem>>)
      %scan3A_186 = arith.constant 0 : i32
      %scan3A_187 = arith.constant 16 : i32
      %scan3A_188 = arith.addi %scan3A_186, %scan3A_187 : i32
      %scan3A_189 = arith.constant 1 : i32
      scf.for %scan3A_252 = %scan3A_186 to %scan3A_188 step %scan3A_189  : i32 {
        %mul3A_253 = arith.constant 1 : i32
        %mul3A_254 = arith.muli %scan3A_252, %mul3A_253 : i32
        %add3A_255 = arith.constant 0 : i32
        %add3A_256 = arith.addi %add3A_255, %mul3A_254 : i32
        %mul3A_257 = arith.constant 8 : i32
        %mul3A_258 = arith.muli %add3A_256, %mul3A_257 : i32
        %add3A_259 = arith.constant 0 : i32
        %add3A_260 = arith.addi %mul3A_258, %add3A_259 : i32
        %get3A = arith.index_cast %add3A_260 : i32 to index
        %get3A_261 = arith.constant 0 : index
        %get3A_262 = tpu.vector_load %arg7[%get3A, %get3A_261] {strides = array<i32>} : memref<128x64xf32, #tpu.memory_space<vmem>>, vector<1x16xf32>,
        %get3A_263 = vector.shape_cast %get3A_262 : vector<1x16xf32> to vector<16xf32>
        %add3A_264 = arith.constant 0 : i32
        %add3A_265 = arith.addi %mul3A_258, %add3A_264 : i32
        %get3A_266 = arith.index_cast %add3A_265 : i32 to index
        %get3A_267 = arith.constant 16 : index
        %get3A_268 = tpu.vector_load %arg7[%get3A_266, %get3A_267] {strides = array<i32>} : memref<128x64xf32, #tpu.memory_space<vmem>>, vector<1x16xf32>,
        %get3A_269 = vector.shape_cast %get3A_268 : vector<1x16xf32> to vector<16xf32>
        %add3A_270 = arith.constant 0 : i32
        %add3A_271 = arith.addi %mul3A_258, %add3A_270 : i32
        %get3A_272 = arith.index_cast %add3A_271 : i32 to index
        %get3A_273 = arith.constant 32 : index
        %get3A_274 = tpu.vector_load %arg7[%get3A_272, %get3A_273] {strides = array<i32>} : memref<128x64xf32, #tpu.memory_space<vmem>>, vector<1x16xf32>,
        %get3A_275 = vector.shape_cast %get3A_274 : vector<1x16xf32> to vector<16xf32>
        %add3A_276 = arith.constant 0 : i32
        %add3A_277 = arith.addi %mul3A_258, %add3A_276 : i32
        %get3A_278 = arith.index_cast %add3A_277 : i32 to index
        %get3A_279 = arith.constant 48 : index
        %get3A_280 = tpu.vector_load %arg7[%get3A_278, %get3A_279] {strides = array<i32>} : memref<128x64xf32, #tpu.memory_space<vmem>>, vector<1x16xf32>,
        %get3A_281 = vector.shape_cast %get3A_280 : vector<1x16xf32> to vector<16xf32>
        %add3A_282 = arith.constant 1 : i32
        %add3A_283 = arith.addi %mul3A_258, %add3A_282 : i32
        %get3A_284 = arith.index_cast %add3A_283 : i32 to index
        %get3A_285 = arith.constant 0 : index
        %get3A_286 = tpu.vector_load %arg7[%get3A_284, %get3A_285] {strides = array<i32>} : memref<128x64xf32, #tpu.memory_space<vmem>>, vector<1x16xf32>,
        %get3A_287 = vector.shape_cast %get3A_286 : vector<1x16xf32> to vector<16xf32>
        %add3A_288 = arith.constant 1 : i32
        %add3A_289 = arith.addi %mul3A_258, %add3A_288 : i32
        %get3A_290 = arith.index_cast %add3A_289 : i32 to index
        %get3A_291 = arith.constant 16 : index
        %get3A_292 = tpu.vector_load %arg7[%get3A_290, %get3A_291] {strides = array<i32>} : memref<128x64xf32, #tpu.memory_space<vmem>>, vector<1x16xf32>,
        %get3A_293 = vector.shape_cast %get3A_292 : vector<1x16xf32> to vector<16xf32>
        %add3A_294 = arith.constant 1 : i32
        %add3A_295 = arith.addi %mul3A_258, %add3A_294 : i32
        %get3A_296 = arith.index_cast %add3A_295 : i32 to index
        %get3A_297 = arith.constant 32 : index
        %get3A_298 = tpu.vector_load %arg7[%get3A_296, %get3A_297] {strides = array<i32>} : memref<128x64xf32, #tpu.memory_space<vmem>>, vector<1x16xf32>,
        %get3A_299 = vector.shape_cast %get3A_298 : vector<1x16xf32> to vector<16xf32>
        %add3A_300 = arith.constant 1 : i32
        %add3A_301 = arith.addi %mul3A_258, %add3A_300 : i32
        %get3A_302 = arith.index_cast %add3A_301 : i32 to index
        %get3A_303 = arith.constant 48 : index
        %get3A_304 = tpu.vector_load %arg7[%get3A_302, %get3A_303] {strides = array<i32>} : memref<128x64xf32, #tpu.memory_space<vmem>>, vector<1x16xf32>,
        %get3A_305 = vector.shape_cast %get3A_304 : vector<1x16xf32> to vector<16xf32>
        %add3A_306 = arith.constant 2 : i32
        %add3A_307 = arith.addi %mul3A_258, %add3A_306 : i32
        %get3A_308 = arith.index_cast %add3A_307 : i32 to index
        %get3A_309 = arith.constant 0 : index
        %get3A_310 = tpu.vector_load %arg7[%get3A_308, %get3A_309] {strides = array<i32>} : memref<128x64xf32, #tpu.memory_space<vmem>>, vector<1x16xf32>,
        %get3A_311 = vector.shape_cast %get3A_310 : vector<1x16xf32> to vector<16xf32>
        %add3A_312 = arith.constant 2 : i32
        %add3A_313 = arith.addi %mul3A_258, %add3A_312 : i32
        %get3A_314 = arith.index_cast %add3A_313 : i32 to index
        %get3A_315 = arith.constant 16 : index
        %get3A_316 = tpu.vector_load %arg7[%get3A_314, %get3A_315] {strides = array<i32>} : memref<128x64xf32, #tpu.memory_space<vmem>>, vector<1x16xf32>,
        %get3A_317 = vector.shape_cast %get3A_316 : vector<1x16xf32> to vector<16xf32>
        %add3A_318 = arith.constant 2 : i32
        %add3A_319 = arith.addi %mul3A_258, %add3A_318 : i32
        %get3A_320 = arith.index_cast %add3A_319 : i32 to index
        %get3A_321 = arith.constant 32 : index
        %get3A_322 = tpu.vector_load %arg7[%get3A_320, %get3A_321] {strides = array<i32>} : memref<128x64xf32, #tpu.memory_space<vmem>>, vector<1x16xf32>,
        %get3A_323 = vector.shape_cast %get3A_322 : vector<1x16xf32> to vector<16xf32>
        %add3A_324 = arith.constant 2 : i32
        %add3A_325 = arith.addi %mul3A_258, %add3A_324 : i32
        %get3A_326 = arith.index_cast %add3A_325 : i32 to index
        %get3A_327 = arith.constant 48 : index
        %get3A_328 = tpu.vector_load %arg7[%get3A_326, %get3A_327] {strides = array<i32>} : memref<128x64xf32, #tpu.memory_space<vmem>>, vector<1x16xf32>,
        %get3A_329 = vector.shape_cast %get3A_328 : vector<1x16xf32> to vector<16xf32>
        %add3A_330 = arith.constant 3 : i32
        %add3A_331 = arith.addi %mul3A_258, %add3A_330 : i32
        %get3A_332 = arith.index_cast %add3A_331 : i32 to index
        %get3A_333 = arith.constant 0 : index
        %get3A_334 = tpu.vector_load %arg7[%get3A_332, %get3A_333] {strides = array<i32>} : memref<128x64xf32, #tpu.memory_space<vmem>>, vector<1x16xf32>,
        %get3A_335 = vector.shape_cast %get3A_334 : vector<1x16xf32> to vector<16xf32>
        %add3A_336 = arith.constant 3 : i32
        %add3A_337 = arith.addi %mul3A_258, %add3A_336 : i32
        %get3A_338 = arith.index_cast %add3A_337 : i32 to index
        %get3A_339 = arith.constant 16 : index
        %get3A_340 = tpu.vector_load %arg7[%get3A_338, %get3A_339] {strides = array<i32>} : memref<128x64xf32, #tpu.memory_space<vmem>>, vector<1x16xf32>,
        %get3A_341 = vector.shape_cast %get3A_340 : vector<1x16xf32> to vector<16xf32>
        %add3A_342 = arith.constant 3 : i32
        %add3A_343 = arith.addi %mul3A_258, %add3A_342 : i32
        %get3A_344 = arith.index_cast %add3A_343 : i32 to index
        %get3A_345 = arith.constant 32 : index
        %get3A_346 = tpu.vector_load %arg7[%get3A_344, %get3A_345] {strides = array<i32>} : memref<128x64xf32, #tpu.memory_space<vmem>>, vector<1x16xf32>,
        %get3A_347 = vector.shape_cast %get3A_346 : vector<1x16xf32> to vector<16xf32>
        %add3A_348 = arith.constant 3 : i32
        %add3A_349 = arith.addi %mul3A_258, %add3A_348 : i32
        %get3A_350 = arith.index_cast %add3A_349 : i32 to index
        %get3A_351 = arith.constant 48 : index
        %get3A_352 = tpu.vector_load %arg7[%get3A_350, %get3A_351] {strides = array<i32>} : memref<128x64xf32, #tpu.memory_space<vmem>>, vector<1x16xf32>,
        %get3A_353 = vector.shape_cast %get3A_352 : vector<1x16xf32> to vector<16xf32>
        %add3A_354 = arith.constant 4 : i32
        %add3A_355 = arith.addi %mul3A_258, %add3A_354 : i32
        %get3A_356 = arith.index_cast %add3A_355 : i32 to index
        %get3A_357 = arith.constant 0 : index
        %get3A_358 = tpu.vector_load %arg7[%get3A_356, %get3A_357] {strides = array<i32>} : memref<128x64xf32, #tpu.memory_space<vmem>>, vector<1x16xf32>,
        %get3A_359 = vector.shape_cast %get3A_358 : vector<1x16xf32> to vector<16xf32>
        %add3A_360 = arith.constant 4 : i32
        %add3A_361 = arith.addi %mul3A_258, %add3A_360 : i32
        %get3A_362 = arith.index_cast %add3A_361 : i32 to index
        %get3A_363 = arith.constant 16 : index
        %get3A_364 = tpu.vector_load %arg7[%get3A_362, %get3A_363] {strides = array<i32>} : memref<128x64xf32, #tpu.memory_space<vmem>>, vector<1x16xf32>,
        %get3A_365 = vector.shape_cast %get3A_364 : vector<1x16xf32> to vector<16xf32>
        %add3A_366 = arith.constant 4 : i32
        %add3A_367 = arith.addi %mul3A_258, %add3A_366 : i32
        %get3A_368 = arith.index_cast %add3A_367 : i32 to index
        %get3A_369 = arith.constant 32 : index
        %get3A_370 = tpu.vector_load %arg7[%get3A_368, %get3A_369] {strides = array<i32>} : memref<128x64xf32, #tpu.memory_space<vmem>>, vector<1x16xf32>,
        %get3A_371 = vector.shape_cast %get3A_370 : vector<1x16xf32> to vector<16xf32>
        %add3A_372 = arith.constant 4 : i32
        %add3A_373 = arith.addi %mul3A_258, %add3A_372 : i32
        %get3A_374 = arith.index_cast %add3A_373 : i32 to index
        %get3A_375 = arith.constant 48 : index
        %get3A_376 = tpu.vector_load %arg7[%get3A_374, %get3A_375] {strides = array<i32>} : memref<128x64xf32, #tpu.memory_space<vmem>>, vector<1x16xf32>,
        %get3A_377 = vector.shape_cast %get3A_376 : vector<1x16xf32> to vector<16xf32>
        %add3A_378 = arith.constant 5 : i32
        %add3A_379 = arith.addi %mul3A_258, %add3A_378 : i32
        %get3A_380 = arith.index_cast %add3A_379 : i32 to index
        %get3A_381 = arith.constant 0 : index
        %get3A_382 = tpu.vector_load %arg7[%get3A_380, %get3A_381] {strides = array<i32>} : memref<128x64xf32, #tpu.memory_space<vmem>>, vector<1x16xf32>,
        %get3A_383 = vector.shape_cast %get3A_382 : vector<1x16xf32> to vector<16xf32>
        %add3A_384 = arith.constant 5 : i32
        %add3A_385 = arith.addi %mul3A_258, %add3A_384 : i32
        %get3A_386 = arith.index_cast %add3A_385 : i32 to index
        %get3A_387 = arith.constant 16 : index
        %get3A_388 = tpu.vector_load %arg7[%get3A_386, %get3A_387] {strides = array<i32>} : memref<128x64xf32, #tpu.memory_space<vmem>>, vector<1x16xf32>,
        %get3A_389 = vector.shape_cast %get3A_388 : vector<1x16xf32> to vector<16xf32>
        %add3A_390 = arith.constant 5 : i32
        %add3A_391 = arith.addi %mul3A_258, %add3A_390 : i32
        %get3A_392 = arith.index_cast %add3A_391 : i32 to index
        %get3A_393 = arith.constant 32 : index
        %get3A_394 = tpu.vector_load %arg7[%get3A_392, %get3A_393] {strides = array<i32>} : memref<128x64xf32, #tpu.memory_space<vmem>>, vector<1x16xf32>,
        %get3A_395 = vector.shape_cast %get3A_394 : vector<1x16xf32> to vector<16xf32>
        %add3A_396 = arith.constant 5 : i32
        %add3A_397 = arith.addi %mul3A_258, %add3A_396 : i32
        %get3A_398 = arith.index_cast %add3A_397 : i32 to index
        %get3A_399 = arith.constant 48 : index
        %get3A_400 = tpu.vector_load %arg7[%get3A_398, %get3A_399] {strides = array<i32>} : memref<128x64xf32, #tpu.memory_space<vmem>>, vector<1x16xf32>,
        %get3A_401 = vector.shape_cast %get3A_400 : vector<1x16xf32> to vector<16xf32>
        %add3A_402 = arith.constant 6 : i32
        %add3A_403 = arith.addi %mul3A_258, %add3A_402 : i32
        %get3A_404 = arith.index_cast %add3A_403 : i32 to index
        %get3A_405 = arith.constant 0 : index
        %get3A_406 = tpu.vector_load %arg7[%get3A_404, %get3A_405] {strides = array<i32>} : memref<128x64xf32, #tpu.memory_space<vmem>>, vector<1x16xf32>,
        %get3A_407 = vector.shape_cast %get3A_406 : vector<1x16xf32> to vector<16xf32>
        %add3A_408 = arith.constant 6 : i32
        %add3A_409 = arith.addi %mul3A_258, %add3A_408 : i32
        %get3A_410 = arith.index_cast %add3A_409 : i32 to index
        %get3A_411 = arith.constant 16 : index
        %get3A_412 = tpu.vector_load %arg7[%get3A_410, %get3A_411] {strides = array<i32>} : memref<128x64xf32, #tpu.memory_space<vmem>>, vector<1x16xf32>,
        %get3A_413 = vector.shape_cast %get3A_412 : vector<1x16xf32> to vector<16xf32>
        %add3A_414 = arith.constant 6 : i32
        %add3A_415 = arith.addi %mul3A_258, %add3A_414 : i32
        %get3A_416 = arith.index_cast %add3A_415 : i32 to index
        %get3A_417 = arith.constant 32 : index
        %get3A_418 = tpu.vector_load %arg7[%get3A_416, %get3A_417] {strides = array<i32>} : memref<128x64xf32, #tpu.memory_space<vmem>>, vector<1x16xf32>,
        %get3A_419 = vector.shape_cast %get3A_418 : vector<1x16xf32> to vector<16xf32>
        %add3A_420 = arith.constant 6 : i32
        %add3A_421 = arith.addi %mul3A_258, %add3A_420 : i32
        %get3A_422 = arith.index_cast %add3A_421 : i32 to index
        %get3A_423 = arith.constant 48 : index
        %get3A_424 = tpu.vector_load %arg7[%get3A_422, %get3A_423] {strides = array<i32>} : memref<128x64xf32, #tpu.memory_space<vmem>>, vector<1x16xf32>,
        %get3A_425 = vector.shape_cast %get3A_424 : vector<1x16xf32> to vector<16xf32>
        %add3A_426 = arith.constant 7 : i32
        %add3A_427 = arith.addi %mul3A_258, %add3A_426 : i32
        %get3A_428 = arith.index_cast %add3A_427 : i32 to index
        %get3A_429 = arith.constant 0 : index
        %get3A_430 = tpu.vector_load %arg7[%get3A_428, %get3A_429] {strides = array<i32>} : memref<128x64xf32, #tpu.memory_space<vmem>>, vector<1x16xf32>,
        %get3A_431 = vector.shape_cast %get3A_430 : vector<1x16xf32> to vector<16xf32>
        %add3A_432 = arith.constant 7 : i32
        %add3A_433 = arith.addi %mul3A_258, %add3A_432 : i32
        %get3A_434 = arith.index_cast %add3A_433 : i32 to index
        %get3A_435 = arith.constant 16 : index
        %get3A_436 = tpu.vector_load %arg7[%get3A_434, %get3A_435] {strides = array<i32>} : memref<128x64xf32, #tpu.memory_space<vmem>>, vector<1x16xf32>,
        %get3A_437 = vector.shape_cast %get3A_436 : vector<1x16xf32> to vector<16xf32>
        %add3A_438 = arith.constant 7 : i32
        %add3A_439 = arith.addi %mul3A_258, %add3A_438 : i32
        %get3A_440 = arith.index_cast %add3A_439 : i32 to index
        %get3A_441 = arith.constant 32 : index
        %get3A_442 = tpu.vector_load %arg7[%get3A_440, %get3A_441] {strides = array<i32>} : memref<128x64xf32, #tpu.memory_space<vmem>>, vector<1x16xf32>,
        %get3A_443 = vector.shape_cast %get3A_442 : vector<1x16xf32> to vector<16xf32>
        %add3A_444 = arith.constant 7 : i32
        %add3A_445 = arith.addi %mul3A_258, %add3A_444 : i32
        %get3A_446 = arith.index_cast %add3A_445 : i32 to index
        %get3A_447 = arith.constant 48 : index
        %get3A_448 = tpu.vector_load %arg7[%get3A_446, %get3A_447] {strides = array<i32>} : memref<128x64xf32, #tpu.memory_space<vmem>>, vector<1x16xf32>,
        %get3A_449 = vector.shape_cast %get3A_448 : vector<1x16xf32> to vector<16xf32>
        %add3A_450 = arith.constant 0 : i32
        %add3A_451 = arith.addi %mul3A_258, %add3A_450 : i32
        %get3A_452 = arith.constant 0 : i32
        %get3A_453 = arith.constant 0 : i32
        %get3A_454 = arith.index_cast %get3A_452 : i32 to index
        %get3A_455 = arith.index_cast %get3A_453 : i32 to index
        %get3A_456 = arith.index_cast %add3A_451 : i32 to index
        %get3A_457 = arith.constant 0 : index
        %get3A_458 = tpu.vector_load %arg6[%get3A_454, %get3A_455, %get3A_456, %get3A_457] {strides = array<i32>} : memref<2x4x128x64xf32, #tpu.memory_space<vmem>>, vector<1x1x1x16xf32>,
        %get3A_459 = vector.shape_cast %get3A_458 : vector<1x1x1x16xf32> to vector<16xf32>
        %add3A_460 = arith.addf %get3A_263, %get3A_459 : vector<16xf32>
        %add3A_461 = arith.constant 0 : i32
        %add3A_462 = arith.addi %mul3A_258, %add3A_461 : i32
        %get3A_463 = arith.constant 0 : i32
        %get3A_464 = arith.constant 0 : i32
        %get3A_465 = arith.index_cast %get3A_463 : i32 to index
        %get3A_466 = arith.index_cast %get3A_464 : i32 to index
        %get3A_467 = arith.index_cast %add3A_462 : i32 to index
        %get3A_468 = arith.constant 16 : index
        %get3A_469 = tpu.vector_load %arg6[%get3A_465, %get3A_466, %get3A_467, %get3A_468] {strides = array<i32>} : memref<2x4x128x64xf32, #tpu.memory_space<vmem>>, vector<1x1x1x16xf32>,
        %get3A_470 = vector.shape_cast %get3A_469 : vector<1x1x1x16xf32> to vector<16xf32>
        %add3A_471 = arith.addf %get3A_269, %get3A_470 : vector<16xf32>
        %add3A_472 = arith.constant 0 : i32
        %add3A_473 = arith.addi %mul3A_258, %add3A_472 : i32
        %get3A_474 = arith.constant 0 : i32
        %get3A_475 = arith.constant 0 : i32
        %get3A_476 = arith.index_cast %get3A_474 : i32 to index
        %get3A_477 = arith.index_cast %get3A_475 : i32 to index
        %get3A_478 = arith.index_cast %add3A_473 : i32 to index
        %get3A_479 = arith.constant 32 : index
        %get3A_480 = tpu.vector_load %arg6[%get3A_476, %get3A_477, %get3A_478, %get3A_479] {strides = array<i32>} : memref<2x4x128x64xf32, #tpu.memory_space<vmem>>, vector<1x1x1x16xf32>,
        %get3A_481 = vector.shape_cast %get3A_480 : vector<1x1x1x16xf32> to vector<16xf32>
        %add3A_482 = arith.addf %get3A_275, %get3A_481 : vector<16xf32>
        %add3A_483 = arith.constant 0 : i32
        %add3A_484 = arith.addi %mul3A_258, %add3A_483 : i32
        %get3A_485 = arith.constant 0 : i32
        %get3A_486 = arith.constant 0 : i32
        %get3A_487 = arith.index_cast %get3A_485 : i32 to index
        %get3A_488 = arith.index_cast %get3A_486 : i32 to index
        %get3A_489 = arith.index_cast %add3A_484 : i32 to index
        %get3A_490 = arith.constant 48 : index
        %get3A_491 = tpu.vector_load %arg6[%get3A_487, %get3A_488, %get3A_489, %get3A_490] {strides = array<i32>} : memref<2x4x128x64xf32, #tpu.memory_space<vmem>>, vector<1x1x1x16xf32>,
        %get3A_492 = vector.shape_cast %get3A_491 : vector<1x1x1x16xf32> to vector<16xf32>
        %add3A_493 = arith.addf %get3A_281, %get3A_492 : vector<16xf32>
        %add3A_494 = arith.constant 1 : i32
        %add3A_495 = arith.addi %mul3A_258, %add3A_494 : i32
        %get3A_496 = arith.constant 0 : i32
        %get3A_497 = arith.constant 0 : i32
        %get3A_498 = arith.index_cast %get3A_496 : i32 to index
        %get3A_499 = arith.index_cast %get3A_497 : i32 to index
        %get3A_500 = arith.index_cast %add3A_495 : i32 to index
        %get3A_501 = arith.constant 0 : index
        %get3A_502 = tpu.vector_load %arg6[%get3A_498, %get3A_499, %get3A_500, %get3A_501] {strides = array<i32>} : memref<2x4x128x64xf32, #tpu.memory_space<vmem>>, vector<1x1x1x16xf32>,
        %get3A_503 = vector.shape_cast %get3A_502 : vector<1x1x1x16xf32> to vector<16xf32>
        %add3A_504 = arith.addf %get3A_287, %get3A_503 : vector<16xf32>
        %add3A_505 = arith.constant 1 : i32
        %add3A_506 = arith.addi %mul3A_258, %add3A_505 : i32
        %get3A_507 = arith.constant 0 : i32
        %get3A_508 = arith.constant 0 : i32
        %get3A_509 = arith.index_cast %get3A_507 : i32 to index
        %get3A_510 = arith.index_cast %get3A_508 : i32 to index
        %get3A_511 = arith.index_cast %add3A_506 : i32 to index
        %get3A_512 = arith.constant 16 : index
        %get3A_513 = tpu.vector_load %arg6[%get3A_509, %get3A_510, %get3A_511, %get3A_512] {strides = array<i32>} : memref<2x4x128x64xf32, #tpu.memory_space<vmem>>, vector<1x1x1x16xf32>,
        %get3A_514 = vector.shape_cast %get3A_513 : vector<1x1x1x16xf32> to vector<16xf32>
        %add3A_515 = arith.addf %get3A_293, %get3A_514 : vector<16xf32>
        %add3A_516 = arith.constant 1 : i32
        %add3A_517 = arith.addi %mul3A_258, %add3A_516 : i32
        %get3A_518 = arith.constant 0 : i32
        %get3A_519 = arith.constant 0 : i32
        %get3A_520 = arith.index_cast %get3A_518 : i32 to index
        %get3A_521 = arith.index_cast %get3A_519 : i32 to index
        %get3A_522 = arith.index_cast %add3A_517 : i32 to index
        %get3A_523 = arith.constant 32 : index
        %get3A_524 = tpu.vector_load %arg6[%get3A_520, %get3A_521, %get3A_522, %get3A_523] {strides = array<i32>} : memref<2x4x128x64xf32, #tpu.memory_space<vmem>>, vector<1x1x1x16xf32>,
        %get3A_525 = vector.shape_cast %get3A_524 : vector<1x1x1x16xf32> to vector<16xf32>
        %add3A_526 = arith.addf %get3A_299, %get3A_525 : vector<16xf32>
        %add3A_527 = arith.constant 1 : i32
        %add3A_528 = arith.addi %mul3A_258, %add3A_527 : i32
        %get3A_529 = arith.constant 0 : i32
        %get3A_530 = arith.constant 0 : i32
        %get3A_531 = arith.index_cast %get3A_529 : i32 to index
        %get3A_532 = arith.index_cast %get3A_530 : i32 to index
        %get3A_533 = arith.index_cast %add3A_528 : i32 to index
        %get3A_534 = arith.constant 48 : index
        %get3A_535 = tpu.vector_load %arg6[%get3A_531, %get3A_532, %get3A_533, %get3A_534] {strides = array<i32>} : memref<2x4x128x64xf32, #tpu.memory_space<vmem>>, vector<1x1x1x16xf32>,
        %get3A_536 = vector.shape_cast %get3A_535 : vector<1x1x1x16xf32> to vector<16xf32>
        %add3A_537 = arith.addf %get3A_305, %get3A_536 : vector<16xf32>
        %add3A_538 = arith.constant 2 : i32
        %add3A_539 = arith.addi %mul3A_258, %add3A_538 : i32
        %get3A_540 = arith.constant 0 : i32
        %get3A_541 = arith.constant 0 : i32
        %get3A_542 = arith.index_cast %get3A_540 : i32 to index
        %get3A_543 = arith.index_cast %get3A_541 : i32 to index
        %get3A_544 = arith.index_cast %add3A_539 : i32 to index
        %get3A_545 = arith.constant 0 : index
        %get3A_546 = tpu.vector_load %arg6[%get3A_542, %get3A_543, %get3A_544, %get3A_545] {strides = array<i32>} : memref<2x4x128x64xf32, #tpu.memory_space<vmem>>, vector<1x1x1x16xf32>,
        %get3A_547 = vector.shape_cast %get3A_546 : vector<1x1x1x16xf32> to vector<16xf32>
        %add3A_548 = arith.addf %get3A_311, %get3A_547 : vector<16xf32>
        %add3A_549 = arith.constant 2 : i32
        %add3A_550 = arith.addi %mul3A_258, %add3A_549 : i32
        %get3A_551 = arith.constant 0 : i32
        %get3A_552 = arith.constant 0 : i32
        %get3A_553 = arith.index_cast %get3A_551 : i32 to index
        %get3A_554 = arith.index_cast %get3A_552 : i32 to index
        %get3A_555 = arith.index_cast %add3A_550 : i32 to index
        %get3A_556 = arith.constant 16 : index
        %get3A_557 = tpu.vector_load %arg6[%get3A_553, %get3A_554, %get3A_555, %get3A_556] {strides = array<i32>} : memref<2x4x128x64xf32, #tpu.memory_space<vmem>>, vector<1x1x1x16xf32>,
        %get3A_558 = vector.shape_cast %get3A_557 : vector<1x1x1x16xf32> to vector<16xf32>
        %add3A_559 = arith.addf %get3A_317, %get3A_558 : vector<16xf32>
        %add3A_560 = arith.constant 2 : i32
        %add3A_561 = arith.addi %mul3A_258, %add3A_560 : i32
        %get3A_562 = arith.constant 0 : i32
        %get3A_563 = arith.constant 0 : i32
        %get3A_564 = arith.index_cast %get3A_562 : i32 to index
        %get3A_565 = arith.index_cast %get3A_563 : i32 to index
        %get3A_566 = arith.index_cast %add3A_561 : i32 to index
        %get3A_567 = arith.constant 32 : index
        %get3A_568 = tpu.vector_load %arg6[%get3A_564, %get3A_565, %get3A_566, %get3A_567] {strides = array<i32>} : memref<2x4x128x64xf32, #tpu.memory_space<vmem>>, vector<1x1x1x16xf32>,
        %get3A_569 = vector.shape_cast %get3A_568 : vector<1x1x1x16xf32> to vector<16xf32>
        %add3A_570 = arith.addf %get3A_323, %get3A_569 : vector<16xf32>
        %add3A_571 = arith.constant 2 : i32
        %add3A_572 = arith.addi %mul3A_258, %add3A_571 : i32
        %get3A_573 = arith.constant 0 : i32
        %get3A_574 = arith.constant 0 : i32
        %get3A_575 = arith.index_cast %get3A_573 : i32 to index
        %get3A_576 = arith.index_cast %get3A_574 : i32 to index
        %get3A_577 = arith.index_cast %add3A_572 : i32 to index
        %get3A_578 = arith.constant 48 : index
        %get3A_579 = tpu.vector_load %arg6[%get3A_575, %get3A_576, %get3A_577, %get3A_578] {strides = array<i32>} : memref<2x4x128x64xf32, #tpu.memory_space<vmem>>, vector<1x1x1x16xf32>,
        %get3A_580 = vector.shape_cast %get3A_579 : vector<1x1x1x16xf32> to vector<16xf32>
        %add3A_581 = arith.addf %get3A_329, %get3A_580 : vector<16xf32>
        %add3A_582 = arith.constant 3 : i32
        %add3A_583 = arith.addi %mul3A_258, %add3A_582 : i32
        %get3A_584 = arith.constant 0 : i32
        %get3A_585 = arith.constant 0 : i32
        %get3A_586 = arith.index_cast %get3A_584 : i32 to index
        %get3A_587 = arith.index_cast %get3A_585 : i32 to index
        %get3A_588 = arith.index_cast %add3A_583 : i32 to index
        %get3A_589 = arith.constant 0 : index
        %get3A_590 = tpu.vector_load %arg6[%get3A_586, %get3A_587, %get3A_588, %get3A_589] {strides = array<i32>} : memref<2x4x128x64xf32, #tpu.memory_space<vmem>>, vector<1x1x1x16xf32>,
        %get3A_591 = vector.shape_cast %get3A_590 : vector<1x1x1x16xf32> to vector<16xf32>
        %add3A_592 = arith.addf %get3A_335, %get3A_591 : vector<16xf32>
        %add3A_593 = arith.constant 3 : i32
        %add3A_594 = arith.addi %mul3A_258, %add3A_593 : i32
        %get3A_595 = arith.constant 0 : i32
        %get3A_596 = arith.constant 0 : i32
        %get3A_597 = arith.index_cast %get3A_595 : i32 to index
        %get3A_598 = arith.index_cast %get3A_596 : i32 to index
        %get3A_599 = arith.index_cast %add3A_594 : i32 to index
        %get3A_600 = arith.constant 16 : index
        %get3A_601 = tpu.vector_load %arg6[%get3A_597, %get3A_598, %get3A_599, %get3A_600] {strides = array<i32>} : memref<2x4x128x64xf32, #tpu.memory_space<vmem>>, vector<1x1x1x16xf32>,
        %get3A_602 = vector.shape_cast %get3A_601 : vector<1x1x1x16xf32> to vector<16xf32>
        %add3A_603 = arith.addf %get3A_341, %get3A_602 : vector<16xf32>
        %add3A_604 = arith.constant 3 : i32
        %add3A_605 = arith.addi %mul3A_258, %add3A_604 : i32
        %get3A_606 = arith.constant 0 : i32
        %get3A_607 = arith.constant 0 : i32
        %get3A_608 = arith.index_cast %get3A_606 : i32 to index
        %get3A_609 = arith.index_cast %get3A_607 : i32 to index
        %get3A_610 = arith.index_cast %add3A_605 : i32 to index
        %get3A_611 = arith.constant 32 : index
        %get3A_612 = tpu.vector_load %arg6[%get3A_608, %get3A_609, %get3A_610, %get3A_611] {strides = array<i32>} : memref<2x4x128x64xf32, #tpu.memory_space<vmem>>, vector<1x1x1x16xf32>,
        %get3A_613 = vector.shape_cast %get3A_612 : vector<1x1x1x16xf32> to vector<16xf32>
        %add3A_614 = arith.addf %get3A_347, %get3A_613 : vector<16xf32>
        %add3A_615 = arith.constant 3 : i32
        %add3A_616 = arith.addi %mul3A_258, %add3A_615 : i32
        %get3A_617 = arith.constant 0 : i32
        %get3A_618 = arith.constant 0 : i32
        %get3A_619 = arith.index_cast %get3A_617 : i32 to index
        %get3A_620 = arith.index_cast %get3A_618 : i32 to index
        %get3A_621 = arith.index_cast %add3A_616 : i32 to index
        %get3A_622 = arith.constant 48 : index
        %get3A_623 = tpu.vector_load %arg6[%get3A_619, %get3A_620, %get3A_621, %get3A_622] {strides = array<i32>} : memref<2x4x128x64xf32, #tpu.memory_space<vmem>>, vector<1x1x1x16xf32>,
        %get3A_624 = vector.shape_cast %get3A_623 : vector<1x1x1x16xf32> to vector<16xf32>
        %add3A_625 = arith.addf %get3A_353, %get3A_624 : vector<16xf32>
        %add3A_626 = arith.constant 4 : i32
        %add3A_627 = arith.addi %mul3A_258, %add3A_626 : i32
        %get3A_628 = arith.constant 0 : i32
        %get3A_629 = arith.constant 0 : i32
        %get3A_630 = arith.index_cast %get3A_628 : i32 to index
        %get3A_631 = arith.index_cast %get3A_629 : i32 to index
        %get3A_632 = arith.index_cast %add3A_627 : i32 to index
        %get3A_633 = arith.constant 0 : index
        %get3A_634 = tpu.vector_load %arg6[%get3A_630, %get3A_631, %get3A_632, %get3A_633] {strides = array<i32>} : memref<2x4x128x64xf32, #tpu.memory_space<vmem>>, vector<1x1x1x16xf32>,
        %get3A_635 = vector.shape_cast %get3A_634 : vector<1x1x1x16xf32> to vector<16xf32>
        %add3A_636 = arith.addf %get3A_359, %get3A_635 : vector<16xf32>
        %add3A_637 = arith.constant 4 : i32
        %add3A_638 = arith.addi %mul3A_258, %add3A_637 : i32
        %get3A_639 = arith.constant 0 : i32
        %get3A_640 = arith.constant 0 : i32
        %get3A_641 = arith.index_cast %get3A_639 : i32 to index
        %get3A_642 = arith.index_cast %get3A_640 : i32 to index
        %get3A_643 = arith.index_cast %add3A_638 : i32 to index
        %get3A_644 = arith.constant 16 : index
        %get3A_645 = tpu.vector_load %arg6[%get3A_641, %get3A_642, %get3A_643, %get3A_644] {strides = array<i32>} : memref<2x4x128x64xf32, #tpu.memory_space<vmem>>, vector<1x1x1x16xf32>,
        %get3A_646 = vector.shape_cast %get3A_645 : vector<1x1x1x16xf32> to vector<16xf32>
        %add3A_647 = arith.addf %get3A_365, %get3A_646 : vector<16xf32>
        %add3A_648 = arith.constant 4 : i32
        %add3A_649 = arith.addi %mul3A_258, %add3A_648 : i32
        %get3A_650 = arith.constant 0 : i32
        %get3A_651 = arith.constant 0 : i32
        %get3A_652 = arith.index_cast %get3A_650 : i32 to index
        %get3A_653 = arith.index_cast %get3A_651 : i32 to index
        %get3A_654 = arith.index_cast %add3A_649 : i32 to index
        %get3A_655 = arith.constant 32 : index
        %get3A_656 = tpu.vector_load %arg6[%get3A_652, %get3A_653, %get3A_654, %get3A_655] {strides = array<i32>} : memref<2x4x128x64xf32, #tpu.memory_space<vmem>>, vector<1x1x1x16xf32>,
        %get3A_657 = vector.shape_cast %get3A_656 : vector<1x1x1x16xf32> to vector<16xf32>
        %add3A_658 = arith.addf %get3A_371, %get3A_657 : vector<16xf32>
        %add3A_659 = arith.constant 4 : i32
        %add3A_660 = arith.addi %mul3A_258, %add3A_659 : i32
        %get3A_661 = arith.constant 0 : i32
        %get3A_662 = arith.constant 0 : i32
        %get3A_663 = arith.index_cast %get3A_661 : i32 to index
        %get3A_664 = arith.index_cast %get3A_662 : i32 to index
        %get3A_665 = arith.index_cast %add3A_660 : i32 to index
        %get3A_666 = arith.constant 48 : index
        %get3A_667 = tpu.vector_load %arg6[%get3A_663, %get3A_664, %get3A_665, %get3A_666] {strides = array<i32>} : memref<2x4x128x64xf32, #tpu.memory_space<vmem>>, vector<1x1x1x16xf32>,
        %get3A_668 = vector.shape_cast %get3A_667 : vector<1x1x1x16xf32> to vector<16xf32>
        %add3A_669 = arith.addf %get3A_377, %get3A_668 : vector<16xf32>
        %add3A_670 = arith.constant 5 : i32
        %add3A_671 = arith.addi %mul3A_258, %add3A_670 : i32
        %get3A_672 = arith.constant 0 : i32
        %get3A_673 = arith.constant 0 : i32
        %get3A_674 = arith.index_cast %get3A_672 : i32 to index
        %get3A_675 = arith.index_cast %get3A_673 : i32 to index
        %get3A_676 = arith.index_cast %add3A_671 : i32 to index
        %get3A_677 = arith.constant 0 : index
        %get3A_678 = tpu.vector_load %arg6[%get3A_674, %get3A_675, %get3A_676, %get3A_677] {strides = array<i32>} : memref<2x4x128x64xf32, #tpu.memory_space<vmem>>, vector<1x1x1x16xf32>,
        %get3A_679 = vector.shape_cast %get3A_678 : vector<1x1x1x16xf32> to vector<16xf32>
        %add3A_680 = arith.addf %get3A_383, %get3A_679 : vector<16xf32>
        %add3A_681 = arith.constant 5 : i32
        %add3A_682 = arith.addi %mul3A_258, %add3A_681 : i32
        %get3A_683 = arith.constant 0 : i32
        %get3A_684 = arith.constant 0 : i32
        %get3A_685 = arith.index_cast %get3A_683 : i32 to index
        %get3A_686 = arith.index_cast %get3A_684 : i32 to index
        %get3A_687 = arith.index_cast %add3A_682 : i32 to index
        %get3A_688 = arith.constant 16 : index
        %get3A_689 = tpu.vector_load %arg6[%get3A_685, %get3A_686, %get3A_687, %get3A_688] {strides = array<i32>} : memref<2x4x128x64xf32, #tpu.memory_space<vmem>>, vector<1x1x1x16xf32>,
        %get3A_690 = vector.shape_cast %get3A_689 : vector<1x1x1x16xf32> to vector<16xf32>
        %add3A_691 = arith.addf %get3A_389, %get3A_690 : vector<16xf32>
        %add3A_692 = arith.constant 5 : i32
        %add3A_693 = arith.addi %mul3A_258, %add3A_692 : i32
        %get3A_694 = arith.constant 0 : i32
        %get3A_695 = arith.constant 0 : i32
        %get3A_696 = arith.index_cast %get3A_694 : i32 to index
        %get3A_697 = arith.index_cast %get3A_695 : i32 to index
        %get3A_698 = arith.index_cast %add3A_693 : i32 to index
        %get3A_699 = arith.constant 32 : index
        %get3A_700 = tpu.vector_load %arg6[%get3A_696, %get3A_697, %get3A_698, %get3A_699] {strides = array<i32>} : memref<2x4x128x64xf32, #tpu.memory_space<vmem>>, vector<1x1x1x16xf32>,
        %get3A_701 = vector.shape_cast %get3A_700 : vector<1x1x1x16xf32> to vector<16xf32>
        %add3A_702 = arith.addf %get3A_395, %get3A_701 : vector<16xf32>
        %add3A_703 = arith.constant 5 : i32
        %add3A_704 = arith.addi %mul3A_258, %add3A_703 : i32
        %get3A_705 = arith.constant 0 : i32
        %get3A_706 = arith.constant 0 : i32
        %get3A_707 = arith.index_cast %get3A_705 : i32 to index
        %get3A_708 = arith.index_cast %get3A_706 : i32 to index
        %get3A_709 = arith.index_cast %add3A_704 : i32 to index
        %get3A_710 = arith.constant 48 : index
        %get3A_711 = tpu.vector_load %arg6[%get3A_707, %get3A_708, %get3A_709, %get3A_710] {strides = array<i32>} : memref<2x4x128x64xf32, #tpu.memory_space<vmem>>, vector<1x1x1x16xf32>,
        %get3A_712 = vector.shape_cast %get3A_711 : vector<1x1x1x16xf32> to vector<16xf32>
        %add3A_713 = arith.addf %get3A_401, %get3A_712 : vector<16xf32>
        %add3A_714 = arith.constant 6 : i32
        %add3A_715 = arith.addi %mul3A_258, %add3A_714 : i32
        %get3A_716 = arith.constant 0 : i32
        %get3A_717 = arith.constant 0 : i32
        %get3A_718 = arith.index_cast %get3A_716 : i32 to index
        %get3A_719 = arith.index_cast %get3A_717 : i32 to index
        %get3A_720 = arith.index_cast %add3A_715 : i32 to index
        %get3A_721 = arith.constant 0 : index
        %get3A_722 = tpu.vector_load %arg6[%get3A_718, %get3A_719, %get3A_720, %get3A_721] {strides = array<i32>} : memref<2x4x128x64xf32, #tpu.memory_space<vmem>>, vector<1x1x1x16xf32>,
        %get3A_723 = vector.shape_cast %get3A_722 : vector<1x1x1x16xf32> to vector<16xf32>
        %add3A_724 = arith.addf %get3A_407, %get3A_723 : vector<16xf32>
        %add3A_725 = arith.constant 6 : i32
        %add3A_726 = arith.addi %mul3A_258, %add3A_725 : i32
        %get3A_727 = arith.constant 0 : i32
        %get3A_728 = arith.constant 0 : i32
        %get3A_729 = arith.index_cast %get3A_727 : i32 to index
        %get3A_730 = arith.index_cast %get3A_728 : i32 to index
        %get3A_731 = arith.index_cast %add3A_726 : i32 to index
        %get3A_732 = arith.constant 16 : index
        %get3A_733 = tpu.vector_load %arg6[%get3A_729, %get3A_730, %get3A_731, %get3A_732] {strides = array<i32>} : memref<2x4x128x64xf32, #tpu.memory_space<vmem>>, vector<1x1x1x16xf32>,
        %get3A_734 = vector.shape_cast %get3A_733 : vector<1x1x1x16xf32> to vector<16xf32>
        %add3A_735 = arith.addf %get3A_413, %get3A_734 : vector<16xf32>
        %add3A_736 = arith.constant 6 : i32
        %add3A_737 = arith.addi %mul3A_258, %add3A_736 : i32
        %get3A_738 = arith.constant 0 : i32
        %get3A_739 = arith.constant 0 : i32
        %get3A_740 = arith.index_cast %get3A_738 : i32 to index
        %get3A_741 = arith.index_cast %get3A_739 : i32 to index
        %get3A_742 = arith.index_cast %add3A_737 : i32 to index
        %get3A_743 = arith.constant 32 : index
        %get3A_744 = tpu.vector_load %arg6[%get3A_740, %get3A_741, %get3A_742, %get3A_743] {strides = array<i32>} : memref<2x4x128x64xf32, #tpu.memory_space<vmem>>, vector<1x1x1x16xf32>,
        %get3A_745 = vector.shape_cast %get3A_744 : vector<1x1x1x16xf32> to vector<16xf32>
        %add3A_746 = arith.addf %get3A_419, %get3A_745 : vector<16xf32>
        %add3A_747 = arith.constant 6 : i32
        %add3A_748 = arith.addi %mul3A_258, %add3A_747 : i32
        %get3A_749 = arith.constant 0 : i32
        %get3A_750 = arith.constant 0 : i32
        %get3A_751 = arith.index_cast %get3A_749 : i32 to index
        %get3A_752 = arith.index_cast %get3A_750 : i32 to index
        %get3A_753 = arith.index_cast %add3A_748 : i32 to index
        %get3A_754 = arith.constant 48 : index
        %get3A_755 = tpu.vector_load %arg6[%get3A_751, %get3A_752, %get3A_753, %get3A_754] {strides = array<i32>} : memref<2x4x128x64xf32, #tpu.memory_space<vmem>>, vector<1x1x1x16xf32>,
        %get3A_756 = vector.shape_cast %get3A_755 : vector<1x1x1x16xf32> to vector<16xf32>
        %add3A_757 = arith.addf %get3A_425, %get3A_756 : vector<16xf32>
        %add3A_758 = arith.constant 7 : i32
        %add3A_759 = arith.addi %mul3A_258, %add3A_758 : i32
        %get3A_760 = arith.constant 0 : i32
        %get3A_761 = arith.constant 0 : i32
        %get3A_762 = arith.index_cast %get3A_760 : i32 to index
        %get3A_763 = arith.index_cast %get3A_761 : i32 to index
        %get3A_764 = arith.index_cast %add3A_759 : i32 to index
        %get3A_765 = arith.constant 0 : index
        %get3A_766 = tpu.vector_load %arg6[%get3A_762, %get3A_763, %get3A_764, %get3A_765] {strides = array<i32>} : memref<2x4x128x64xf32, #tpu.memory_space<vmem>>, vector<1x1x1x16xf32>,
        %get3A_767 = vector.shape_cast %get3A_766 : vector<1x1x1x16xf32> to vector<16xf32>
        %add3A_768 = arith.addf %get3A_431, %get3A_767 : vector<16xf32>
        %add3A_769 = arith.constant 7 : i32
        %add3A_770 = arith.addi %mul3A_258, %add3A_769 : i32
        %get3A_771 = arith.constant 0 : i32
        %get3A_772 = arith.constant 0 : i32
        %get3A_773 = arith.index_cast %get3A_771 : i32 to index
        %get3A_774 = arith.index_cast %get3A_772 : i32 to index
        %get3A_775 = arith.index_cast %add3A_770 : i32 to index
        %get3A_776 = arith.constant 16 : index
        %get3A_777 = tpu.vector_load %arg6[%get3A_773, %get3A_774, %get3A_775, %get3A_776] {strides = array<i32>} : memref<2x4x128x64xf32, #tpu.memory_space<vmem>>, vector<1x1x1x16xf32>,
        %get3A_778 = vector.shape_cast %get3A_777 : vector<1x1x1x16xf32> to vector<16xf32>
        %add3A_779 = arith.addf %get3A_437, %get3A_778 : vector<16xf32>
        %add3A_780 = arith.constant 7 : i32
        %add3A_781 = arith.addi %mul3A_258, %add3A_780 : i32
        %get3A_782 = arith.constant 0 : i32
        %get3A_783 = arith.constant 0 : i32
        %get3A_784 = arith.index_cast %get3A_782 : i32 to index
        %get3A_785 = arith.index_cast %get3A_783 : i32 to index
        %get3A_786 = arith.index_cast %add3A_781 : i32 to index
        %get3A_787 = arith.constant 32 : index
        %get3A_788 = tpu.vector_load %arg6[%get3A_784, %get3A_785, %get3A_786, %get3A_787] {strides = array<i32>} : memref<2x4x128x64xf32, #tpu.memory_space<vmem>>, vector<1x1x1x16xf32>,
        %get3A_789 = vector.shape_cast %get3A_788 : vector<1x1x1x16xf32> to vector<16xf32>
        %add3A_790 = arith.addf %get3A_443, %get3A_789 : vector<16xf32>
        %add3A_791 = arith.constant 7 : i32
        %add3A_792 = arith.addi %mul3A_258, %add3A_791 : i32
        %get3A_793 = arith.constant 0 : i32
        %get3A_794 = arith.constant 0 : i32
        %get3A_795 = arith.index_cast %get3A_793 : i32 to index
        %get3A_796 = arith.index_cast %get3A_794 : i32 to index
        %get3A_797 = arith.index_cast %add3A_792 : i32 to index
        %get3A_798 = arith.constant 48 : index
        %get3A_799 = tpu.vector_load %arg6[%get3A_795, %get3A_796, %get3A_797, %get3A_798] {strides = array<i32>} : memref<2x4x128x64xf32, #tpu.memory_space<vmem>>, vector<1x1x1x16xf32>,
        %get3A_800 = vector.shape_cast %get3A_799 : vector<1x1x1x16xf32> to vector<16xf32>
        %add3A_801 = arith.addf %get3A_449, %get3A_800 : vector<16xf32>
        %add3A_802 = arith.constant 0 : i32
        %add3A_803 = arith.addi %mul3A_258, %add3A_802 : i32
        %get3A_804 = arith.constant 0 : i32
        %get3A_805 = arith.constant 1 : i32
        %get3A_806 = arith.index_cast %get3A_804 : i32 to index
        %get3A_807 = arith.index_cast %get3A_805 : i32 to index
        %get3A_808 = arith.index_cast %add3A_803 : i32 to index
        %get3A_809 = arith.constant 0 : index
        %get3A_810 = tpu.vector_load %arg6[%get3A_806, %get3A_807, %get3A_808, %get3A_809] {strides = array<i32>} : memref<2x4x128x64xf32, #tpu.memory_space<vmem>>, vector<1x1x1x16xf32>,
        %get3A_811 = vector.shape_cast %get3A_810 : vector<1x1x1x16xf32> to vector<16xf32>
        %add3A_812 = arith.addf %add3A_460, %get3A_811 : vector<16xf32>
        %add3A_813 = arith.constant 0 : i32
        %add3A_814 = arith.addi %mul3A_258, %add3A_813 : i32
        %get3A_815 = arith.constant 0 : i32
        %get3A_816 = arith.constant 1 : i32
        %get3A_817 = arith.index_cast %get3A_815 : i32 to index
        %get3A_818 = arith.index_cast %get3A_816 : i32 to index
        %get3A_819 = arith.index_cast %add3A_814 : i32 to index
        %get3A_820 = arith.constant 16 : index
        %get3A_821 = tpu.vector_load %arg6[%get3A_817, %get3A_818, %get3A_819, %get3A_820] {strides = array<i32>} : memref<2x4x128x64xf32, #tpu.memory_space<vmem>>, vector<1x1x1x16xf32>,
        %get3A_822 = vector.shape_cast %get3A_821 : vector<1x1x1x16xf32> to vector<16xf32>
        %add3A_823 = arith.addf %add3A_471, %get3A_822 : vector<16xf32>
        %add3A_824 = arith.constant 0 : i32
        %add3A_825 = arith.addi %mul3A_258, %add3A_824 : i32
        %get3A_826 = arith.constant 0 : i32
        %get3A_827 = arith.constant 1 : i32
        %get3A_828 = arith.index_cast %get3A_826 : i32 to index
        %get3A_829 = arith.index_cast %get3A_827 : i32 to index
        %get3A_830 = arith.index_cast %add3A_825 : i32 to index
        %get3A_831 = arith.constant 32 : index
        %get3A_832 = tpu.vector_load %arg6[%get3A_828, %get3A_829, %get3A_830, %get3A_831] {strides = array<i32>} : memref<2x4x128x64xf32, #tpu.memory_space<vmem>>, vector<1x1x1x16xf32>,
        %get3A_833 = vector.shape_cast %get3A_832 : vector<1x1x1x16xf32> to vector<16xf32>
        %add3A_834 = arith.addf %add3A_482, %get3A_833 : vector<16xf32>
        %add3A_835 = arith.constant 0 : i32
        %add3A_836 = arith.addi %mul3A_258, %add3A_835 : i32
        %get3A_837 = arith.constant 0 : i32
        %get3A_838 = arith.constant 1 : i32
        %get3A_839 = arith.index_cast %get3A_837 : i32 to index
        %get3A_840 = arith.index_cast %get3A_838 : i32 to index
        %get3A_841 = arith.index_cast %add3A_836 : i32 to index
        %get3A_842 = arith.constant 48 : index
        %get3A_843 = tpu.vector_load %arg6[%get3A_839, %get3A_840, %get3A_841, %get3A_842] {strides = array<i32>} : memref<2x4x128x64xf32, #tpu.memory_space<vmem>>, vector<1x1x1x16xf32>,
        %get3A_844 = vector.shape_cast %get3A_843 : vector<1x1x1x16xf32> to vector<16xf32>
        %add3A_845 = arith.addf %add3A_493, %get3A_844 : vector<16xf32>
        %add3A_846 = arith.constant 1 : i32
        %add3A_847 = arith.addi %mul3A_258, %add3A_846 : i32
        %get3A_848 = arith.constant 0 : i32
        %get3A_849 = arith.constant 1 : i32
        %get3A_850 = arith.index_cast %get3A_848 : i32 to index
        %get3A_851 = arith.index_cast %get3A_849 : i32 to index
        %get3A_852 = arith.index_cast %add3A_847 : i32 to index
        %get3A_853 = arith.constant 0 : index
        %get3A_854 = tpu.vector_load %arg6[%get3A_850, %get3A_851, %get3A_852, %get3A_853] {strides = array<i32>} : memref<2x4x128x64xf32, #tpu.memory_space<vmem>>, vector<1x1x1x16xf32>,
        %get3A_855 = vector.shape_cast %get3A_854 : vector<1x1x1x16xf32> to vector<16xf32>
        %add3A_856 = arith.addf %add3A_504, %get3A_855 : vector<16xf32>
        %add3A_857 = arith.constant 1 : i32
        %add3A_858 = arith.addi %mul3A_258, %add3A_857 : i32
        %get3A_859 = arith.constant 0 : i32
        %get3A_860 = arith.constant 1 : i32
        %get3A_861 = arith.index_cast %get3A_859 : i32 to index
        %get3A_862 = arith.index_cast %get3A_860 : i32 to index
        %get3A_863 = arith.index_cast %add3A_858 : i32 to index
        %get3A_864 = arith.constant 16 : index
        %get3A_865 = tpu.vector_load %arg6[%get3A_861, %get3A_862, %get3A_863, %get3A_864] {strides = array<i32>} : memref<2x4x128x64xf32, #tpu.memory_space<vmem>>, vector<1x1x1x16xf32>,
        %get3A_866 = vector.shape_cast %get3A_865 : vector<1x1x1x16xf32> to vector<16xf32>
        %add3A_867 = arith.addf %add3A_515, %get3A_866 : vector<16xf32>
        %add3A_868 = arith.constant 1 : i32
        %add3A_869 = arith.addi %mul3A_258, %add3A_868 : i32
        %get3A_870 = arith.constant 0 : i32
        %get3A_871 = arith.constant 1 : i32
        %get3A_872 = arith.index_cast %get3A_870 : i32 to index
        %get3A_873 = arith.index_cast %get3A_871 : i32 to index
        %get3A_874 = arith.index_cast %add3A_869 : i32 to index
        %get3A_875 = arith.constant 32 : index
        %get3A_876 = tpu.vector_load %arg6[%get3A_872, %get3A_873, %get3A_874, %get3A_875] {strides = array<i32>} : memref<2x4x128x64xf32, #tpu.memory_space<vmem>>, vector<1x1x1x16xf32>,
        %get3A_877 = vector.shape_cast %get3A_876 : vector<1x1x1x16xf32> to vector<16xf32>
        %add3A_878 = arith.addf %add3A_526, %get3A_877 : vector<16xf32>
        %add3A_879 = arith.constant 1 : i32
        %add3A_880 = arith.addi %mul3A_258, %add3A_879 : i32
        %get3A_881 = arith.constant 0 : i32
        %get3A_882 = arith.constant 1 : i32
        %get3A_883 = arith.index_cast %get3A_881 : i32 to index
        %get3A_884 = arith.index_cast %get3A_882 : i32 to index
        %get3A_885 = arith.index_cast %add3A_880 : i32 to index
        %get3A_886 = arith.constant 48 : index
        %get3A_887 = tpu.vector_load %arg6[%get3A_883, %get3A_884, %get3A_885, %get3A_886] {strides = array<i32>} : memref<2x4x128x64xf32, #tpu.memory_space<vmem>>, vector<1x1x1x16xf32>,
        %get3A_888 = vector.shape_cast %get3A_887 : vector<1x1x1x16xf32> to vector<16xf32>
        %add3A_889 = arith.addf %add3A_537, %get3A_888 : vector<16xf32>
        %add3A_890 = arith.constant 2 : i32
        %add3A_891 = arith.addi %mul3A_258, %add3A_890 : i32
        %get3A_892 = arith.constant 0 : i32
        %get3A_893 = arith.constant 1 : i32
        %get3A_894 = arith.index_cast %get3A_892 : i32 to index
        %get3A_895 = arith.index_cast %get3A_893 : i32 to index
        %get3A_896 = arith.index_cast %add3A_891 : i32 to index
        %get3A_897 = arith.constant 0 : index
        %get3A_898 = tpu.vector_load %arg6[%get3A_894, %get3A_895, %get3A_896, %get3A_897] {strides = array<i32>} : memref<2x4x128x64xf32, #tpu.memory_space<vmem>>, vector<1x1x1x16xf32>,
        %get3A_899 = vector.shape_cast %get3A_898 : vector<1x1x1x16xf32> to vector<16xf32>
        %add3A_900 = arith.addf %add3A_548, %get3A_899 : vector<16xf32>
        %add3A_901 = arith.constant 2 : i32
        %add3A_902 = arith.addi %mul3A_258, %add3A_901 : i32
        %get3A_903 = arith.constant 0 : i32
        %get3A_904 = arith.constant 1 : i32
        %get3A_905 = arith.index_cast %get3A_903 : i32 to index
        %get3A_906 = arith.index_cast %get3A_904 : i32 to index
        %get3A_907 = arith.index_cast %add3A_902 : i32 to index
        %get3A_908 = arith.constant 16 : index
        %get3A_909 = tpu.vector_load %arg6[%get3A_905, %get3A_906, %get3A_907, %get3A_908] {strides = array<i32>} : memref<2x4x128x64xf32, #tpu.memory_space<vmem>>, vector<1x1x1x16xf32>,
        %get3A_910 = vector.shape_cast %get3A_909 : vector<1x1x1x16xf32> to vector<16xf32>
        %add3A_911 = arith.addf %add3A_559, %get3A_910 : vector<16xf32>
        %add3A_912 = arith.constant 2 : i32
        %add3A_913 = arith.addi %mul3A_258, %add3A_912 : i32
        %get3A_914 = arith.constant 0 : i32
        %get3A_915 = arith.constant 1 : i32
        %get3A_916 = arith.index_cast %get3A_914 : i32 to index
        %get3A_917 = arith.index_cast %get3A_915 : i32 to index
        %get3A_918 = arith.index_cast %add3A_913 : i32 to index
        %get3A_919 = arith.constant 32 : index
        %get3A_920 = tpu.vector_load %arg6[%get3A_916, %get3A_917, %get3A_918, %get3A_919] {strides = array<i32>} : memref<2x4x128x64xf32, #tpu.memory_space<vmem>>, vector<1x1x1x16xf32>,
        %get3A_921 = vector.shape_cast %get3A_920 : vector<1x1x1x16xf32> to vector<16xf32>
        %add3A_922 = arith.addf %add3A_570, %get3A_921 : vector<16xf32>
        %add3A_923 = arith.constant 2 : i32
        %add3A_924 = arith.addi %mul3A_258, %add3A_923 : i32
        %get3A_925 = arith.constant 0 : i32
        %get3A_926 = arith.constant 1 : i32
        %get3A_927 = arith.index_cast %get3A_925 : i32 to index
        %get3A_928 = arith.index_cast %get3A_926 : i32 to index
        %get3A_929 = arith.index_cast %add3A_924 : i32 to index
        %get3A_930 = arith.constant 48 : index
        %get3A_931 = tpu.vector_load %arg6[%get3A_927, %get3A_928, %get3A_929, %get3A_930] {strides = array<i32>} : memref<2x4x128x64xf32, #tpu.memory_space<vmem>>, vector<1x1x1x16xf32>,
        %get3A_932 = vector.shape_cast %get3A_931 : vector<1x1x1x16xf32> to vector<16xf32>
        %add3A_933 = arith.addf %add3A_581, %get3A_932 : vector<16xf32>
        %add3A_934 = arith.constant 3 : i32
        %add3A_935 = arith.addi %mul3A_258, %add3A_934 : i32
        %get3A_936 = arith.constant 0 : i32
        %get3A_937 = arith.constant 1 : i32
        %get3A_938 = arith.index_cast %get3A_936 : i32 to index
        %get3A_939 = arith.index_cast %get3A_937 : i32 to index
        %get3A_940 = arith.index_cast %add3A_935 : i32 to index
        %get3A_941 = arith.constant 0 : index
        %get3A_942 = tpu.vector_load %arg6[%get3A_938, %get3A_939, %get3A_940, %get3A_941] {strides = array<i32>} : memref<2x4x128x64xf32, #tpu.memory_space<vmem>>, vector<1x1x1x16xf32>,
        %get3A_943 = vector.shape_cast %get3A_942 : vector<1x1x1x16xf32> to vector<16xf32>
        %add3A_944 = arith.addf %add3A_592, %get3A_943 : vector<16xf32>
        %add3A_945 = arith.constant 3 : i32
        %add3A_946 = arith.addi %mul3A_258, %add3A_945 : i32
        %get3A_947 = arith.constant 0 : i32
        %get3A_948 = arith.constant 1 : i32
        %get3A_949 = arith.index_cast %get3A_947 : i32 to index
        %get3A_950 = arith.index_cast %get3A_948 : i32 to index
        %get3A_951 = arith.index_cast %add3A_946 : i32 to index
        %get3A_952 = arith.constant 16 : index
        %get3A_953 = tpu.vector_load %arg6[%get3A_949, %get3A_950, %get3A_951, %get3A_952] {strides = array<i32>} : memref<2x4x128x64xf32, #tpu.memory_space<vmem>>, vector<1x1x1x16xf32>,
        %get3A_954 = vector.shape_cast %get3A_953 : vector<1x1x1x16xf32> to vector<16xf32>
        %add3A_955 = arith.addf %add3A_603, %get3A_954 : vector<16xf32>
        %add3A_956 = arith.constant 3 : i32
        %add3A_957 = arith.addi %mul3A_258, %add3A_956 : i32
        %get3A_958 = arith.constant 0 : i32
        %get3A_959 = arith.constant 1 : i32
        %get3A_960 = arith.index_cast %get3A_958 : i32 to index
        %get3A_961 = arith.index_cast %get3A_959 : i32 to index
        %get3A_962 = arith.index_cast %add3A_957 : i32 to index
        %get3A_963 = arith.constant 32 : index
        %get3A_964 = tpu.vector_load %arg6[%get3A_960, %get3A_961, %get3A_962, %get3A_963] {strides = array<i32>} : memref<2x4x128x64xf32, #tpu.memory_space<vmem>>, vector<1x1x1x16xf32>,
        %get3A_965 = vector.shape_cast %get3A_964 : vector<1x1x1x16xf32> to vector<16xf32>
        %add3A_966 = arith.addf %add3A_614, %get3A_965 : vector<16xf32>
        %add3A_967 = arith.constant 3 : i32
        %add3A_968 = arith.addi %mul3A_258, %add3A_967 : i32
        %get3A_969 = arith.constant 0 : i32
        %get3A_970 = arith.constant 1 : i32
        %get3A_971 = arith.index_cast %get3A_969 : i32 to index
        %get3A_972 = arith.index_cast %get3A_970 : i32 to index
        %get3A_973 = arith.index_cast %add3A_968 : i32 to index
        %get3A_974 = arith.constant 48 : index
        %get3A_975 = tpu.vector_load %arg6[%get3A_971, %get3A_972, %get3A_973, %get3A_974] {strides = array<i32>} : memref<2x4x128x64xf32, #tpu.memory_space<vmem>>, vector<1x1x1x16xf32>,
        %get3A_976 = vector.shape_cast %get3A_975 : vector<1x1x1x16xf32> to vector<16xf32>
        %add3A_977 = arith.addf %add3A_625, %get3A_976 : vector<16xf32>
        %add3A_978 = arith.constant 4 : i32
        %add3A_979 = arith.addi %mul3A_258, %add3A_978 : i32
        %get3A_980 = arith.constant 0 : i32
        %get3A_981 = arith.constant 1 : i32
        %get3A_982 = arith.index_cast %get3A_980 : i32 to index
        %get3A_983 = arith.index_cast %get3A_981 : i32 to index
        %get3A_984 = arith.index_cast %add3A_979 : i32 to index
        %get3A_985 = arith.constant 0 : index
        %get3A_986 = tpu.vector_load %arg6[%get3A_982, %get3A_983, %get3A_984, %get3A_985] {strides = array<i32>} : memref<2x4x128x64xf32, #tpu.memory_space<vmem>>, vector<1x1x1x16xf32>,
        %get3A_987 = vector.shape_cast %get3A_986 : vector<1x1x1x16xf32> to vector<16xf32>
        %add3A_988 = arith.addf %add3A_636, %get3A_987 : vector<16xf32>
        %add3A_989 = arith.constant 4 : i32
        %add3A_990 = arith.addi %mul3A_258, %add3A_989 : i32
        %get3A_991 = arith.constant 0 : i32
        %get3A_992 = arith.constant 1 : i32
        %get3A_993 = arith.index_cast %get3A_991 : i32 to index
        %get3A_994 = arith.index_cast %get3A_992 : i32 to index
        %get3A_995 = arith.index_cast %add3A_990 : i32 to index
        %get3A_996 = arith.constant 16 : index
        %get3A_997 = tpu.vector_load %arg6[%get3A_993, %get3A_994, %get3A_995, %get3A_996] {strides = array<i32>} : memref<2x4x128x64xf32, #tpu.memory_space<vmem>>, vector<1x1x1x16xf32>,
        %get3A_998 = vector.shape_cast %get3A_997 : vector<1x1x1x16xf32> to vector<16xf32>
        %add3A_999 = arith.addf %add3A_647, %get3A_998 : vector<16xf32>
        %add3A_1000 = arith.constant 4 : i32
        %add3A_1001 = arith.addi %mul3A_258, %add3A_1000 : i32
        %get3A_1002 = arith.constant 0 : i32
        %get3A_1003 = arith.constant 1 : i32
        %get3A_1004 = arith.index_cast %get3A_1002 : i32 to index
        %get3A_1005 = arith.index_cast %get3A_1003 : i32 to index
        %get3A_1006 = arith.index_cast %add3A_1001 : i32 to index
        %get3A_1007 = arith.constant 32 : index
        %get3A_1008 = tpu.vector_load %arg6[%get3A_1004, %get3A_1005, %get3A_1006, %get3A_1007] {strides = array<i32>} : memref<2x4x128x64xf32, #tpu.memory_space<vmem>>, vector<1x1x1x16xf32>,
        %get3A_1009 = vector.shape_cast %get3A_1008 : vector<1x1x1x16xf32> to vector<16xf32>
        %add3A_1010 = arith.addf %add3A_658, %get3A_1009 : vector<16xf32>
        %add3A_1011 = arith.constant 4 : i32
        %add3A_1012 = arith.addi %mul3A_258, %add3A_1011 : i32
        %get3A_1013 = arith.constant 0 : i32
        %get3A_1014 = arith.constant 1 : i32
        %get3A_1015 = arith.index_cast %get3A_1013 : i32 to index
        %get3A_1016 = arith.index_cast %get3A_1014 : i32 to index
        %get3A_1017 = arith.index_cast %add3A_1012 : i32 to index
        %get3A_1018 = arith.constant 48 : index
        %get3A_1019 = tpu.vector_load %arg6[%get3A_1015, %get3A_1016, %get3A_1017, %get3A_1018] {strides = array<i32>} : memref<2x4x128x64xf32, #tpu.memory_space<vmem>>, vector<1x1x1x16xf32>,
        %get3A_1020 = vector.shape_cast %get3A_1019 : vector<1x1x1x16xf32> to vector<16xf32>
        %add3A_1021 = arith.addf %add3A_669, %get3A_1020 : vector<16xf32>
        %add3A_1022 = arith.constant 5 : i32
        %add3A_1023 = arith.addi %mul3A_258, %add3A_1022 : i32
        %get3A_1024 = arith.constant 0 : i32
        %get3A_1025 = arith.constant 1 : i32
        %get3A_1026 = arith.index_cast %get3A_1024 : i32 to index
        %get3A_1027 = arith.index_cast %get3A_1025 : i32 to index
        %get3A_1028 = arith.index_cast %add3A_1023 : i32 to index
        %get3A_1029 = arith.constant 0 : index
        %get3A_1030 = tpu.vector_load %arg6[%get3A_1026, %get3A_1027, %get3A_1028, %get3A_1029] {strides = array<i32>} : memref<2x4x128x64xf32, #tpu.memory_space<vmem>>, vector<1x1x1x16xf32>,
        %get3A_1031 = vector.shape_cast %get3A_1030 : vector<1x1x1x16xf32> to vector<16xf32>
        %add3A_1032 = arith.addf %add3A_680, %get3A_1031 : vector<16xf32>
        %add3A_1033 = arith.constant 5 : i32
        %add3A_1034 = arith.addi %mul3A_258, %add3A_1033 : i32
        %get3A_1035 = arith.constant 0 : i32
        %get3A_1036 = arith.constant 1 : i32
        %get3A_1037 = arith.index_cast %get3A_1035 : i32 to index
        %get3A_1038 = arith.index_cast %get3A_1036 : i32 to index
        %get3A_1039 = arith.index_cast %add3A_1034 : i32 to index
        %get3A_1040 = arith.constant 16 : index
        %get3A_1041 = tpu.vector_load %arg6[%get3A_1037, %get3A_1038, %get3A_1039, %get3A_1040] {strides = array<i32>} : memref<2x4x128x64xf32, #tpu.memory_space<vmem>>, vector<1x1x1x16xf32>,
        %get3A_1042 = vector.shape_cast %get3A_1041 : vector<1x1x1x16xf32> to vector<16xf32>
        %add3A_1043 = arith.addf %add3A_691, %get3A_1042 : vector<16xf32>
        %add3A_1044 = arith.constant 5 : i32
        %add3A_1045 = arith.addi %mul3A_258, %add3A_1044 : i32
        %get3A_1046 = arith.constant 0 : i32
        %get3A_1047 = arith.constant 1 : i32
        %get3A_1048 = arith.index_cast %get3A_1046 : i32 to index
        %get3A_1049 = arith.index_cast %get3A_1047 : i32 to index
        %get3A_1050 = arith.index_cast %add3A_1045 : i32 to index
        %get3A_1051 = arith.constant 32 : index
        %get3A_1052 = tpu.vector_load %arg6[%get3A_1048, %get3A_1049, %get3A_1050, %get3A_1051] {strides = array<i32>} : memref<2x4x128x64xf32, #tpu.memory_space<vmem>>, vector<1x1x1x16xf32>,
        %get3A_1053 = vector.shape_cast %get3A_1052 : vector<1x1x1x16xf32> to vector<16xf32>
        %add3A_1054 = arith.addf %add3A_702, %get3A_1053 : vector<16xf32>
        %add3A_1055 = arith.constant 5 : i32
        %add3A_1056 = arith.addi %mul3A_258, %add3A_1055 : i32
        %get3A_1057 = arith.constant 0 : i32
        %get3A_1058 = arith.constant 1 : i32
        %get3A_1059 = arith.index_cast %get3A_1057 : i32 to index
        %get3A_1060 = arith.index_cast %get3A_1058 : i32 to index
        %get3A_1061 = arith.index_cast %add3A_1056 : i32 to index
        %get3A_1062 = arith.constant 48 : index
        %get3A_1063 = tpu.vector_load %arg6[%get3A_1059, %get3A_1060, %get3A_1061, %get3A_1062] {strides = array<i32>} : memref<2x4x128x64xf32, #tpu.memory_space<vmem>>, vector<1x1x1x16xf32>,
        %get3A_1064 = vector.shape_cast %get3A_1063 : vector<1x1x1x16xf32> to vector<16xf32>
        %add3A_1065 = arith.addf %add3A_713, %get3A_1064 : vector<16xf32>
        %add3A_1066 = arith.constant 6 : i32
        %add3A_1067 = arith.addi %mul3A_258, %add3A_1066 : i32
        %get3A_1068 = arith.constant 0 : i32
        %get3A_1069 = arith.constant 1 : i32
        %get3A_1070 = arith.index_cast %get3A_1068 : i32 to index
        %get3A_1071 = arith.index_cast %get3A_1069 : i32 to index
        %get3A_1072 = arith.index_cast %add3A_1067 : i32 to index
        %get3A_1073 = arith.constant 0 : index
        %get3A_1074 = tpu.vector_load %arg6[%get3A_1070, %get3A_1071, %get3A_1072, %get3A_1073] {strides = array<i32>} : memref<2x4x128x64xf32, #tpu.memory_space<vmem>>, vector<1x1x1x16xf32>,
        %get3A_1075 = vector.shape_cast %get3A_1074 : vector<1x1x1x16xf32> to vector<16xf32>
        %add3A_1076 = arith.addf %add3A_724, %get3A_1075 : vector<16xf32>
        %add3A_1077 = arith.constant 6 : i32
        %add3A_1078 = arith.addi %mul3A_258, %add3A_1077 : i32
        %get3A_1079 = arith.constant 0 : i32
        %get3A_1080 = arith.constant 1 : i32
        %get3A_1081 = arith.index_cast %get3A_1079 : i32 to index
        %get3A_1082 = arith.index_cast %get3A_1080 : i32 to index
        %get3A_1083 = arith.index_cast %add3A_1078 : i32 to index
        %get3A_1084 = arith.constant 16 : index
        %get3A_1085 = tpu.vector_load %arg6[%get3A_1081, %get3A_1082, %get3A_1083, %get3A_1084] {strides = array<i32>} : memref<2x4x128x64xf32, #tpu.memory_space<vmem>>, vector<1x1x1x16xf32>,
        %get3A_1086 = vector.shape_cast %get3A_1085 : vector<1x1x1x16xf32> to vector<16xf32>
        %add3A_1087 = arith.addf %add3A_735, %get3A_1086 : vector<16xf32>
        %add3A_1088 = arith.constant 6 : i32
        %add3A_1089 = arith.addi %mul3A_258, %add3A_1088 : i32
        %get3A_1090 = arith.constant 0 : i32
        %get3A_1091 = arith.constant 1 : i32
        %get3A_1092 = arith.index_cast %get3A_1090 : i32 to index
        %get3A_1093 = arith.index_cast %get3A_1091 : i32 to index
        %get3A_1094 = arith.index_cast %add3A_1089 : i32 to index
        %get3A_1095 = arith.constant 32 : index
        %get3A_1096 = tpu.vector_load %arg6[%get3A_1092, %get3A_1093, %get3A_1094, %get3A_1095] {strides = array<i32>} : memref<2x4x128x64xf32, #tpu.memory_space<vmem>>, vector<1x1x1x16xf32>,
        %get3A_1097 = vector.shape_cast %get3A_1096 : vector<1x1x1x16xf32> to vector<16xf32>
        %add3A_1098 = arith.addf %add3A_746, %get3A_1097 : vector<16xf32>
        %add3A_1099 = arith.constant 6 : i32
        %add3A_1100 = arith.addi %mul3A_258, %add3A_1099 : i32
        %get3A_1101 = arith.constant 0 : i32
        %get3A_1102 = arith.constant 1 : i32
        %get3A_1103 = arith.index_cast %get3A_1101 : i32 to index
        %get3A_1104 = arith.index_cast %get3A_1102 : i32 to index
        %get3A_1105 = arith.index_cast %add3A_1100 : i32 to index
        %get3A_1106 = arith.constant 48 : index
        %get3A_1107 = tpu.vector_load %arg6[%get3A_1103, %get3A_1104, %get3A_1105, %get3A_1106] {strides = array<i32>} : memref<2x4x128x64xf32, #tpu.memory_space<vmem>>, vector<1x1x1x16xf32>,
        %get3A_1108 = vector.shape_cast %get3A_1107 : vector<1x1x1x16xf32> to vector<16xf32>
        %add3A_1109 = arith.addf %add3A_757, %get3A_1108 : vector<16xf32>
        %add3A_1110 = arith.constant 7 : i32
        %add3A_1111 = arith.addi %mul3A_258, %add3A_1110 : i32
        %get3A_1112 = arith.constant 0 : i32
        %get3A_1113 = arith.constant 1 : i32
        %get3A_1114 = arith.index_cast %get3A_1112 : i32 to index
        %get3A_1115 = arith.index_cast %get3A_1113 : i32 to index
        %get3A_1116 = arith.index_cast %add3A_1111 : i32 to index
        %get3A_1117 = arith.constant 0 : index
        %get3A_1118 = tpu.vector_load %arg6[%get3A_1114, %get3A_1115, %get3A_1116, %get3A_1117] {strides = array<i32>} : memref<2x4x128x64xf32, #tpu.memory_space<vmem>>, vector<1x1x1x16xf32>,
        %get3A_1119 = vector.shape_cast %get3A_1118 : vector<1x1x1x16xf32> to vector<16xf32>
        %add3A_1120 = arith.addf %add3A_768, %get3A_1119 : vector<16xf32>
        %add3A_1121 = arith.constant 7 : i32
        %add3A_1122 = arith.addi %mul3A_258, %add3A_1121 : i32
        %get3A_1123 = arith.constant 0 : i32
        %get3A_1124 = arith.constant 1 : i32
        %get3A_1125 = arith.index_cast %get3A_1123 : i32 to index
        %get3A_1126 = arith.index_cast %get3A_1124 : i32 to index
        %get3A_1127 = arith.index_cast %add3A_1122 : i32 to index
        %get3A_1128 = arith.constant 16 : index
        %get3A_1129 = tpu.vector_load %arg6[%get3A_1125, %get3A_1126, %get3A_1127, %get3A_1128] {strides = array<i32>} : memref<2x4x128x64xf32, #tpu.memory_space<vmem>>, vector<1x1x1x16xf32>,
        %get3A_1130 = vector.shape_cast %get3A_1129 : vector<1x1x1x16xf32> to vector<16xf32>
        %add3A_1131 = arith.addf %add3A_779, %get3A_1130 : vector<16xf32>
        %add3A_1132 = arith.constant 7 : i32
        %add3A_1133 = arith.addi %mul3A_258, %add3A_1132 : i32
        %get3A_1134 = arith.constant 0 : i32
        %get3A_1135 = arith.constant 1 : i32
        %get3A_1136 = arith.index_cast %get3A_1134 : i32 to index
        %get3A_1137 = arith.index_cast %get3A_1135 : i32 to index
        %get3A_1138 = arith.index_cast %add3A_1133 : i32 to index
        %get3A_1139 = arith.constant 32 : index
        %get3A_1140 = tpu.vector_load %arg6[%get3A_1136, %get3A_1137, %get3A_1138, %get3A_1139] {strides = array<i32>} : memref<2x4x128x64xf32, #tpu.memory_space<vmem>>, vector<1x1x1x16xf32>,
        %get3A_1141 = vector.shape_cast %get3A_1140 : vector<1x1x1x16xf32> to vector<16xf32>
        %add3A_1142 = arith.addf %add3A_790, %get3A_1141 : vector<16xf32>
        %add3A_1143 = arith.constant 7 : i32
        %add3A_1144 = arith.addi %mul3A_258, %add3A_1143 : i32
        %get3A_1145 = arith.constant 0 : i32
        %get3A_1146 = arith.constant 1 : i32
        %get3A_1147 = arith.index_cast %get3A_1145 : i32 to index
        %get3A_1148 = arith.index_cast %get3A_1146 : i32 to index
        %get3A_1149 = arith.index_cast %add3A_1144 : i32 to index
        %get3A_1150 = arith.constant 48 : index
        %get3A_1151 = tpu.vector_load %arg6[%get3A_1147, %get3A_1148, %get3A_1149, %get3A_1150] {strides = array<i32>} : memref<2x4x128x64xf32, #tpu.memory_space<vmem>>, vector<1x1x1x16xf32>,
        %get3A_1152 = vector.shape_cast %get3A_1151 : vector<1x1x1x16xf32> to vector<16xf32>
        %add3A_1153 = arith.addf %add3A_801, %get3A_1152 : vector<16xf32>
        %add3A_1154 = arith.constant 0 : i32
        %add3A_1155 = arith.addi %mul3A_258, %add3A_1154 : i32
        %get3A_1156 = arith.constant 0 : i32
        %get3A_1157 = arith.constant 2 : i32
        %get3A_1158 = arith.index_cast %get3A_1156 : i32 to index
        %get3A_1159 = arith.index_cast %get3A_1157 : i32 to index
        %get3A_1160 = arith.index_cast %add3A_1155 : i32 to index
        %get3A_1161 = arith.constant 0 : index
        %get3A_1162 = tpu.vector_load %arg6[%get3A_1158, %get3A_1159, %get3A_1160, %get3A_1161] {strides = array<i32>} : memref<2x4x128x64xf32, #tpu.memory_space<vmem>>, vector<1x1x1x16xf32>,
        %get3A_1163 = vector.shape_cast %get3A_1162 : vector<1x1x1x16xf32> to vector<16xf32>
        %add3A_1164 = arith.addf %add3A_812, %get3A_1163 : vector<16xf32>
        %add3A_1165 = arith.constant 0 : i32
        %add3A_1166 = arith.addi %mul3A_258, %add3A_1165 : i32
        %get3A_1167 = arith.constant 0 : i32
        %get3A_1168 = arith.constant 2 : i32
        %get3A_1169 = arith.index_cast %get3A_1167 : i32 to index
        %get3A_1170 = arith.index_cast %get3A_1168 : i32 to index
        %get3A_1171 = arith.index_cast %add3A_1166 : i32 to index
        %get3A_1172 = arith.constant 16 : index
        %get3A_1173 = tpu.vector_load %arg6[%get3A_1169, %get3A_1170, %get3A_1171, %get3A_1172] {strides = array<i32>} : memref<2x4x128x64xf32, #tpu.memory_space<vmem>>, vector<1x1x1x16xf32>,
        %get3A_1174 = vector.shape_cast %get3A_1173 : vector<1x1x1x16xf32> to vector<16xf32>
        %add3A_1175 = arith.addf %add3A_823, %get3A_1174 : vector<16xf32>
        %add3A_1176 = arith.constant 0 : i32
        %add3A_1177 = arith.addi %mul3A_258, %add3A_1176 : i32
        %get3A_1178 = arith.constant 0 : i32
        %get3A_1179 = arith.constant 2 : i32
        %get3A_1180 = arith.index_cast %get3A_1178 : i32 to index
        %get3A_1181 = arith.index_cast %get3A_1179 : i32 to index
        %get3A_1182 = arith.index_cast %add3A_1177 : i32 to index
        %get3A_1183 = arith.constant 32 : index
        %get3A_1184 = tpu.vector_load %arg6[%get3A_1180, %get3A_1181, %get3A_1182, %get3A_1183] {strides = array<i32>} : memref<2x4x128x64xf32, #tpu.memory_space<vmem>>, vector<1x1x1x16xf32>,
        %get3A_1185 = vector.shape_cast %get3A_1184 : vector<1x1x1x16xf32> to vector<16xf32>
        %add3A_1186 = arith.addf %add3A_834, %get3A_1185 : vector<16xf32>
        %add3A_1187 = arith.constant 0 : i32
        %add3A_1188 = arith.addi %mul3A_258, %add3A_1187 : i32
        %get3A_1189 = arith.constant 0 : i32
        %get3A_1190 = arith.constant 2 : i32
        %get3A_1191 = arith.index_cast %get3A_1189 : i32 to index
        %get3A_1192 = arith.index_cast %get3A_1190 : i32 to index
        %get3A_1193 = arith.index_cast %add3A_1188 : i32 to index
        %get3A_1194 = arith.constant 48 : index
        %get3A_1195 = tpu.vector_load %arg6[%get3A_1191, %get3A_1192, %get3A_1193, %get3A_1194] {strides = array<i32>} : memref<2x4x128x64xf32, #tpu.memory_space<vmem>>, vector<1x1x1x16xf32>,
        %get3A_1196 = vector.shape_cast %get3A_1195 : vector<1x1x1x16xf32> to vector<16xf32>
        %add3A_1197 = arith.addf %add3A_845, %get3A_1196 : vector<16xf32>
        %add3A_1198 = arith.constant 1 : i32
        %add3A_1199 = arith.addi %mul3A_258, %add3A_1198 : i32
        %get3A_1200 = arith.constant 0 : i32
        %get3A_1201 = arith.constant 2 : i32
        %get3A_1202 = arith.index_cast %get3A_1200 : i32 to index
        %get3A_1203 = arith.index_cast %get3A_1201 : i32 to index
        %get3A_1204 = arith.index_cast %add3A_1199 : i32 to index
        %get3A_1205 = arith.constant 0 : index
        %get3A_1206 = tpu.vector_load %arg6[%get3A_1202, %get3A_1203, %get3A_1204, %get3A_1205] {strides = array<i32>} : memref<2x4x128x64xf32, #tpu.memory_space<vmem>>, vector<1x1x1x16xf32>,
        %get3A_1207 = vector.shape_cast %get3A_1206 : vector<1x1x1x16xf32> to vector<16xf32>
        %add3A_1208 = arith.addf %add3A_856, %get3A_1207 : vector<16xf32>
        %add3A_1209 = arith.constant 1 : i32
        %add3A_1210 = arith.addi %mul3A_258, %add3A_1209 : i32
        %get3A_1211 = arith.constant 0 : i32
        %get3A_1212 = arith.constant 2 : i32
        %get3A_1213 = arith.index_cast %get3A_1211 : i32 to index
        %get3A_1214 = arith.index_cast %get3A_1212 : i32 to index
        %get3A_1215 = arith.index_cast %add3A_1210 : i32 to index
        %get3A_1216 = arith.constant 16 : index
        %get3A_1217 = tpu.vector_load %arg6[%get3A_1213, %get3A_1214, %get3A_1215, %get3A_1216] {strides = array<i32>} : memref<2x4x128x64xf32, #tpu.memory_space<vmem>>, vector<1x1x1x16xf32>,
        %get3A_1218 = vector.shape_cast %get3A_1217 : vector<1x1x1x16xf32> to vector<16xf32>
        %add3A_1219 = arith.addf %add3A_867, %get3A_1218 : vector<16xf32>
        %add3A_1220 = arith.constant 1 : i32
        %add3A_1221 = arith.addi %mul3A_258, %add3A_1220 : i32
        %get3A_1222 = arith.constant 0 : i32
        %get3A_1223 = arith.constant 2 : i32
        %get3A_1224 = arith.index_cast %get3A_1222 : i32 to index
        %get3A_1225 = arith.index_cast %get3A_1223 : i32 to index
        %get3A_1226 = arith.index_cast %add3A_1221 : i32 to index
        %get3A_1227 = arith.constant 32 : index
        %get3A_1228 = tpu.vector_load %arg6[%get3A_1224, %get3A_1225, %get3A_1226, %get3A_1227] {strides = array<i32>} : memref<2x4x128x64xf32, #tpu.memory_space<vmem>>, vector<1x1x1x16xf32>,
        %get3A_1229 = vector.shape_cast %get3A_1228 : vector<1x1x1x16xf32> to vector<16xf32>
        %add3A_1230 = arith.addf %add3A_878, %get3A_1229 : vector<16xf32>
        %add3A_1231 = arith.constant 1 : i32
        %add3A_1232 = arith.addi %mul3A_258, %add3A_1231 : i32
        %get3A_1233 = arith.constant 0 : i32
        %get3A_1234 = arith.constant 2 : i32
        %get3A_1235 = arith.index_cast %get3A_1233 : i32 to index
        %get3A_1236 = arith.index_cast %get3A_1234 : i32 to index
        %get3A_1237 = arith.index_cast %add3A_1232 : i32 to index
        %get3A_1238 = arith.constant 48 : index
        %get3A_1239 = tpu.vector_load %arg6[%get3A_1235, %get3A_1236, %get3A_1237, %get3A_1238] {strides = array<i32>} : memref<2x4x128x64xf32, #tpu.memory_space<vmem>>, vector<1x1x1x16xf32>,
        %get3A_1240 = vector.shape_cast %get3A_1239 : vector<1x1x1x16xf32> to vector<16xf32>
        %add3A_1241 = arith.addf %add3A_889, %get3A_1240 : vector<16xf32>
        %add3A_1242 = arith.constant 2 : i32
        %add3A_1243 = arith.addi %mul3A_258, %add3A_1242 : i32
        %get3A_1244 = arith.constant 0 : i32
        %get3A_1245 = arith.constant 2 : i32
        %get3A_1246 = arith.index_cast %get3A_1244 : i32 to index
        %get3A_1247 = arith.index_cast %get3A_1245 : i32 to index
        %get3A_1248 = arith.index_cast %add3A_1243 : i32 to index
        %get3A_1249 = arith.constant 0 : index
        %get3A_1250 = tpu.vector_load %arg6[%get3A_1246, %get3A_1247, %get3A_1248, %get3A_1249] {strides = array<i32>} : memref<2x4x128x64xf32, #tpu.memory_space<vmem>>, vector<1x1x1x16xf32>,
        %get3A_1251 = vector.shape_cast %get3A_1250 : vector<1x1x1x16xf32> to vector<16xf32>
        %add3A_1252 = arith.addf %add3A_900, %get3A_1251 : vector<16xf32>
        %add3A_1253 = arith.constant 2 : i32
        %add3A_1254 = arith.addi %mul3A_258, %add3A_1253 : i32
        %get3A_1255 = arith.constant 0 : i32
        %get3A_1256 = arith.constant 2 : i32
        %get3A_1257 = arith.index_cast %get3A_1255 : i32 to index
        %get3A_1258 = arith.index_cast %get3A_1256 : i32 to index
        %get3A_1259 = arith.index_cast %add3A_1254 : i32 to index
        %get3A_1260 = arith.constant 16 : index
        %get3A_1261 = tpu.vector_load %arg6[%get3A_1257, %get3A_1258, %get3A_1259, %get3A_1260] {strides = array<i32>} : memref<2x4x128x64xf32, #tpu.memory_space<vmem>>, vector<1x1x1x16xf32>,
        %get3A_1262 = vector.shape_cast %get3A_1261 : vector<1x1x1x16xf32> to vector<16xf32>
        %add3A_1263 = arith.addf %add3A_911, %get3A_1262 : vector<16xf32>
        %add3A_1264 = arith.constant 2 : i32
        %add3A_1265 = arith.addi %mul3A_258, %add3A_1264 : i32
        %get3A_1266 = arith.constant 0 : i32
        %get3A_1267 = arith.constant 2 : i32
        %get3A_1268 = arith.index_cast %get3A_1266 : i32 to index
        %get3A_1269 = arith.index_cast %get3A_1267 : i32 to index
        %get3A_1270 = arith.index_cast %add3A_1265 : i32 to index
        %get3A_1271 = arith.constant 32 : index
        %get3A_1272 = tpu.vector_load %arg6[%get3A_1268, %get3A_1269, %get3A_1270, %get3A_1271] {strides = array<i32>} : memref<2x4x128x64xf32, #tpu.memory_space<vmem>>, vector<1x1x1x16xf32>,
        %get3A_1273 = vector.shape_cast %get3A_1272 : vector<1x1x1x16xf32> to vector<16xf32>
        %add3A_1274 = arith.addf %add3A_922, %get3A_1273 : vector<16xf32>
        %add3A_1275 = arith.constant 2 : i32
        %add3A_1276 = arith.addi %mul3A_258, %add3A_1275 : i32
        %get3A_1277 = arith.constant 0 : i32
        %get3A_1278 = arith.constant 2 : i32
        %get3A_1279 = arith.index_cast %get3A_1277 : i32 to index
        %get3A_1280 = arith.index_cast %get3A_1278 : i32 to index
        %get3A_1281 = arith.index_cast %add3A_1276 : i32 to index
        %get3A_1282 = arith.constant 48 : index
        %get3A_1283 = tpu.vector_load %arg6[%get3A_1279, %get3A_1280, %get3A_1281, %get3A_1282] {strides = array<i32>} : memref<2x4x128x64xf32, #tpu.memory_space<vmem>>, vector<1x1x1x16xf32>,
        %get3A_1284 = vector.shape_cast %get3A_1283 : vector<1x1x1x16xf32> to vector<16xf32>
        %add3A_1285 = arith.addf %add3A_933, %get3A_1284 : vector<16xf32>
        %add3A_1286 = arith.constant 3 : i32
        %add3A_1287 = arith.addi %mul3A_258, %add3A_1286 : i32
        %get3A_1288 = arith.constant 0 : i32
        %get3A_1289 = arith.constant 2 : i32
        %get3A_1290 = arith.index_cast %get3A_1288 : i32 to index
        %get3A_1291 = arith.index_cast %get3A_1289 : i32 to index
        %get3A_1292 = arith.index_cast %add3A_1287 : i32 to index
        %get3A_1293 = arith.constant 0 : index
        %get3A_1294 = tpu.vector_load %arg6[%get3A_1290, %get3A_1291, %get3A_1292, %get3A_1293] {strides = array<i32>} : memref<2x4x128x64xf32, #tpu.memory_space<vmem>>, vector<1x1x1x16xf32>,
        %get3A_1295 = vector.shape_cast %get3A_1294 : vector<1x1x1x16xf32> to vector<16xf32>
        %add3A_1296 = arith.addf %add3A_944, %get3A_1295 : vector<16xf32>
        %add3A_1297 = arith.constant 3 : i32
        %add3A_1298 = arith.addi %mul3A_258, %add3A_1297 : i32
        %get3A_1299 = arith.constant 0 : i32
        %get3A_1300 = arith.constant 2 : i32
        %get3A_1301 = arith.index_cast %get3A_1299 : i32 to index
        %get3A_1302 = arith.index_cast %get3A_1300 : i32 to index
        %get3A_1303 = arith.index_cast %add3A_1298 : i32 to index
        %get3A_1304 = arith.constant 16 : index
        %get3A_1305 = tpu.vector_load %arg6[%get3A_1301, %get3A_1302, %get3A_1303, %get3A_1304] {strides = array<i32>} : memref<2x4x128x64xf32, #tpu.memory_space<vmem>>, vector<1x1x1x16xf32>,
        %get3A_1306 = vector.shape_cast %get3A_1305 : vector<1x1x1x16xf32> to vector<16xf32>
        %add3A_1307 = arith.addf %add3A_955, %get3A_1306 : vector<16xf32>
        %add3A_1308 = arith.constant 3 : i32
        %add3A_1309 = arith.addi %mul3A_258, %add3A_1308 : i32
        %get3A_1310 = arith.constant 0 : i32
        %get3A_1311 = arith.constant 2 : i32
        %get3A_1312 = arith.index_cast %get3A_1310 : i32 to index
        %get3A_1313 = arith.index_cast %get3A_1311 : i32 to index
        %get3A_1314 = arith.index_cast %add3A_1309 : i32 to index
        %get3A_1315 = arith.constant 32 : index
        %get3A_1316 = tpu.vector_load %arg6[%get3A_1312, %get3A_1313, %get3A_1314, %get3A_1315] {strides = array<i32>} : memref<2x4x128x64xf32, #tpu.memory_space<vmem>>, vector<1x1x1x16xf32>,
        %get3A_1317 = vector.shape_cast %get3A_1316 : vector<1x1x1x16xf32> to vector<16xf32>
        %add3A_1318 = arith.addf %add3A_966, %get3A_1317 : vector<16xf32>
        %add3A_1319 = arith.constant 3 : i32
        %add3A_1320 = arith.addi %mul3A_258, %add3A_1319 : i32
        %get3A_1321 = arith.constant 0 : i32
        %get3A_1322 = arith.constant 2 : i32
        %get3A_1323 = arith.index_cast %get3A_1321 : i32 to index
        %get3A_1324 = arith.index_cast %get3A_1322 : i32 to index
        %get3A_1325 = arith.index_cast %add3A_1320 : i32 to index
        %get3A_1326 = arith.constant 48 : index
        %get3A_1327 = tpu.vector_load %arg6[%get3A_1323, %get3A_1324, %get3A_1325, %get3A_1326] {strides = array<i32>} : memref<2x4x128x64xf32, #tpu.memory_space<vmem>>, vector<1x1x1x16xf32>,
        %get3A_1328 = vector.shape_cast %get3A_1327 : vector<1x1x1x16xf32> to vector<16xf32>
        %add3A_1329 = arith.addf %add3A_977, %get3A_1328 : vector<16xf32>
        %add3A_1330 = arith.constant 4 : i32
        %add3A_1331 = arith.addi %mul3A_258, %add3A_1330 : i32
        %get3A_1332 = arith.constant 0 : i32
        %get3A_1333 = arith.constant 2 : i32
        %get3A_1334 = arith.index_cast %get3A_1332 : i32 to index
        %get3A_1335 = arith.index_cast %get3A_1333 : i32 to index
        %get3A_1336 = arith.index_cast %add3A_1331 : i32 to index
        %get3A_1337 = arith.constant 0 : index
        %get3A_1338 = tpu.vector_load %arg6[%get3A_1334, %get3A_1335, %get3A_1336, %get3A_1337] {strides = array<i32>} : memref<2x4x128x64xf32, #tpu.memory_space<vmem>>, vector<1x1x1x16xf32>,
        %get3A_1339 = vector.shape_cast %get3A_1338 : vector<1x1x1x16xf32> to vector<16xf32>
        %add3A_1340 = arith.addf %add3A_988, %get3A_1339 : vector<16xf32>
        %add3A_1341 = arith.constant 4 : i32
        %add3A_1342 = arith.addi %mul3A_258, %add3A_1341 : i32
        %get3A_1343 = arith.constant 0 : i32
        %get3A_1344 = arith.constant 2 : i32
        %get3A_1345 = arith.index_cast %get3A_1343 : i32 to index
        %get3A_1346 = arith.index_cast %get3A_1344 : i32 to index
        %get3A_1347 = arith.index_cast %add3A_1342 : i32 to index
        %get3A_1348 = arith.constant 16 : index
        %get3A_1349 = tpu.vector_load %arg6[%get3A_1345, %get3A_1346, %get3A_1347, %get3A_1348] {strides = array<i32>} : memref<2x4x128x64xf32, #tpu.memory_space<vmem>>, vector<1x1x1x16xf32>,
        %get3A_1350 = vector.shape_cast %get3A_1349 : vector<1x1x1x16xf32> to vector<16xf32>
        %add3A_1351 = arith.addf %add3A_999, %get3A_1350 : vector<16xf32>
        %add3A_1352 = arith.constant 4 : i32
        %add3A_1353 = arith.addi %mul3A_258, %add3A_1352 : i32
        %get3A_1354 = arith.constant 0 : i32
        %get3A_1355 = arith.constant 2 : i32
        %get3A_1356 = arith.index_cast %get3A_1354 : i32 to index
        %get3A_1357 = arith.index_cast %get3A_1355 : i32 to index
        %get3A_1358 = arith.index_cast %add3A_1353 : i32 to index
        %get3A_1359 = arith.constant 32 : index
        %get3A_1360 = tpu.vector_load %arg6[%get3A_1356, %get3A_1357, %get3A_1358, %get3A_1359] {strides = array<i32>} : memref<2x4x128x64xf32, #tpu.memory_space<vmem>>, vector<1x1x1x16xf32>,
        %get3A_1361 = vector.shape_cast %get3A_1360 : vector<1x1x1x16xf32> to vector<16xf32>
        %add3A_1362 = arith.addf %add3A_1010, %get3A_1361 : vector<16xf32>
        %add3A_1363 = arith.constant 4 : i32
        %add3A_1364 = arith.addi %mul3A_258, %add3A_1363 : i32
        %get3A_1365 = arith.constant 0 : i32
        %get3A_1366 = arith.constant 2 : i32
        %get3A_1367 = arith.index_cast %get3A_1365 : i32 to index
        %get3A_1368 = arith.index_cast %get3A_1366 : i32 to index
        %get3A_1369 = arith.index_cast %add3A_1364 : i32 to index
        %get3A_1370 = arith.constant 48 : index
        %get3A_1371 = tpu.vector_load %arg6[%get3A_1367, %get3A_1368, %get3A_1369, %get3A_1370] {strides = array<i32>} : memref<2x4x128x64xf32, #tpu.memory_space<vmem>>, vector<1x1x1x16xf32>,
        %get3A_1372 = vector.shape_cast %get3A_1371 : vector<1x1x1x16xf32> to vector<16xf32>
        %add3A_1373 = arith.addf %add3A_1021, %get3A_1372 : vector<16xf32>
        %add3A_1374 = arith.constant 5 : i32
        %add3A_1375 = arith.addi %mul3A_258, %add3A_1374 : i32
        %get3A_1376 = arith.constant 0 : i32
        %get3A_1377 = arith.constant 2 : i32
        %get3A_1378 = arith.index_cast %get3A_1376 : i32 to index
        %get3A_1379 = arith.index_cast %get3A_1377 : i32 to index
        %get3A_1380 = arith.index_cast %add3A_1375 : i32 to index
        %get3A_1381 = arith.constant 0 : index
        %get3A_1382 = tpu.vector_load %arg6[%get3A_1378, %get3A_1379, %get3A_1380, %get3A_1381] {strides = array<i32>} : memref<2x4x128x64xf32, #tpu.memory_space<vmem>>, vector<1x1x1x16xf32>,
        %get3A_1383 = vector.shape_cast %get3A_1382 : vector<1x1x1x16xf32> to vector<16xf32>
        %add3A_1384 = arith.addf %add3A_1032, %get3A_1383 : vector<16xf32>
        %add3A_1385 = arith.constant 5 : i32
        %add3A_1386 = arith.addi %mul3A_258, %add3A_1385 : i32
        %get3A_1387 = arith.constant 0 : i32
        %get3A_1388 = arith.constant 2 : i32
        %get3A_1389 = arith.index_cast %get3A_1387 : i32 to index
        %get3A_1390 = arith.index_cast %get3A_1388 : i32 to index
        %get3A_1391 = arith.index_cast %add3A_1386 : i32 to index
        %get3A_1392 = arith.constant 16 : index
        %get3A_1393 = tpu.vector_load %arg6[%get3A_1389, %get3A_1390, %get3A_1391, %get3A_1392] {strides = array<i32>} : memref<2x4x128x64xf32, #tpu.memory_space<vmem>>, vector<1x1x1x16xf32>,
        %get3A_1394 = vector.shape_cast %get3A_1393 : vector<1x1x1x16xf32> to vector<16xf32>
        %add3A_1395 = arith.addf %add3A_1043, %get3A_1394 : vector<16xf32>
        %add3A_1396 = arith.constant 5 : i32
        %add3A_1397 = arith.addi %mul3A_258, %add3A_1396 : i32
        %get3A_1398 = arith.constant 0 : i32
        %get3A_1399 = arith.constant 2 : i32
        %get3A_1400 = arith.index_cast %get3A_1398 : i32 to index
        %get3A_1401 = arith.index_cast %get3A_1399 : i32 to index
        %get3A_1402 = arith.index_cast %add3A_1397 : i32 to index
        %get3A_1403 = arith.constant 32 : index
        %get3A_1404 = tpu.vector_load %arg6[%get3A_1400, %get3A_1401, %get3A_1402, %get3A_1403] {strides = array<i32>} : memref<2x4x128x64xf32, #tpu.memory_space<vmem>>, vector<1x1x1x16xf32>,
        %get3A_1405 = vector.shape_cast %get3A_1404 : vector<1x1x1x16xf32> to vector<16xf32>
        %add3A_1406 = arith.addf %add3A_1054, %get3A_1405 : vector<16xf32>
        %add3A_1407 = arith.constant 5 : i32
        %add3A_1408 = arith.addi %mul3A_258, %add3A_1407 : i32
        %get3A_1409 = arith.constant 0 : i32
        %get3A_1410 = arith.constant 2 : i32
        %get3A_1411 = arith.index_cast %get3A_1409 : i32 to index
        %get3A_1412 = arith.index_cast %get3A_1410 : i32 to index
        %get3A_1413 = arith.index_cast %add3A_1408 : i32 to index
        %get3A_1414 = arith.constant 48 : index
        %get3A_1415 = tpu.vector_load %arg6[%get3A_1411, %get3A_1412, %get3A_1413, %get3A_1414] {strides = array<i32>} : memref<2x4x128x64xf32, #tpu.memory_space<vmem>>, vector<1x1x1x16xf32>,
        %get3A_1416 = vector.shape_cast %get3A_1415 : vector<1x1x1x16xf32> to vector<16xf32>
        %add3A_1417 = arith.addf %add3A_1065, %get3A_1416 : vector<16xf32>
        %add3A_1418 = arith.constant 6 : i32
        %add3A_1419 = arith.addi %mul3A_258, %add3A_1418 : i32
        %get3A_1420 = arith.constant 0 : i32
        %get3A_1421 = arith.constant 2 : i32
        %get3A_1422 = arith.index_cast %get3A_1420 : i32 to index
        %get3A_1423 = arith.index_cast %get3A_1421 : i32 to index
        %get3A_1424 = arith.index_cast %add3A_1419 : i32 to index
        %get3A_1425 = arith.constant 0 : index
        %get3A_1426 = tpu.vector_load %arg6[%get3A_1422, %get3A_1423, %get3A_1424, %get3A_1425] {strides = array<i32>} : memref<2x4x128x64xf32, #tpu.memory_space<vmem>>, vector<1x1x1x16xf32>,
        %get3A_1427 = vector.shape_cast %get3A_1426 : vector<1x1x1x16xf32> to vector<16xf32>
        %add3A_1428 = arith.addf %add3A_1076, %get3A_1427 : vector<16xf32>
        %add3A_1429 = arith.constant 6 : i32
        %add3A_1430 = arith.addi %mul3A_258, %add3A_1429 : i32
        %get3A_1431 = arith.constant 0 : i32
        %get3A_1432 = arith.constant 2 : i32
        %get3A_1433 = arith.index_cast %get3A_1431 : i32 to index
        %get3A_1434 = arith.index_cast %get3A_1432 : i32 to index
        %get3A_1435 = arith.index_cast %add3A_1430 : i32 to index
        %get3A_1436 = arith.constant 16 : index
        %get3A_1437 = tpu.vector_load %arg6[%get3A_1433, %get3A_1434, %get3A_1435, %get3A_1436] {strides = array<i32>} : memref<2x4x128x64xf32, #tpu.memory_space<vmem>>, vector<1x1x1x16xf32>,
        %get3A_1438 = vector.shape_cast %get3A_1437 : vector<1x1x1x16xf32> to vector<16xf32>
        %add3A_1439 = arith.addf %add3A_1087, %get3A_1438 : vector<16xf32>
        %add3A_1440 = arith.constant 6 : i32
        %add3A_1441 = arith.addi %mul3A_258, %add3A_1440 : i32
        %get3A_1442 = arith.constant 0 : i32
        %get3A_1443 = arith.constant 2 : i32
        %get3A_1444 = arith.index_cast %get3A_1442 : i32 to index
        %get3A_1445 = arith.index_cast %get3A_1443 : i32 to index
        %get3A_1446 = arith.index_cast %add3A_1441 : i32 to index
        %get3A_1447 = arith.constant 32 : index
        %get3A_1448 = tpu.vector_load %arg6[%get3A_1444, %get3A_1445, %get3A_1446, %get3A_1447] {strides = array<i32>} : memref<2x4x128x64xf32, #tpu.memory_space<vmem>>, vector<1x1x1x16xf32>,
        %get3A_1449 = vector.shape_cast %get3A_1448 : vector<1x1x1x16xf32> to vector<16xf32>
        %add3A_1450 = arith.addf %add3A_1098, %get3A_1449 : vector<16xf32>
        %add3A_1451 = arith.constant 6 : i32
        %add3A_1452 = arith.addi %mul3A_258, %add3A_1451 : i32
        %get3A_1453 = arith.constant 0 : i32
        %get3A_1454 = arith.constant 2 : i32
        %get3A_1455 = arith.index_cast %get3A_1453 : i32 to index
        %get3A_1456 = arith.index_cast %get3A_1454 : i32 to index
        %get3A_1457 = arith.index_cast %add3A_1452 : i32 to index
        %get3A_1458 = arith.constant 48 : index
        %get3A_1459 = tpu.vector_load %arg6[%get3A_1455, %get3A_1456, %get3A_1457, %get3A_1458] {strides = array<i32>} : memref<2x4x128x64xf32, #tpu.memory_space<vmem>>, vector<1x1x1x16xf32>,
        %get3A_1460 = vector.shape_cast %get3A_1459 : vector<1x1x1x16xf32> to vector<16xf32>
        %add3A_1461 = arith.addf %add3A_1109, %get3A_1460 : vector<16xf32>
        %add3A_1462 = arith.constant 7 : i32
        %add3A_1463 = arith.addi %mul3A_258, %add3A_1462 : i32
        %get3A_1464 = arith.constant 0 : i32
        %get3A_1465 = arith.constant 2 : i32
        %get3A_1466 = arith.index_cast %get3A_1464 : i32 to index
        %get3A_1467 = arith.index_cast %get3A_1465 : i32 to index
        %get3A_1468 = arith.index_cast %add3A_1463 : i32 to index
        %get3A_1469 = arith.constant 0 : index
        %get3A_1470 = tpu.vector_load %arg6[%get3A_1466, %get3A_1467, %get3A_1468, %get3A_1469] {strides = array<i32>} : memref<2x4x128x64xf32, #tpu.memory_space<vmem>>, vector<1x1x1x16xf32>,
        %get3A_1471 = vector.shape_cast %get3A_1470 : vector<1x1x1x16xf32> to vector<16xf32>
        %add3A_1472 = arith.addf %add3A_1120, %get3A_1471 : vector<16xf32>
        %add3A_1473 = arith.constant 7 : i32
        %add3A_1474 = arith.addi %mul3A_258, %add3A_1473 : i32
        %get3A_1475 = arith.constant 0 : i32
        %get3A_1476 = arith.constant 2 : i32
        %get3A_1477 = arith.index_cast %get3A_1475 : i32 to index
        %get3A_1478 = arith.index_cast %get3A_1476 : i32 to index
        %get3A_1479 = arith.index_cast %add3A_1474 : i32 to index
        %get3A_1480 = arith.constant 16 : index
        %get3A_1481 = tpu.vector_load %arg6[%get3A_1477, %get3A_1478, %get3A_1479, %get3A_1480] {strides = array<i32>} : memref<2x4x128x64xf32, #tpu.memory_space<vmem>>, vector<1x1x1x16xf32>,
        %get3A_1482 = vector.shape_cast %get3A_1481 : vector<1x1x1x16xf32> to vector<16xf32>
        %add3A_1483 = arith.addf %add3A_1131, %get3A_1482 : vector<16xf32>
        %add3A_1484 = arith.constant 7 : i32
        %add3A_1485 = arith.addi %mul3A_258, %add3A_1484 : i32
        %get3A_1486 = arith.constant 0 : i32
        %get3A_1487 = arith.constant 2 : i32
        %get3A_1488 = arith.index_cast %get3A_1486 : i32 to index
        %get3A_1489 = arith.index_cast %get3A_1487 : i32 to index
        %get3A_1490 = arith.index_cast %add3A_1485 : i32 to index
        %get3A_1491 = arith.constant 32 : index
        %get3A_1492 = tpu.vector_load %arg6[%get3A_1488, %get3A_1489, %get3A_1490, %get3A_1491] {strides = array<i32>} : memref<2x4x128x64xf32, #tpu.memory_space<vmem>>, vector<1x1x1x16xf32>,
        %get3A_1493 = vector.shape_cast %get3A_1492 : vector<1x1x1x16xf32> to vector<16xf32>
        %add3A_1494 = arith.addf %add3A_1142, %get3A_1493 : vector<16xf32>
        %add3A_1495 = arith.constant 7 : i32
        %add3A_1496 = arith.addi %mul3A_258, %add3A_1495 : i32
        %get3A_1497 = arith.constant 0 : i32
        %get3A_1498 = arith.constant 2 : i32
        %get3A_1499 = arith.index_cast %get3A_1497 : i32 to index
        %get3A_1500 = arith.index_cast %get3A_1498 : i32 to index
        %get3A_1501 = arith.index_cast %add3A_1496 : i32 to index
        %get3A_1502 = arith.constant 48 : index
        %get3A_1503 = tpu.vector_load %arg6[%get3A_1499, %get3A_1500, %get3A_1501, %get3A_1502] {strides = array<i32>} : memref<2x4x128x64xf32, #tpu.memory_space<vmem>>, vector<1x1x1x16xf32>,
        %get3A_1504 = vector.shape_cast %get3A_1503 : vector<1x1x1x16xf32> to vector<16xf32>
        %add3A_1505 = arith.addf %add3A_1153, %get3A_1504 : vector<16xf32>
        %add3A_1506 = arith.constant 0 : i32
        %add3A_1507 = arith.addi %mul3A_258, %add3A_1506 : i32
        %get3A_1508 = arith.constant 0 : i32
        %get3A_1509 = arith.constant 3 : i32
        %get3A_1510 = arith.index_cast %get3A_1508 : i32 to index
        %get3A_1511 = arith.index_cast %get3A_1509 : i32 to index
        %get3A_1512 = arith.index_cast %add3A_1507 : i32 to index
        %get3A_1513 = arith.constant 0 : index
        %get3A_1514 = tpu.vector_load %arg6[%get3A_1510, %get3A_1511, %get3A_1512, %get3A_1513] {strides = array<i32>} : memref<2x4x128x64xf32, #tpu.memory_space<vmem>>, vector<1x1x1x16xf32>,
        %get3A_1515 = vector.shape_cast %get3A_1514 : vector<1x1x1x16xf32> to vector<16xf32>
        %add3A_1516 = arith.addf %add3A_1164, %get3A_1515 : vector<16xf32>
        %add3A_1517 = arith.constant 0 : i32
        %add3A_1518 = arith.addi %mul3A_258, %add3A_1517 : i32
        %get3A_1519 = arith.constant 0 : i32
        %get3A_1520 = arith.constant 3 : i32
        %get3A_1521 = arith.index_cast %get3A_1519 : i32 to index
        %get3A_1522 = arith.index_cast %get3A_1520 : i32 to index
        %get3A_1523 = arith.index_cast %add3A_1518 : i32 to index
        %get3A_1524 = arith.constant 16 : index
        %get3A_1525 = tpu.vector_load %arg6[%get3A_1521, %get3A_1522, %get3A_1523, %get3A_1524] {strides = array<i32>} : memref<2x4x128x64xf32, #tpu.memory_space<vmem>>, vector<1x1x1x16xf32>,
        %get3A_1526 = vector.shape_cast %get3A_1525 : vector<1x1x1x16xf32> to vector<16xf32>
        %add3A_1527 = arith.addf %add3A_1175, %get3A_1526 : vector<16xf32>
        %add3A_1528 = arith.constant 0 : i32
        %add3A_1529 = arith.addi %mul3A_258, %add3A_1528 : i32
        %get3A_1530 = arith.constant 0 : i32
        %get3A_1531 = arith.constant 3 : i32
        %get3A_1532 = arith.index_cast %get3A_1530 : i32 to index
        %get3A_1533 = arith.index_cast %get3A_1531 : i32 to index
        %get3A_1534 = arith.index_cast %add3A_1529 : i32 to index
        %get3A_1535 = arith.constant 32 : index
        %get3A_1536 = tpu.vector_load %arg6[%get3A_1532, %get3A_1533, %get3A_1534, %get3A_1535] {strides = array<i32>} : memref<2x4x128x64xf32, #tpu.memory_space<vmem>>, vector<1x1x1x16xf32>,
        %get3A_1537 = vector.shape_cast %get3A_1536 : vector<1x1x1x16xf32> to vector<16xf32>
        %add3A_1538 = arith.addf %add3A_1186, %get3A_1537 : vector<16xf32>
        %add3A_1539 = arith.constant 0 : i32
        %add3A_1540 = arith.addi %mul3A_258, %add3A_1539 : i32
        %get3A_1541 = arith.constant 0 : i32
        %get3A_1542 = arith.constant 3 : i32
        %get3A_1543 = arith.index_cast %get3A_1541 : i32 to index
        %get3A_1544 = arith.index_cast %get3A_1542 : i32 to index
        %get3A_1545 = arith.index_cast %add3A_1540 : i32 to index
        %get3A_1546 = arith.constant 48 : index
        %get3A_1547 = tpu.vector_load %arg6[%get3A_1543, %get3A_1544, %get3A_1545, %get3A_1546] {strides = array<i32>} : memref<2x4x128x64xf32, #tpu.memory_space<vmem>>, vector<1x1x1x16xf32>,
        %get3A_1548 = vector.shape_cast %get3A_1547 : vector<1x1x1x16xf32> to vector<16xf32>
        %add3A_1549 = arith.addf %add3A_1197, %get3A_1548 : vector<16xf32>
        %add3A_1550 = arith.constant 1 : i32
        %add3A_1551 = arith.addi %mul3A_258, %add3A_1550 : i32
        %get3A_1552 = arith.constant 0 : i32
        %get3A_1553 = arith.constant 3 : i32
        %get3A_1554 = arith.index_cast %get3A_1552 : i32 to index
        %get3A_1555 = arith.index_cast %get3A_1553 : i32 to index
        %get3A_1556 = arith.index_cast %add3A_1551 : i32 to index
        %get3A_1557 = arith.constant 0 : index
        %get3A_1558 = tpu.vector_load %arg6[%get3A_1554, %get3A_1555, %get3A_1556, %get3A_1557] {strides = array<i32>} : memref<2x4x128x64xf32, #tpu.memory_space<vmem>>, vector<1x1x1x16xf32>,
        %get3A_1559 = vector.shape_cast %get3A_1558 : vector<1x1x1x16xf32> to vector<16xf32>
        %add3A_1560 = arith.addf %add3A_1208, %get3A_1559 : vector<16xf32>
        %add3A_1561 = arith.constant 1 : i32
        %add3A_1562 = arith.addi %mul3A_258, %add3A_1561 : i32
        %get3A_1563 = arith.constant 0 : i32
        %get3A_1564 = arith.constant 3 : i32
        %get3A_1565 = arith.index_cast %get3A_1563 : i32 to index
        %get3A_1566 = arith.index_cast %get3A_1564 : i32 to index
        %get3A_1567 = arith.index_cast %add3A_1562 : i32 to index
        %get3A_1568 = arith.constant 16 : index
        %get3A_1569 = tpu.vector_load %arg6[%get3A_1565, %get3A_1566, %get3A_1567, %get3A_1568] {strides = array<i32>} : memref<2x4x128x64xf32, #tpu.memory_space<vmem>>, vector<1x1x1x16xf32>,
        %get3A_1570 = vector.shape_cast %get3A_1569 : vector<1x1x1x16xf32> to vector<16xf32>
        %add3A_1571 = arith.addf %add3A_1219, %get3A_1570 : vector<16xf32>
        %add3A_1572 = arith.constant 1 : i32
        %add3A_1573 = arith.addi %mul3A_258, %add3A_1572 : i32
        %get3A_1574 = arith.constant 0 : i32
        %get3A_1575 = arith.constant 3 : i32
        %get3A_1576 = arith.index_cast %get3A_1574 : i32 to index
        %get3A_1577 = arith.index_cast %get3A_1575 : i32 to index
        %get3A_1578 = arith.index_cast %add3A_1573 : i32 to index
        %get3A_1579 = arith.constant 32 : index
        %get3A_1580 = tpu.vector_load %arg6[%get3A_1576, %get3A_1577, %get3A_1578, %get3A_1579] {strides = array<i32>} : memref<2x4x128x64xf32, #tpu.memory_space<vmem>>, vector<1x1x1x16xf32>,
        %get3A_1581 = vector.shape_cast %get3A_1580 : vector<1x1x1x16xf32> to vector<16xf32>
        %add3A_1582 = arith.addf %add3A_1230, %get3A_1581 : vector<16xf32>
        %add3A_1583 = arith.constant 1 : i32
        %add3A_1584 = arith.addi %mul3A_258, %add3A_1583 : i32
        %get3A_1585 = arith.constant 0 : i32
        %get3A_1586 = arith.constant 3 : i32
        %get3A_1587 = arith.index_cast %get3A_1585 : i32 to index
        %get3A_1588 = arith.index_cast %get3A_1586 : i32 to index
        %get3A_1589 = arith.index_cast %add3A_1584 : i32 to index
        %get3A_1590 = arith.constant 48 : index
        %get3A_1591 = tpu.vector_load %arg6[%get3A_1587, %get3A_1588, %get3A_1589, %get3A_1590] {strides = array<i32>} : memref<2x4x128x64xf32, #tpu.memory_space<vmem>>, vector<1x1x1x16xf32>,
        %get3A_1592 = vector.shape_cast %get3A_1591 : vector<1x1x1x16xf32> to vector<16xf32>
        %add3A_1593 = arith.addf %add3A_1241, %get3A_1592 : vector<16xf32>
        %add3A_1594 = arith.constant 2 : i32
        %add3A_1595 = arith.addi %mul3A_258, %add3A_1594 : i32
        %get3A_1596 = arith.constant 0 : i32
        %get3A_1597 = arith.constant 3 : i32
        %get3A_1598 = arith.index_cast %get3A_1596 : i32 to index
        %get3A_1599 = arith.index_cast %get3A_1597 : i32 to index
        %get3A_1600 = arith.index_cast %add3A_1595 : i32 to index
        %get3A_1601 = arith.constant 0 : index
        %get3A_1602 = tpu.vector_load %arg6[%get3A_1598, %get3A_1599, %get3A_1600, %get3A_1601] {strides = array<i32>} : memref<2x4x128x64xf32, #tpu.memory_space<vmem>>, vector<1x1x1x16xf32>,
        %get3A_1603 = vector.shape_cast %get3A_1602 : vector<1x1x1x16xf32> to vector<16xf32>
        %add3A_1604 = arith.addf %add3A_1252, %get3A_1603 : vector<16xf32>
        %add3A_1605 = arith.constant 2 : i32
        %add3A_1606 = arith.addi %mul3A_258, %add3A_1605 : i32
        %get3A_1607 = arith.constant 0 : i32
        %get3A_1608 = arith.constant 3 : i32
        %get3A_1609 = arith.index_cast %get3A_1607 : i32 to index
        %get3A_1610 = arith.index_cast %get3A_1608 : i32 to index
        %get3A_1611 = arith.index_cast %add3A_1606 : i32 to index
        %get3A_1612 = arith.constant 16 : index
        %get3A_1613 = tpu.vector_load %arg6[%get3A_1609, %get3A_1610, %get3A_1611, %get3A_1612] {strides = array<i32>} : memref<2x4x128x64xf32, #tpu.memory_space<vmem>>, vector<1x1x1x16xf32>,
        %get3A_1614 = vector.shape_cast %get3A_1613 : vector<1x1x1x16xf32> to vector<16xf32>
        %add3A_1615 = arith.addf %add3A_1263, %get3A_1614 : vector<16xf32>
        %add3A_1616 = arith.constant 2 : i32
        %add3A_1617 = arith.addi %mul3A_258, %add3A_1616 : i32
        %get3A_1618 = arith.constant 0 : i32
        %get3A_1619 = arith.constant 3 : i32
        %get3A_1620 = arith.index_cast %get3A_1618 : i32 to index
        %get3A_1621 = arith.index_cast %get3A_1619 : i32 to index
        %get3A_1622 = arith.index_cast %add3A_1617 : i32 to index
        %get3A_1623 = arith.constant 32 : index
        %get3A_1624 = tpu.vector_load %arg6[%get3A_1620, %get3A_1621, %get3A_1622, %get3A_1623] {strides = array<i32>} : memref<2x4x128x64xf32, #tpu.memory_space<vmem>>, vector<1x1x1x16xf32>,
        %get3A_1625 = vector.shape_cast %get3A_1624 : vector<1x1x1x16xf32> to vector<16xf32>
        %add3A_1626 = arith.addf %add3A_1274, %get3A_1625 : vector<16xf32>
        %add3A_1627 = arith.constant 2 : i32
        %add3A_1628 = arith.addi %mul3A_258, %add3A_1627 : i32
        %get3A_1629 = arith.constant 0 : i32
        %get3A_1630 = arith.constant 3 : i32
        %get3A_1631 = arith.index_cast %get3A_1629 : i32 to index
        %get3A_1632 = arith.index_cast %get3A_1630 : i32 to index
        %get3A_1633 = arith.index_cast %add3A_1628 : i32 to index
        %get3A_1634 = arith.constant 48 : index
        %get3A_1635 = tpu.vector_load %arg6[%get3A_1631, %get3A_1632, %get3A_1633, %get3A_1634] {strides = array<i32>} : memref<2x4x128x64xf32, #tpu.memory_space<vmem>>, vector<1x1x1x16xf32>,
        %get3A_1636 = vector.shape_cast %get3A_1635 : vector<1x1x1x16xf32> to vector<16xf32>
        %add3A_1637 = arith.addf %add3A_1285, %get3A_1636 : vector<16xf32>
        %add3A_1638 = arith.constant 3 : i32
        %add3A_1639 = arith.addi %mul3A_258, %add3A_1638 : i32
        %get3A_1640 = arith.constant 0 : i32
        %get3A_1641 = arith.constant 3 : i32
        %get3A_1642 = arith.index_cast %get3A_1640 : i32 to index
        %get3A_1643 = arith.index_cast %get3A_1641 : i32 to index
        %get3A_1644 = arith.index_cast %add3A_1639 : i32 to index
        %get3A_1645 = arith.constant 0 : index
        %get3A_1646 = tpu.vector_load %arg6[%get3A_1642, %get3A_1643, %get3A_1644, %get3A_1645] {strides = array<i32>} : memref<2x4x128x64xf32, #tpu.memory_space<vmem>>, vector<1x1x1x16xf32>,
        %get3A_1647 = vector.shape_cast %get3A_1646 : vector<1x1x1x16xf32> to vector<16xf32>
        %add3A_1648 = arith.addf %add3A_1296, %get3A_1647 : vector<16xf32>
        %add3A_1649 = arith.constant 3 : i32
        %add3A_1650 = arith.addi %mul3A_258, %add3A_1649 : i32
        %get3A_1651 = arith.constant 0 : i32
        %get3A_1652 = arith.constant 3 : i32
        %get3A_1653 = arith.index_cast %get3A_1651 : i32 to index
        %get3A_1654 = arith.index_cast %get3A_1652 : i32 to index
        %get3A_1655 = arith.index_cast %add3A_1650 : i32 to index
        %get3A_1656 = arith.constant 16 : index
        %get3A_1657 = tpu.vector_load %arg6[%get3A_1653, %get3A_1654, %get3A_1655, %get3A_1656] {strides = array<i32>} : memref<2x4x128x64xf32, #tpu.memory_space<vmem>>, vector<1x1x1x16xf32>,
        %get3A_1658 = vector.shape_cast %get3A_1657 : vector<1x1x1x16xf32> to vector<16xf32>
        %add3A_1659 = arith.addf %add3A_1307, %get3A_1658 : vector<16xf32>
        %add3A_1660 = arith.constant 3 : i32
        %add3A_1661 = arith.addi %mul3A_258, %add3A_1660 : i32
        %get3A_1662 = arith.constant 0 : i32
        %get3A_1663 = arith.constant 3 : i32
        %get3A_1664 = arith.index_cast %get3A_1662 : i32 to index
        %get3A_1665 = arith.index_cast %get3A_1663 : i32 to index
        %get3A_1666 = arith.index_cast %add3A_1661 : i32 to index
        %get3A_1667 = arith.constant 32 : index
        %get3A_1668 = tpu.vector_load %arg6[%get3A_1664, %get3A_1665, %get3A_1666, %get3A_1667] {strides = array<i32>} : memref<2x4x128x64xf32, #tpu.memory_space<vmem>>, vector<1x1x1x16xf32>,
        %get3A_1669 = vector.shape_cast %get3A_1668 : vector<1x1x1x16xf32> to vector<16xf32>
        %add3A_1670 = arith.addf %add3A_1318, %get3A_1669 : vector<16xf32>
        %add3A_1671 = arith.constant 3 : i32
        %add3A_1672 = arith.addi %mul3A_258, %add3A_1671 : i32
        %get3A_1673 = arith.constant 0 : i32
        %get3A_1674 = arith.constant 3 : i32
        %get3A_1675 = arith.index_cast %get3A_1673 : i32 to index
        %get3A_1676 = arith.index_cast %get3A_1674 : i32 to index
        %get3A_1677 = arith.index_cast %add3A_1672 : i32 to index
        %get3A_1678 = arith.constant 48 : index
        %get3A_1679 = tpu.vector_load %arg6[%get3A_1675, %get3A_1676, %get3A_1677, %get3A_1678] {strides = array<i32>} : memref<2x4x128x64xf32, #tpu.memory_space<vmem>>, vector<1x1x1x16xf32>,
        %get3A_1680 = vector.shape_cast %get3A_1679 : vector<1x1x1x16xf32> to vector<16xf32>
        %add3A_1681 = arith.addf %add3A_1329, %get3A_1680 : vector<16xf32>
        %add3A_1682 = arith.constant 4 : i32
        %add3A_1683 = arith.addi %mul3A_258, %add3A_1682 : i32
        %get3A_1684 = arith.constant 0 : i32
        %get3A_1685 = arith.constant 3 : i32
        %get3A_1686 = arith.index_cast %get3A_1684 : i32 to index
        %get3A_1687 = arith.index_cast %get3A_1685 : i32 to index
        %get3A_1688 = arith.index_cast %add3A_1683 : i32 to index
        %get3A_1689 = arith.constant 0 : index
        %get3A_1690 = tpu.vector_load %arg6[%get3A_1686, %get3A_1687, %get3A_1688, %get3A_1689] {strides = array<i32>} : memref<2x4x128x64xf32, #tpu.memory_space<vmem>>, vector<1x1x1x16xf32>,
        %get3A_1691 = vector.shape_cast %get3A_1690 : vector<1x1x1x16xf32> to vector<16xf32>
        %add3A_1692 = arith.addf %add3A_1340, %get3A_1691 : vector<16xf32>
        %add3A_1693 = arith.constant 4 : i32
        %add3A_1694 = arith.addi %mul3A_258, %add3A_1693 : i32
        %get3A_1695 = arith.constant 0 : i32
        %get3A_1696 = arith.constant 3 : i32
        %get3A_1697 = arith.index_cast %get3A_1695 : i32 to index
        %get3A_1698 = arith.index_cast %get3A_1696 : i32 to index
        %get3A_1699 = arith.index_cast %add3A_1694 : i32 to index
        %get3A_1700 = arith.constant 16 : index
        %get3A_1701 = tpu.vector_load %arg6[%get3A_1697, %get3A_1698, %get3A_1699, %get3A_1700] {strides = array<i32>} : memref<2x4x128x64xf32, #tpu.memory_space<vmem>>, vector<1x1x1x16xf32>,
        %get3A_1702 = vector.shape_cast %get3A_1701 : vector<1x1x1x16xf32> to vector<16xf32>
        %add3A_1703 = arith.addf %add3A_1351, %get3A_1702 : vector<16xf32>
        %add3A_1704 = arith.constant 4 : i32
        %add3A_1705 = arith.addi %mul3A_258, %add3A_1704 : i32
        %get3A_1706 = arith.constant 0 : i32
        %get3A_1707 = arith.constant 3 : i32
        %get3A_1708 = arith.index_cast %get3A_1706 : i32 to index
        %get3A_1709 = arith.index_cast %get3A_1707 : i32 to index
        %get3A_1710 = arith.index_cast %add3A_1705 : i32 to index
        %get3A_1711 = arith.constant 32 : index
        %get3A_1712 = tpu.vector_load %arg6[%get3A_1708, %get3A_1709, %get3A_1710, %get3A_1711] {strides = array<i32>} : memref<2x4x128x64xf32, #tpu.memory_space<vmem>>, vector<1x1x1x16xf32>,
        %get3A_1713 = vector.shape_cast %get3A_1712 : vector<1x1x1x16xf32> to vector<16xf32>
        %add3A_1714 = arith.addf %add3A_1362, %get3A_1713 : vector<16xf32>
        %add3A_1715 = arith.constant 4 : i32
        %add3A_1716 = arith.addi %mul3A_258, %add3A_1715 : i32
        %get3A_1717 = arith.constant 0 : i32
        %get3A_1718 = arith.constant 3 : i32
        %get3A_1719 = arith.index_cast %get3A_1717 : i32 to index
        %get3A_1720 = arith.index_cast %get3A_1718 : i32 to index
        %get3A_1721 = arith.index_cast %add3A_1716 : i32 to index
        %get3A_1722 = arith.constant 48 : index
        %get3A_1723 = tpu.vector_load %arg6[%get3A_1719, %get3A_1720, %get3A_1721, %get3A_1722] {strides = array<i32>} : memref<2x4x128x64xf32, #tpu.memory_space<vmem>>, vector<1x1x1x16xf32>,
        %get3A_1724 = vector.shape_cast %get3A_1723 : vector<1x1x1x16xf32> to vector<16xf32>
        %add3A_1725 = arith.addf %add3A_1373, %get3A_1724 : vector<16xf32>
        %add3A_1726 = arith.constant 5 : i32
        %add3A_1727 = arith.addi %mul3A_258, %add3A_1726 : i32
        %get3A_1728 = arith.constant 0 : i32
        %get3A_1729 = arith.constant 3 : i32
        %get3A_1730 = arith.index_cast %get3A_1728 : i32 to index
        %get3A_1731 = arith.index_cast %get3A_1729 : i32 to index
        %get3A_1732 = arith.index_cast %add3A_1727 : i32 to index
        %get3A_1733 = arith.constant 0 : index
        %get3A_1734 = tpu.vector_load %arg6[%get3A_1730, %get3A_1731, %get3A_1732, %get3A_1733] {strides = array<i32>} : memref<2x4x128x64xf32, #tpu.memory_space<vmem>>, vector<1x1x1x16xf32>,
        %get3A_1735 = vector.shape_cast %get3A_1734 : vector<1x1x1x16xf32> to vector<16xf32>
        %add3A_1736 = arith.addf %add3A_1384, %get3A_1735 : vector<16xf32>
        %add3A_1737 = arith.constant 5 : i32
        %add3A_1738 = arith.addi %mul3A_258, %add3A_1737 : i32
        %get3A_1739 = arith.constant 0 : i32
        %get3A_1740 = arith.constant 3 : i32
        %get3A_1741 = arith.index_cast %get3A_1739 : i32 to index
        %get3A_1742 = arith.index_cast %get3A_1740 : i32 to index
        %get3A_1743 = arith.index_cast %add3A_1738 : i32 to index
        %get3A_1744 = arith.constant 16 : index
        %get3A_1745 = tpu.vector_load %arg6[%get3A_1741, %get3A_1742, %get3A_1743, %get3A_1744] {strides = array<i32>} : memref<2x4x128x64xf32, #tpu.memory_space<vmem>>, vector<1x1x1x16xf32>,
        %get3A_1746 = vector.shape_cast %get3A_1745 : vector<1x1x1x16xf32> to vector<16xf32>
        %add3A_1747 = arith.addf %add3A_1395, %get3A_1746 : vector<16xf32>
        %add3A_1748 = arith.constant 5 : i32
        %add3A_1749 = arith.addi %mul3A_258, %add3A_1748 : i32
        %get3A_1750 = arith.constant 0 : i32
        %get3A_1751 = arith.constant 3 : i32
        %get3A_1752 = arith.index_cast %get3A_1750 : i32 to index
        %get3A_1753 = arith.index_cast %get3A_1751 : i32 to index
        %get3A_1754 = arith.index_cast %add3A_1749 : i32 to index
        %get3A_1755 = arith.constant 32 : index
        %get3A_1756 = tpu.vector_load %arg6[%get3A_1752, %get3A_1753, %get3A_1754, %get3A_1755] {strides = array<i32>} : memref<2x4x128x64xf32, #tpu.memory_space<vmem>>, vector<1x1x1x16xf32>,
        %get3A_1757 = vector.shape_cast %get3A_1756 : vector<1x1x1x16xf32> to vector<16xf32>
        %add3A_1758 = arith.addf %add3A_1406, %get3A_1757 : vector<16xf32>
        %add3A_1759 = arith.constant 5 : i32
        %add3A_1760 = arith.addi %mul3A_258, %add3A_1759 : i32
        %get3A_1761 = arith.constant 0 : i32
        %get3A_1762 = arith.constant 3 : i32
        %get3A_1763 = arith.index_cast %get3A_1761 : i32 to index
        %get3A_1764 = arith.index_cast %get3A_1762 : i32 to index
        %get3A_1765 = arith.index_cast %add3A_1760 : i32 to index
        %get3A_1766 = arith.constant 48 : index
        %get3A_1767 = tpu.vector_load %arg6[%get3A_1763, %get3A_1764, %get3A_1765, %get3A_1766] {strides = array<i32>} : memref<2x4x128x64xf32, #tpu.memory_space<vmem>>, vector<1x1x1x16xf32>,
        %get3A_1768 = vector.shape_cast %get3A_1767 : vector<1x1x1x16xf32> to vector<16xf32>
        %add3A_1769 = arith.addf %add3A_1417, %get3A_1768 : vector<16xf32>
        %add3A_1770 = arith.constant 6 : i32
        %add3A_1771 = arith.addi %mul3A_258, %add3A_1770 : i32
        %get3A_1772 = arith.constant 0 : i32
        %get3A_1773 = arith.constant 3 : i32
        %get3A_1774 = arith.index_cast %get3A_1772 : i32 to index
        %get3A_1775 = arith.index_cast %get3A_1773 : i32 to index
        %get3A_1776 = arith.index_cast %add3A_1771 : i32 to index
        %get3A_1777 = arith.constant 0 : index
        %get3A_1778 = tpu.vector_load %arg6[%get3A_1774, %get3A_1775, %get3A_1776, %get3A_1777] {strides = array<i32>} : memref<2x4x128x64xf32, #tpu.memory_space<vmem>>, vector<1x1x1x16xf32>,
        %get3A_1779 = vector.shape_cast %get3A_1778 : vector<1x1x1x16xf32> to vector<16xf32>
        %add3A_1780 = arith.addf %add3A_1428, %get3A_1779 : vector<16xf32>
        %add3A_1781 = arith.constant 6 : i32
        %add3A_1782 = arith.addi %mul3A_258, %add3A_1781 : i32
        %get3A_1783 = arith.constant 0 : i32
        %get3A_1784 = arith.constant 3 : i32
        %get3A_1785 = arith.index_cast %get3A_1783 : i32 to index
        %get3A_1786 = arith.index_cast %get3A_1784 : i32 to index
        %get3A_1787 = arith.index_cast %add3A_1782 : i32 to index
        %get3A_1788 = arith.constant 16 : index
        %get3A_1789 = tpu.vector_load %arg6[%get3A_1785, %get3A_1786, %get3A_1787, %get3A_1788] {strides = array<i32>} : memref<2x4x128x64xf32, #tpu.memory_space<vmem>>, vector<1x1x1x16xf32>,
        %get3A_1790 = vector.shape_cast %get3A_1789 : vector<1x1x1x16xf32> to vector<16xf32>
        %add3A_1791 = arith.addf %add3A_1439, %get3A_1790 : vector<16xf32>
        %add3A_1792 = arith.constant 6 : i32
        %add3A_1793 = arith.addi %mul3A_258, %add3A_1792 : i32
        %get3A_1794 = arith.constant 0 : i32
        %get3A_1795 = arith.constant 3 : i32
        %get3A_1796 = arith.index_cast %get3A_1794 : i32 to index
        %get3A_1797 = arith.index_cast %get3A_1795 : i32 to index
        %get3A_1798 = arith.index_cast %add3A_1793 : i32 to index
        %get3A_1799 = arith.constant 32 : index
        %get3A_1800 = tpu.vector_load %arg6[%get3A_1796, %get3A_1797, %get3A_1798, %get3A_1799] {strides = array<i32>} : memref<2x4x128x64xf32, #tpu.memory_space<vmem>>, vector<1x1x1x16xf32>,
        %get3A_1801 = vector.shape_cast %get3A_1800 : vector<1x1x1x16xf32> to vector<16xf32>
        %add3A_1802 = arith.addf %add3A_1450, %get3A_1801 : vector<16xf32>
        %add3A_1803 = arith.constant 6 : i32
        %add3A_1804 = arith.addi %mul3A_258, %add3A_1803 : i32
        %get3A_1805 = arith.constant 0 : i32
        %get3A_1806 = arith.constant 3 : i32
        %get3A_1807 = arith.index_cast %get3A_1805 : i32 to index
        %get3A_1808 = arith.index_cast %get3A_1806 : i32 to index
        %get3A_1809 = arith.index_cast %add3A_1804 : i32 to index
        %get3A_1810 = arith.constant 48 : index
        %get3A_1811 = tpu.vector_load %arg6[%get3A_1807, %get3A_1808, %get3A_1809, %get3A_1810] {strides = array<i32>} : memref<2x4x128x64xf32, #tpu.memory_space<vmem>>, vector<1x1x1x16xf32>,
        %get3A_1812 = vector.shape_cast %get3A_1811 : vector<1x1x1x16xf32> to vector<16xf32>
        %add3A_1813 = arith.addf %add3A_1461, %get3A_1812 : vector<16xf32>
        %add3A_1814 = arith.constant 7 : i32
        %add3A_1815 = arith.addi %mul3A_258, %add3A_1814 : i32
        %get3A_1816 = arith.constant 0 : i32
        %get3A_1817 = arith.constant 3 : i32
        %get3A_1818 = arith.index_cast %get3A_1816 : i32 to index
        %get3A_1819 = arith.index_cast %get3A_1817 : i32 to index
        %get3A_1820 = arith.index_cast %add3A_1815 : i32 to index
        %get3A_1821 = arith.constant 0 : index
        %get3A_1822 = tpu.vector_load %arg6[%get3A_1818, %get3A_1819, %get3A_1820, %get3A_1821] {strides = array<i32>} : memref<2x4x128x64xf32, #tpu.memory_space<vmem>>, vector<1x1x1x16xf32>,
        %get3A_1823 = vector.shape_cast %get3A_1822 : vector<1x1x1x16xf32> to vector<16xf32>
        %add3A_1824 = arith.addf %add3A_1472, %get3A_1823 : vector<16xf32>
        %add3A_1825 = arith.constant 7 : i32
        %add3A_1826 = arith.addi %mul3A_258, %add3A_1825 : i32
        %get3A_1827 = arith.constant 0 : i32
        %get3A_1828 = arith.constant 3 : i32
        %get3A_1829 = arith.index_cast %get3A_1827 : i32 to index
        %get3A_1830 = arith.index_cast %get3A_1828 : i32 to index
        %get3A_1831 = arith.index_cast %add3A_1826 : i32 to index
        %get3A_1832 = arith.constant 16 : index
        %get3A_1833 = tpu.vector_load %arg6[%get3A_1829, %get3A_1830, %get3A_1831, %get3A_1832] {strides = array<i32>} : memref<2x4x128x64xf32, #tpu.memory_space<vmem>>, vector<1x1x1x16xf32>,
        %get3A_1834 = vector.shape_cast %get3A_1833 : vector<1x1x1x16xf32> to vector<16xf32>
        %add3A_1835 = arith.addf %add3A_1483, %get3A_1834 : vector<16xf32>
        %add3A_1836 = arith.constant 7 : i32
        %add3A_1837 = arith.addi %mul3A_258, %add3A_1836 : i32
        %get3A_1838 = arith.constant 0 : i32
        %get3A_1839 = arith.constant 3 : i32
        %get3A_1840 = arith.index_cast %get3A_1838 : i32 to index
        %get3A_1841 = arith.index_cast %get3A_1839 : i32 to index
        %get3A_1842 = arith.index_cast %add3A_1837 : i32 to index
        %get3A_1843 = arith.constant 32 : index
        %get3A_1844 = tpu.vector_load %arg6[%get3A_1840, %get3A_1841, %get3A_1842, %get3A_1843] {strides = array<i32>} : memref<2x4x128x64xf32, #tpu.memory_space<vmem>>, vector<1x1x1x16xf32>,
        %get3A_1845 = vector.shape_cast %get3A_1844 : vector<1x1x1x16xf32> to vector<16xf32>
        %add3A_1846 = arith.addf %add3A_1494, %get3A_1845 : vector<16xf32>
        %add3A_1847 = arith.constant 7 : i32
        %add3A_1848 = arith.addi %mul3A_258, %add3A_1847 : i32
        %get3A_1849 = arith.constant 0 : i32
        %get3A_1850 = arith.constant 3 : i32
        %get3A_1851 = arith.index_cast %get3A_1849 : i32 to index
        %get3A_1852 = arith.index_cast %get3A_1850 : i32 to index
        %get3A_1853 = arith.index_cast %add3A_1848 : i32 to index
        %get3A_1854 = arith.constant 48 : index
        %get3A_1855 = tpu.vector_load %arg6[%get3A_1851, %get3A_1852, %get3A_1853, %get3A_1854] {strides = array<i32>} : memref<2x4x128x64xf32, #tpu.memory_space<vmem>>, vector<1x1x1x16xf32>,
        %get3A_1856 = vector.shape_cast %get3A_1855 : vector<1x1x1x16xf32> to vector<16xf32>
        %add3A_1857 = arith.addf %add3A_1505, %get3A_1856 : vector<16xf32>
        %add3A_1858 = arith.constant 0 : i32
        %add3A_1859 = arith.addi %mul3A_258, %add3A_1858 : i32
        %swap3A = arith.index_cast %add3A_1859 : i32 to index
        %swap3A_1860 = arith.constant 0 : index
        %swap3A_1861 = tpu.vector_load %arg7[%swap3A, %swap3A_1860] {strides = array<i32>} : memref<128x64xf32, #tpu.memory_space<vmem>>, vector<1x16xf32>,
        %swap3A_1862 = vector.shape_cast %swap3A_1861 : vector<1x16xf32> to vector<16xf32>
        %swap3A_1863 = vector.shape_cast %add3A_1516 : vector<16xf32> to vector<1x16xf32>
        tpu.vector_store %arg7[%swap3A, %swap3A_1860], %swap3A_1863 {strides = array<i32>} : memref<128x64xf32, #tpu.memory_space<vmem>>, vector<1x16xf32>,
        %add3A_1864 = arith.constant 0 : i32
        %add3A_1865 = arith.addi %mul3A_258, %add3A_1864 : i32
        %swap3A_1866 = arith.index_cast %add3A_1865 : i32 to index
        %swap3A_1867 = arith.constant 16 : index
        %swap3A_1868 = tpu.vector_load %arg7[%swap3A_1866, %swap3A_1867] {strides = array<i32>} : memref<128x64xf32, #tpu.memory_space<vmem>>, vector<1x16xf32>,
        %swap3A_1869 = vector.shape_cast %swap3A_1868 : vector<1x16xf32> to vector<16xf32>
        %swap3A_1870 = vector.shape_cast %add3A_1527 : vector<16xf32> to vector<1x16xf32>
        tpu.vector_store %arg7[%swap3A_1866, %swap3A_1867], %swap3A_1870 {strides = array<i32>} : memref<128x64xf32, #tpu.memory_space<vmem>>, vector<1x16xf32>,
        %add3A_1871 = arith.constant 0 : i32
        %add3A_1872 = arith.addi %mul3A_258, %add3A_1871 : i32
        %swap3A_1873 = arith.index_cast %add3A_1872 : i32 to index
        %swap3A_1874 = arith.constant 32 : index
        %swap3A_1875 = tpu.vector_load %arg7[%swap3A_1873, %swap3A_1874] {strides = array<i32>} : memref<128x64xf32, #tpu.memory_space<vmem>>, vector<1x16xf32>,
        %swap3A_1876 = vector.shape_cast %swap3A_1875 : vector<1x16xf32> to vector<16xf32>
        %swap3A_1877 = vector.shape_cast %add3A_1538 : vector<16xf32> to vector<1x16xf32>
        tpu.vector_store %arg7[%swap3A_1873, %swap3A_1874], %swap3A_1877 {strides = array<i32>} : memref<128x64xf32, #tpu.memory_space<vmem>>, vector<1x16xf32>,
        %add3A_1878 = arith.constant 0 : i32
        %add3A_1879 = arith.addi %mul3A_258, %add3A_1878 : i32
        %swap3A_1880 = arith.index_cast %add3A_1879 : i32 to index
        %swap3A_1881 = arith.constant 48 : index
        %swap3A_1882 = tpu.vector_load %arg7[%swap3A_1880, %swap3A_1881] {strides = array<i32>} : memref<128x64xf32, #tpu.memory_space<vmem>>, vector<1x16xf32>,
        %swap3A_1883 = vector.shape_cast %swap3A_1882 : vector<1x16xf32> to vector<16xf32>
        %swap3A_1884 = vector.shape_cast %add3A_1549 : vector<16xf32> to vector<1x16xf32>
        tpu.vector_store %arg7[%swap3A_1880, %swap3A_1881], %swap3A_1884 {strides = array<i32>} : memref<128x64xf32, #tpu.memory_space<vmem>>, vector<1x16xf32>,
        %add3A_1885 = arith.constant 1 : i32
        %add3A_1886 = arith.addi %mul3A_258, %add3A_1885 : i32
        %swap3A_1887 = arith.index_cast %add3A_1886 : i32 to index
        %swap3A_1888 = arith.constant 0 : index
        %swap3A_1889 = tpu.vector_load %arg7[%swap3A_1887, %swap3A_1888] {strides = array<i32>} : memref<128x64xf32, #tpu.memory_space<vmem>>, vector<1x16xf32>,
        %swap3A_1890 = vector.shape_cast %swap3A_1889 : vector<1x16xf32> to vector<16xf32>
        %swap3A_1891 = vector.shape_cast %add3A_1560 : vector<16xf32> to vector<1x16xf32>
        tpu.vector_store %arg7[%swap3A_1887, %swap3A_1888], %swap3A_1891 {strides = array<i32>} : memref<128x64xf32, #tpu.memory_space<vmem>>, vector<1x16xf32>,
        %add3A_1892 = arith.constant 1 : i32
        %add3A_1893 = arith.addi %mul3A_258, %add3A_1892 : i32
        %swap3A_1894 = arith.index_cast %add3A_1893 : i32 to index
        %swap3A_1895 = arith.constant 16 : index
        %swap3A_1896 = tpu.vector_load %arg7[%swap3A_1894, %swap3A_1895] {strides = array<i32>} : memref<128x64xf32, #tpu.memory_space<vmem>>, vector<1x16xf32>,
        %swap3A_1897 = vector.shape_cast %swap3A_1896 : vector<1x16xf32> to vector<16xf32>
        %swap3A_1898 = vector.shape_cast %add3A_1571 : vector<16xf32> to vector<1x16xf32>
        tpu.vector_store %arg7[%swap3A_1894, %swap3A_1895], %swap3A_1898 {strides = array<i32>} : memref<128x64xf32, #tpu.memory_space<vmem>>, vector<1x16xf32>,
        %add3A_1899 = arith.constant 1 : i32
        %add3A_1900 = arith.addi %mul3A_258, %add3A_1899 : i32
        %swap3A_1901 = arith.index_cast %add3A_1900 : i32 to index
        %swap3A_1902 = arith.constant 32 : index
        %swap3A_1903 = tpu.vector_load %arg7[%swap3A_1901, %swap3A_1902] {strides = array<i32>} : memref<128x64xf32, #tpu.memory_space<vmem>>, vector<1x16xf32>,
        %swap3A_1904 = vector.shape_cast %swap3A_1903 : vector<1x16xf32> to vector<16xf32>
        %swap3A_1905 = vector.shape_cast %add3A_1582 : vector<16xf32> to vector<1x16xf32>
        tpu.vector_store %arg7[%swap3A_1901, %swap3A_1902], %swap3A_1905 {strides = array<i32>} : memref<128x64xf32, #tpu.memory_space<vmem>>, vector<1x16xf32>,
        %add3A_1906 = arith.constant 1 : i32
        %add3A_1907 = arith.addi %mul3A_258, %add3A_1906 : i32
        %swap3A_1908 = arith.index_cast %add3A_1907 : i32 to index
        %swap3A_1909 = arith.constant 48 : index
        %swap3A_1910 = tpu.vector_load %arg7[%swap3A_1908, %swap3A_1909] {strides = array<i32>} : memref<128x64xf32, #tpu.memory_space<vmem>>, vector<1x16xf32>,
        %swap3A_1911 = vector.shape_cast %swap3A_1910 : vector<1x16xf32> to vector<16xf32>
        %swap3A_1912 = vector.shape_cast %add3A_1593 : vector<16xf32> to vector<1x16xf32>
        tpu.vector_store %arg7[%swap3A_1908, %swap3A_1909], %swap3A_1912 {strides = array<i32>} : memref<128x64xf32, #tpu.memory_space<vmem>>, vector<1x16xf32>,
        %add3A_1913 = arith.constant 2 : i32
        %add3A_1914 = arith.addi %mul3A_258, %add3A_1913 : i32
        %swap3A_1915 = arith.index_cast %add3A_1914 : i32 to index
        %swap3A_1916 = arith.constant 0 : index
        %swap3A_1917 = tpu.vector_load %arg7[%swap3A_1915, %swap3A_1916] {strides = array<i32>} : memref<128x64xf32, #tpu.memory_space<vmem>>, vector<1x16xf32>,
        %swap3A_1918 = vector.shape_cast %swap3A_1917 : vector<1x16xf32> to vector<16xf32>
        %swap3A_1919 = vector.shape_cast %add3A_1604 : vector<16xf32> to vector<1x16xf32>
        tpu.vector_store %arg7[%swap3A_1915, %swap3A_1916], %swap3A_1919 {strides = array<i32>} : memref<128x64xf32, #tpu.memory_space<vmem>>, vector<1x16xf32>,
        %add3A_1920 = arith.constant 2 : i32
        %add3A_1921 = arith.addi %mul3A_258, %add3A_1920 : i32
        %swap3A_1922 = arith.index_cast %add3A_1921 : i32 to index
        %swap3A_1923 = arith.constant 16 : index
        %swap3A_1924 = tpu.vector_load %arg7[%swap3A_1922, %swap3A_1923] {strides = array<i32>} : memref<128x64xf32, #tpu.memory_space<vmem>>, vector<1x16xf32>,
        %swap3A_1925 = vector.shape_cast %swap3A_1924 : vector<1x16xf32> to vector<16xf32>
        %swap3A_1926 = vector.shape_cast %add3A_1615 : vector<16xf32> to vector<1x16xf32>
        tpu.vector_store %arg7[%swap3A_1922, %swap3A_1923], %swap3A_1926 {strides = array<i32>} : memref<128x64xf32, #tpu.memory_space<vmem>>, vector<1x16xf32>,
        %add3A_1927 = arith.constant 2 : i32
        %add3A_1928 = arith.addi %mul3A_258, %add3A_1927 : i32
        %swap3A_1929 = arith.index_cast %add3A_1928 : i32 to index
        %swap3A_1930 = arith.constant 32 : index
        %swap3A_1931 = tpu.vector_load %arg7[%swap3A_1929, %swap3A_1930] {strides = array<i32>} : memref<128x64xf32, #tpu.memory_space<vmem>>, vector<1x16xf32>,
        %swap3A_1932 = vector.shape_cast %swap3A_1931 : vector<1x16xf32> to vector<16xf32>
        %swap3A_1933 = vector.shape_cast %add3A_1626 : vector<16xf32> to vector<1x16xf32>
        tpu.vector_store %arg7[%swap3A_1929, %swap3A_1930], %swap3A_1933 {strides = array<i32>} : memref<128x64xf32, #tpu.memory_space<vmem>>, vector<1x16xf32>,
        %add3A_1934 = arith.constant 2 : i32
        %add3A_1935 = arith.addi %mul3A_258, %add3A_1934 : i32
        %swap3A_1936 = arith.index_cast %add3A_1935 : i32 to index
        %swap3A_1937 = arith.constant 48 : index
        %swap3A_1938 = tpu.vector_load %arg7[%swap3A_1936, %swap3A_1937] {strides = array<i32>} : memref<128x64xf32, #tpu.memory_space<vmem>>, vector<1x16xf32>,
        %swap3A_1939 = vector.shape_cast %swap3A_1938 : vector<1x16xf32> to vector<16xf32>
        %swap3A_1940 = vector.shape_cast %add3A_1637 : vector<16xf32> to vector<1x16xf32>
        tpu.vector_store %arg7[%swap3A_1936, %swap3A_1937], %swap3A_1940 {strides = array<i32>} : memref<128x64xf32, #tpu.memory_space<vmem>>, vector<1x16xf32>,
        %add3A_1941 = arith.constant 3 : i32
        %add3A_1942 = arith.addi %mul3A_258, %add3A_1941 : i32
        %swap3A_1943 = arith.index_cast %add3A_1942 : i32 to index
        %swap3A_1944 = arith.constant 0 : index
        %swap3A_1945 = tpu.vector_load %arg7[%swap3A_1943, %swap3A_1944] {strides = array<i32>} : memref<128x64xf32, #tpu.memory_space<vmem>>, vector<1x16xf32>,
        %swap3A_1946 = vector.shape_cast %swap3A_1945 : vector<1x16xf32> to vector<16xf32>
        %swap3A_1947 = vector.shape_cast %add3A_1648 : vector<16xf32> to vector<1x16xf32>
        tpu.vector_store %arg7[%swap3A_1943, %swap3A_1944], %swap3A_1947 {strides = array<i32>} : memref<128x64xf32, #tpu.memory_space<vmem>>, vector<1x16xf32>,
        %add3A_1948 = arith.constant 3 : i32
        %add3A_1949 = arith.addi %mul3A_258, %add3A_1948 : i32
        %swap3A_1950 = arith.index_cast %add3A_1949 : i32 to index
        %swap3A_1951 = arith.constant 16 : index
        %swap3A_1952 = tpu.vector_load %arg7[%swap3A_1950, %swap3A_1951] {strides = array<i32>} : memref<128x64xf32, #tpu.memory_space<vmem>>, vector<1x16xf32>,
        %swap3A_1953 = vector.shape_cast %swap3A_1952 : vector<1x16xf32> to vector<16xf32>
        %swap3A_1954 = vector.shape_cast %add3A_1659 : vector<16xf32> to vector<1x16xf32>
        tpu.vector_store %arg7[%swap3A_1950, %swap3A_1951], %swap3A_1954 {strides = array<i32>} : memref<128x64xf32, #tpu.memory_space<vmem>>, vector<1x16xf32>,
        %add3A_1955 = arith.constant 3 : i32
        %add3A_1956 = arith.addi %mul3A_258, %add3A_1955 : i32
        %swap3A_1957 = arith.index_cast %add3A_1956 : i32 to index
        %swap3A_1958 = arith.constant 32 : index
        %swap3A_1959 = tpu.vector_load %arg7[%swap3A_1957, %swap3A_1958] {strides = array<i32>} : memref<128x64xf32, #tpu.memory_space<vmem>>, vector<1x16xf32>,
        %swap3A_1960 = vector.shape_cast %swap3A_1959 : vector<1x16xf32> to vector<16xf32>
        %swap3A_1961 = vector.shape_cast %add3A_1670 : vector<16xf32> to vector<1x16xf32>
        tpu.vector_store %arg7[%swap3A_1957, %swap3A_1958], %swap3A_1961 {strides = array<i32>} : memref<128x64xf32, #tpu.memory_space<vmem>>, vector<1x16xf32>,
        %add3A_1962 = arith.constant 3 : i32
        %add3A_1963 = arith.addi %mul3A_258, %add3A_1962 : i32
        %swap3A_1964 = arith.index_cast %add3A_1963 : i32 to index
        %swap3A_1965 = arith.constant 48 : index
        %swap3A_1966 = tpu.vector_load %arg7[%swap3A_1964, %swap3A_1965] {strides = array<i32>} : memref<128x64xf32, #tpu.memory_space<vmem>>, vector<1x16xf32>,
        %swap3A_1967 = vector.shape_cast %swap3A_1966 : vector<1x16xf32> to vector<16xf32>
        %swap3A_1968 = vector.shape_cast %add3A_1681 : vector<16xf32> to vector<1x16xf32>
        tpu.vector_store %arg7[%swap3A_1964, %swap3A_1965], %swap3A_1968 {strides = array<i32>} : memref<128x64xf32, #tpu.memory_space<vmem>>, vector<1x16xf32>,
        %add3A_1969 = arith.constant 4 : i32
        %add3A_1970 = arith.addi %mul3A_258, %add3A_1969 : i32
        %swap3A_1971 = arith.index_cast %add3A_1970 : i32 to index
        %swap3A_1972 = arith.constant 0 : index
        %swap3A_1973 = tpu.vector_load %arg7[%swap3A_1971, %swap3A_1972] {strides = array<i32>} : memref<128x64xf32, #tpu.memory_space<vmem>>, vector<1x16xf32>,
        %swap3A_1974 = vector.shape_cast %swap3A_1973 : vector<1x16xf32> to vector<16xf32>
        %swap3A_1975 = vector.shape_cast %add3A_1692 : vector<16xf32> to vector<1x16xf32>
        tpu.vector_store %arg7[%swap3A_1971, %swap3A_1972], %swap3A_1975 {strides = array<i32>} : memref<128x64xf32, #tpu.memory_space<vmem>>, vector<1x16xf32>,
        %add3A_1976 = arith.constant 4 : i32
        %add3A_1977 = arith.addi %mul3A_258, %add3A_1976 : i32
        %swap3A_1978 = arith.index_cast %add3A_1977 : i32 to index
        %swap3A_1979 = arith.constant 16 : index
        %swap3A_1980 = tpu.vector_load %arg7[%swap3A_1978, %swap3A_1979] {strides = array<i32>} : memref<128x64xf32, #tpu.memory_space<vmem>>, vector<1x16xf32>,
        %swap3A_1981 = vector.shape_cast %swap3A_1980 : vector<1x16xf32> to vector<16xf32>
        %swap3A_1982 = vector.shape_cast %add3A_1703 : vector<16xf32> to vector<1x16xf32>
        tpu.vector_store %arg7[%swap3A_1978, %swap3A_1979], %swap3A_1982 {strides = array<i32>} : memref<128x64xf32, #tpu.memory_space<vmem>>, vector<1x16xf32>,
        %add3A_1983 = arith.constant 4 : i32
        %add3A_1984 = arith.addi %mul3A_258, %add3A_1983 : i32
        %swap3A_1985 = arith.index_cast %add3A_1984 : i32 to index
        %swap3A_1986 = arith.constant 32 : index
        %swap3A_1987 = tpu.vector_load %arg7[%swap3A_1985, %swap3A_1986] {strides = array<i32>} : memref<128x64xf32, #tpu.memory_space<vmem>>, vector<1x16xf32>,
        %swap3A_1988 = vector.shape_cast %swap3A_1987 : vector<1x16xf32> to vector<16xf32>
        %swap3A_1989 = vector.shape_cast %add3A_1714 : vector<16xf32> to vector<1x16xf32>
        tpu.vector_store %arg7[%swap3A_1985, %swap3A_1986], %swap3A_1989 {strides = array<i32>} : memref<128x64xf32, #tpu.memory_space<vmem>>, vector<1x16xf32>,
        %add3A_1990 = arith.constant 4 : i32
        %add3A_1991 = arith.addi %mul3A_258, %add3A_1990 : i32
        %swap3A_1992 = arith.index_cast %add3A_1991 : i32 to index
        %swap3A_1993 = arith.constant 48 : index
        %swap3A_1994 = tpu.vector_load %arg7[%swap3A_1992, %swap3A_1993] {strides = array<i32>} : memref<128x64xf32, #tpu.memory_space<vmem>>, vector<1x16xf32>,
        %swap3A_1995 = vector.shape_cast %swap3A_1994 : vector<1x16xf32> to vector<16xf32>
        %swap3A_1996 = vector.shape_cast %add3A_1725 : vector<16xf32> to vector<1x16xf32>
        tpu.vector_store %arg7[%swap3A_1992, %swap3A_1993], %swap3A_1996 {strides = array<i32>} : memref<128x64xf32, #tpu.memory_space<vmem>>, vector<1x16xf32>,
        %add3A_1997 = arith.constant 5 : i32
        %add3A_1998 = arith.addi %mul3A_258, %add3A_1997 : i32
        %swap3A_1999 = arith.index_cast %add3A_1998 : i32 to index
        %swap3A_2000 = arith.constant 0 : index
        %swap3A_2001 = tpu.vector_load %arg7[%swap3A_1999, %swap3A_2000] {strides = array<i32>} : memref<128x64xf32, #tpu.memory_space<vmem>>, vector<1x16xf32>,
        %swap3A_2002 = vector.shape_cast %swap3A_2001 : vector<1x16xf32> to vector<16xf32>
        %swap3A_2003 = vector.shape_cast %add3A_1736 : vector<16xf32> to vector<1x16xf32>
        tpu.vector_store %arg7[%swap3A_1999, %swap3A_2000], %swap3A_2003 {strides = array<i32>} : memref<128x64xf32, #tpu.memory_space<vmem>>, vector<1x16xf32>,
        %add3A_2004 = arith.constant 5 : i32
        %add3A_2005 = arith.addi %mul3A_258, %add3A_2004 : i32
        %swap3A_2006 = arith.index_cast %add3A_2005 : i32 to index
        %swap3A_2007 = arith.constant 16 : index
        %swap3A_2008 = tpu.vector_load %arg7[%swap3A_2006, %swap3A_2007] {strides = array<i32>} : memref<128x64xf32, #tpu.memory_space<vmem>>, vector<1x16xf32>,
        %swap3A_2009 = vector.shape_cast %swap3A_2008 : vector<1x16xf32> to vector<16xf32>
        %swap3A_2010 = vector.shape_cast %add3A_1747 : vector<16xf32> to vector<1x16xf32>
        tpu.vector_store %arg7[%swap3A_2006, %swap3A_2007], %swap3A_2010 {strides = array<i32>} : memref<128x64xf32, #tpu.memory_space<vmem>>, vector<1x16xf32>,
        %add3A_2011 = arith.constant 5 : i32
        %add3A_2012 = arith.addi %mul3A_258, %add3A_2011 : i32
        %swap3A_2013 = arith.index_cast %add3A_2012 : i32 to index
        %swap3A_2014 = arith.constant 32 : index
        %swap3A_2015 = tpu.vector_load %arg7[%swap3A_2013, %swap3A_2014] {strides = array<i32>} : memref<128x64xf32, #tpu.memory_space<vmem>>, vector<1x16xf32>,
        %swap3A_2016 = vector.shape_cast %swap3A_2015 : vector<1x16xf32> to vector<16xf32>
        %swap3A_2017 = vector.shape_cast %add3A_1758 : vector<16xf32> to vector<1x16xf32>
        tpu.vector_store %arg7[%swap3A_2013, %swap3A_2014], %swap3A_2017 {strides = array<i32>} : memref<128x64xf32, #tpu.memory_space<vmem>>, vector<1x16xf32>,
        %add3A_2018 = arith.constant 5 : i32
        %add3A_2019 = arith.addi %mul3A_258, %add3A_2018 : i32
        %swap3A_2020 = arith.index_cast %add3A_2019 : i32 to index
        %swap3A_2021 = arith.constant 48 : index
        %swap3A_2022 = tpu.vector_load %arg7[%swap3A_2020, %swap3A_2021] {strides = array<i32>} : memref<128x64xf32, #tpu.memory_space<vmem>>, vector<1x16xf32>,
        %swap3A_2023 = vector.shape_cast %swap3A_2022 : vector<1x16xf32> to vector<16xf32>
        %swap3A_2024 = vector.shape_cast %add3A_1769 : vector<16xf32> to vector<1x16xf32>
        tpu.vector_store %arg7[%swap3A_2020, %swap3A_2021], %swap3A_2024 {strides = array<i32>} : memref<128x64xf32, #tpu.memory_space<vmem>>, vector<1x16xf32>,
        %add3A_2025 = arith.constant 6 : i32
        %add3A_2026 = arith.addi %mul3A_258, %add3A_2025 : i32
        %swap3A_2027 = arith.index_cast %add3A_2026 : i32 to index
        %swap3A_2028 = arith.constant 0 : index
        %swap3A_2029 = tpu.vector_load %arg7[%swap3A_2027, %swap3A_2028] {strides = array<i32>} : memref<128x64xf32, #tpu.memory_space<vmem>>, vector<1x16xf32>,
        %swap3A_2030 = vector.shape_cast %swap3A_2029 : vector<1x16xf32> to vector<16xf32>
        %swap3A_2031 = vector.shape_cast %add3A_1780 : vector<16xf32> to vector<1x16xf32>
        tpu.vector_store %arg7[%swap3A_2027, %swap3A_2028], %swap3A_2031 {strides = array<i32>} : memref<128x64xf32, #tpu.memory_space<vmem>>, vector<1x16xf32>,
        %add3A_2032 = arith.constant 6 : i32
        %add3A_2033 = arith.addi %mul3A_258, %add3A_2032 : i32
        %swap3A_2034 = arith.index_cast %add3A_2033 : i32 to index
        %swap3A_2035 = arith.constant 16 : index
        %swap3A_2036 = tpu.vector_load %arg7[%swap3A_2034, %swap3A_2035] {strides = array<i32>} : memref<128x64xf32, #tpu.memory_space<vmem>>, vector<1x16xf32>,
        %swap3A_2037 = vector.shape_cast %swap3A_2036 : vector<1x16xf32> to vector<16xf32>
        %swap3A_2038 = vector.shape_cast %add3A_1791 : vector<16xf32> to vector<1x16xf32>
        tpu.vector_store %arg7[%swap3A_2034, %swap3A_2035], %swap3A_2038 {strides = array<i32>} : memref<128x64xf32, #tpu.memory_space<vmem>>, vector<1x16xf32>,
        %add3A_2039 = arith.constant 6 : i32
        %add3A_2040 = arith.addi %mul3A_258, %add3A_2039 : i32
        %swap3A_2041 = arith.index_cast %add3A_2040 : i32 to index
        %swap3A_2042 = arith.constant 32 : index
        %swap3A_2043 = tpu.vector_load %arg7[%swap3A_2041, %swap3A_2042] {strides = array<i32>} : memref<128x64xf32, #tpu.memory_space<vmem>>, vector<1x16xf32>,
        %swap3A_2044 = vector.shape_cast %swap3A_2043 : vector<1x16xf32> to vector<16xf32>
        %swap3A_2045 = vector.shape_cast %add3A_1802 : vector<16xf32> to vector<1x16xf32>
        tpu.vector_store %arg7[%swap3A_2041, %swap3A_2042], %swap3A_2045 {strides = array<i32>} : memref<128x64xf32, #tpu.memory_space<vmem>>, vector<1x16xf32>,
        %add3A_2046 = arith.constant 6 : i32
        %add3A_2047 = arith.addi %mul3A_258, %add3A_2046 : i32
        %swap3A_2048 = arith.index_cast %add3A_2047 : i32 to index
        %swap3A_2049 = arith.constant 48 : index
        %swap3A_2050 = tpu.vector_load %arg7[%swap3A_2048, %swap3A_2049] {strides = array<i32>} : memref<128x64xf32, #tpu.memory_space<vmem>>, vector<1x16xf32>,
        %swap3A_2051 = vector.shape_cast %swap3A_2050 : vector<1x16xf32> to vector<16xf32>
        %swap3A_2052 = vector.shape_cast %add3A_1813 : vector<16xf32> to vector<1x16xf32>
        tpu.vector_store %arg7[%swap3A_2048, %swap3A_2049], %swap3A_2052 {strides = array<i32>} : memref<128x64xf32, #tpu.memory_space<vmem>>, vector<1x16xf32>,
        %add3A_2053 = arith.constant 7 : i32
        %add3A_2054 = arith.addi %mul3A_258, %add3A_2053 : i32
        %swap3A_2055 = arith.index_cast %add3A_2054 : i32 to index
        %swap3A_2056 = arith.constant 0 : index
        %swap3A_2057 = tpu.vector_load %arg7[%swap3A_2055, %swap3A_2056] {strides = array<i32>} : memref<128x64xf32, #tpu.memory_space<vmem>>, vector<1x16xf32>,
        %swap3A_2058 = vector.shape_cast %swap3A_2057 : vector<1x16xf32> to vector<16xf32>
        %swap3A_2059 = vector.shape_cast %add3A_1824 : vector<16xf32> to vector<1x16xf32>
        tpu.vector_store %arg7[%swap3A_2055, %swap3A_2056], %swap3A_2059 {strides = array<i32>} : memref<128x64xf32, #tpu.memory_space<vmem>>, vector<1x16xf32>,
        %add3A_2060 = arith.constant 7 : i32
        %add3A_2061 = arith.addi %mul3A_258, %add3A_2060 : i32
        %swap3A_2062 = arith.index_cast %add3A_2061 : i32 to index
        %swap3A_2063 = arith.constant 16 : index
        %swap3A_2064 = tpu.vector_load %arg7[%swap3A_2062, %swap3A_2063] {strides = array<i32>} : memref<128x64xf32, #tpu.memory_space<vmem>>, vector<1x16xf32>,
        %swap3A_2065 = vector.shape_cast %swap3A_2064 : vector<1x16xf32> to vector<16xf32>
        %swap3A_2066 = vector.shape_cast %add3A_1835 : vector<16xf32> to vector<1x16xf32>
        tpu.vector_store %arg7[%swap3A_2062, %swap3A_2063], %swap3A_2066 {strides = array<i32>} : memref<128x64xf32, #tpu.memory_space<vmem>>, vector<1x16xf32>,
        %add3A_2067 = arith.constant 7 : i32
        %add3A_2068 = arith.addi %mul3A_258, %add3A_2067 : i32
        %swap3A_2069 = arith.index_cast %add3A_2068 : i32 to index
        %swap3A_2070 = arith.constant 32 : index
        %swap3A_2071 = tpu.vector_load %arg7[%swap3A_2069, %swap3A_2070] {strides = array<i32>} : memref<128x64xf32, #tpu.memory_space<vmem>>, vector<1x16xf32>,
        %swap3A_2072 = vector.shape_cast %swap3A_2071 : vector<1x16xf32> to vector<16xf32>
        %swap3A_2073 = vector.shape_cast %add3A_1846 : vector<16xf32> to vector<1x16xf32>
        tpu.vector_store %arg7[%swap3A_2069, %swap3A_2070], %swap3A_2073 {strides = array<i32>} : memref<128x64xf32, #tpu.memory_space<vmem>>, vector<1x16xf32>,
        %add3A_2074 = arith.constant 7 : i32
        %add3A_2075 = arith.addi %mul3A_258, %add3A_2074 : i32
        %swap3A_2076 = arith.index_cast %add3A_2075 : i32 to index
        %swap3A_2077 = arith.constant 48 : index
        %swap3A_2078 = tpu.vector_load %arg7[%swap3A_2076, %swap3A_2077] {strides = array<i32>} : memref<128x64xf32, #tpu.memory_space<vmem>>, vector<1x16xf32>,
        %swap3A_2079 = vector.shape_cast %swap3A_2078 : vector<1x16xf32> to vector<16xf32>
        %swap3A_2080 = vector.shape_cast %add3A_1857 : vector<16xf32> to vector<1x16xf32>
        tpu.vector_store %arg7[%swap3A_2076, %swap3A_2077], %swap3A_2080 {strides = array<i32>} : memref<128x64xf32, #tpu.memory_space<vmem>>, vector<1x16xf32>,
      }
      %scan3A_190 = arith.constant 16 : i32
      %add3A_191 = arith.constant 2 : i32
      %add3A_192 = arith.addi %add3A_68, %add3A_191 : i32
      %lt3A = arith.constant 50 : i32
      %lt3A_193 = arith.cmpi slt, %add3A_192, %lt3A : i32
      %convert_element_type3A = arith.extui %lt3A_193 : i1 to i32
      %cond3A = arith.constant 0 : i32
      %cond3A_194 = arith.cmpi ne, %convert_element_type3A, %cond3A : i32
      scf.if %cond3A_194 {
        %add3A_252 = arith.constant 2 : i32
        %add3A_253 = arith.addi %add3A_68, %add3A_252 : i32
        %mul3A_254 = arith.constant 4 : i32
        %mul3A_255 = arith.muli %add3A_253, %mul3A_254 : i32
        %add3A_256 = arith.constant 0 : i32
        %add3A_257 = arith.addi %mul3A_255, %add3A_256 : i32
        %dma_start3A_258 = arith.constant 0 : i32
        %dma_start3A_259 = arith.constant 0 : i32
        %dma_start3A_260 = arith.constant 0 : i32
        %dma_start3A_261 = arith.constant 0 : i32
        %dma_start3A_262 = tpu.memref_slice %arg6[%dma_start3A_258, %dma_start3A_259, %dma_start3A_260, %dma_start3A_261] : memref<2x4x128x64xf32, #tpu.memory_space<vmem>> -> memref<1x1x128x64xf32, #tpu.memory_space<vmem>>
        %dma_start3A_263 = tpu.memref_squeeze %dma_start3A_262 : memref<1x1x128x64xf32, #tpu.memory_space<vmem>> -> memref<128x64xf32, #tpu.memory_space<vmem>>
        %dma_start3A_264 = arith.constant 0 : i32
        %dma_start3A_265 = tpu.memref_slice %arg5[%add3A_257, %dma_start3A_264] : memref<200x128xi32, #tpu.memory_space<vmem>> -> memref<1x128xi32, #tpu.memory_space<vmem>>
        %dma_start3A_266 = tpu.memref_squeeze %dma_start3A_265 : memref<1x128xi32, #tpu.memory_space<vmem>> -> memref<128xi32, #tpu.memory_space<vmem>>
        %dma_start3A_267 = arith.constant 0 : i32
        %dma_start3A_268 = arith.constant 0 : i32
        %dma_start3A_269 = tpu.memref_slice %arg3[%dma_start3A_267, %dma_start3A_268] : memref<100000x64xf32, #tpu.memory_space<hbm>> -> memref<100000x64xf32, #tpu.memory_space<hbm>>
        tpu.enqueue_indirect_dma source(%dma_start3A_269 : memref<100000x64xf32, #tpu.memory_space<hbm>>) target(%dma_start3A_263 : memref<128x64xf32, #tpu.memory_space<vmem>>) offsets(%dma_start3A_266 : memref<128xi32, #tpu.memory_space<vmem>>) semaphore(%arg8 : memref<!tpu.dma_semaphore, #tpu.memory_space<semaphore_mem>>)
        %mul3A_270 = arith.constant 4 : i32
        %mul3A_271 = arith.muli %add3A_253, %mul3A_270 : i32
        %add3A_272 = arith.constant 1 : i32
        %add3A_273 = arith.addi %mul3A_271, %add3A_272 : i32
        %dma_start3A_274 = arith.constant 0 : i32
        %dma_start3A_275 = arith.constant 1 : i32
        %dma_start3A_276 = arith.constant 0 : i32
        %dma_start3A_277 = arith.constant 0 : i32
        %dma_start3A_278 = tpu.memref_slice %arg6[%dma_start3A_274, %dma_start3A_275, %dma_start3A_276, %dma_start3A_277] : memref<2x4x128x64xf32, #tpu.memory_space<vmem>> -> memref<1x1x128x64xf32, #tpu.memory_space<vmem>>
        %dma_start3A_279 = tpu.memref_squeeze %dma_start3A_278 : memref<1x1x128x64xf32, #tpu.memory_space<vmem>> -> memref<128x64xf32, #tpu.memory_space<vmem>>
        %dma_start3A_280 = arith.constant 0 : i32
        %dma_start3A_281 = tpu.memref_slice %arg5[%add3A_273, %dma_start3A_280] : memref<200x128xi32, #tpu.memory_space<vmem>> -> memref<1x128xi32, #tpu.memory_space<vmem>>
        %dma_start3A_282 = tpu.memref_squeeze %dma_start3A_281 : memref<1x128xi32, #tpu.memory_space<vmem>> -> memref<128xi32, #tpu.memory_space<vmem>>
        %dma_start3A_283 = arith.constant 0 : i32
        %dma_start3A_284 = arith.constant 0 : i32
        %dma_start3A_285 = tpu.memref_slice %arg3[%dma_start3A_283, %dma_start3A_284] : memref<100000x64xf32, #tpu.memory_space<hbm>> -> memref<100000x64xf32, #tpu.memory_space<hbm>>
        tpu.enqueue_indirect_dma source(%dma_start3A_285 : memref<100000x64xf32, #tpu.memory_space<hbm>>) target(%dma_start3A_279 : memref<128x64xf32, #tpu.memory_space<vmem>>) offsets(%dma_start3A_282 : memref<128xi32, #tpu.memory_space<vmem>>) semaphore(%arg8 : memref<!tpu.dma_semaphore, #tpu.memory_space<semaphore_mem>>)
        %mul3A_286 = arith.constant 4 : i32
        %mul3A_287 = arith.muli %add3A_253, %mul3A_286 : i32
        %add3A_288 = arith.constant 2 : i32
        %add3A_289 = arith.addi %mul3A_287, %add3A_288 : i32
        %dma_start3A_290 = arith.constant 0 : i32
        %dma_start3A_291 = arith.constant 2 : i32
        %dma_start3A_292 = arith.constant 0 : i32
        %dma_start3A_293 = arith.constant 0 : i32
        %dma_start3A_294 = tpu.memref_slice %arg6[%dma_start3A_290, %dma_start3A_291, %dma_start3A_292, %dma_start3A_293] : memref<2x4x128x64xf32, #tpu.memory_space<vmem>> -> memref<1x1x128x64xf32, #tpu.memory_space<vmem>>
        %dma_start3A_295 = tpu.memref_squeeze %dma_start3A_294 : memref<1x1x128x64xf32, #tpu.memory_space<vmem>> -> memref<128x64xf32, #tpu.memory_space<vmem>>
        %dma_start3A_296 = arith.constant 0 : i32
        %dma_start3A_297 = tpu.memref_slice %arg5[%add3A_289, %dma_start3A_296] : memref<200x128xi32, #tpu.memory_space<vmem>> -> memref<1x128xi32, #tpu.memory_space<vmem>>
        %dma_start3A_298 = tpu.memref_squeeze %dma_start3A_297 : memref<1x128xi32, #tpu.memory_space<vmem>> -> memref<128xi32, #tpu.memory_space<vmem>>
        %dma_start3A_299 = arith.constant 0 : i32
        %dma_start3A_300 = arith.constant 0 : i32
        %dma_start3A_301 = tpu.memref_slice %arg3[%dma_start3A_299, %dma_start3A_300] : memref<100000x64xf32, #tpu.memory_space<hbm>> -> memref<100000x64xf32, #tpu.memory_space<hbm>>
        tpu.enqueue_indirect_dma source(%dma_start3A_301 : memref<100000x64xf32, #tpu.memory_space<hbm>>) target(%dma_start3A_295 : memref<128x64xf32, #tpu.memory_space<vmem>>) offsets(%dma_start3A_298 : memref<128xi32, #tpu.memory_space<vmem>>) semaphore(%arg8 : memref<!tpu.dma_semaphore, #tpu.memory_space<semaphore_mem>>)
        %mul3A_302 = arith.constant 4 : i32
        %mul3A_303 = arith.muli %add3A_253, %mul3A_302 : i32
        %add3A_304 = arith.constant 3 : i32
        %add3A_305 = arith.addi %mul3A_303, %add3A_304 : i32
        %dma_start3A_306 = arith.constant 0 : i32
        %dma_start3A_307 = arith.constant 3 : i32
        %dma_start3A_308 = arith.constant 0 : i32
        %dma_start3A_309 = arith.constant 0 : i32
        %dma_start3A_310 = tpu.memref_slice %arg6[%dma_start3A_306, %dma_start3A_307, %dma_start3A_308, %dma_start3A_309] : memref<2x4x128x64xf32, #tpu.memory_space<vmem>> -> memref<1x1x128x64xf32, #tpu.memory_space<vmem>>
        %dma_start3A_311 = tpu.memref_squeeze %dma_start3A_310 : memref<1x1x128x64xf32, #tpu.memory_space<vmem>> -> memref<128x64xf32, #tpu.memory_space<vmem>>
        %dma_start3A_312 = arith.constant 0 : i32
        %dma_start3A_313 = tpu.memref_slice %arg5[%add3A_305, %dma_start3A_312] : memref<200x128xi32, #tpu.memory_space<vmem>> -> memref<1x128xi32, #tpu.memory_space<vmem>>
        %dma_start3A_314 = tpu.memref_squeeze %dma_start3A_313 : memref<1x128xi32, #tpu.memory_space<vmem>> -> memref<128xi32, #tpu.memory_space<vmem>>
        %dma_start3A_315 = arith.constant 0 : i32
        %dma_start3A_316 = arith.constant 0 : i32
        %dma_start3A_317 = tpu.memref_slice %arg3[%dma_start3A_315, %dma_start3A_316] : memref<100000x64xf32, #tpu.memory_space<hbm>> -> memref<100000x64xf32, #tpu.memory_space<hbm>>
        tpu.enqueue_indirect_dma source(%dma_start3A_317 : memref<100000x64xf32, #tpu.memory_space<hbm>>) target(%dma_start3A_311 : memref<128x64xf32, #tpu.memory_space<vmem>>) offsets(%dma_start3A_314 : memref<128xi32, #tpu.memory_space<vmem>>) semaphore(%arg8 : memref<!tpu.dma_semaphore, #tpu.memory_space<semaphore_mem>>)
      } else {
      }
      %dma_wait3A_195 = arith.constant 0 : i32
      %dma_wait3A_196 = arith.constant 1 : i32
      %dma_wait3A_197 = arith.constant 0 : i32
      %dma_wait3A_198 = arith.constant 0 : i32
      %dma_wait3A_199 = arith.constant 0 : i32
      %dma_wait3A_200 = tpu.memref_slice %arg6[%dma_wait3A_196, %dma_wait3A_197, %dma_wait3A_198, %dma_wait3A_199] : memref<2x4x128x64xf32, #tpu.memory_space<vmem>> -> memref<1x1x128x64xf32, #tpu.memory_space<vmem>>
      %dma_wait3A_201 = tpu.memref_squeeze %dma_wait3A_200 : memref<1x1x128x64xf32, #tpu.memory_space<vmem>> -> memref<128x64xf32, #tpu.memory_space<vmem>>
      %dma_wait3A_202 = arith.constant 0 : i32
      %dma_wait3A_203 = tpu.memref_slice %arg5[%dma_wait3A_195, %dma_wait3A_202] : memref<200x128xi32, #tpu.memory_space<vmem>> -> memref<1x128xi32, #tpu.memory_space<vmem>>
      %dma_wait3A_204 = tpu.memref_squeeze %dma_wait3A_203 : memref<1x128xi32, #tpu.memory_space<vmem>> -> memref<128xi32, #tpu.memory_space<vmem>>
      %dma_wait3A_205 = arith.constant 0 : i32
      %dma_wait3A_206 = arith.constant 0 : i32
      %dma_wait3A_207 = tpu.memref_slice %arg3[%dma_wait3A_205, %dma_wait3A_206] : memref<100000x64xf32, #tpu.memory_space<hbm>> -> memref<100000x64xf32, #tpu.memory_space<hbm>>
      tpu.wait_indirect_dma semaphore(%arg9 : memref<!tpu.dma_semaphore, #tpu.memory_space<semaphore_mem>>) src(%dma_wait3A_207 : memref<100000x64xf32, #tpu.memory_space<hbm>>) dst(%dma_wait3A_201 : memref<128x64xf32, #tpu.memory_space<vmem>>)
      %dma_wait3A_208 = arith.constant 0 : i32
      %dma_wait3A_209 = arith.constant 1 : i32
      %dma_wait3A_210 = arith.constant 1 : i32
      %dma_wait3A_211 = arith.constant 0 : i32
      %dma_wait3A_212 = arith.constant 0 : i32
      %dma_wait3A_213 = tpu.memref_slice %arg6[%dma_wait3A_209, %dma_wait3A_210, %dma_wait3A_211, %dma_wait3A_212] : memref<2x4x128x64xf32, #tpu.memory_space<vmem>> -> memref<1x1x128x64xf32, #tpu.memory_space<vmem>>
      %dma_wait3A_214 = tpu.memref_squeeze %dma_wait3A_213 : memref<1x1x128x64xf32, #tpu.memory_space<vmem>> -> memref<128x64xf32, #tpu.memory_space<vmem>>
      %dma_wait3A_215 = arith.constant 0 : i32
      %dma_wait3A_216 = tpu.memref_slice %arg5[%dma_wait3A_208, %dma_wait3A_215] : memref<200x128xi32, #tpu.memory_space<vmem>> -> memref<1x128xi32, #tpu.memory_space<vmem>>
      %dma_wait3A_217 = tpu.memref_squeeze %dma_wait3A_216 : memref<1x128xi32, #tpu.memory_space<vmem>> -> memref<128xi32, #tpu.memory_space<vmem>>
      %dma_wait3A_218 = arith.constant 0 : i32
      %dma_wait3A_219 = arith.constant 0 : i32
      %dma_wait3A_220 = tpu.memref_slice %arg3[%dma_wait3A_218, %dma_wait3A_219] : memref<100000x64xf32, #tpu.memory_space<hbm>> -> memref<100000x64xf32, #tpu.memory_space<hbm>>
      tpu.wait_indirect_dma semaphore(%arg9 : memref<!tpu.dma_semaphore, #tpu.memory_space<semaphore_mem>>) src(%dma_wait3A_220 : memref<100000x64xf32, #tpu.memory_space<hbm>>) dst(%dma_wait3A_214 : memref<128x64xf32, #tpu.memory_space<vmem>>)
      %dma_wait3A_221 = arith.constant 0 : i32
      %dma_wait3A_222 = arith.constant 1 : i32
      %dma_wait3A_223 = arith.constant 2 : i32
      %dma_wait3A_224 = arith.constant 0 : i32
      %dma_wait3A_225 = arith.constant 0 : i32
      %dma_wait3A_226 = tpu.memref_slice %arg6[%dma_wait3A_222, %dma_wait3A_223, %dma_wait3A_224, %dma_wait3A_225] : memref<2x4x128x64xf32, #tpu.memory_space<vmem>> -> memref<1x1x128x64xf32, #tpu.memory_space<vmem>>
      %dma_wait3A_227 = tpu.memref_squeeze %dma_wait3A_226 : memref<1x1x128x64xf32, #tpu.memory_space<vmem>> -> memref<128x64xf32, #tpu.memory_space<vmem>>
      %dma_wait3A_228 = arith.constant 0 : i32
      %dma_wait3A_229 = tpu.memref_slice %arg5[%dma_wait3A_221, %dma_wait3A_228] : memref<200x128xi32, #tpu.memory_space<vmem>> -> memref<1x128xi32, #tpu.memory_space<vmem>>
      %dma_wait3A_230 = tpu.memref_squeeze %dma_wait3A_229 : memref<1x128xi32, #tpu.memory_space<vmem>> -> memref<128xi32, #tpu.memory_space<vmem>>
      %dma_wait3A_231 = arith.constant 0 : i32
      %dma_wait3A_232 = arith.constant 0 : i32
      %dma_wait3A_233 = tpu.memref_slice %arg3[%dma_wait3A_231, %dma_wait3A_232] : memref<100000x64xf32, #tpu.memory_space<hbm>> -> memref<100000x64xf32, #tpu.memory_space<hbm>>
      tpu.wait_indirect_dma semaphore(%arg9 : memref<!tpu.dma_semaphore, #tpu.memory_space<semaphore_mem>>) src(%dma_wait3A_233 : memref<100000x64xf32, #tpu.memory_space<hbm>>) dst(%dma_wait3A_227 : memref<128x64xf32, #tpu.memory_space<vmem>>)
      %dma_wait3A_234 = arith.constant 0 : i32
      %dma_wait3A_235 = arith.constant 1 : i32
      %dma_wait3A_236 = arith.constant 3 : i32
      %dma_wait3A_237 = arith.constant 0 : i32
      %dma_wait3A_238 = arith.constant 0 : i32
      %dma_wait3A_239 = tpu.memref_slice %arg6[%dma_wait3A_235, %dma_wait3A_236, %dma_wait3A_237, %dma_wait3A_238] : memref<2x4x128x64xf32, #tpu.memory_space<vmem>> -> memref<1x1x128x64xf32, #tpu.memory_space<vmem>>
      %dma_wait3A_240 = tpu.memref_squeeze %dma_wait3A_239 : memref<1x1x128x64xf32, #tpu.memory_space<vmem>> -> memref<128x64xf32, #tpu.memory_space<vmem>>
      %dma_wait3A_241 = arith.constant 0 : i32
      %dma_wait3A_242 = tpu.memref_slice %arg5[%dma_wait3A_234, %dma_wait3A_241] : memref<200x128xi32, #tpu.memory_space<vmem>> -> memref<1x128xi32, #tpu.memory_space<vmem>>
      %dma_wait3A_243 = tpu.memref_squeeze %dma_wait3A_242 : memref<1x128xi32, #tpu.memory_space<vmem>> -> memref<128xi32, #tpu.memory_space<vmem>>
      %dma_wait3A_244 = arith.constant 0 : i32
      %dma_wait3A_245 = arith.constant 0 : i32
      %dma_wait3A_246 = tpu.memref_slice %arg3[%dma_wait3A_244, %dma_wait3A_245] : memref<100000x64xf32, #tpu.memory_space<hbm>> -> memref<100000x64xf32, #tpu.memory_space<hbm>>
      tpu.wait_indirect_dma semaphore(%arg9 : memref<!tpu.dma_semaphore, #tpu.memory_space<semaphore_mem>>) src(%dma_wait3A_246 : memref<100000x64xf32, #tpu.memory_space<hbm>>) dst(%dma_wait3A_240 : memref<128x64xf32, #tpu.memory_space<vmem>>)
      %scan3A_247 = arith.constant 0 : i32
      %scan3A_248 = arith.constant 16 : i32
      %scan3A_249 = arith.addi %scan3A_247, %scan3A_248 : i32
      %scan3A_250 = arith.constant 1 : i32
      scf.for %scan3A_252 = %scan3A_247 to %scan3A_249 step %scan3A_250  : i32 {
        %mul3A_253 = arith.constant 1 : i32
        %mul3A_254 = arith.muli %scan3A_252, %mul3A_253 : i32
        %add3A_255 = arith.constant 0 : i32
        %add3A_256 = arith.addi %add3A_255, %mul3A_254 : i32
        %mul3A_257 = arith.constant 8 : i32
        %mul3A_258 = arith.muli %add3A_256, %mul3A_257 : i32
        %add3A_259 = arith.constant 0 : i32
        %add3A_260 = arith.addi %mul3A_258, %add3A_259 : i32
        %get3A = arith.index_cast %add3A_260 : i32 to index
        %get3A_261 = arith.constant 0 : index
        %get3A_262 = tpu.vector_load %arg7[%get3A, %get3A_261] {strides = array<i32>} : memref<128x64xf32, #tpu.memory_space<vmem>>, vector<1x16xf32>,
        %get3A_263 = vector.shape_cast %get3A_262 : vector<1x16xf32> to vector<16xf32>
        %add3A_264 = arith.constant 0 : i32
        %add3A_265 = arith.addi %mul3A_258, %add3A_264 : i32
        %get3A_266 = arith.index_cast %add3A_265 : i32 to index
        %get3A_267 = arith.constant 16 : index
        %get3A_268 = tpu.vector_load %arg7[%get3A_266, %get3A_267] {strides = array<i32>} : memref<128x64xf32, #tpu.memory_space<vmem>>, vector<1x16xf32>,
        %get3A_269 = vector.shape_cast %get3A_268 : vector<1x16xf32> to vector<16xf32>
        %add3A_270 = arith.constant 0 : i32
        %add3A_271 = arith.addi %mul3A_258, %add3A_270 : i32
        %get3A_272 = arith.index_cast %add3A_271 : i32 to index
        %get3A_273 = arith.constant 32 : index
        %get3A_274 = tpu.vector_load %arg7[%get3A_272, %get3A_273] {strides = array<i32>} : memref<128x64xf32, #tpu.memory_space<vmem>>, vector<1x16xf32>,
        %get3A_275 = vector.shape_cast %get3A_274 : vector<1x16xf32> to vector<16xf32>
        %add3A_276 = arith.constant 0 : i32
        %add3A_277 = arith.addi %mul3A_258, %add3A_276 : i32
        %get3A_278 = arith.index_cast %add3A_277 : i32 to index
        %get3A_279 = arith.constant 48 : index
        %get3A_280 = tpu.vector_load %arg7[%get3A_278, %get3A_279] {strides = array<i32>} : memref<128x64xf32, #tpu.memory_space<vmem>>, vector<1x16xf32>,
        %get3A_281 = vector.shape_cast %get3A_280 : vector<1x16xf32> to vector<16xf32>
        %add3A_282 = arith.constant 1 : i32
        %add3A_283 = arith.addi %mul3A_258, %add3A_282 : i32
        %get3A_284 = arith.index_cast %add3A_283 : i32 to index
        %get3A_285 = arith.constant 0 : index
        %get3A_286 = tpu.vector_load %arg7[%get3A_284, %get3A_285] {strides = array<i32>} : memref<128x64xf32, #tpu.memory_space<vmem>>, vector<1x16xf32>,
        %get3A_287 = vector.shape_cast %get3A_286 : vector<1x16xf32> to vector<16xf32>
        %add3A_288 = arith.constant 1 : i32
        %add3A_289 = arith.addi %mul3A_258, %add3A_288 : i32
        %get3A_290 = arith.index_cast %add3A_289 : i32 to index
        %get3A_291 = arith.constant 16 : index
        %get3A_292 = tpu.vector_load %arg7[%get3A_290, %get3A_291] {strides = array<i32>} : memref<128x64xf32, #tpu.memory_space<vmem>>, vector<1x16xf32>,
        %get3A_293 = vector.shape_cast %get3A_292 : vector<1x16xf32> to vector<16xf32>
        %add3A_294 = arith.constant 1 : i32
        %add3A_295 = arith.addi %mul3A_258, %add3A_294 : i32
        %get3A_296 = arith.index_cast %add3A_295 : i32 to index
        %get3A_297 = arith.constant 32 : index
        %get3A_298 = tpu.vector_load %arg7[%get3A_296, %get3A_297] {strides = array<i32>} : memref<128x64xf32, #tpu.memory_space<vmem>>, vector<1x16xf32>,
        %get3A_299 = vector.shape_cast %get3A_298 : vector<1x16xf32> to vector<16xf32>
        %add3A_300 = arith.constant 1 : i32
        %add3A_301 = arith.addi %mul3A_258, %add3A_300 : i32
        %get3A_302 = arith.index_cast %add3A_301 : i32 to index
        %get3A_303 = arith.constant 48 : index
        %get3A_304 = tpu.vector_load %arg7[%get3A_302, %get3A_303] {strides = array<i32>} : memref<128x64xf32, #tpu.memory_space<vmem>>, vector<1x16xf32>,
        %get3A_305 = vector.shape_cast %get3A_304 : vector<1x16xf32> to vector<16xf32>
        %add3A_306 = arith.constant 2 : i32
        %add3A_307 = arith.addi %mul3A_258, %add3A_306 : i32
        %get3A_308 = arith.index_cast %add3A_307 : i32 to index
        %get3A_309 = arith.constant 0 : index
        %get3A_310 = tpu.vector_load %arg7[%get3A_308, %get3A_309] {strides = array<i32>} : memref<128x64xf32, #tpu.memory_space<vmem>>, vector<1x16xf32>,
        %get3A_311 = vector.shape_cast %get3A_310 : vector<1x16xf32> to vector<16xf32>
        %add3A_312 = arith.constant 2 : i32
        %add3A_313 = arith.addi %mul3A_258, %add3A_312 : i32
        %get3A_314 = arith.index_cast %add3A_313 : i32 to index
        %get3A_315 = arith.constant 16 : index
        %get3A_316 = tpu.vector_load %arg7[%get3A_314, %get3A_315] {strides = array<i32>} : memref<128x64xf32, #tpu.memory_space<vmem>>, vector<1x16xf32>,
        %get3A_317 = vector.shape_cast %get3A_316 : vector<1x16xf32> to vector<16xf32>
        %add3A_318 = arith.constant 2 : i32
        %add3A_319 = arith.addi %mul3A_258, %add3A_318 : i32
        %get3A_320 = arith.index_cast %add3A_319 : i32 to index
        %get3A_321 = arith.constant 32 : index
        %get3A_322 = tpu.vector_load %arg7[%get3A_320, %get3A_321] {strides = array<i32>} : memref<128x64xf32, #tpu.memory_space<vmem>>, vector<1x16xf32>,
        %get3A_323 = vector.shape_cast %get3A_322 : vector<1x16xf32> to vector<16xf32>
        %add3A_324 = arith.constant 2 : i32
        %add3A_325 = arith.addi %mul3A_258, %add3A_324 : i32
        %get3A_326 = arith.index_cast %add3A_325 : i32 to index
        %get3A_327 = arith.constant 48 : index
        %get3A_328 = tpu.vector_load %arg7[%get3A_326, %get3A_327] {strides = array<i32>} : memref<128x64xf32, #tpu.memory_space<vmem>>, vector<1x16xf32>,
        %get3A_329 = vector.shape_cast %get3A_328 : vector<1x16xf32> to vector<16xf32>
        %add3A_330 = arith.constant 3 : i32
        %add3A_331 = arith.addi %mul3A_258, %add3A_330 : i32
        %get3A_332 = arith.index_cast %add3A_331 : i32 to index
        %get3A_333 = arith.constant 0 : index
        %get3A_334 = tpu.vector_load %arg7[%get3A_332, %get3A_333] {strides = array<i32>} : memref<128x64xf32, #tpu.memory_space<vmem>>, vector<1x16xf32>,
        %get3A_335 = vector.shape_cast %get3A_334 : vector<1x16xf32> to vector<16xf32>
        %add3A_336 = arith.constant 3 : i32
        %add3A_337 = arith.addi %mul3A_258, %add3A_336 : i32
        %get3A_338 = arith.index_cast %add3A_337 : i32 to index
        %get3A_339 = arith.constant 16 : index
        %get3A_340 = tpu.vector_load %arg7[%get3A_338, %get3A_339] {strides = array<i32>} : memref<128x64xf32, #tpu.memory_space<vmem>>, vector<1x16xf32>,
        %get3A_341 = vector.shape_cast %get3A_340 : vector<1x16xf32> to vector<16xf32>
        %add3A_342 = arith.constant 3 : i32
        %add3A_343 = arith.addi %mul3A_258, %add3A_342 : i32
        %get3A_344 = arith.index_cast %add3A_343 : i32 to index
        %get3A_345 = arith.constant 32 : index
        %get3A_346 = tpu.vector_load %arg7[%get3A_344, %get3A_345] {strides = array<i32>} : memref<128x64xf32, #tpu.memory_space<vmem>>, vector<1x16xf32>,
        %get3A_347 = vector.shape_cast %get3A_346 : vector<1x16xf32> to vector<16xf32>
        %add3A_348 = arith.constant 3 : i32
        %add3A_349 = arith.addi %mul3A_258, %add3A_348 : i32
        %get3A_350 = arith.index_cast %add3A_349 : i32 to index
        %get3A_351 = arith.constant 48 : index
        %get3A_352 = tpu.vector_load %arg7[%get3A_350, %get3A_351] {strides = array<i32>} : memref<128x64xf32, #tpu.memory_space<vmem>>, vector<1x16xf32>,
        %get3A_353 = vector.shape_cast %get3A_352 : vector<1x16xf32> to vector<16xf32>
        %add3A_354 = arith.constant 4 : i32
        %add3A_355 = arith.addi %mul3A_258, %add3A_354 : i32
        %get3A_356 = arith.index_cast %add3A_355 : i32 to index
        %get3A_357 = arith.constant 0 : index
        %get3A_358 = tpu.vector_load %arg7[%get3A_356, %get3A_357] {strides = array<i32>} : memref<128x64xf32, #tpu.memory_space<vmem>>, vector<1x16xf32>,
        %get3A_359 = vector.shape_cast %get3A_358 : vector<1x16xf32> to vector<16xf32>
        %add3A_360 = arith.constant 4 : i32
        %add3A_361 = arith.addi %mul3A_258, %add3A_360 : i32
        %get3A_362 = arith.index_cast %add3A_361 : i32 to index
        %get3A_363 = arith.constant 16 : index
        %get3A_364 = tpu.vector_load %arg7[%get3A_362, %get3A_363] {strides = array<i32>} : memref<128x64xf32, #tpu.memory_space<vmem>>, vector<1x16xf32>,
        %get3A_365 = vector.shape_cast %get3A_364 : vector<1x16xf32> to vector<16xf32>
        %add3A_366 = arith.constant 4 : i32
        %add3A_367 = arith.addi %mul3A_258, %add3A_366 : i32
        %get3A_368 = arith.index_cast %add3A_367 : i32 to index
        %get3A_369 = arith.constant 32 : index
        %get3A_370 = tpu.vector_load %arg7[%get3A_368, %get3A_369] {strides = array<i32>} : memref<128x64xf32, #tpu.memory_space<vmem>>, vector<1x16xf32>,
        %get3A_371 = vector.shape_cast %get3A_370 : vector<1x16xf32> to vector<16xf32>
        %add3A_372 = arith.constant 4 : i32
        %add3A_373 = arith.addi %mul3A_258, %add3A_372 : i32
        %get3A_374 = arith.index_cast %add3A_373 : i32 to index
        %get3A_375 = arith.constant 48 : index
        %get3A_376 = tpu.vector_load %arg7[%get3A_374, %get3A_375] {strides = array<i32>} : memref<128x64xf32, #tpu.memory_space<vmem>>, vector<1x16xf32>,
        %get3A_377 = vector.shape_cast %get3A_376 : vector<1x16xf32> to vector<16xf32>
        %add3A_378 = arith.constant 5 : i32
        %add3A_379 = arith.addi %mul3A_258, %add3A_378 : i32
        %get3A_380 = arith.index_cast %add3A_379 : i32 to index
        %get3A_381 = arith.constant 0 : index
        %get3A_382 = tpu.vector_load %arg7[%get3A_380, %get3A_381] {strides = array<i32>} : memref<128x64xf32, #tpu.memory_space<vmem>>, vector<1x16xf32>,
        %get3A_383 = vector.shape_cast %get3A_382 : vector<1x16xf32> to vector<16xf32>
        %add3A_384 = arith.constant 5 : i32
        %add3A_385 = arith.addi %mul3A_258, %add3A_384 : i32
        %get3A_386 = arith.index_cast %add3A_385 : i32 to index
        %get3A_387 = arith.constant 16 : index
        %get3A_388 = tpu.vector_load %arg7[%get3A_386, %get3A_387] {strides = array<i32>} : memref<128x64xf32, #tpu.memory_space<vmem>>, vector<1x16xf32>,
        %get3A_389 = vector.shape_cast %get3A_388 : vector<1x16xf32> to vector<16xf32>
        %add3A_390 = arith.constant 5 : i32
        %add3A_391 = arith.addi %mul3A_258, %add3A_390 : i32
        %get3A_392 = arith.index_cast %add3A_391 : i32 to index
        %get3A_393 = arith.constant 32 : index
        %get3A_394 = tpu.vector_load %arg7[%get3A_392, %get3A_393] {strides = array<i32>} : memref<128x64xf32, #tpu.memory_space<vmem>>, vector<1x16xf32>,
        %get3A_395 = vector.shape_cast %get3A_394 : vector<1x16xf32> to vector<16xf32>
        %add3A_396 = arith.constant 5 : i32
        %add3A_397 = arith.addi %mul3A_258, %add3A_396 : i32
        %get3A_398 = arith.index_cast %add3A_397 : i32 to index
        %get3A_399 = arith.constant 48 : index
        %get3A_400 = tpu.vector_load %arg7[%get3A_398, %get3A_399] {strides = array<i32>} : memref<128x64xf32, #tpu.memory_space<vmem>>, vector<1x16xf32>,
        %get3A_401 = vector.shape_cast %get3A_400 : vector<1x16xf32> to vector<16xf32>
        %add3A_402 = arith.constant 6 : i32
        %add3A_403 = arith.addi %mul3A_258, %add3A_402 : i32
        %get3A_404 = arith.index_cast %add3A_403 : i32 to index
        %get3A_405 = arith.constant 0 : index
        %get3A_406 = tpu.vector_load %arg7[%get3A_404, %get3A_405] {strides = array<i32>} : memref<128x64xf32, #tpu.memory_space<vmem>>, vector<1x16xf32>,
        %get3A_407 = vector.shape_cast %get3A_406 : vector<1x16xf32> to vector<16xf32>
        %add3A_408 = arith.constant 6 : i32
        %add3A_409 = arith.addi %mul3A_258, %add3A_408 : i32
        %get3A_410 = arith.index_cast %add3A_409 : i32 to index
        %get3A_411 = arith.constant 16 : index
        %get3A_412 = tpu.vector_load %arg7[%get3A_410, %get3A_411] {strides = array<i32>} : memref<128x64xf32, #tpu.memory_space<vmem>>, vector<1x16xf32>,
        %get3A_413 = vector.shape_cast %get3A_412 : vector<1x16xf32> to vector<16xf32>
        %add3A_414 = arith.constant 6 : i32
        %add3A_415 = arith.addi %mul3A_258, %add3A_414 : i32
        %get3A_416 = arith.index_cast %add3A_415 : i32 to index
        %get3A_417 = arith.constant 32 : index
        %get3A_418 = tpu.vector_load %arg7[%get3A_416, %get3A_417] {strides = array<i32>} : memref<128x64xf32, #tpu.memory_space<vmem>>, vector<1x16xf32>,
        %get3A_419 = vector.shape_cast %get3A_418 : vector<1x16xf32> to vector<16xf32>
        %add3A_420 = arith.constant 6 : i32
        %add3A_421 = arith.addi %mul3A_258, %add3A_420 : i32
        %get3A_422 = arith.index_cast %add3A_421 : i32 to index
        %get3A_423 = arith.constant 48 : index
        %get3A_424 = tpu.vector_load %arg7[%get3A_422, %get3A_423] {strides = array<i32>} : memref<128x64xf32, #tpu.memory_space<vmem>>, vector<1x16xf32>,
        %get3A_425 = vector.shape_cast %get3A_424 : vector<1x16xf32> to vector<16xf32>
        %add3A_426 = arith.constant 7 : i32
        %add3A_427 = arith.addi %mul3A_258, %add3A_426 : i32
        %get3A_428 = arith.index_cast %add3A_427 : i32 to index
        %get3A_429 = arith.constant 0 : index
        %get3A_430 = tpu.vector_load %arg7[%get3A_428, %get3A_429] {strides = array<i32>} : memref<128x64xf32, #tpu.memory_space<vmem>>, vector<1x16xf32>,
        %get3A_431 = vector.shape_cast %get3A_430 : vector<1x16xf32> to vector<16xf32>
        %add3A_432 = arith.constant 7 : i32
        %add3A_433 = arith.addi %mul3A_258, %add3A_432 : i32
        %get3A_434 = arith.index_cast %add3A_433 : i32 to index
        %get3A_435 = arith.constant 16 : index
        %get3A_436 = tpu.vector_load %arg7[%get3A_434, %get3A_435] {strides = array<i32>} : memref<128x64xf32, #tpu.memory_space<vmem>>, vector<1x16xf32>,
        %get3A_437 = vector.shape_cast %get3A_436 : vector<1x16xf32> to vector<16xf32>
        %add3A_438 = arith.constant 7 : i32
        %add3A_439 = arith.addi %mul3A_258, %add3A_438 : i32
        %get3A_440 = arith.index_cast %add3A_439 : i32 to index
        %get3A_441 = arith.constant 32 : index
        %get3A_442 = tpu.vector_load %arg7[%get3A_440, %get3A_441] {strides = array<i32>} : memref<128x64xf32, #tpu.memory_space<vmem>>, vector<1x16xf32>,
        %get3A_443 = vector.shape_cast %get3A_442 : vector<1x16xf32> to vector<16xf32>
        %add3A_444 = arith.constant 7 : i32
        %add3A_445 = arith.addi %mul3A_258, %add3A_444 : i32
        %get3A_446 = arith.index_cast %add3A_445 : i32 to index
        %get3A_447 = arith.constant 48 : index
        %get3A_448 = tpu.vector_load %arg7[%get3A_446, %get3A_447] {strides = array<i32>} : memref<128x64xf32, #tpu.memory_space<vmem>>, vector<1x16xf32>,
        %get3A_449 = vector.shape_cast %get3A_448 : vector<1x16xf32> to vector<16xf32>
        %add3A_450 = arith.constant 0 : i32
        %add3A_451 = arith.addi %mul3A_258, %add3A_450 : i32
        %get3A_452 = arith.constant 1 : i32
        %get3A_453 = arith.constant 0 : i32
        %get3A_454 = arith.index_cast %get3A_452 : i32 to index
        %get3A_455 = arith.index_cast %get3A_453 : i32 to index
        %get3A_456 = arith.index_cast %add3A_451 : i32 to index
        %get3A_457 = arith.constant 0 : index
        %get3A_458 = tpu.vector_load %arg6[%get3A_454, %get3A_455, %get3A_456, %get3A_457] {strides = array<i32>} : memref<2x4x128x64xf32, #tpu.memory_space<vmem>>, vector<1x1x1x16xf32>,
        %get3A_459 = vector.shape_cast %get3A_458 : vector<1x1x1x16xf32> to vector<16xf32>
        %add3A_460 = arith.addf %get3A_263, %get3A_459 : vector<16xf32>
        %add3A_461 = arith.constant 0 : i32
        %add3A_462 = arith.addi %mul3A_258, %add3A_461 : i32
        %get3A_463 = arith.constant 1 : i32
        %get3A_464 = arith.constant 0 : i32
        %get3A_465 = arith.index_cast %get3A_463 : i32 to index
        %get3A_466 = arith.index_cast %get3A_464 : i32 to index
        %get3A_467 = arith.index_cast %add3A_462 : i32 to index
        %get3A_468 = arith.constant 16 : index
        %get3A_469 = tpu.vector_load %arg6[%get3A_465, %get3A_466, %get3A_467, %get3A_468] {strides = array<i32>} : memref<2x4x128x64xf32, #tpu.memory_space<vmem>>, vector<1x1x1x16xf32>,
        %get3A_470 = vector.shape_cast %get3A_469 : vector<1x1x1x16xf32> to vector<16xf32>
        %add3A_471 = arith.addf %get3A_269, %get3A_470 : vector<16xf32>
        %add3A_472 = arith.constant 0 : i32
        %add3A_473 = arith.addi %mul3A_258, %add3A_472 : i32
        %get3A_474 = arith.constant 1 : i32
        %get3A_475 = arith.constant 0 : i32
        %get3A_476 = arith.index_cast %get3A_474 : i32 to index
        %get3A_477 = arith.index_cast %get3A_475 : i32 to index
        %get3A_478 = arith.index_cast %add3A_473 : i32 to index
        %get3A_479 = arith.constant 32 : index
        %get3A_480 = tpu.vector_load %arg6[%get3A_476, %get3A_477, %get3A_478, %get3A_479] {strides = array<i32>} : memref<2x4x128x64xf32, #tpu.memory_space<vmem>>, vector<1x1x1x16xf32>,
        %get3A_481 = vector.shape_cast %get3A_480 : vector<1x1x1x16xf32> to vector<16xf32>
        %add3A_482 = arith.addf %get3A_275, %get3A_481 : vector<16xf32>
        %add3A_483 = arith.constant 0 : i32
        %add3A_484 = arith.addi %mul3A_258, %add3A_483 : i32
        %get3A_485 = arith.constant 1 : i32
        %get3A_486 = arith.constant 0 : i32
        %get3A_487 = arith.index_cast %get3A_485 : i32 to index
        %get3A_488 = arith.index_cast %get3A_486 : i32 to index
        %get3A_489 = arith.index_cast %add3A_484 : i32 to index
        %get3A_490 = arith.constant 48 : index
        %get3A_491 = tpu.vector_load %arg6[%get3A_487, %get3A_488, %get3A_489, %get3A_490] {strides = array<i32>} : memref<2x4x128x64xf32, #tpu.memory_space<vmem>>, vector<1x1x1x16xf32>,
        %get3A_492 = vector.shape_cast %get3A_491 : vector<1x1x1x16xf32> to vector<16xf32>
        %add3A_493 = arith.addf %get3A_281, %get3A_492 : vector<16xf32>
        %add3A_494 = arith.constant 1 : i32
        %add3A_495 = arith.addi %mul3A_258, %add3A_494 : i32
        %get3A_496 = arith.constant 1 : i32
        %get3A_497 = arith.constant 0 : i32
        %get3A_498 = arith.index_cast %get3A_496 : i32 to index
        %get3A_499 = arith.index_cast %get3A_497 : i32 to index
        %get3A_500 = arith.index_cast %add3A_495 : i32 to index
        %get3A_501 = arith.constant 0 : index
        %get3A_502 = tpu.vector_load %arg6[%get3A_498, %get3A_499, %get3A_500, %get3A_501] {strides = array<i32>} : memref<2x4x128x64xf32, #tpu.memory_space<vmem>>, vector<1x1x1x16xf32>,
        %get3A_503 = vector.shape_cast %get3A_502 : vector<1x1x1x16xf32> to vector<16xf32>
        %add3A_504 = arith.addf %get3A_287, %get3A_503 : vector<16xf32>
        %add3A_505 = arith.constant 1 : i32
        %add3A_506 = arith.addi %mul3A_258, %add3A_505 : i32
        %get3A_507 = arith.constant 1 : i32
        %get3A_508 = arith.constant 0 : i32
        %get3A_509 = arith.index_cast %get3A_507 : i32 to index
        %get3A_510 = arith.index_cast %get3A_508 : i32 to index
        %get3A_511 = arith.index_cast %add3A_506 : i32 to index
        %get3A_512 = arith.constant 16 : index
        %get3A_513 = tpu.vector_load %arg6[%get3A_509, %get3A_510, %get3A_511, %get3A_512] {strides = array<i32>} : memref<2x4x128x64xf32, #tpu.memory_space<vmem>>, vector<1x1x1x16xf32>,
        %get3A_514 = vector.shape_cast %get3A_513 : vector<1x1x1x16xf32> to vector<16xf32>
        %add3A_515 = arith.addf %get3A_293, %get3A_514 : vector<16xf32>
        %add3A_516 = arith.constant 1 : i32
        %add3A_517 = arith.addi %mul3A_258, %add3A_516 : i32
        %get3A_518 = arith.constant 1 : i32
        %get3A_519 = arith.constant 0 : i32
        %get3A_520 = arith.index_cast %get3A_518 : i32 to index
        %get3A_521 = arith.index_cast %get3A_519 : i32 to index
        %get3A_522 = arith.index_cast %add3A_517 : i32 to index
        %get3A_523 = arith.constant 32 : index
        %get3A_524 = tpu.vector_load %arg6[%get3A_520, %get3A_521, %get3A_522, %get3A_523] {strides = array<i32>} : memref<2x4x128x64xf32, #tpu.memory_space<vmem>>, vector<1x1x1x16xf32>,
        %get3A_525 = vector.shape_cast %get3A_524 : vector<1x1x1x16xf32> to vector<16xf32>
        %add3A_526 = arith.addf %get3A_299, %get3A_525 : vector<16xf32>
        %add3A_527 = arith.constant 1 : i32
        %add3A_528 = arith.addi %mul3A_258, %add3A_527 : i32
        %get3A_529 = arith.constant 1 : i32
        %get3A_530 = arith.constant 0 : i32
        %get3A_531 = arith.index_cast %get3A_529 : i32 to index
        %get3A_532 = arith.index_cast %get3A_530 : i32 to index
        %get3A_533 = arith.index_cast %add3A_528 : i32 to index
        %get3A_534 = arith.constant 48 : index
        %get3A_535 = tpu.vector_load %arg6[%get3A_531, %get3A_532, %get3A_533, %get3A_534] {strides = array<i32>} : memref<2x4x128x64xf32, #tpu.memory_space<vmem>>, vector<1x1x1x16xf32>,
        %get3A_536 = vector.shape_cast %get3A_535 : vector<1x1x1x16xf32> to vector<16xf32>
        %add3A_537 = arith.addf %get3A_305, %get3A_536 : vector<16xf32>
        %add3A_538 = arith.constant 2 : i32
        %add3A_539 = arith.addi %mul3A_258, %add3A_538 : i32
        %get3A_540 = arith.constant 1 : i32
        %get3A_541 = arith.constant 0 : i32
        %get3A_542 = arith.index_cast %get3A_540 : i32 to index
        %get3A_543 = arith.index_cast %get3A_541 : i32 to index
        %get3A_544 = arith.index_cast %add3A_539 : i32 to index
        %get3A_545 = arith.constant 0 : index
        %get3A_546 = tpu.vector_load %arg6[%get3A_542, %get3A_543, %get3A_544, %get3A_545] {strides = array<i32>} : memref<2x4x128x64xf32, #tpu.memory_space<vmem>>, vector<1x1x1x16xf32>,
        %get3A_547 = vector.shape_cast %get3A_546 : vector<1x1x1x16xf32> to vector<16xf32>
        %add3A_548 = arith.addf %get3A_311, %get3A_547 : vector<16xf32>
        %add3A_549 = arith.constant 2 : i32
        %add3A_550 = arith.addi %mul3A_258, %add3A_549 : i32
        %get3A_551 = arith.constant 1 : i32
        %get3A_552 = arith.constant 0 : i32
        %get3A_553 = arith.index_cast %get3A_551 : i32 to index
        %get3A_554 = arith.index_cast %get3A_552 : i32 to index
        %get3A_555 = arith.index_cast %add3A_550 : i32 to index
        %get3A_556 = arith.constant 16 : index
        %get3A_557 = tpu.vector_load %arg6[%get3A_553, %get3A_554, %get3A_555, %get3A_556] {strides = array<i32>} : memref<2x4x128x64xf32, #tpu.memory_space<vmem>>, vector<1x1x1x16xf32>,
        %get3A_558 = vector.shape_cast %get3A_557 : vector<1x1x1x16xf32> to vector<16xf32>
        %add3A_559 = arith.addf %get3A_317, %get3A_558 : vector<16xf32>
        %add3A_560 = arith.constant 2 : i32
        %add3A_561 = arith.addi %mul3A_258, %add3A_560 : i32
        %get3A_562 = arith.constant 1 : i32
        %get3A_563 = arith.constant 0 : i32
        %get3A_564 = arith.index_cast %get3A_562 : i32 to index
        %get3A_565 = arith.index_cast %get3A_563 : i32 to index
        %get3A_566 = arith.index_cast %add3A_561 : i32 to index
        %get3A_567 = arith.constant 32 : index
        %get3A_568 = tpu.vector_load %arg6[%get3A_564, %get3A_565, %get3A_566, %get3A_567] {strides = array<i32>} : memref<2x4x128x64xf32, #tpu.memory_space<vmem>>, vector<1x1x1x16xf32>,
        %get3A_569 = vector.shape_cast %get3A_568 : vector<1x1x1x16xf32> to vector<16xf32>
        %add3A_570 = arith.addf %get3A_323, %get3A_569 : vector<16xf32>
        %add3A_571 = arith.constant 2 : i32
        %add3A_572 = arith.addi %mul3A_258, %add3A_571 : i32
        %get3A_573 = arith.constant 1 : i32
        %get3A_574 = arith.constant 0 : i32
        %get3A_575 = arith.index_cast %get3A_573 : i32 to index
        %get3A_576 = arith.index_cast %get3A_574 : i32 to index
        %get3A_577 = arith.index_cast %add3A_572 : i32 to index
        %get3A_578 = arith.constant 48 : index
        %get3A_579 = tpu.vector_load %arg6[%get3A_575, %get3A_576, %get3A_577, %get3A_578] {strides = array<i32>} : memref<2x4x128x64xf32, #tpu.memory_space<vmem>>, vector<1x1x1x16xf32>,
        %get3A_580 = vector.shape_cast %get3A_579 : vector<1x1x1x16xf32> to vector<16xf32>
        %add3A_581 = arith.addf %get3A_329, %get3A_580 : vector<16xf32>
        %add3A_582 = arith.constant 3 : i32
        %add3A_583 = arith.addi %mul3A_258, %add3A_582 : i32
        %get3A_584 = arith.constant 1 : i32
        %get3A_585 = arith.constant 0 : i32
        %get3A_586 = arith.index_cast %get3A_584 : i32 to index
        %get3A_587 = arith.index_cast %get3A_585 : i32 to index
        %get3A_588 = arith.index_cast %add3A_583 : i32 to index
        %get3A_589 = arith.constant 0 : index
        %get3A_590 = tpu.vector_load %arg6[%get3A_586, %get3A_587, %get3A_588, %get3A_589] {strides = array<i32>} : memref<2x4x128x64xf32, #tpu.memory_space<vmem>>, vector<1x1x1x16xf32>,
        %get3A_591 = vector.shape_cast %get3A_590 : vector<1x1x1x16xf32> to vector<16xf32>
        %add3A_592 = arith.addf %get3A_335, %get3A_591 : vector<16xf32>
        %add3A_593 = arith.constant 3 : i32
        %add3A_594 = arith.addi %mul3A_258, %add3A_593 : i32
        %get3A_595 = arith.constant 1 : i32
        %get3A_596 = arith.constant 0 : i32
        %get3A_597 = arith.index_cast %get3A_595 : i32 to index
        %get3A_598 = arith.index_cast %get3A_596 : i32 to index
        %get3A_599 = arith.index_cast %add3A_594 : i32 to index
        %get3A_600 = arith.constant 16 : index
        %get3A_601 = tpu.vector_load %arg6[%get3A_597, %get3A_598, %get3A_599, %get3A_600] {strides = array<i32>} : memref<2x4x128x64xf32, #tpu.memory_space<vmem>>, vector<1x1x1x16xf32>,
        %get3A_602 = vector.shape_cast %get3A_601 : vector<1x1x1x16xf32> to vector<16xf32>
        %add3A_603 = arith.addf %get3A_341, %get3A_602 : vector<16xf32>
        %add3A_604 = arith.constant 3 : i32
        %add3A_605 = arith.addi %mul3A_258, %add3A_604 : i32
        %get3A_606 = arith.constant 1 : i32
        %get3A_607 = arith.constant 0 : i32
        %get3A_608 = arith.index_cast %get3A_606 : i32 to index
        %get3A_609 = arith.index_cast %get3A_607 : i32 to index
        %get3A_610 = arith.index_cast %add3A_605 : i32 to index
        %get3A_611 = arith.constant 32 : index
        %get3A_612 = tpu.vector_load %arg6[%get3A_608, %get3A_609, %get3A_610, %get3A_611] {strides = array<i32>} : memref<2x4x128x64xf32, #tpu.memory_space<vmem>>, vector<1x1x1x16xf32>,
        %get3A_613 = vector.shape_cast %get3A_612 : vector<1x1x1x16xf32> to vector<16xf32>
        %add3A_614 = arith.addf %get3A_347, %get3A_613 : vector<16xf32>
        %add3A_615 = arith.constant 3 : i32
        %add3A_616 = arith.addi %mul3A_258, %add3A_615 : i32
        %get3A_617 = arith.constant 1 : i32
        %get3A_618 = arith.constant 0 : i32
        %get3A_619 = arith.index_cast %get3A_617 : i32 to index
        %get3A_620 = arith.index_cast %get3A_618 : i32 to index
        %get3A_621 = arith.index_cast %add3A_616 : i32 to index
        %get3A_622 = arith.constant 48 : index
        %get3A_623 = tpu.vector_load %arg6[%get3A_619, %get3A_620, %get3A_621, %get3A_622] {strides = array<i32>} : memref<2x4x128x64xf32, #tpu.memory_space<vmem>>, vector<1x1x1x16xf32>,
        %get3A_624 = vector.shape_cast %get3A_623 : vector<1x1x1x16xf32> to vector<16xf32>
        %add3A_625 = arith.addf %get3A_353, %get3A_624 : vector<16xf32>
        %add3A_626 = arith.constant 4 : i32
        %add3A_627 = arith.addi %mul3A_258, %add3A_626 : i32
        %get3A_628 = arith.constant 1 : i32
        %get3A_629 = arith.constant 0 : i32
        %get3A_630 = arith.index_cast %get3A_628 : i32 to index
        %get3A_631 = arith.index_cast %get3A_629 : i32 to index
        %get3A_632 = arith.index_cast %add3A_627 : i32 to index
        %get3A_633 = arith.constant 0 : index
        %get3A_634 = tpu.vector_load %arg6[%get3A_630, %get3A_631, %get3A_632, %get3A_633] {strides = array<i32>} : memref<2x4x128x64xf32, #tpu.memory_space<vmem>>, vector<1x1x1x16xf32>,
        %get3A_635 = vector.shape_cast %get3A_634 : vector<1x1x1x16xf32> to vector<16xf32>
        %add3A_636 = arith.addf %get3A_359, %get3A_635 : vector<16xf32>
        %add3A_637 = arith.constant 4 : i32
        %add3A_638 = arith.addi %mul3A_258, %add3A_637 : i32
        %get3A_639 = arith.constant 1 : i32
        %get3A_640 = arith.constant 0 : i32
        %get3A_641 = arith.index_cast %get3A_639 : i32 to index
        %get3A_642 = arith.index_cast %get3A_640 : i32 to index
        %get3A_643 = arith.index_cast %add3A_638 : i32 to index
        %get3A_644 = arith.constant 16 : index
        %get3A_645 = tpu.vector_load %arg6[%get3A_641, %get3A_642, %get3A_643, %get3A_644] {strides = array<i32>} : memref<2x4x128x64xf32, #tpu.memory_space<vmem>>, vector<1x1x1x16xf32>,
        %get3A_646 = vector.shape_cast %get3A_645 : vector<1x1x1x16xf32> to vector<16xf32>
        %add3A_647 = arith.addf %get3A_365, %get3A_646 : vector<16xf32>
        %add3A_648 = arith.constant 4 : i32
        %add3A_649 = arith.addi %mul3A_258, %add3A_648 : i32
        %get3A_650 = arith.constant 1 : i32
        %get3A_651 = arith.constant 0 : i32
        %get3A_652 = arith.index_cast %get3A_650 : i32 to index
        %get3A_653 = arith.index_cast %get3A_651 : i32 to index
        %get3A_654 = arith.index_cast %add3A_649 : i32 to index
        %get3A_655 = arith.constant 32 : index
        %get3A_656 = tpu.vector_load %arg6[%get3A_652, %get3A_653, %get3A_654, %get3A_655] {strides = array<i32>} : memref<2x4x128x64xf32, #tpu.memory_space<vmem>>, vector<1x1x1x16xf32>,
        %get3A_657 = vector.shape_cast %get3A_656 : vector<1x1x1x16xf32> to vector<16xf32>
        %add3A_658 = arith.addf %get3A_371, %get3A_657 : vector<16xf32>
        %add3A_659 = arith.constant 4 : i32
        %add3A_660 = arith.addi %mul3A_258, %add3A_659 : i32
        %get3A_661 = arith.constant 1 : i32
        %get3A_662 = arith.constant 0 : i32
        %get3A_663 = arith.index_cast %get3A_661 : i32 to index
        %get3A_664 = arith.index_cast %get3A_662 : i32 to index
        %get3A_665 = arith.index_cast %add3A_660 : i32 to index
        %get3A_666 = arith.constant 48 : index
        %get3A_667 = tpu.vector_load %arg6[%get3A_663, %get3A_664, %get3A_665, %get3A_666] {strides = array<i32>} : memref<2x4x128x64xf32, #tpu.memory_space<vmem>>, vector<1x1x1x16xf32>,
        %get3A_668 = vector.shape_cast %get3A_667 : vector<1x1x1x16xf32> to vector<16xf32>
        %add3A_669 = arith.addf %get3A_377, %get3A_668 : vector<16xf32>
        %add3A_670 = arith.constant 5 : i32
        %add3A_671 = arith.addi %mul3A_258, %add3A_670 : i32
        %get3A_672 = arith.constant 1 : i32
        %get3A_673 = arith.constant 0 : i32
        %get3A_674 = arith.index_cast %get3A_672 : i32 to index
        %get3A_675 = arith.index_cast %get3A_673 : i32 to index
        %get3A_676 = arith.index_cast %add3A_671 : i32 to index
        %get3A_677 = arith.constant 0 : index
        %get3A_678 = tpu.vector_load %arg6[%get3A_674, %get3A_675, %get3A_676, %get3A_677] {strides = array<i32>} : memref<2x4x128x64xf32, #tpu.memory_space<vmem>>, vector<1x1x1x16xf32>,
        %get3A_679 = vector.shape_cast %get3A_678 : vector<1x1x1x16xf32> to vector<16xf32>
        %add3A_680 = arith.addf %get3A_383, %get3A_679 : vector<16xf32>
        %add3A_681 = arith.constant 5 : i32
        %add3A_682 = arith.addi %mul3A_258, %add3A_681 : i32
        %get3A_683 = arith.constant 1 : i32
        %get3A_684 = arith.constant 0 : i32
        %get3A_685 = arith.index_cast %get3A_683 : i32 to index
        %get3A_686 = arith.index_cast %get3A_684 : i32 to index
        %get3A_687 = arith.index_cast %add3A_682 : i32 to index
        %get3A_688 = arith.constant 16 : index
        %get3A_689 = tpu.vector_load %arg6[%get3A_685, %get3A_686, %get3A_687, %get3A_688] {strides = array<i32>} : memref<2x4x128x64xf32, #tpu.memory_space<vmem>>, vector<1x1x1x16xf32>,
        %get3A_690 = vector.shape_cast %get3A_689 : vector<1x1x1x16xf32> to vector<16xf32>
        %add3A_691 = arith.addf %get3A_389, %get3A_690 : vector<16xf32>
        %add3A_692 = arith.constant 5 : i32
        %add3A_693 = arith.addi %mul3A_258, %add3A_692 : i32
        %get3A_694 = arith.constant 1 : i32
        %get3A_695 = arith.constant 0 : i32
        %get3A_696 = arith.index_cast %get3A_694 : i32 to index
        %get3A_697 = arith.index_cast %get3A_695 : i32 to index
        %get3A_698 = arith.index_cast %add3A_693 : i32 to index
        %get3A_699 = arith.constant 32 : index
        %get3A_700 = tpu.vector_load %arg6[%get3A_696, %get3A_697, %get3A_698, %get3A_699] {strides = array<i32>} : memref<2x4x128x64xf32, #tpu.memory_space<vmem>>, vector<1x1x1x16xf32>,
        %get3A_701 = vector.shape_cast %get3A_700 : vector<1x1x1x16xf32> to vector<16xf32>
        %add3A_702 = arith.addf %get3A_395, %get3A_701 : vector<16xf32>
        %add3A_703 = arith.constant 5 : i32
        %add3A_704 = arith.addi %mul3A_258, %add3A_703 : i32
        %get3A_705 = arith.constant 1 : i32
        %get3A_706 = arith.constant 0 : i32
        %get3A_707 = arith.index_cast %get3A_705 : i32 to index
        %get3A_708 = arith.index_cast %get3A_706 : i32 to index
        %get3A_709 = arith.index_cast %add3A_704 : i32 to index
        %get3A_710 = arith.constant 48 : index
        %get3A_711 = tpu.vector_load %arg6[%get3A_707, %get3A_708, %get3A_709, %get3A_710] {strides = array<i32>} : memref<2x4x128x64xf32, #tpu.memory_space<vmem>>, vector<1x1x1x16xf32>,
        %get3A_712 = vector.shape_cast %get3A_711 : vector<1x1x1x16xf32> to vector<16xf32>
        %add3A_713 = arith.addf %get3A_401, %get3A_712 : vector<16xf32>
        %add3A_714 = arith.constant 6 : i32
        %add3A_715 = arith.addi %mul3A_258, %add3A_714 : i32
        %get3A_716 = arith.constant 1 : i32
        %get3A_717 = arith.constant 0 : i32
        %get3A_718 = arith.index_cast %get3A_716 : i32 to index
        %get3A_719 = arith.index_cast %get3A_717 : i32 to index
        %get3A_720 = arith.index_cast %add3A_715 : i32 to index
        %get3A_721 = arith.constant 0 : index
        %get3A_722 = tpu.vector_load %arg6[%get3A_718, %get3A_719, %get3A_720, %get3A_721] {strides = array<i32>} : memref<2x4x128x64xf32, #tpu.memory_space<vmem>>, vector<1x1x1x16xf32>,
        %get3A_723 = vector.shape_cast %get3A_722 : vector<1x1x1x16xf32> to vector<16xf32>
        %add3A_724 = arith.addf %get3A_407, %get3A_723 : vector<16xf32>
        %add3A_725 = arith.constant 6 : i32
        %add3A_726 = arith.addi %mul3A_258, %add3A_725 : i32
        %get3A_727 = arith.constant 1 : i32
        %get3A_728 = arith.constant 0 : i32
        %get3A_729 = arith.index_cast %get3A_727 : i32 to index
        %get3A_730 = arith.index_cast %get3A_728 : i32 to index
        %get3A_731 = arith.index_cast %add3A_726 : i32 to index
        %get3A_732 = arith.constant 16 : index
        %get3A_733 = tpu.vector_load %arg6[%get3A_729, %get3A_730, %get3A_731, %get3A_732] {strides = array<i32>} : memref<2x4x128x64xf32, #tpu.memory_space<vmem>>, vector<1x1x1x16xf32>,
        %get3A_734 = vector.shape_cast %get3A_733 : vector<1x1x1x16xf32> to vector<16xf32>
        %add3A_735 = arith.addf %get3A_413, %get3A_734 : vector<16xf32>
        %add3A_736 = arith.constant 6 : i32
        %add3A_737 = arith.addi %mul3A_258, %add3A_736 : i32
        %get3A_738 = arith.constant 1 : i32
        %get3A_739 = arith.constant 0 : i32
        %get3A_740 = arith.index_cast %get3A_738 : i32 to index
        %get3A_741 = arith.index_cast %get3A_739 : i32 to index
        %get3A_742 = arith.index_cast %add3A_737 : i32 to index
        %get3A_743 = arith.constant 32 : index
        %get3A_744 = tpu.vector_load %arg6[%get3A_740, %get3A_741, %get3A_742, %get3A_743] {strides = array<i32>} : memref<2x4x128x64xf32, #tpu.memory_space<vmem>>, vector<1x1x1x16xf32>,
        %get3A_745 = vector.shape_cast %get3A_744 : vector<1x1x1x16xf32> to vector<16xf32>
        %add3A_746 = arith.addf %get3A_419, %get3A_745 : vector<16xf32>
        %add3A_747 = arith.constant 6 : i32
        %add3A_748 = arith.addi %mul3A_258, %add3A_747 : i32
        %get3A_749 = arith.constant 1 : i32
        %get3A_750 = arith.constant 0 : i32
        %get3A_751 = arith.index_cast %get3A_749 : i32 to index
        %get3A_752 = arith.index_cast %get3A_750 : i32 to index
        %get3A_753 = arith.index_cast %add3A_748 : i32 to index
        %get3A_754 = arith.constant 48 : index
        %get3A_755 = tpu.vector_load %arg6[%get3A_751, %get3A_752, %get3A_753, %get3A_754] {strides = array<i32>} : memref<2x4x128x64xf32, #tpu.memory_space<vmem>>, vector<1x1x1x16xf32>,
        %get3A_756 = vector.shape_cast %get3A_755 : vector<1x1x1x16xf32> to vector<16xf32>
        %add3A_757 = arith.addf %get3A_425, %get3A_756 : vector<16xf32>
        %add3A_758 = arith.constant 7 : i32
        %add3A_759 = arith.addi %mul3A_258, %add3A_758 : i32
        %get3A_760 = arith.constant 1 : i32
        %get3A_761 = arith.constant 0 : i32
        %get3A_762 = arith.index_cast %get3A_760 : i32 to index
        %get3A_763 = arith.index_cast %get3A_761 : i32 to index
        %get3A_764 = arith.index_cast %add3A_759 : i32 to index
        %get3A_765 = arith.constant 0 : index
        %get3A_766 = tpu.vector_load %arg6[%get3A_762, %get3A_763, %get3A_764, %get3A_765] {strides = array<i32>} : memref<2x4x128x64xf32, #tpu.memory_space<vmem>>, vector<1x1x1x16xf32>,
        %get3A_767 = vector.shape_cast %get3A_766 : vector<1x1x1x16xf32> to vector<16xf32>
        %add3A_768 = arith.addf %get3A_431, %get3A_767 : vector<16xf32>
        %add3A_769 = arith.constant 7 : i32
        %add3A_770 = arith.addi %mul3A_258, %add3A_769 : i32
        %get3A_771 = arith.constant 1 : i32
        %get3A_772 = arith.constant 0 : i32
        %get3A_773 = arith.index_cast %get3A_771 : i32 to index
        %get3A_774 = arith.index_cast %get3A_772 : i32 to index
        %get3A_775 = arith.index_cast %add3A_770 : i32 to index
        %get3A_776 = arith.constant 16 : index
        %get3A_777 = tpu.vector_load %arg6[%get3A_773, %get3A_774, %get3A_775, %get3A_776] {strides = array<i32>} : memref<2x4x128x64xf32, #tpu.memory_space<vmem>>, vector<1x1x1x16xf32>,
        %get3A_778 = vector.shape_cast %get3A_777 : vector<1x1x1x16xf32> to vector<16xf32>
        %add3A_779 = arith.addf %get3A_437, %get3A_778 : vector<16xf32>
        %add3A_780 = arith.constant 7 : i32
        %add3A_781 = arith.addi %mul3A_258, %add3A_780 : i32
        %get3A_782 = arith.constant 1 : i32
        %get3A_783 = arith.constant 0 : i32
        %get3A_784 = arith.index_cast %get3A_782 : i32 to index
        %get3A_785 = arith.index_cast %get3A_783 : i32 to index
        %get3A_786 = arith.index_cast %add3A_781 : i32 to index
        %get3A_787 = arith.constant 32 : index
        %get3A_788 = tpu.vector_load %arg6[%get3A_784, %get3A_785, %get3A_786, %get3A_787] {strides = array<i32>} : memref<2x4x128x64xf32, #tpu.memory_space<vmem>>, vector<1x1x1x16xf32>,
        %get3A_789 = vector.shape_cast %get3A_788 : vector<1x1x1x16xf32> to vector<16xf32>
        %add3A_790 = arith.addf %get3A_443, %get3A_789 : vector<16xf32>
        %add3A_791 = arith.constant 7 : i32
        %add3A_792 = arith.addi %mul3A_258, %add3A_791 : i32
        %get3A_793 = arith.constant 1 : i32
        %get3A_794 = arith.constant 0 : i32
        %get3A_795 = arith.index_cast %get3A_793 : i32 to index
        %get3A_796 = arith.index_cast %get3A_794 : i32 to index
        %get3A_797 = arith.index_cast %add3A_792 : i32 to index
        %get3A_798 = arith.constant 48 : index
        %get3A_799 = tpu.vector_load %arg6[%get3A_795, %get3A_796, %get3A_797, %get3A_798] {strides = array<i32>} : memref<2x4x128x64xf32, #tpu.memory_space<vmem>>, vector<1x1x1x16xf32>,
        %get3A_800 = vector.shape_cast %get3A_799 : vector<1x1x1x16xf32> to vector<16xf32>
        %add3A_801 = arith.addf %get3A_449, %get3A_800 : vector<16xf32>
        %add3A_802 = arith.constant 0 : i32
        %add3A_803 = arith.addi %mul3A_258, %add3A_802 : i32
        %get3A_804 = arith.constant 1 : i32
        %get3A_805 = arith.constant 1 : i32
        %get3A_806 = arith.index_cast %get3A_804 : i32 to index
        %get3A_807 = arith.index_cast %get3A_805 : i32 to index
        %get3A_808 = arith.index_cast %add3A_803 : i32 to index
        %get3A_809 = arith.constant 0 : index
        %get3A_810 = tpu.vector_load %arg6[%get3A_806, %get3A_807, %get3A_808, %get3A_809] {strides = array<i32>} : memref<2x4x128x64xf32, #tpu.memory_space<vmem>>, vector<1x1x1x16xf32>,
        %get3A_811 = vector.shape_cast %get3A_810 : vector<1x1x1x16xf32> to vector<16xf32>
        %add3A_812 = arith.addf %add3A_460, %get3A_811 : vector<16xf32>
        %add3A_813 = arith.constant 0 : i32
        %add3A_814 = arith.addi %mul3A_258, %add3A_813 : i32
        %get3A_815 = arith.constant 1 : i32
        %get3A_816 = arith.constant 1 : i32
        %get3A_817 = arith.index_cast %get3A_815 : i32 to index
        %get3A_818 = arith.index_cast %get3A_816 : i32 to index
        %get3A_819 = arith.index_cast %add3A_814 : i32 to index
        %get3A_820 = arith.constant 16 : index
        %get3A_821 = tpu.vector_load %arg6[%get3A_817, %get3A_818, %get3A_819, %get3A_820] {strides = array<i32>} : memref<2x4x128x64xf32, #tpu.memory_space<vmem>>, vector<1x1x1x16xf32>,
        %get3A_822 = vector.shape_cast %get3A_821 : vector<1x1x1x16xf32> to vector<16xf32>
        %add3A_823 = arith.addf %add3A_471, %get3A_822 : vector<16xf32>
        %add3A_824 = arith.constant 0 : i32
        %add3A_825 = arith.addi %mul3A_258, %add3A_824 : i32
        %get3A_826 = arith.constant 1 : i32
        %get3A_827 = arith.constant 1 : i32
        %get3A_828 = arith.index_cast %get3A_826 : i32 to index
        %get3A_829 = arith.index_cast %get3A_827 : i32 to index
        %get3A_830 = arith.index_cast %add3A_825 : i32 to index
        %get3A_831 = arith.constant 32 : index
        %get3A_832 = tpu.vector_load %arg6[%get3A_828, %get3A_829, %get3A_830, %get3A_831] {strides = array<i32>} : memref<2x4x128x64xf32, #tpu.memory_space<vmem>>, vector<1x1x1x16xf32>,
        %get3A_833 = vector.shape_cast %get3A_832 : vector<1x1x1x16xf32> to vector<16xf32>
        %add3A_834 = arith.addf %add3A_482, %get3A_833 : vector<16xf32>
        %add3A_835 = arith.constant 0 : i32
        %add3A_836 = arith.addi %mul3A_258, %add3A_835 : i32
        %get3A_837 = arith.constant 1 : i32
        %get3A_838 = arith.constant 1 : i32
        %get3A_839 = arith.index_cast %get3A_837 : i32 to index
        %get3A_840 = arith.index_cast %get3A_838 : i32 to index
        %get3A_841 = arith.index_cast %add3A_836 : i32 to index
        %get3A_842 = arith.constant 48 : index
        %get3A_843 = tpu.vector_load %arg6[%get3A_839, %get3A_840, %get3A_841, %get3A_842] {strides = array<i32>} : memref<2x4x128x64xf32, #tpu.memory_space<vmem>>, vector<1x1x1x16xf32>,
        %get3A_844 = vector.shape_cast %get3A_843 : vector<1x1x1x16xf32> to vector<16xf32>
        %add3A_845 = arith.addf %add3A_493, %get3A_844 : vector<16xf32>
        %add3A_846 = arith.constant 1 : i32
        %add3A_847 = arith.addi %mul3A_258, %add3A_846 : i32
        %get3A_848 = arith.constant 1 : i32
        %get3A_849 = arith.constant 1 : i32
        %get3A_850 = arith.index_cast %get3A_848 : i32 to index
        %get3A_851 = arith.index_cast %get3A_849 : i32 to index
        %get3A_852 = arith.index_cast %add3A_847 : i32 to index
        %get3A_853 = arith.constant 0 : index
        %get3A_854 = tpu.vector_load %arg6[%get3A_850, %get3A_851, %get3A_852, %get3A_853] {strides = array<i32>} : memref<2x4x128x64xf32, #tpu.memory_space<vmem>>, vector<1x1x1x16xf32>,
        %get3A_855 = vector.shape_cast %get3A_854 : vector<1x1x1x16xf32> to vector<16xf32>
        %add3A_856 = arith.addf %add3A_504, %get3A_855 : vector<16xf32>
        %add3A_857 = arith.constant 1 : i32
        %add3A_858 = arith.addi %mul3A_258, %add3A_857 : i32
        %get3A_859 = arith.constant 1 : i32
        %get3A_860 = arith.constant 1 : i32
        %get3A_861 = arith.index_cast %get3A_859 : i32 to index
        %get3A_862 = arith.index_cast %get3A_860 : i32 to index
        %get3A_863 = arith.index_cast %add3A_858 : i32 to index
        %get3A_864 = arith.constant 16 : index
        %get3A_865 = tpu.vector_load %arg6[%get3A_861, %get3A_862, %get3A_863, %get3A_864] {strides = array<i32>} : memref<2x4x128x64xf32, #tpu.memory_space<vmem>>, vector<1x1x1x16xf32>,
        %get3A_866 = vector.shape_cast %get3A_865 : vector<1x1x1x16xf32> to vector<16xf32>
        %add3A_867 = arith.addf %add3A_515, %get3A_866 : vector<16xf32>
        %add3A_868 = arith.constant 1 : i32
        %add3A_869 = arith.addi %mul3A_258, %add3A_868 : i32
        %get3A_870 = arith.constant 1 : i32
        %get3A_871 = arith.constant 1 : i32
        %get3A_872 = arith.index_cast %get3A_870 : i32 to index
        %get3A_873 = arith.index_cast %get3A_871 : i32 to index
        %get3A_874 = arith.index_cast %add3A_869 : i32 to index
        %get3A_875 = arith.constant 32 : index
        %get3A_876 = tpu.vector_load %arg6[%get3A_872, %get3A_873, %get3A_874, %get3A_875] {strides = array<i32>} : memref<2x4x128x64xf32, #tpu.memory_space<vmem>>, vector<1x1x1x16xf32>,
        %get3A_877 = vector.shape_cast %get3A_876 : vector<1x1x1x16xf32> to vector<16xf32>
        %add3A_878 = arith.addf %add3A_526, %get3A_877 : vector<16xf32>
        %add3A_879 = arith.constant 1 : i32
        %add3A_880 = arith.addi %mul3A_258, %add3A_879 : i32
        %get3A_881 = arith.constant 1 : i32
        %get3A_882 = arith.constant 1 : i32
        %get3A_883 = arith.index_cast %get3A_881 : i32 to index
        %get3A_884 = arith.index_cast %get3A_882 : i32 to index
        %get3A_885 = arith.index_cast %add3A_880 : i32 to index
        %get3A_886 = arith.constant 48 : index
        %get3A_887 = tpu.vector_load %arg6[%get3A_883, %get3A_884, %get3A_885, %get3A_886] {strides = array<i32>} : memref<2x4x128x64xf32, #tpu.memory_space<vmem>>, vector<1x1x1x16xf32>,
        %get3A_888 = vector.shape_cast %get3A_887 : vector<1x1x1x16xf32> to vector<16xf32>
        %add3A_889 = arith.addf %add3A_537, %get3A_888 : vector<16xf32>
        %add3A_890 = arith.constant 2 : i32
        %add3A_891 = arith.addi %mul3A_258, %add3A_890 : i32
        %get3A_892 = arith.constant 1 : i32
        %get3A_893 = arith.constant 1 : i32
        %get3A_894 = arith.index_cast %get3A_892 : i32 to index
        %get3A_895 = arith.index_cast %get3A_893 : i32 to index
        %get3A_896 = arith.index_cast %add3A_891 : i32 to index
        %get3A_897 = arith.constant 0 : index
        %get3A_898 = tpu.vector_load %arg6[%get3A_894, %get3A_895, %get3A_896, %get3A_897] {strides = array<i32>} : memref<2x4x128x64xf32, #tpu.memory_space<vmem>>, vector<1x1x1x16xf32>,
        %get3A_899 = vector.shape_cast %get3A_898 : vector<1x1x1x16xf32> to vector<16xf32>
        %add3A_900 = arith.addf %add3A_548, %get3A_899 : vector<16xf32>
        %add3A_901 = arith.constant 2 : i32
        %add3A_902 = arith.addi %mul3A_258, %add3A_901 : i32
        %get3A_903 = arith.constant 1 : i32
        %get3A_904 = arith.constant 1 : i32
        %get3A_905 = arith.index_cast %get3A_903 : i32 to index
        %get3A_906 = arith.index_cast %get3A_904 : i32 to index
        %get3A_907 = arith.index_cast %add3A_902 : i32 to index
        %get3A_908 = arith.constant 16 : index
        %get3A_909 = tpu.vector_load %arg6[%get3A_905, %get3A_906, %get3A_907, %get3A_908] {strides = array<i32>} : memref<2x4x128x64xf32, #tpu.memory_space<vmem>>, vector<1x1x1x16xf32>,
        %get3A_910 = vector.shape_cast %get3A_909 : vector<1x1x1x16xf32> to vector<16xf32>
        %add3A_911 = arith.addf %add3A_559, %get3A_910 : vector<16xf32>
        %add3A_912 = arith.constant 2 : i32
        %add3A_913 = arith.addi %mul3A_258, %add3A_912 : i32
        %get3A_914 = arith.constant 1 : i32
        %get3A_915 = arith.constant 1 : i32
        %get3A_916 = arith.index_cast %get3A_914 : i32 to index
        %get3A_917 = arith.index_cast %get3A_915 : i32 to index
        %get3A_918 = arith.index_cast %add3A_913 : i32 to index
        %get3A_919 = arith.constant 32 : index
        %get3A_920 = tpu.vector_load %arg6[%get3A_916, %get3A_917, %get3A_918, %get3A_919] {strides = array<i32>} : memref<2x4x128x64xf32, #tpu.memory_space<vmem>>, vector<1x1x1x16xf32>,
        %get3A_921 = vector.shape_cast %get3A_920 : vector<1x1x1x16xf32> to vector<16xf32>
        %add3A_922 = arith.addf %add3A_570, %get3A_921 : vector<16xf32>
        %add3A_923 = arith.constant 2 : i32
        %add3A_924 = arith.addi %mul3A_258, %add3A_923 : i32
        %get3A_925 = arith.constant 1 : i32
        %get3A_926 = arith.constant 1 : i32
        %get3A_927 = arith.index_cast %get3A_925 : i32 to index
        %get3A_928 = arith.index_cast %get3A_926 : i32 to index
        %get3A_929 = arith.index_cast %add3A_924 : i32 to index
        %get3A_930 = arith.constant 48 : index
        %get3A_931 = tpu.vector_load %arg6[%get3A_927, %get3A_928, %get3A_929, %get3A_930] {strides = array<i32>} : memref<2x4x128x64xf32, #tpu.memory_space<vmem>>, vector<1x1x1x16xf32>,
        %get3A_932 = vector.shape_cast %get3A_931 : vector<1x1x1x16xf32> to vector<16xf32>
        %add3A_933 = arith.addf %add3A_581, %get3A_932 : vector<16xf32>
        %add3A_934 = arith.constant 3 : i32
        %add3A_935 = arith.addi %mul3A_258, %add3A_934 : i32
        %get3A_936 = arith.constant 1 : i32
        %get3A_937 = arith.constant 1 : i32
        %get3A_938 = arith.index_cast %get3A_936 : i32 to index
        %get3A_939 = arith.index_cast %get3A_937 : i32 to index
        %get3A_940 = arith.index_cast %add3A_935 : i32 to index
        %get3A_941 = arith.constant 0 : index
        %get3A_942 = tpu.vector_load %arg6[%get3A_938, %get3A_939, %get3A_940, %get3A_941] {strides = array<i32>} : memref<2x4x128x64xf32, #tpu.memory_space<vmem>>, vector<1x1x1x16xf32>,
        %get3A_943 = vector.shape_cast %get3A_942 : vector<1x1x1x16xf32> to vector<16xf32>
        %add3A_944 = arith.addf %add3A_592, %get3A_943 : vector<16xf32>
        %add3A_945 = arith.constant 3 : i32
        %add3A_946 = arith.addi %mul3A_258, %add3A_945 : i32
        %get3A_947 = arith.constant 1 : i32
        %get3A_948 = arith.constant 1 : i32
        %get3A_949 = arith.index_cast %get3A_947 : i32 to index
        %get3A_950 = arith.index_cast %get3A_948 : i32 to index
        %get3A_951 = arith.index_cast %add3A_946 : i32 to index
        %get3A_952 = arith.constant 16 : index
        %get3A_953 = tpu.vector_load %arg6[%get3A_949, %get3A_950, %get3A_951, %get3A_952] {strides = array<i32>} : memref<2x4x128x64xf32, #tpu.memory_space<vmem>>, vector<1x1x1x16xf32>,
        %get3A_954 = vector.shape_cast %get3A_953 : vector<1x1x1x16xf32> to vector<16xf32>
        %add3A_955 = arith.addf %add3A_603, %get3A_954 : vector<16xf32>
        %add3A_956 = arith.constant 3 : i32
        %add3A_957 = arith.addi %mul3A_258, %add3A_956 : i32
        %get3A_958 = arith.constant 1 : i32
        %get3A_959 = arith.constant 1 : i32
        %get3A_960 = arith.index_cast %get3A_958 : i32 to index
        %get3A_961 = arith.index_cast %get3A_959 : i32 to index
        %get3A_962 = arith.index_cast %add3A_957 : i32 to index
        %get3A_963 = arith.constant 32 : index
        %get3A_964 = tpu.vector_load %arg6[%get3A_960, %get3A_961, %get3A_962, %get3A_963] {strides = array<i32>} : memref<2x4x128x64xf32, #tpu.memory_space<vmem>>, vector<1x1x1x16xf32>,
        %get3A_965 = vector.shape_cast %get3A_964 : vector<1x1x1x16xf32> to vector<16xf32>
        %add3A_966 = arith.addf %add3A_614, %get3A_965 : vector<16xf32>
        %add3A_967 = arith.constant 3 : i32
        %add3A_968 = arith.addi %mul3A_258, %add3A_967 : i32
        %get3A_969 = arith.constant 1 : i32
        %get3A_970 = arith.constant 1 : i32
        %get3A_971 = arith.index_cast %get3A_969 : i32 to index
        %get3A_972 = arith.index_cast %get3A_970 : i32 to index
        %get3A_973 = arith.index_cast %add3A_968 : i32 to index
        %get3A_974 = arith.constant 48 : index
        %get3A_975 = tpu.vector_load %arg6[%get3A_971, %get3A_972, %get3A_973, %get3A_974] {strides = array<i32>} : memref<2x4x128x64xf32, #tpu.memory_space<vmem>>, vector<1x1x1x16xf32>,
        %get3A_976 = vector.shape_cast %get3A_975 : vector<1x1x1x16xf32> to vector<16xf32>
        %add3A_977 = arith.addf %add3A_625, %get3A_976 : vector<16xf32>
        %add3A_978 = arith.constant 4 : i32
        %add3A_979 = arith.addi %mul3A_258, %add3A_978 : i32
        %get3A_980 = arith.constant 1 : i32
        %get3A_981 = arith.constant 1 : i32
        %get3A_982 = arith.index_cast %get3A_980 : i32 to index
        %get3A_983 = arith.index_cast %get3A_981 : i32 to index
        %get3A_984 = arith.index_cast %add3A_979 : i32 to index
        %get3A_985 = arith.constant 0 : index
        %get3A_986 = tpu.vector_load %arg6[%get3A_982, %get3A_983, %get3A_984, %get3A_985] {strides = array<i32>} : memref<2x4x128x64xf32, #tpu.memory_space<vmem>>, vector<1x1x1x16xf32>,
        %get3A_987 = vector.shape_cast %get3A_986 : vector<1x1x1x16xf32> to vector<16xf32>
        %add3A_988 = arith.addf %add3A_636, %get3A_987 : vector<16xf32>
        %add3A_989 = arith.constant 4 : i32
        %add3A_990 = arith.addi %mul3A_258, %add3A_989 : i32
        %get3A_991 = arith.constant 1 : i32
        %get3A_992 = arith.constant 1 : i32
        %get3A_993 = arith.index_cast %get3A_991 : i32 to index
        %get3A_994 = arith.index_cast %get3A_992 : i32 to index
        %get3A_995 = arith.index_cast %add3A_990 : i32 to index
        %get3A_996 = arith.constant 16 : index
        %get3A_997 = tpu.vector_load %arg6[%get3A_993, %get3A_994, %get3A_995, %get3A_996] {strides = array<i32>} : memref<2x4x128x64xf32, #tpu.memory_space<vmem>>, vector<1x1x1x16xf32>,
        %get3A_998 = vector.shape_cast %get3A_997 : vector<1x1x1x16xf32> to vector<16xf32>
        %add3A_999 = arith.addf %add3A_647, %get3A_998 : vector<16xf32>
        %add3A_1000 = arith.constant 4 : i32
        %add3A_1001 = arith.addi %mul3A_258, %add3A_1000 : i32
        %get3A_1002 = arith.constant 1 : i32
        %get3A_1003 = arith.constant 1 : i32
        %get3A_1004 = arith.index_cast %get3A_1002 : i32 to index
        %get3A_1005 = arith.index_cast %get3A_1003 : i32 to index
        %get3A_1006 = arith.index_cast %add3A_1001 : i32 to index
        %get3A_1007 = arith.constant 32 : index
        %get3A_1008 = tpu.vector_load %arg6[%get3A_1004, %get3A_1005, %get3A_1006, %get3A_1007] {strides = array<i32>} : memref<2x4x128x64xf32, #tpu.memory_space<vmem>>, vector<1x1x1x16xf32>,
        %get3A_1009 = vector.shape_cast %get3A_1008 : vector<1x1x1x16xf32> to vector<16xf32>
        %add3A_1010 = arith.addf %add3A_658, %get3A_1009 : vector<16xf32>
        %add3A_1011 = arith.constant 4 : i32
        %add3A_1012 = arith.addi %mul3A_258, %add3A_1011 : i32
        %get3A_1013 = arith.constant 1 : i32
        %get3A_1014 = arith.constant 1 : i32
        %get3A_1015 = arith.index_cast %get3A_1013 : i32 to index
        %get3A_1016 = arith.index_cast %get3A_1014 : i32 to index
        %get3A_1017 = arith.index_cast %add3A_1012 : i32 to index
        %get3A_1018 = arith.constant 48 : index
        %get3A_1019 = tpu.vector_load %arg6[%get3A_1015, %get3A_1016, %get3A_1017, %get3A_1018] {strides = array<i32>} : memref<2x4x128x64xf32, #tpu.memory_space<vmem>>, vector<1x1x1x16xf32>,
        %get3A_1020 = vector.shape_cast %get3A_1019 : vector<1x1x1x16xf32> to vector<16xf32>
        %add3A_1021 = arith.addf %add3A_669, %get3A_1020 : vector<16xf32>
        %add3A_1022 = arith.constant 5 : i32
        %add3A_1023 = arith.addi %mul3A_258, %add3A_1022 : i32
        %get3A_1024 = arith.constant 1 : i32
        %get3A_1025 = arith.constant 1 : i32
        %get3A_1026 = arith.index_cast %get3A_1024 : i32 to index
        %get3A_1027 = arith.index_cast %get3A_1025 : i32 to index
        %get3A_1028 = arith.index_cast %add3A_1023 : i32 to index
        %get3A_1029 = arith.constant 0 : index
        %get3A_1030 = tpu.vector_load %arg6[%get3A_1026, %get3A_1027, %get3A_1028, %get3A_1029] {strides = array<i32>} : memref<2x4x128x64xf32, #tpu.memory_space<vmem>>, vector<1x1x1x16xf32>,
        %get3A_1031 = vector.shape_cast %get3A_1030 : vector<1x1x1x16xf32> to vector<16xf32>
        %add3A_1032 = arith.addf %add3A_680, %get3A_1031 : vector<16xf32>
        %add3A_1033 = arith.constant 5 : i32
        %add3A_1034 = arith.addi %mul3A_258, %add3A_1033 : i32
        %get3A_1035 = arith.constant 1 : i32
        %get3A_1036 = arith.constant 1 : i32
        %get3A_1037 = arith.index_cast %get3A_1035 : i32 to index
        %get3A_1038 = arith.index_cast %get3A_1036 : i32 to index
        %get3A_1039 = arith.index_cast %add3A_1034 : i32 to index
        %get3A_1040 = arith.constant 16 : index
        %get3A_1041 = tpu.vector_load %arg6[%get3A_1037, %get3A_1038, %get3A_1039, %get3A_1040] {strides = array<i32>} : memref<2x4x128x64xf32, #tpu.memory_space<vmem>>, vector<1x1x1x16xf32>,
        %get3A_1042 = vector.shape_cast %get3A_1041 : vector<1x1x1x16xf32> to vector<16xf32>
        %add3A_1043 = arith.addf %add3A_691, %get3A_1042 : vector<16xf32>
        %add3A_1044 = arith.constant 5 : i32
        %add3A_1045 = arith.addi %mul3A_258, %add3A_1044 : i32
        %get3A_1046 = arith.constant 1 : i32
        %get3A_1047 = arith.constant 1 : i32
        %get3A_1048 = arith.index_cast %get3A_1046 : i32 to index
        %get3A_1049 = arith.index_cast %get3A_1047 : i32 to index
        %get3A_1050 = arith.index_cast %add3A_1045 : i32 to index
        %get3A_1051 = arith.constant 32 : index
        %get3A_1052 = tpu.vector_load %arg6[%get3A_1048, %get3A_1049, %get3A_1050, %get3A_1051] {strides = array<i32>} : memref<2x4x128x64xf32, #tpu.memory_space<vmem>>, vector<1x1x1x16xf32>,
        %get3A_1053 = vector.shape_cast %get3A_1052 : vector<1x1x1x16xf32> to vector<16xf32>
        %add3A_1054 = arith.addf %add3A_702, %get3A_1053 : vector<16xf32>
        %add3A_1055 = arith.constant 5 : i32
        %add3A_1056 = arith.addi %mul3A_258, %add3A_1055 : i32
        %get3A_1057 = arith.constant 1 : i32
        %get3A_1058 = arith.constant 1 : i32
        %get3A_1059 = arith.index_cast %get3A_1057 : i32 to index
        %get3A_1060 = arith.index_cast %get3A_1058 : i32 to index
        %get3A_1061 = arith.index_cast %add3A_1056 : i32 to index
        %get3A_1062 = arith.constant 48 : index
        %get3A_1063 = tpu.vector_load %arg6[%get3A_1059, %get3A_1060, %get3A_1061, %get3A_1062] {strides = array<i32>} : memref<2x4x128x64xf32, #tpu.memory_space<vmem>>, vector<1x1x1x16xf32>,
        %get3A_1064 = vector.shape_cast %get3A_1063 : vector<1x1x1x16xf32> to vector<16xf32>
        %add3A_1065 = arith.addf %add3A_713, %get3A_1064 : vector<16xf32>
        %add3A_1066 = arith.constant 6 : i32
        %add3A_1067 = arith.addi %mul3A_258, %add3A_1066 : i32
        %get3A_1068 = arith.constant 1 : i32
        %get3A_1069 = arith.constant 1 : i32
        %get3A_1070 = arith.index_cast %get3A_1068 : i32 to index
        %get3A_1071 = arith.index_cast %get3A_1069 : i32 to index
        %get3A_1072 = arith.index_cast %add3A_1067 : i32 to index
        %get3A_1073 = arith.constant 0 : index
        %get3A_1074 = tpu.vector_load %arg6[%get3A_1070, %get3A_1071, %get3A_1072, %get3A_1073] {strides = array<i32>} : memref<2x4x128x64xf32, #tpu.memory_space<vmem>>, vector<1x1x1x16xf32>,
        %get3A_1075 = vector.shape_cast %get3A_1074 : vector<1x1x1x16xf32> to vector<16xf32>
        %add3A_1076 = arith.addf %add3A_724, %get3A_1075 : vector<16xf32>
        %add3A_1077 = arith.constant 6 : i32
        %add3A_1078 = arith.addi %mul3A_258, %add3A_1077 : i32
        %get3A_1079 = arith.constant 1 : i32
        %get3A_1080 = arith.constant 1 : i32
        %get3A_1081 = arith.index_cast %get3A_1079 : i32 to index
        %get3A_1082 = arith.index_cast %get3A_1080 : i32 to index
        %get3A_1083 = arith.index_cast %add3A_1078 : i32 to index
        %get3A_1084 = arith.constant 16 : index
        %get3A_1085 = tpu.vector_load %arg6[%get3A_1081, %get3A_1082, %get3A_1083, %get3A_1084] {strides = array<i32>} : memref<2x4x128x64xf32, #tpu.memory_space<vmem>>, vector<1x1x1x16xf32>,
        %get3A_1086 = vector.shape_cast %get3A_1085 : vector<1x1x1x16xf32> to vector<16xf32>
        %add3A_1087 = arith.addf %add3A_735, %get3A_1086 : vector<16xf32>
        %add3A_1088 = arith.constant 6 : i32
        %add3A_1089 = arith.addi %mul3A_258, %add3A_1088 : i32
        %get3A_1090 = arith.constant 1 : i32
        %get3A_1091 = arith.constant 1 : i32
        %get3A_1092 = arith.index_cast %get3A_1090 : i32 to index
        %get3A_1093 = arith.index_cast %get3A_1091 : i32 to index
        %get3A_1094 = arith.index_cast %add3A_1089 : i32 to index
        %get3A_1095 = arith.constant 32 : index
        %get3A_1096 = tpu.vector_load %arg6[%get3A_1092, %get3A_1093, %get3A_1094, %get3A_1095] {strides = array<i32>} : memref<2x4x128x64xf32, #tpu.memory_space<vmem>>, vector<1x1x1x16xf32>,
        %get3A_1097 = vector.shape_cast %get3A_1096 : vector<1x1x1x16xf32> to vector<16xf32>
        %add3A_1098 = arith.addf %add3A_746, %get3A_1097 : vector<16xf32>
        %add3A_1099 = arith.constant 6 : i32
        %add3A_1100 = arith.addi %mul3A_258, %add3A_1099 : i32
        %get3A_1101 = arith.constant 1 : i32
        %get3A_1102 = arith.constant 1 : i32
        %get3A_1103 = arith.index_cast %get3A_1101 : i32 to index
        %get3A_1104 = arith.index_cast %get3A_1102 : i32 to index
        %get3A_1105 = arith.index_cast %add3A_1100 : i32 to index
        %get3A_1106 = arith.constant 48 : index
        %get3A_1107 = tpu.vector_load %arg6[%get3A_1103, %get3A_1104, %get3A_1105, %get3A_1106] {strides = array<i32>} : memref<2x4x128x64xf32, #tpu.memory_space<vmem>>, vector<1x1x1x16xf32>,
        %get3A_1108 = vector.shape_cast %get3A_1107 : vector<1x1x1x16xf32> to vector<16xf32>
        %add3A_1109 = arith.addf %add3A_757, %get3A_1108 : vector<16xf32>
        %add3A_1110 = arith.constant 7 : i32
        %add3A_1111 = arith.addi %mul3A_258, %add3A_1110 : i32
        %get3A_1112 = arith.constant 1 : i32
        %get3A_1113 = arith.constant 1 : i32
        %get3A_1114 = arith.index_cast %get3A_1112 : i32 to index
        %get3A_1115 = arith.index_cast %get3A_1113 : i32 to index
        %get3A_1116 = arith.index_cast %add3A_1111 : i32 to index
        %get3A_1117 = arith.constant 0 : index
        %get3A_1118 = tpu.vector_load %arg6[%get3A_1114, %get3A_1115, %get3A_1116, %get3A_1117] {strides = array<i32>} : memref<2x4x128x64xf32, #tpu.memory_space<vmem>>, vector<1x1x1x16xf32>,
        %get3A_1119 = vector.shape_cast %get3A_1118 : vector<1x1x1x16xf32> to vector<16xf32>
        %add3A_1120 = arith.addf %add3A_768, %get3A_1119 : vector<16xf32>
        %add3A_1121 = arith.constant 7 : i32
        %add3A_1122 = arith.addi %mul3A_258, %add3A_1121 : i32
        %get3A_1123 = arith.constant 1 : i32
        %get3A_1124 = arith.constant 1 : i32
        %get3A_1125 = arith.index_cast %get3A_1123 : i32 to index
        %get3A_1126 = arith.index_cast %get3A_1124 : i32 to index
        %get3A_1127 = arith.index_cast %add3A_1122 : i32 to index
        %get3A_1128 = arith.constant 16 : index
        %get3A_1129 = tpu.vector_load %arg6[%get3A_1125, %get3A_1126, %get3A_1127, %get3A_1128] {strides = array<i32>} : memref<2x4x128x64xf32, #tpu.memory_space<vmem>>, vector<1x1x1x16xf32>,
        %get3A_1130 = vector.shape_cast %get3A_1129 : vector<1x1x1x16xf32> to vector<16xf32>
        %add3A_1131 = arith.addf %add3A_779, %get3A_1130 : vector<16xf32>
        %add3A_1132 = arith.constant 7 : i32
        %add3A_1133 = arith.addi %mul3A_258, %add3A_1132 : i32
        %get3A_1134 = arith.constant 1 : i32
        %get3A_1135 = arith.constant 1 : i32
        %get3A_1136 = arith.index_cast %get3A_1134 : i32 to index
        %get3A_1137 = arith.index_cast %get3A_1135 : i32 to index
        %get3A_1138 = arith.index_cast %add3A_1133 : i32 to index
        %get3A_1139 = arith.constant 32 : index
        %get3A_1140 = tpu.vector_load %arg6[%get3A_1136, %get3A_1137, %get3A_1138, %get3A_1139] {strides = array<i32>} : memref<2x4x128x64xf32, #tpu.memory_space<vmem>>, vector<1x1x1x16xf32>,
        %get3A_1141 = vector.shape_cast %get3A_1140 : vector<1x1x1x16xf32> to vector<16xf32>
        %add3A_1142 = arith.addf %add3A_790, %get3A_1141 : vector<16xf32>
        %add3A_1143 = arith.constant 7 : i32
        %add3A_1144 = arith.addi %mul3A_258, %add3A_1143 : i32
        %get3A_1145 = arith.constant 1 : i32
        %get3A_1146 = arith.constant 1 : i32
        %get3A_1147 = arith.index_cast %get3A_1145 : i32 to index
        %get3A_1148 = arith.index_cast %get3A_1146 : i32 to index
        %get3A_1149 = arith.index_cast %add3A_1144 : i32 to index
        %get3A_1150 = arith.constant 48 : index
        %get3A_1151 = tpu.vector_load %arg6[%get3A_1147, %get3A_1148, %get3A_1149, %get3A_1150] {strides = array<i32>} : memref<2x4x128x64xf32, #tpu.memory_space<vmem>>, vector<1x1x1x16xf32>,
        %get3A_1152 = vector.shape_cast %get3A_1151 : vector<1x1x1x16xf32> to vector<16xf32>
        %add3A_1153 = arith.addf %add3A_801, %get3A_1152 : vector<16xf32>
        %add3A_1154 = arith.constant 0 : i32
        %add3A_1155 = arith.addi %mul3A_258, %add3A_1154 : i32
        %get3A_1156 = arith.constant 1 : i32
        %get3A_1157 = arith.constant 2 : i32
        %get3A_1158 = arith.index_cast %get3A_1156 : i32 to index
        %get3A_1159 = arith.index_cast %get3A_1157 : i32 to index
        %get3A_1160 = arith.index_cast %add3A_1155 : i32 to index
        %get3A_1161 = arith.constant 0 : index
        %get3A_1162 = tpu.vector_load %arg6[%get3A_1158, %get3A_1159, %get3A_1160, %get3A_1161] {strides = array<i32>} : memref<2x4x128x64xf32, #tpu.memory_space<vmem>>, vector<1x1x1x16xf32>,
        %get3A_1163 = vector.shape_cast %get3A_1162 : vector<1x1x1x16xf32> to vector<16xf32>
        %add3A_1164 = arith.addf %add3A_812, %get3A_1163 : vector<16xf32>
        %add3A_1165 = arith.constant 0 : i32
        %add3A_1166 = arith.addi %mul3A_258, %add3A_1165 : i32
        %get3A_1167 = arith.constant 1 : i32
        %get3A_1168 = arith.constant 2 : i32
        %get3A_1169 = arith.index_cast %get3A_1167 : i32 to index
        %get3A_1170 = arith.index_cast %get3A_1168 : i32 to index
        %get3A_1171 = arith.index_cast %add3A_1166 : i32 to index
        %get3A_1172 = arith.constant 16 : index
        %get3A_1173 = tpu.vector_load %arg6[%get3A_1169, %get3A_1170, %get3A_1171, %get3A_1172] {strides = array<i32>} : memref<2x4x128x64xf32, #tpu.memory_space<vmem>>, vector<1x1x1x16xf32>,
        %get3A_1174 = vector.shape_cast %get3A_1173 : vector<1x1x1x16xf32> to vector<16xf32>
        %add3A_1175 = arith.addf %add3A_823, %get3A_1174 : vector<16xf32>
        %add3A_1176 = arith.constant 0 : i32
        %add3A_1177 = arith.addi %mul3A_258, %add3A_1176 : i32
        %get3A_1178 = arith.constant 1 : i32
        %get3A_1179 = arith.constant 2 : i32
        %get3A_1180 = arith.index_cast %get3A_1178 : i32 to index
        %get3A_1181 = arith.index_cast %get3A_1179 : i32 to index
        %get3A_1182 = arith.index_cast %add3A_1177 : i32 to index
        %get3A_1183 = arith.constant 32 : index
        %get3A_1184 = tpu.vector_load %arg6[%get3A_1180, %get3A_1181, %get3A_1182, %get3A_1183] {strides = array<i32>} : memref<2x4x128x64xf32, #tpu.memory_space<vmem>>, vector<1x1x1x16xf32>,
        %get3A_1185 = vector.shape_cast %get3A_1184 : vector<1x1x1x16xf32> to vector<16xf32>
        %add3A_1186 = arith.addf %add3A_834, %get3A_1185 : vector<16xf32>
        %add3A_1187 = arith.constant 0 : i32
        %add3A_1188 = arith.addi %mul3A_258, %add3A_1187 : i32
        %get3A_1189 = arith.constant 1 : i32
        %get3A_1190 = arith.constant 2 : i32
        %get3A_1191 = arith.index_cast %get3A_1189 : i32 to index
        %get3A_1192 = arith.index_cast %get3A_1190 : i32 to index
        %get3A_1193 = arith.index_cast %add3A_1188 : i32 to index
        %get3A_1194 = arith.constant 48 : index
        %get3A_1195 = tpu.vector_load %arg6[%get3A_1191, %get3A_1192, %get3A_1193, %get3A_1194] {strides = array<i32>} : memref<2x4x128x64xf32, #tpu.memory_space<vmem>>, vector<1x1x1x16xf32>,
        %get3A_1196 = vector.shape_cast %get3A_1195 : vector<1x1x1x16xf32> to vector<16xf32>
        %add3A_1197 = arith.addf %add3A_845, %get3A_1196 : vector<16xf32>
        %add3A_1198 = arith.constant 1 : i32
        %add3A_1199 = arith.addi %mul3A_258, %add3A_1198 : i32
        %get3A_1200 = arith.constant 1 : i32
        %get3A_1201 = arith.constant 2 : i32
        %get3A_1202 = arith.index_cast %get3A_1200 : i32 to index
        %get3A_1203 = arith.index_cast %get3A_1201 : i32 to index
        %get3A_1204 = arith.index_cast %add3A_1199 : i32 to index
        %get3A_1205 = arith.constant 0 : index
        %get3A_1206 = tpu.vector_load %arg6[%get3A_1202, %get3A_1203, %get3A_1204, %get3A_1205] {strides = array<i32>} : memref<2x4x128x64xf32, #tpu.memory_space<vmem>>, vector<1x1x1x16xf32>,
        %get3A_1207 = vector.shape_cast %get3A_1206 : vector<1x1x1x16xf32> to vector<16xf32>
        %add3A_1208 = arith.addf %add3A_856, %get3A_1207 : vector<16xf32>
        %add3A_1209 = arith.constant 1 : i32
        %add3A_1210 = arith.addi %mul3A_258, %add3A_1209 : i32
        %get3A_1211 = arith.constant 1 : i32
        %get3A_1212 = arith.constant 2 : i32
        %get3A_1213 = arith.index_cast %get3A_1211 : i32 to index
        %get3A_1214 = arith.index_cast %get3A_1212 : i32 to index
        %get3A_1215 = arith.index_cast %add3A_1210 : i32 to index
        %get3A_1216 = arith.constant 16 : index
        %get3A_1217 = tpu.vector_load %arg6[%get3A_1213, %get3A_1214, %get3A_1215, %get3A_1216] {strides = array<i32>} : memref<2x4x128x64xf32, #tpu.memory_space<vmem>>, vector<1x1x1x16xf32>,
        %get3A_1218 = vector.shape_cast %get3A_1217 : vector<1x1x1x16xf32> to vector<16xf32>
        %add3A_1219 = arith.addf %add3A_867, %get3A_1218 : vector<16xf32>
        %add3A_1220 = arith.constant 1 : i32
        %add3A_1221 = arith.addi %mul3A_258, %add3A_1220 : i32
        %get3A_1222 = arith.constant 1 : i32
        %get3A_1223 = arith.constant 2 : i32
        %get3A_1224 = arith.index_cast %get3A_1222 : i32 to index
        %get3A_1225 = arith.index_cast %get3A_1223 : i32 to index
        %get3A_1226 = arith.index_cast %add3A_1221 : i32 to index
        %get3A_1227 = arith.constant 32 : index
        %get3A_1228 = tpu.vector_load %arg6[%get3A_1224, %get3A_1225, %get3A_1226, %get3A_1227] {strides = array<i32>} : memref<2x4x128x64xf32, #tpu.memory_space<vmem>>, vector<1x1x1x16xf32>,
        %get3A_1229 = vector.shape_cast %get3A_1228 : vector<1x1x1x16xf32> to vector<16xf32>
        %add3A_1230 = arith.addf %add3A_878, %get3A_1229 : vector<16xf32>
        %add3A_1231 = arith.constant 1 : i32
        %add3A_1232 = arith.addi %mul3A_258, %add3A_1231 : i32
        %get3A_1233 = arith.constant 1 : i32
        %get3A_1234 = arith.constant 2 : i32
        %get3A_1235 = arith.index_cast %get3A_1233 : i32 to index
        %get3A_1236 = arith.index_cast %get3A_1234 : i32 to index
        %get3A_1237 = arith.index_cast %add3A_1232 : i32 to index
        %get3A_1238 = arith.constant 48 : index
        %get3A_1239 = tpu.vector_load %arg6[%get3A_1235, %get3A_1236, %get3A_1237, %get3A_1238] {strides = array<i32>} : memref<2x4x128x64xf32, #tpu.memory_space<vmem>>, vector<1x1x1x16xf32>,
        %get3A_1240 = vector.shape_cast %get3A_1239 : vector<1x1x1x16xf32> to vector<16xf32>
        %add3A_1241 = arith.addf %add3A_889, %get3A_1240 : vector<16xf32>
        %add3A_1242 = arith.constant 2 : i32
        %add3A_1243 = arith.addi %mul3A_258, %add3A_1242 : i32
        %get3A_1244 = arith.constant 1 : i32
        %get3A_1245 = arith.constant 2 : i32
        %get3A_1246 = arith.index_cast %get3A_1244 : i32 to index
        %get3A_1247 = arith.index_cast %get3A_1245 : i32 to index
        %get3A_1248 = arith.index_cast %add3A_1243 : i32 to index
        %get3A_1249 = arith.constant 0 : index
        %get3A_1250 = tpu.vector_load %arg6[%get3A_1246, %get3A_1247, %get3A_1248, %get3A_1249] {strides = array<i32>} : memref<2x4x128x64xf32, #tpu.memory_space<vmem>>, vector<1x1x1x16xf32>,
        %get3A_1251 = vector.shape_cast %get3A_1250 : vector<1x1x1x16xf32> to vector<16xf32>
        %add3A_1252 = arith.addf %add3A_900, %get3A_1251 : vector<16xf32>
        %add3A_1253 = arith.constant 2 : i32
        %add3A_1254 = arith.addi %mul3A_258, %add3A_1253 : i32
        %get3A_1255 = arith.constant 1 : i32
        %get3A_1256 = arith.constant 2 : i32
        %get3A_1257 = arith.index_cast %get3A_1255 : i32 to index
        %get3A_1258 = arith.index_cast %get3A_1256 : i32 to index
        %get3A_1259 = arith.index_cast %add3A_1254 : i32 to index
        %get3A_1260 = arith.constant 16 : index
        %get3A_1261 = tpu.vector_load %arg6[%get3A_1257, %get3A_1258, %get3A_1259, %get3A_1260] {strides = array<i32>} : memref<2x4x128x64xf32, #tpu.memory_space<vmem>>, vector<1x1x1x16xf32>,
        %get3A_1262 = vector.shape_cast %get3A_1261 : vector<1x1x1x16xf32> to vector<16xf32>
        %add3A_1263 = arith.addf %add3A_911, %get3A_1262 : vector<16xf32>
        %add3A_1264 = arith.constant 2 : i32
        %add3A_1265 = arith.addi %mul3A_258, %add3A_1264 : i32
        %get3A_1266 = arith.constant 1 : i32
        %get3A_1267 = arith.constant 2 : i32
        %get3A_1268 = arith.index_cast %get3A_1266 : i32 to index
        %get3A_1269 = arith.index_cast %get3A_1267 : i32 to index
        %get3A_1270 = arith.index_cast %add3A_1265 : i32 to index
        %get3A_1271 = arith.constant 32 : index
        %get3A_1272 = tpu.vector_load %arg6[%get3A_1268, %get3A_1269, %get3A_1270, %get3A_1271] {strides = array<i32>} : memref<2x4x128x64xf32, #tpu.memory_space<vmem>>, vector<1x1x1x16xf32>,
        %get3A_1273 = vector.shape_cast %get3A_1272 : vector<1x1x1x16xf32> to vector<16xf32>
        %add3A_1274 = arith.addf %add3A_922, %get3A_1273 : vector<16xf32>
        %add3A_1275 = arith.constant 2 : i32
        %add3A_1276 = arith.addi %mul3A_258, %add3A_1275 : i32
        %get3A_1277 = arith.constant 1 : i32
        %get3A_1278 = arith.constant 2 : i32
        %get3A_1279 = arith.index_cast %get3A_1277 : i32 to index
        %get3A_1280 = arith.index_cast %get3A_1278 : i32 to index
        %get3A_1281 = arith.index_cast %add3A_1276 : i32 to index
        %get3A_1282 = arith.constant 48 : index
        %get3A_1283 = tpu.vector_load %arg6[%get3A_1279, %get3A_1280, %get3A_1281, %get3A_1282] {strides = array<i32>} : memref<2x4x128x64xf32, #tpu.memory_space<vmem>>, vector<1x1x1x16xf32>,
        %get3A_1284 = vector.shape_cast %get3A_1283 : vector<1x1x1x16xf32> to vector<16xf32>
        %add3A_1285 = arith.addf %add3A_933, %get3A_1284 : vector<16xf32>
        %add3A_1286 = arith.constant 3 : i32
        %add3A_1287 = arith.addi %mul3A_258, %add3A_1286 : i32
        %get3A_1288 = arith.constant 1 : i32
        %get3A_1289 = arith.constant 2 : i32
        %get3A_1290 = arith.index_cast %get3A_1288 : i32 to index
        %get3A_1291 = arith.index_cast %get3A_1289 : i32 to index
        %get3A_1292 = arith.index_cast %add3A_1287 : i32 to index
        %get3A_1293 = arith.constant 0 : index
        %get3A_1294 = tpu.vector_load %arg6[%get3A_1290, %get3A_1291, %get3A_1292, %get3A_1293] {strides = array<i32>} : memref<2x4x128x64xf32, #tpu.memory_space<vmem>>, vector<1x1x1x16xf32>,
        %get3A_1295 = vector.shape_cast %get3A_1294 : vector<1x1x1x16xf32> to vector<16xf32>
        %add3A_1296 = arith.addf %add3A_944, %get3A_1295 : vector<16xf32>
        %add3A_1297 = arith.constant 3 : i32
        %add3A_1298 = arith.addi %mul3A_258, %add3A_1297 : i32
        %get3A_1299 = arith.constant 1 : i32
        %get3A_1300 = arith.constant 2 : i32
        %get3A_1301 = arith.index_cast %get3A_1299 : i32 to index
        %get3A_1302 = arith.index_cast %get3A_1300 : i32 to index
        %get3A_1303 = arith.index_cast %add3A_1298 : i32 to index
        %get3A_1304 = arith.constant 16 : index
        %get3A_1305 = tpu.vector_load %arg6[%get3A_1301, %get3A_1302, %get3A_1303, %get3A_1304] {strides = array<i32>} : memref<2x4x128x64xf32, #tpu.memory_space<vmem>>, vector<1x1x1x16xf32>,
        %get3A_1306 = vector.shape_cast %get3A_1305 : vector<1x1x1x16xf32> to vector<16xf32>
        %add3A_1307 = arith.addf %add3A_955, %get3A_1306 : vector<16xf32>
        %add3A_1308 = arith.constant 3 : i32
        %add3A_1309 = arith.addi %mul3A_258, %add3A_1308 : i32
        %get3A_1310 = arith.constant 1 : i32
        %get3A_1311 = arith.constant 2 : i32
        %get3A_1312 = arith.index_cast %get3A_1310 : i32 to index
        %get3A_1313 = arith.index_cast %get3A_1311 : i32 to index
        %get3A_1314 = arith.index_cast %add3A_1309 : i32 to index
        %get3A_1315 = arith.constant 32 : index
        %get3A_1316 = tpu.vector_load %arg6[%get3A_1312, %get3A_1313, %get3A_1314, %get3A_1315] {strides = array<i32>} : memref<2x4x128x64xf32, #tpu.memory_space<vmem>>, vector<1x1x1x16xf32>,
        %get3A_1317 = vector.shape_cast %get3A_1316 : vector<1x1x1x16xf32> to vector<16xf32>
        %add3A_1318 = arith.addf %add3A_966, %get3A_1317 : vector<16xf32>
        %add3A_1319 = arith.constant 3 : i32
        %add3A_1320 = arith.addi %mul3A_258, %add3A_1319 : i32
        %get3A_1321 = arith.constant 1 : i32
        %get3A_1322 = arith.constant 2 : i32
        %get3A_1323 = arith.index_cast %get3A_1321 : i32 to index
        %get3A_1324 = arith.index_cast %get3A_1322 : i32 to index
        %get3A_1325 = arith.index_cast %add3A_1320 : i32 to index
        %get3A_1326 = arith.constant 48 : index
        %get3A_1327 = tpu.vector_load %arg6[%get3A_1323, %get3A_1324, %get3A_1325, %get3A_1326] {strides = array<i32>} : memref<2x4x128x64xf32, #tpu.memory_space<vmem>>, vector<1x1x1x16xf32>,
        %get3A_1328 = vector.shape_cast %get3A_1327 : vector<1x1x1x16xf32> to vector<16xf32>
        %add3A_1329 = arith.addf %add3A_977, %get3A_1328 : vector<16xf32>
        %add3A_1330 = arith.constant 4 : i32
        %add3A_1331 = arith.addi %mul3A_258, %add3A_1330 : i32
        %get3A_1332 = arith.constant 1 : i32
        %get3A_1333 = arith.constant 2 : i32
        %get3A_1334 = arith.index_cast %get3A_1332 : i32 to index
        %get3A_1335 = arith.index_cast %get3A_1333 : i32 to index
        %get3A_1336 = arith.index_cast %add3A_1331 : i32 to index
        %get3A_1337 = arith.constant 0 : index
        %get3A_1338 = tpu.vector_load %arg6[%get3A_1334, %get3A_1335, %get3A_1336, %get3A_1337] {strides = array<i32>} : memref<2x4x128x64xf32, #tpu.memory_space<vmem>>, vector<1x1x1x16xf32>,
        %get3A_1339 = vector.shape_cast %get3A_1338 : vector<1x1x1x16xf32> to vector<16xf32>
        %add3A_1340 = arith.addf %add3A_988, %get3A_1339 : vector<16xf32>
        %add3A_1341 = arith.constant 4 : i32
        %add3A_1342 = arith.addi %mul3A_258, %add3A_1341 : i32
        %get3A_1343 = arith.constant 1 : i32
        %get3A_1344 = arith.constant 2 : i32
        %get3A_1345 = arith.index_cast %get3A_1343 : i32 to index
        %get3A_1346 = arith.index_cast %get3A_1344 : i32 to index
        %get3A_1347 = arith.index_cast %add3A_1342 : i32 to index
        %get3A_1348 = arith.constant 16 : index
        %get3A_1349 = tpu.vector_load %arg6[%get3A_1345, %get3A_1346, %get3A_1347, %get3A_1348] {strides = array<i32>} : memref<2x4x128x64xf32, #tpu.memory_space<vmem>>, vector<1x1x1x16xf32>,
        %get3A_1350 = vector.shape_cast %get3A_1349 : vector<1x1x1x16xf32> to vector<16xf32>
        %add3A_1351 = arith.addf %add3A_999, %get3A_1350 : vector<16xf32>
        %add3A_1352 = arith.constant 4 : i32
        %add3A_1353 = arith.addi %mul3A_258, %add3A_1352 : i32
        %get3A_1354 = arith.constant 1 : i32
        %get3A_1355 = arith.constant 2 : i32
        %get3A_1356 = arith.index_cast %get3A_1354 : i32 to index
        %get3A_1357 = arith.index_cast %get3A_1355 : i32 to index
        %get3A_1358 = arith.index_cast %add3A_1353 : i32 to index
        %get3A_1359 = arith.constant 32 : index
        %get3A_1360 = tpu.vector_load %arg6[%get3A_1356, %get3A_1357, %get3A_1358, %get3A_1359] {strides = array<i32>} : memref<2x4x128x64xf32, #tpu.memory_space<vmem>>, vector<1x1x1x16xf32>,
        %get3A_1361 = vector.shape_cast %get3A_1360 : vector<1x1x1x16xf32> to vector<16xf32>
        %add3A_1362 = arith.addf %add3A_1010, %get3A_1361 : vector<16xf32>
        %add3A_1363 = arith.constant 4 : i32
        %add3A_1364 = arith.addi %mul3A_258, %add3A_1363 : i32
        %get3A_1365 = arith.constant 1 : i32
        %get3A_1366 = arith.constant 2 : i32
        %get3A_1367 = arith.index_cast %get3A_1365 : i32 to index
        %get3A_1368 = arith.index_cast %get3A_1366 : i32 to index
        %get3A_1369 = arith.index_cast %add3A_1364 : i32 to index
        %get3A_1370 = arith.constant 48 : index
        %get3A_1371 = tpu.vector_load %arg6[%get3A_1367, %get3A_1368, %get3A_1369, %get3A_1370] {strides = array<i32>} : memref<2x4x128x64xf32, #tpu.memory_space<vmem>>, vector<1x1x1x16xf32>,
        %get3A_1372 = vector.shape_cast %get3A_1371 : vector<1x1x1x16xf32> to vector<16xf32>
        %add3A_1373 = arith.addf %add3A_1021, %get3A_1372 : vector<16xf32>
        %add3A_1374 = arith.constant 5 : i32
        %add3A_1375 = arith.addi %mul3A_258, %add3A_1374 : i32
        %get3A_1376 = arith.constant 1 : i32
        %get3A_1377 = arith.constant 2 : i32
        %get3A_1378 = arith.index_cast %get3A_1376 : i32 to index
        %get3A_1379 = arith.index_cast %get3A_1377 : i32 to index
        %get3A_1380 = arith.index_cast %add3A_1375 : i32 to index
        %get3A_1381 = arith.constant 0 : index
        %get3A_1382 = tpu.vector_load %arg6[%get3A_1378, %get3A_1379, %get3A_1380, %get3A_1381] {strides = array<i32>} : memref<2x4x128x64xf32, #tpu.memory_space<vmem>>, vector<1x1x1x16xf32>,
        %get3A_1383 = vector.shape_cast %get3A_1382 : vector<1x1x1x16xf32> to vector<16xf32>
        %add3A_1384 = arith.addf %add3A_1032, %get3A_1383 : vector<16xf32>
        %add3A_1385 = arith.constant 5 : i32
        %add3A_1386 = arith.addi %mul3A_258, %add3A_1385 : i32
        %get3A_1387 = arith.constant 1 : i32
        %get3A_1388 = arith.constant 2 : i32
        %get3A_1389 = arith.index_cast %get3A_1387 : i32 to index
        %get3A_1390 = arith.index_cast %get3A_1388 : i32 to index
        %get3A_1391 = arith.index_cast %add3A_1386 : i32 to index
        %get3A_1392 = arith.constant 16 : index
        %get3A_1393 = tpu.vector_load %arg6[%get3A_1389, %get3A_1390, %get3A_1391, %get3A_1392] {strides = array<i32>} : memref<2x4x128x64xf32, #tpu.memory_space<vmem>>, vector<1x1x1x16xf32>,
        %get3A_1394 = vector.shape_cast %get3A_1393 : vector<1x1x1x16xf32> to vector<16xf32>
        %add3A_1395 = arith.addf %add3A_1043, %get3A_1394 : vector<16xf32>
        %add3A_1396 = arith.constant 5 : i32
        %add3A_1397 = arith.addi %mul3A_258, %add3A_1396 : i32
        %get3A_1398 = arith.constant 1 : i32
        %get3A_1399 = arith.constant 2 : i32
        %get3A_1400 = arith.index_cast %get3A_1398 : i32 to index
        %get3A_1401 = arith.index_cast %get3A_1399 : i32 to index
        %get3A_1402 = arith.index_cast %add3A_1397 : i32 to index
        %get3A_1403 = arith.constant 32 : index
        %get3A_1404 = tpu.vector_load %arg6[%get3A_1400, %get3A_1401, %get3A_1402, %get3A_1403] {strides = array<i32>} : memref<2x4x128x64xf32, #tpu.memory_space<vmem>>, vector<1x1x1x16xf32>,
        %get3A_1405 = vector.shape_cast %get3A_1404 : vector<1x1x1x16xf32> to vector<16xf32>
        %add3A_1406 = arith.addf %add3A_1054, %get3A_1405 : vector<16xf32>
        %add3A_1407 = arith.constant 5 : i32
        %add3A_1408 = arith.addi %mul3A_258, %add3A_1407 : i32
        %get3A_1409 = arith.constant 1 : i32
        %get3A_1410 = arith.constant 2 : i32
        %get3A_1411 = arith.index_cast %get3A_1409 : i32 to index
        %get3A_1412 = arith.index_cast %get3A_1410 : i32 to index
        %get3A_1413 = arith.index_cast %add3A_1408 : i32 to index
        %get3A_1414 = arith.constant 48 : index
        %get3A_1415 = tpu.vector_load %arg6[%get3A_1411, %get3A_1412, %get3A_1413, %get3A_1414] {strides = array<i32>} : memref<2x4x128x64xf32, #tpu.memory_space<vmem>>, vector<1x1x1x16xf32>,
        %get3A_1416 = vector.shape_cast %get3A_1415 : vector<1x1x1x16xf32> to vector<16xf32>
        %add3A_1417 = arith.addf %add3A_1065, %get3A_1416 : vector<16xf32>
        %add3A_1418 = arith.constant 6 : i32
        %add3A_1419 = arith.addi %mul3A_258, %add3A_1418 : i32
        %get3A_1420 = arith.constant 1 : i32
        %get3A_1421 = arith.constant 2 : i32
        %get3A_1422 = arith.index_cast %get3A_1420 : i32 to index
        %get3A_1423 = arith.index_cast %get3A_1421 : i32 to index
        %get3A_1424 = arith.index_cast %add3A_1419 : i32 to index
        %get3A_1425 = arith.constant 0 : index
        %get3A_1426 = tpu.vector_load %arg6[%get3A_1422, %get3A_1423, %get3A_1424, %get3A_1425] {strides = array<i32>} : memref<2x4x128x64xf32, #tpu.memory_space<vmem>>, vector<1x1x1x16xf32>,
        %get3A_1427 = vector.shape_cast %get3A_1426 : vector<1x1x1x16xf32> to vector<16xf32>
        %add3A_1428 = arith.addf %add3A_1076, %get3A_1427 : vector<16xf32>
        %add3A_1429 = arith.constant 6 : i32
        %add3A_1430 = arith.addi %mul3A_258, %add3A_1429 : i32
        %get3A_1431 = arith.constant 1 : i32
        %get3A_1432 = arith.constant 2 : i32
        %get3A_1433 = arith.index_cast %get3A_1431 : i32 to index
        %get3A_1434 = arith.index_cast %get3A_1432 : i32 to index
        %get3A_1435 = arith.index_cast %add3A_1430 : i32 to index
        %get3A_1436 = arith.constant 16 : index
        %get3A_1437 = tpu.vector_load %arg6[%get3A_1433, %get3A_1434, %get3A_1435, %get3A_1436] {strides = array<i32>} : memref<2x4x128x64xf32, #tpu.memory_space<vmem>>, vector<1x1x1x16xf32>,
        %get3A_1438 = vector.shape_cast %get3A_1437 : vector<1x1x1x16xf32> to vector<16xf32>
        %add3A_1439 = arith.addf %add3A_1087, %get3A_1438 : vector<16xf32>
        %add3A_1440 = arith.constant 6 : i32
        %add3A_1441 = arith.addi %mul3A_258, %add3A_1440 : i32
        %get3A_1442 = arith.constant 1 : i32
        %get3A_1443 = arith.constant 2 : i32
        %get3A_1444 = arith.index_cast %get3A_1442 : i32 to index
        %get3A_1445 = arith.index_cast %get3A_1443 : i32 to index
        %get3A_1446 = arith.index_cast %add3A_1441 : i32 to index
        %get3A_1447 = arith.constant 32 : index
        %get3A_1448 = tpu.vector_load %arg6[%get3A_1444, %get3A_1445, %get3A_1446, %get3A_1447] {strides = array<i32>} : memref<2x4x128x64xf32, #tpu.memory_space<vmem>>, vector<1x1x1x16xf32>,
        %get3A_1449 = vector.shape_cast %get3A_1448 : vector<1x1x1x16xf32> to vector<16xf32>
        %add3A_1450 = arith.addf %add3A_1098, %get3A_1449 : vector<16xf32>
        %add3A_1451 = arith.constant 6 : i32
        %add3A_1452 = arith.addi %mul3A_258, %add3A_1451 : i32
        %get3A_1453 = arith.constant 1 : i32
        %get3A_1454 = arith.constant 2 : i32
        %get3A_1455 = arith.index_cast %get3A_1453 : i32 to index
        %get3A_1456 = arith.index_cast %get3A_1454 : i32 to index
        %get3A_1457 = arith.index_cast %add3A_1452 : i32 to index
        %get3A_1458 = arith.constant 48 : index
        %get3A_1459 = tpu.vector_load %arg6[%get3A_1455, %get3A_1456, %get3A_1457, %get3A_1458] {strides = array<i32>} : memref<2x4x128x64xf32, #tpu.memory_space<vmem>>, vector<1x1x1x16xf32>,
        %get3A_1460 = vector.shape_cast %get3A_1459 : vector<1x1x1x16xf32> to vector<16xf32>
        %add3A_1461 = arith.addf %add3A_1109, %get3A_1460 : vector<16xf32>
        %add3A_1462 = arith.constant 7 : i32
        %add3A_1463 = arith.addi %mul3A_258, %add3A_1462 : i32
        %get3A_1464 = arith.constant 1 : i32
        %get3A_1465 = arith.constant 2 : i32
        %get3A_1466 = arith.index_cast %get3A_1464 : i32 to index
        %get3A_1467 = arith.index_cast %get3A_1465 : i32 to index
        %get3A_1468 = arith.index_cast %add3A_1463 : i32 to index
        %get3A_1469 = arith.constant 0 : index
        %get3A_1470 = tpu.vector_load %arg6[%get3A_1466, %get3A_1467, %get3A_1468, %get3A_1469] {strides = array<i32>} : memref<2x4x128x64xf32, #tpu.memory_space<vmem>>, vector<1x1x1x16xf32>,
        %get3A_1471 = vector.shape_cast %get3A_1470 : vector<1x1x1x16xf32> to vector<16xf32>
        %add3A_1472 = arith.addf %add3A_1120, %get3A_1471 : vector<16xf32>
        %add3A_1473 = arith.constant 7 : i32
        %add3A_1474 = arith.addi %mul3A_258, %add3A_1473 : i32
        %get3A_1475 = arith.constant 1 : i32
        %get3A_1476 = arith.constant 2 : i32
        %get3A_1477 = arith.index_cast %get3A_1475 : i32 to index
        %get3A_1478 = arith.index_cast %get3A_1476 : i32 to index
        %get3A_1479 = arith.index_cast %add3A_1474 : i32 to index
        %get3A_1480 = arith.constant 16 : index
        %get3A_1481 = tpu.vector_load %arg6[%get3A_1477, %get3A_1478, %get3A_1479, %get3A_1480] {strides = array<i32>} : memref<2x4x128x64xf32, #tpu.memory_space<vmem>>, vector<1x1x1x16xf32>,
        %get3A_1482 = vector.shape_cast %get3A_1481 : vector<1x1x1x16xf32> to vector<16xf32>
        %add3A_1483 = arith.addf %add3A_1131, %get3A_1482 : vector<16xf32>
        %add3A_1484 = arith.constant 7 : i32
        %add3A_1485 = arith.addi %mul3A_258, %add3A_1484 : i32
        %get3A_1486 = arith.constant 1 : i32
        %get3A_1487 = arith.constant 2 : i32
        %get3A_1488 = arith.index_cast %get3A_1486 : i32 to index
        %get3A_1489 = arith.index_cast %get3A_1487 : i32 to index
        %get3A_1490 = arith.index_cast %add3A_1485 : i32 to index
        %get3A_1491 = arith.constant 32 : index
        %get3A_1492 = tpu.vector_load %arg6[%get3A_1488, %get3A_1489, %get3A_1490, %get3A_1491] {strides = array<i32>} : memref<2x4x128x64xf32, #tpu.memory_space<vmem>>, vector<1x1x1x16xf32>,
        %get3A_1493 = vector.shape_cast %get3A_1492 : vector<1x1x1x16xf32> to vector<16xf32>
        %add3A_1494 = arith.addf %add3A_1142, %get3A_1493 : vector<16xf32>
        %add3A_1495 = arith.constant 7 : i32
        %add3A_1496 = arith.addi %mul3A_258, %add3A_1495 : i32
        %get3A_1497 = arith.constant 1 : i32
        %get3A_1498 = arith.constant 2 : i32
        %get3A_1499 = arith.index_cast %get3A_1497 : i32 to index
        %get3A_1500 = arith.index_cast %get3A_1498 : i32 to index
        %get3A_1501 = arith.index_cast %add3A_1496 : i32 to index
        %get3A_1502 = arith.constant 48 : index
        %get3A_1503 = tpu.vector_load %arg6[%get3A_1499, %get3A_1500, %get3A_1501, %get3A_1502] {strides = array<i32>} : memref<2x4x128x64xf32, #tpu.memory_space<vmem>>, vector<1x1x1x16xf32>,
        %get3A_1504 = vector.shape_cast %get3A_1503 : vector<1x1x1x16xf32> to vector<16xf32>
        %add3A_1505 = arith.addf %add3A_1153, %get3A_1504 : vector<16xf32>
        %add3A_1506 = arith.constant 0 : i32
        %add3A_1507 = arith.addi %mul3A_258, %add3A_1506 : i32
        %get3A_1508 = arith.constant 1 : i32
        %get3A_1509 = arith.constant 3 : i32
        %get3A_1510 = arith.index_cast %get3A_1508 : i32 to index
        %get3A_1511 = arith.index_cast %get3A_1509 : i32 to index
        %get3A_1512 = arith.index_cast %add3A_1507 : i32 to index
        %get3A_1513 = arith.constant 0 : index
        %get3A_1514 = tpu.vector_load %arg6[%get3A_1510, %get3A_1511, %get3A_1512, %get3A_1513] {strides = array<i32>} : memref<2x4x128x64xf32, #tpu.memory_space<vmem>>, vector<1x1x1x16xf32>,
        %get3A_1515 = vector.shape_cast %get3A_1514 : vector<1x1x1x16xf32> to vector<16xf32>
        %add3A_1516 = arith.addf %add3A_1164, %get3A_1515 : vector<16xf32>
        %add3A_1517 = arith.constant 0 : i32
        %add3A_1518 = arith.addi %mul3A_258, %add3A_1517 : i32
        %get3A_1519 = arith.constant 1 : i32
        %get3A_1520 = arith.constant 3 : i32
        %get3A_1521 = arith.index_cast %get3A_1519 : i32 to index
        %get3A_1522 = arith.index_cast %get3A_1520 : i32 to index
        %get3A_1523 = arith.index_cast %add3A_1518 : i32 to index
        %get3A_1524 = arith.constant 16 : index
        %get3A_1525 = tpu.vector_load %arg6[%get3A_1521, %get3A_1522, %get3A_1523, %get3A_1524] {strides = array<i32>} : memref<2x4x128x64xf32, #tpu.memory_space<vmem>>, vector<1x1x1x16xf32>,
        %get3A_1526 = vector.shape_cast %get3A_1525 : vector<1x1x1x16xf32> to vector<16xf32>
        %add3A_1527 = arith.addf %add3A_1175, %get3A_1526 : vector<16xf32>
        %add3A_1528 = arith.constant 0 : i32
        %add3A_1529 = arith.addi %mul3A_258, %add3A_1528 : i32
        %get3A_1530 = arith.constant 1 : i32
        %get3A_1531 = arith.constant 3 : i32
        %get3A_1532 = arith.index_cast %get3A_1530 : i32 to index
        %get3A_1533 = arith.index_cast %get3A_1531 : i32 to index
        %get3A_1534 = arith.index_cast %add3A_1529 : i32 to index
        %get3A_1535 = arith.constant 32 : index
        %get3A_1536 = tpu.vector_load %arg6[%get3A_1532, %get3A_1533, %get3A_1534, %get3A_1535] {strides = array<i32>} : memref<2x4x128x64xf32, #tpu.memory_space<vmem>>, vector<1x1x1x16xf32>,
        %get3A_1537 = vector.shape_cast %get3A_1536 : vector<1x1x1x16xf32> to vector<16xf32>
        %add3A_1538 = arith.addf %add3A_1186, %get3A_1537 : vector<16xf32>
        %add3A_1539 = arith.constant 0 : i32
        %add3A_1540 = arith.addi %mul3A_258, %add3A_1539 : i32
        %get3A_1541 = arith.constant 1 : i32
        %get3A_1542 = arith.constant 3 : i32
        %get3A_1543 = arith.index_cast %get3A_1541 : i32 to index
        %get3A_1544 = arith.index_cast %get3A_1542 : i32 to index
        %get3A_1545 = arith.index_cast %add3A_1540 : i32 to index
        %get3A_1546 = arith.constant 48 : index
        %get3A_1547 = tpu.vector_load %arg6[%get3A_1543, %get3A_1544, %get3A_1545, %get3A_1546] {strides = array<i32>} : memref<2x4x128x64xf32, #tpu.memory_space<vmem>>, vector<1x1x1x16xf32>,
        %get3A_1548 = vector.shape_cast %get3A_1547 : vector<1x1x1x16xf32> to vector<16xf32>
        %add3A_1549 = arith.addf %add3A_1197, %get3A_1548 : vector<16xf32>
        %add3A_1550 = arith.constant 1 : i32
        %add3A_1551 = arith.addi %mul3A_258, %add3A_1550 : i32
        %get3A_1552 = arith.constant 1 : i32
        %get3A_1553 = arith.constant 3 : i32
        %get3A_1554 = arith.index_cast %get3A_1552 : i32 to index
        %get3A_1555 = arith.index_cast %get3A_1553 : i32 to index
        %get3A_1556 = arith.index_cast %add3A_1551 : i32 to index
        %get3A_1557 = arith.constant 0 : index
        %get3A_1558 = tpu.vector_load %arg6[%get3A_1554, %get3A_1555, %get3A_1556, %get3A_1557] {strides = array<i32>} : memref<2x4x128x64xf32, #tpu.memory_space<vmem>>, vector<1x1x1x16xf32>,
        %get3A_1559 = vector.shape_cast %get3A_1558 : vector<1x1x1x16xf32> to vector<16xf32>
        %add3A_1560 = arith.addf %add3A_1208, %get3A_1559 : vector<16xf32>
        %add3A_1561 = arith.constant 1 : i32
        %add3A_1562 = arith.addi %mul3A_258, %add3A_1561 : i32
        %get3A_1563 = arith.constant 1 : i32
        %get3A_1564 = arith.constant 3 : i32
        %get3A_1565 = arith.index_cast %get3A_1563 : i32 to index
        %get3A_1566 = arith.index_cast %get3A_1564 : i32 to index
        %get3A_1567 = arith.index_cast %add3A_1562 : i32 to index
        %get3A_1568 = arith.constant 16 : index
        %get3A_1569 = tpu.vector_load %arg6[%get3A_1565, %get3A_1566, %get3A_1567, %get3A_1568] {strides = array<i32>} : memref<2x4x128x64xf32, #tpu.memory_space<vmem>>, vector<1x1x1x16xf32>,
        %get3A_1570 = vector.shape_cast %get3A_1569 : vector<1x1x1x16xf32> to vector<16xf32>
        %add3A_1571 = arith.addf %add3A_1219, %get3A_1570 : vector<16xf32>
        %add3A_1572 = arith.constant 1 : i32
        %add3A_1573 = arith.addi %mul3A_258, %add3A_1572 : i32
        %get3A_1574 = arith.constant 1 : i32
        %get3A_1575 = arith.constant 3 : i32
        %get3A_1576 = arith.index_cast %get3A_1574 : i32 to index
        %get3A_1577 = arith.index_cast %get3A_1575 : i32 to index
        %get3A_1578 = arith.index_cast %add3A_1573 : i32 to index
        %get3A_1579 = arith.constant 32 : index
        %get3A_1580 = tpu.vector_load %arg6[%get3A_1576, %get3A_1577, %get3A_1578, %get3A_1579] {strides = array<i32>} : memref<2x4x128x64xf32, #tpu.memory_space<vmem>>, vector<1x1x1x16xf32>,
        %get3A_1581 = vector.shape_cast %get3A_1580 : vector<1x1x1x16xf32> to vector<16xf32>
        %add3A_1582 = arith.addf %add3A_1230, %get3A_1581 : vector<16xf32>
        %add3A_1583 = arith.constant 1 : i32
        %add3A_1584 = arith.addi %mul3A_258, %add3A_1583 : i32
        %get3A_1585 = arith.constant 1 : i32
        %get3A_1586 = arith.constant 3 : i32
        %get3A_1587 = arith.index_cast %get3A_1585 : i32 to index
        %get3A_1588 = arith.index_cast %get3A_1586 : i32 to index
        %get3A_1589 = arith.index_cast %add3A_1584 : i32 to index
        %get3A_1590 = arith.constant 48 : index
        %get3A_1591 = tpu.vector_load %arg6[%get3A_1587, %get3A_1588, %get3A_1589, %get3A_1590] {strides = array<i32>} : memref<2x4x128x64xf32, #tpu.memory_space<vmem>>, vector<1x1x1x16xf32>,
        %get3A_1592 = vector.shape_cast %get3A_1591 : vector<1x1x1x16xf32> to vector<16xf32>
        %add3A_1593 = arith.addf %add3A_1241, %get3A_1592 : vector<16xf32>
        %add3A_1594 = arith.constant 2 : i32
        %add3A_1595 = arith.addi %mul3A_258, %add3A_1594 : i32
        %get3A_1596 = arith.constant 1 : i32
        %get3A_1597 = arith.constant 3 : i32
        %get3A_1598 = arith.index_cast %get3A_1596 : i32 to index
        %get3A_1599 = arith.index_cast %get3A_1597 : i32 to index
        %get3A_1600 = arith.index_cast %add3A_1595 : i32 to index
        %get3A_1601 = arith.constant 0 : index
        %get3A_1602 = tpu.vector_load %arg6[%get3A_1598, %get3A_1599, %get3A_1600, %get3A_1601] {strides = array<i32>} : memref<2x4x128x64xf32, #tpu.memory_space<vmem>>, vector<1x1x1x16xf32>,
        %get3A_1603 = vector.shape_cast %get3A_1602 : vector<1x1x1x16xf32> to vector<16xf32>
        %add3A_1604 = arith.addf %add3A_1252, %get3A_1603 : vector<16xf32>
        %add3A_1605 = arith.constant 2 : i32
        %add3A_1606 = arith.addi %mul3A_258, %add3A_1605 : i32
        %get3A_1607 = arith.constant 1 : i32
        %get3A_1608 = arith.constant 3 : i32
        %get3A_1609 = arith.index_cast %get3A_1607 : i32 to index
        %get3A_1610 = arith.index_cast %get3A_1608 : i32 to index
        %get3A_1611 = arith.index_cast %add3A_1606 : i32 to index
        %get3A_1612 = arith.constant 16 : index
        %get3A_1613 = tpu.vector_load %arg6[%get3A_1609, %get3A_1610, %get3A_1611, %get3A_1612] {strides = array<i32>} : memref<2x4x128x64xf32, #tpu.memory_space<vmem>>, vector<1x1x1x16xf32>,
        %get3A_1614 = vector.shape_cast %get3A_1613 : vector<1x1x1x16xf32> to vector<16xf32>
        %add3A_1615 = arith.addf %add3A_1263, %get3A_1614 : vector<16xf32>
        %add3A_1616 = arith.constant 2 : i32
        %add3A_1617 = arith.addi %mul3A_258, %add3A_1616 : i32
        %get3A_1618 = arith.constant 1 : i32
        %get3A_1619 = arith.constant 3 : i32
        %get3A_1620 = arith.index_cast %get3A_1618 : i32 to index
        %get3A_1621 = arith.index_cast %get3A_1619 : i32 to index
        %get3A_1622 = arith.index_cast %add3A_1617 : i32 to index
        %get3A_1623 = arith.constant 32 : index
        %get3A_1624 = tpu.vector_load %arg6[%get3A_1620, %get3A_1621, %get3A_1622, %get3A_1623] {strides = array<i32>} : memref<2x4x128x64xf32, #tpu.memory_space<vmem>>, vector<1x1x1x16xf32>,
        %get3A_1625 = vector.shape_cast %get3A_1624 : vector<1x1x1x16xf32> to vector<16xf32>
        %add3A_1626 = arith.addf %add3A_1274, %get3A_1625 : vector<16xf32>
        %add3A_1627 = arith.constant 2 : i32
        %add3A_1628 = arith.addi %mul3A_258, %add3A_1627 : i32
        %get3A_1629 = arith.constant 1 : i32
        %get3A_1630 = arith.constant 3 : i32
        %get3A_1631 = arith.index_cast %get3A_1629 : i32 to index
        %get3A_1632 = arith.index_cast %get3A_1630 : i32 to index
        %get3A_1633 = arith.index_cast %add3A_1628 : i32 to index
        %get3A_1634 = arith.constant 48 : index
        %get3A_1635 = tpu.vector_load %arg6[%get3A_1631, %get3A_1632, %get3A_1633, %get3A_1634] {strides = array<i32>} : memref<2x4x128x64xf32, #tpu.memory_space<vmem>>, vector<1x1x1x16xf32>,
        %get3A_1636 = vector.shape_cast %get3A_1635 : vector<1x1x1x16xf32> to vector<16xf32>
        %add3A_1637 = arith.addf %add3A_1285, %get3A_1636 : vector<16xf32>
        %add3A_1638 = arith.constant 3 : i32
        %add3A_1639 = arith.addi %mul3A_258, %add3A_1638 : i32
        %get3A_1640 = arith.constant 1 : i32
        %get3A_1641 = arith.constant 3 : i32
        %get3A_1642 = arith.index_cast %get3A_1640 : i32 to index
        %get3A_1643 = arith.index_cast %get3A_1641 : i32 to index
        %get3A_1644 = arith.index_cast %add3A_1639 : i32 to index
        %get3A_1645 = arith.constant 0 : index
        %get3A_1646 = tpu.vector_load %arg6[%get3A_1642, %get3A_1643, %get3A_1644, %get3A_1645] {strides = array<i32>} : memref<2x4x128x64xf32, #tpu.memory_space<vmem>>, vector<1x1x1x16xf32>,
        %get3A_1647 = vector.shape_cast %get3A_1646 : vector<1x1x1x16xf32> to vector<16xf32>
        %add3A_1648 = arith.addf %add3A_1296, %get3A_1647 : vector<16xf32>
        %add3A_1649 = arith.constant 3 : i32
        %add3A_1650 = arith.addi %mul3A_258, %add3A_1649 : i32
        %get3A_1651 = arith.constant 1 : i32
        %get3A_1652 = arith.constant 3 : i32
        %get3A_1653 = arith.index_cast %get3A_1651 : i32 to index
        %get3A_1654 = arith.index_cast %get3A_1652 : i32 to index
        %get3A_1655 = arith.index_cast %add3A_1650 : i32 to index
        %get3A_1656 = arith.constant 16 : index
        %get3A_1657 = tpu.vector_load %arg6[%get3A_1653, %get3A_1654, %get3A_1655, %get3A_1656] {strides = array<i32>} : memref<2x4x128x64xf32, #tpu.memory_space<vmem>>, vector<1x1x1x16xf32>,
        %get3A_1658 = vector.shape_cast %get3A_1657 : vector<1x1x1x16xf32> to vector<16xf32>
        %add3A_1659 = arith.addf %add3A_1307, %get3A_1658 : vector<16xf32>
        %add3A_1660 = arith.constant 3 : i32
        %add3A_1661 = arith.addi %mul3A_258, %add3A_1660 : i32
        %get3A_1662 = arith.constant 1 : i32
        %get3A_1663 = arith.constant 3 : i32
        %get3A_1664 = arith.index_cast %get3A_1662 : i32 to index
        %get3A_1665 = arith.index_cast %get3A_1663 : i32 to index
        %get3A_1666 = arith.index_cast %add3A_1661 : i32 to index
        %get3A_1667 = arith.constant 32 : index
        %get3A_1668 = tpu.vector_load %arg6[%get3A_1664, %get3A_1665, %get3A_1666, %get3A_1667] {strides = array<i32>} : memref<2x4x128x64xf32, #tpu.memory_space<vmem>>, vector<1x1x1x16xf32>,
        %get3A_1669 = vector.shape_cast %get3A_1668 : vector<1x1x1x16xf32> to vector<16xf32>
        %add3A_1670 = arith.addf %add3A_1318, %get3A_1669 : vector<16xf32>
        %add3A_1671 = arith.constant 3 : i32
        %add3A_1672 = arith.addi %mul3A_258, %add3A_1671 : i32
        %get3A_1673 = arith.constant 1 : i32
        %get3A_1674 = arith.constant 3 : i32
        %get3A_1675 = arith.index_cast %get3A_1673 : i32 to index
        %get3A_1676 = arith.index_cast %get3A_1674 : i32 to index
        %get3A_1677 = arith.index_cast %add3A_1672 : i32 to index
        %get3A_1678 = arith.constant 48 : index
        %get3A_1679 = tpu.vector_load %arg6[%get3A_1675, %get3A_1676, %get3A_1677, %get3A_1678] {strides = array<i32>} : memref<2x4x128x64xf32, #tpu.memory_space<vmem>>, vector<1x1x1x16xf32>,
        %get3A_1680 = vector.shape_cast %get3A_1679 : vector<1x1x1x16xf32> to vector<16xf32>
        %add3A_1681 = arith.addf %add3A_1329, %get3A_1680 : vector<16xf32>
        %add3A_1682 = arith.constant 4 : i32
        %add3A_1683 = arith.addi %mul3A_258, %add3A_1682 : i32
        %get3A_1684 = arith.constant 1 : i32
        %get3A_1685 = arith.constant 3 : i32
        %get3A_1686 = arith.index_cast %get3A_1684 : i32 to index
        %get3A_1687 = arith.index_cast %get3A_1685 : i32 to index
        %get3A_1688 = arith.index_cast %add3A_1683 : i32 to index
        %get3A_1689 = arith.constant 0 : index
        %get3A_1690 = tpu.vector_load %arg6[%get3A_1686, %get3A_1687, %get3A_1688, %get3A_1689] {strides = array<i32>} : memref<2x4x128x64xf32, #tpu.memory_space<vmem>>, vector<1x1x1x16xf32>,
        %get3A_1691 = vector.shape_cast %get3A_1690 : vector<1x1x1x16xf32> to vector<16xf32>
        %add3A_1692 = arith.addf %add3A_1340, %get3A_1691 : vector<16xf32>
        %add3A_1693 = arith.constant 4 : i32
        %add3A_1694 = arith.addi %mul3A_258, %add3A_1693 : i32
        %get3A_1695 = arith.constant 1 : i32
        %get3A_1696 = arith.constant 3 : i32
        %get3A_1697 = arith.index_cast %get3A_1695 : i32 to index
        %get3A_1698 = arith.index_cast %get3A_1696 : i32 to index
        %get3A_1699 = arith.index_cast %add3A_1694 : i32 to index
        %get3A_1700 = arith.constant 16 : index
        %get3A_1701 = tpu.vector_load %arg6[%get3A_1697, %get3A_1698, %get3A_1699, %get3A_1700] {strides = array<i32>} : memref<2x4x128x64xf32, #tpu.memory_space<vmem>>, vector<1x1x1x16xf32>,
        %get3A_1702 = vector.shape_cast %get3A_1701 : vector<1x1x1x16xf32> to vector<16xf32>
        %add3A_1703 = arith.addf %add3A_1351, %get3A_1702 : vector<16xf32>
        %add3A_1704 = arith.constant 4 : i32
        %add3A_1705 = arith.addi %mul3A_258, %add3A_1704 : i32
        %get3A_1706 = arith.constant 1 : i32
        %get3A_1707 = arith.constant 3 : i32
        %get3A_1708 = arith.index_cast %get3A_1706 : i32 to index
        %get3A_1709 = arith.index_cast %get3A_1707 : i32 to index
        %get3A_1710 = arith.index_cast %add3A_1705 : i32 to index
        %get3A_1711 = arith.constant 32 : index
        %get3A_1712 = tpu.vector_load %arg6[%get3A_1708, %get3A_1709, %get3A_1710, %get3A_1711] {strides = array<i32>} : memref<2x4x128x64xf32, #tpu.memory_space<vmem>>, vector<1x1x1x16xf32>,
        %get3A_1713 = vector.shape_cast %get3A_1712 : vector<1x1x1x16xf32> to vector<16xf32>
        %add3A_1714 = arith.addf %add3A_1362, %get3A_1713 : vector<16xf32>
        %add3A_1715 = arith.constant 4 : i32
        %add3A_1716 = arith.addi %mul3A_258, %add3A_1715 : i32
        %get3A_1717 = arith.constant 1 : i32
        %get3A_1718 = arith.constant 3 : i32
        %get3A_1719 = arith.index_cast %get3A_1717 : i32 to index
        %get3A_1720 = arith.index_cast %get3A_1718 : i32 to index
        %get3A_1721 = arith.index_cast %add3A_1716 : i32 to index
        %get3A_1722 = arith.constant 48 : index
        %get3A_1723 = tpu.vector_load %arg6[%get3A_1719, %get3A_1720, %get3A_1721, %get3A_1722] {strides = array<i32>} : memref<2x4x128x64xf32, #tpu.memory_space<vmem>>, vector<1x1x1x16xf32>,
        %get3A_1724 = vector.shape_cast %get3A_1723 : vector<1x1x1x16xf32> to vector<16xf32>
        %add3A_1725 = arith.addf %add3A_1373, %get3A_1724 : vector<16xf32>
        %add3A_1726 = arith.constant 5 : i32
        %add3A_1727 = arith.addi %mul3A_258, %add3A_1726 : i32
        %get3A_1728 = arith.constant 1 : i32
        %get3A_1729 = arith.constant 3 : i32
        %get3A_1730 = arith.index_cast %get3A_1728 : i32 to index
        %get3A_1731 = arith.index_cast %get3A_1729 : i32 to index
        %get3A_1732 = arith.index_cast %add3A_1727 : i32 to index
        %get3A_1733 = arith.constant 0 : index
        %get3A_1734 = tpu.vector_load %arg6[%get3A_1730, %get3A_1731, %get3A_1732, %get3A_1733] {strides = array<i32>} : memref<2x4x128x64xf32, #tpu.memory_space<vmem>>, vector<1x1x1x16xf32>,
        %get3A_1735 = vector.shape_cast %get3A_1734 : vector<1x1x1x16xf32> to vector<16xf32>
        %add3A_1736 = arith.addf %add3A_1384, %get3A_1735 : vector<16xf32>
        %add3A_1737 = arith.constant 5 : i32
        %add3A_1738 = arith.addi %mul3A_258, %add3A_1737 : i32
        %get3A_1739 = arith.constant 1 : i32
        %get3A_1740 = arith.constant 3 : i32
        %get3A_1741 = arith.index_cast %get3A_1739 : i32 to index
        %get3A_1742 = arith.index_cast %get3A_1740 : i32 to index
        %get3A_1743 = arith.index_cast %add3A_1738 : i32 to index
        %get3A_1744 = arith.constant 16 : index
        %get3A_1745 = tpu.vector_load %arg6[%get3A_1741, %get3A_1742, %get3A_1743, %get3A_1744] {strides = array<i32>} : memref<2x4x128x64xf32, #tpu.memory_space<vmem>>, vector<1x1x1x16xf32>,
        %get3A_1746 = vector.shape_cast %get3A_1745 : vector<1x1x1x16xf32> to vector<16xf32>
        %add3A_1747 = arith.addf %add3A_1395, %get3A_1746 : vector<16xf32>
        %add3A_1748 = arith.constant 5 : i32
        %add3A_1749 = arith.addi %mul3A_258, %add3A_1748 : i32
        %get3A_1750 = arith.constant 1 : i32
        %get3A_1751 = arith.constant 3 : i32
        %get3A_1752 = arith.index_cast %get3A_1750 : i32 to index
        %get3A_1753 = arith.index_cast %get3A_1751 : i32 to index
        %get3A_1754 = arith.index_cast %add3A_1749 : i32 to index
        %get3A_1755 = arith.constant 32 : index
        %get3A_1756 = tpu.vector_load %arg6[%get3A_1752, %get3A_1753, %get3A_1754, %get3A_1755] {strides = array<i32>} : memref<2x4x128x64xf32, #tpu.memory_space<vmem>>, vector<1x1x1x16xf32>,
        %get3A_1757 = vector.shape_cast %get3A_1756 : vector<1x1x1x16xf32> to vector<16xf32>
        %add3A_1758 = arith.addf %add3A_1406, %get3A_1757 : vector<16xf32>
        %add3A_1759 = arith.constant 5 : i32
        %add3A_1760 = arith.addi %mul3A_258, %add3A_1759 : i32
        %get3A_1761 = arith.constant 1 : i32
        %get3A_1762 = arith.constant 3 : i32
        %get3A_1763 = arith.index_cast %get3A_1761 : i32 to index
        %get3A_1764 = arith.index_cast %get3A_1762 : i32 to index
        %get3A_1765 = arith.index_cast %add3A_1760 : i32 to index
        %get3A_1766 = arith.constant 48 : index
        %get3A_1767 = tpu.vector_load %arg6[%get3A_1763, %get3A_1764, %get3A_1765, %get3A_1766] {strides = array<i32>} : memref<2x4x128x64xf32, #tpu.memory_space<vmem>>, vector<1x1x1x16xf32>,
        %get3A_1768 = vector.shape_cast %get3A_1767 : vector<1x1x1x16xf32> to vector<16xf32>
        %add3A_1769 = arith.addf %add3A_1417, %get3A_1768 : vector<16xf32>
        %add3A_1770 = arith.constant 6 : i32
        %add3A_1771 = arith.addi %mul3A_258, %add3A_1770 : i32
        %get3A_1772 = arith.constant 1 : i32
        %get3A_1773 = arith.constant 3 : i32
        %get3A_1774 = arith.index_cast %get3A_1772 : i32 to index
        %get3A_1775 = arith.index_cast %get3A_1773 : i32 to index
        %get3A_1776 = arith.index_cast %add3A_1771 : i32 to index
        %get3A_1777 = arith.constant 0 : index
        %get3A_1778 = tpu.vector_load %arg6[%get3A_1774, %get3A_1775, %get3A_1776, %get3A_1777] {strides = array<i32>} : memref<2x4x128x64xf32, #tpu.memory_space<vmem>>, vector<1x1x1x16xf32>,
        %get3A_1779 = vector.shape_cast %get3A_1778 : vector<1x1x1x16xf32> to vector<16xf32>
        %add3A_1780 = arith.addf %add3A_1428, %get3A_1779 : vector<16xf32>
        %add3A_1781 = arith.constant 6 : i32
        %add3A_1782 = arith.addi %mul3A_258, %add3A_1781 : i32
        %get3A_1783 = arith.constant 1 : i32
        %get3A_1784 = arith.constant 3 : i32
        %get3A_1785 = arith.index_cast %get3A_1783 : i32 to index
        %get3A_1786 = arith.index_cast %get3A_1784 : i32 to index
        %get3A_1787 = arith.index_cast %add3A_1782 : i32 to index
        %get3A_1788 = arith.constant 16 : index
        %get3A_1789 = tpu.vector_load %arg6[%get3A_1785, %get3A_1786, %get3A_1787, %get3A_1788] {strides = array<i32>} : memref<2x4x128x64xf32, #tpu.memory_space<vmem>>, vector<1x1x1x16xf32>,
        %get3A_1790 = vector.shape_cast %get3A_1789 : vector<1x1x1x16xf32> to vector<16xf32>
        %add3A_1791 = arith.addf %add3A_1439, %get3A_1790 : vector<16xf32>
        %add3A_1792 = arith.constant 6 : i32
        %add3A_1793 = arith.addi %mul3A_258, %add3A_1792 : i32
        %get3A_1794 = arith.constant 1 : i32
        %get3A_1795 = arith.constant 3 : i32
        %get3A_1796 = arith.index_cast %get3A_1794 : i32 to index
        %get3A_1797 = arith.index_cast %get3A_1795 : i32 to index
        %get3A_1798 = arith.index_cast %add3A_1793 : i32 to index
        %get3A_1799 = arith.constant 32 : index
        %get3A_1800 = tpu.vector_load %arg6[%get3A_1796, %get3A_1797, %get3A_1798, %get3A_1799] {strides = array<i32>} : memref<2x4x128x64xf32, #tpu.memory_space<vmem>>, vector<1x1x1x16xf32>,
        %get3A_1801 = vector.shape_cast %get3A_1800 : vector<1x1x1x16xf32> to vector<16xf32>
        %add3A_1802 = arith.addf %add3A_1450, %get3A_1801 : vector<16xf32>
        %add3A_1803 = arith.constant 6 : i32
        %add3A_1804 = arith.addi %mul3A_258, %add3A_1803 : i32
        %get3A_1805 = arith.constant 1 : i32
        %get3A_1806 = arith.constant 3 : i32
        %get3A_1807 = arith.index_cast %get3A_1805 : i32 to index
        %get3A_1808 = arith.index_cast %get3A_1806 : i32 to index
        %get3A_1809 = arith.index_cast %add3A_1804 : i32 to index
        %get3A_1810 = arith.constant 48 : index
        %get3A_1811 = tpu.vector_load %arg6[%get3A_1807, %get3A_1808, %get3A_1809, %get3A_1810] {strides = array<i32>} : memref<2x4x128x64xf32, #tpu.memory_space<vmem>>, vector<1x1x1x16xf32>,
        %get3A_1812 = vector.shape_cast %get3A_1811 : vector<1x1x1x16xf32> to vector<16xf32>
        %add3A_1813 = arith.addf %add3A_1461, %get3A_1812 : vector<16xf32>
        %add3A_1814 = arith.constant 7 : i32
        %add3A_1815 = arith.addi %mul3A_258, %add3A_1814 : i32
        %get3A_1816 = arith.constant 1 : i32
        %get3A_1817 = arith.constant 3 : i32
        %get3A_1818 = arith.index_cast %get3A_1816 : i32 to index
        %get3A_1819 = arith.index_cast %get3A_1817 : i32 to index
        %get3A_1820 = arith.index_cast %add3A_1815 : i32 to index
        %get3A_1821 = arith.constant 0 : index
        %get3A_1822 = tpu.vector_load %arg6[%get3A_1818, %get3A_1819, %get3A_1820, %get3A_1821] {strides = array<i32>} : memref<2x4x128x64xf32, #tpu.memory_space<vmem>>, vector<1x1x1x16xf32>,
        %get3A_1823 = vector.shape_cast %get3A_1822 : vector<1x1x1x16xf32> to vector<16xf32>
        %add3A_1824 = arith.addf %add3A_1472, %get3A_1823 : vector<16xf32>
        %add3A_1825 = arith.constant 7 : i32
        %add3A_1826 = arith.addi %mul3A_258, %add3A_1825 : i32
        %get3A_1827 = arith.constant 1 : i32
        %get3A_1828 = arith.constant 3 : i32
        %get3A_1829 = arith.index_cast %get3A_1827 : i32 to index
        %get3A_1830 = arith.index_cast %get3A_1828 : i32 to index
        %get3A_1831 = arith.index_cast %add3A_1826 : i32 to index
        %get3A_1832 = arith.constant 16 : index
        %get3A_1833 = tpu.vector_load %arg6[%get3A_1829, %get3A_1830, %get3A_1831, %get3A_1832] {strides = array<i32>} : memref<2x4x128x64xf32, #tpu.memory_space<vmem>>, vector<1x1x1x16xf32>,
        %get3A_1834 = vector.shape_cast %get3A_1833 : vector<1x1x1x16xf32> to vector<16xf32>
        %add3A_1835 = arith.addf %add3A_1483, %get3A_1834 : vector<16xf32>
        %add3A_1836 = arith.constant 7 : i32
        %add3A_1837 = arith.addi %mul3A_258, %add3A_1836 : i32
        %get3A_1838 = arith.constant 1 : i32
        %get3A_1839 = arith.constant 3 : i32
        %get3A_1840 = arith.index_cast %get3A_1838 : i32 to index
        %get3A_1841 = arith.index_cast %get3A_1839 : i32 to index
        %get3A_1842 = arith.index_cast %add3A_1837 : i32 to index
        %get3A_1843 = arith.constant 32 : index
        %get3A_1844 = tpu.vector_load %arg6[%get3A_1840, %get3A_1841, %get3A_1842, %get3A_1843] {strides = array<i32>} : memref<2x4x128x64xf32, #tpu.memory_space<vmem>>, vector<1x1x1x16xf32>,
        %get3A_1845 = vector.shape_cast %get3A_1844 : vector<1x1x1x16xf32> to vector<16xf32>
        %add3A_1846 = arith.addf %add3A_1494, %get3A_1845 : vector<16xf32>
        %add3A_1847 = arith.constant 7 : i32
        %add3A_1848 = arith.addi %mul3A_258, %add3A_1847 : i32
        %get3A_1849 = arith.constant 1 : i32
        %get3A_1850 = arith.constant 3 : i32
        %get3A_1851 = arith.index_cast %get3A_1849 : i32 to index
        %get3A_1852 = arith.index_cast %get3A_1850 : i32 to index
        %get3A_1853 = arith.index_cast %add3A_1848 : i32 to index
        %get3A_1854 = arith.constant 48 : index
        %get3A_1855 = tpu.vector_load %arg6[%get3A_1851, %get3A_1852, %get3A_1853, %get3A_1854] {strides = array<i32>} : memref<2x4x128x64xf32, #tpu.memory_space<vmem>>, vector<1x1x1x16xf32>,
        %get3A_1856 = vector.shape_cast %get3A_1855 : vector<1x1x1x16xf32> to vector<16xf32>
        %add3A_1857 = arith.addf %add3A_1505, %get3A_1856 : vector<16xf32>
        %add3A_1858 = arith.constant 0 : i32
        %add3A_1859 = arith.addi %mul3A_258, %add3A_1858 : i32
        %swap3A = arith.index_cast %add3A_1859 : i32 to index
        %swap3A_1860 = arith.constant 0 : index
        %swap3A_1861 = tpu.vector_load %arg7[%swap3A, %swap3A_1860] {strides = array<i32>} : memref<128x64xf32, #tpu.memory_space<vmem>>, vector<1x16xf32>,
        %swap3A_1862 = vector.shape_cast %swap3A_1861 : vector<1x16xf32> to vector<16xf32>
        %swap3A_1863 = vector.shape_cast %add3A_1516 : vector<16xf32> to vector<1x16xf32>
        tpu.vector_store %arg7[%swap3A, %swap3A_1860], %swap3A_1863 {strides = array<i32>} : memref<128x64xf32, #tpu.memory_space<vmem>>, vector<1x16xf32>,
        %add3A_1864 = arith.constant 0 : i32
        %add3A_1865 = arith.addi %mul3A_258, %add3A_1864 : i32
        %swap3A_1866 = arith.index_cast %add3A_1865 : i32 to index
        %swap3A_1867 = arith.constant 16 : index
        %swap3A_1868 = tpu.vector_load %arg7[%swap3A_1866, %swap3A_1867] {strides = array<i32>} : memref<128x64xf32, #tpu.memory_space<vmem>>, vector<1x16xf32>,
        %swap3A_1869 = vector.shape_cast %swap3A_1868 : vector<1x16xf32> to vector<16xf32>
        %swap3A_1870 = vector.shape_cast %add3A_1527 : vector<16xf32> to vector<1x16xf32>
        tpu.vector_store %arg7[%swap3A_1866, %swap3A_1867], %swap3A_1870 {strides = array<i32>} : memref<128x64xf32, #tpu.memory_space<vmem>>, vector<1x16xf32>,
        %add3A_1871 = arith.constant 0 : i32
        %add3A_1872 = arith.addi %mul3A_258, %add3A_1871 : i32
        %swap3A_1873 = arith.index_cast %add3A_1872 : i32 to index
        %swap3A_1874 = arith.constant 32 : index
        %swap3A_1875 = tpu.vector_load %arg7[%swap3A_1873, %swap3A_1874] {strides = array<i32>} : memref<128x64xf32, #tpu.memory_space<vmem>>, vector<1x16xf32>,
        %swap3A_1876 = vector.shape_cast %swap3A_1875 : vector<1x16xf32> to vector<16xf32>
        %swap3A_1877 = vector.shape_cast %add3A_1538 : vector<16xf32> to vector<1x16xf32>
        tpu.vector_store %arg7[%swap3A_1873, %swap3A_1874], %swap3A_1877 {strides = array<i32>} : memref<128x64xf32, #tpu.memory_space<vmem>>, vector<1x16xf32>,
        %add3A_1878 = arith.constant 0 : i32
        %add3A_1879 = arith.addi %mul3A_258, %add3A_1878 : i32
        %swap3A_1880 = arith.index_cast %add3A_1879 : i32 to index
        %swap3A_1881 = arith.constant 48 : index
        %swap3A_1882 = tpu.vector_load %arg7[%swap3A_1880, %swap3A_1881] {strides = array<i32>} : memref<128x64xf32, #tpu.memory_space<vmem>>, vector<1x16xf32>,
        %swap3A_1883 = vector.shape_cast %swap3A_1882 : vector<1x16xf32> to vector<16xf32>
        %swap3A_1884 = vector.shape_cast %add3A_1549 : vector<16xf32> to vector<1x16xf32>
        tpu.vector_store %arg7[%swap3A_1880, %swap3A_1881], %swap3A_1884 {strides = array<i32>} : memref<128x64xf32, #tpu.memory_space<vmem>>, vector<1x16xf32>,
        %add3A_1885 = arith.constant 1 : i32
        %add3A_1886 = arith.addi %mul3A_258, %add3A_1885 : i32
        %swap3A_1887 = arith.index_cast %add3A_1886 : i32 to index
        %swap3A_1888 = arith.constant 0 : index
        %swap3A_1889 = tpu.vector_load %arg7[%swap3A_1887, %swap3A_1888] {strides = array<i32>} : memref<128x64xf32, #tpu.memory_space<vmem>>, vector<1x16xf32>,
        %swap3A_1890 = vector.shape_cast %swap3A_1889 : vector<1x16xf32> to vector<16xf32>
        %swap3A_1891 = vector.shape_cast %add3A_1560 : vector<16xf32> to vector<1x16xf32>
        tpu.vector_store %arg7[%swap3A_1887, %swap3A_1888], %swap3A_1891 {strides = array<i32>} : memref<128x64xf32, #tpu.memory_space<vmem>>, vector<1x16xf32>,
        %add3A_1892 = arith.constant 1 : i32
        %add3A_1893 = arith.addi %mul3A_258, %add3A_1892 : i32
        %swap3A_1894 = arith.index_cast %add3A_1893 : i32 to index
        %swap3A_1895 = arith.constant 16 : index
        %swap3A_1896 = tpu.vector_load %arg7[%swap3A_1894, %swap3A_1895] {strides = array<i32>} : memref<128x64xf32, #tpu.memory_space<vmem>>, vector<1x16xf32>,
        %swap3A_1897 = vector.shape_cast %swap3A_1896 : vector<1x16xf32> to vector<16xf32>
        %swap3A_1898 = vector.shape_cast %add3A_1571 : vector<16xf32> to vector<1x16xf32>
        tpu.vector_store %arg7[%swap3A_1894, %swap3A_1895], %swap3A_1898 {strides = array<i32>} : memref<128x64xf32, #tpu.memory_space<vmem>>, vector<1x16xf32>,
        %add3A_1899 = arith.constant 1 : i32
        %add3A_1900 = arith.addi %mul3A_258, %add3A_1899 : i32
        %swap3A_1901 = arith.index_cast %add3A_1900 : i32 to index
        %swap3A_1902 = arith.constant 32 : index
        %swap3A_1903 = tpu.vector_load %arg7[%swap3A_1901, %swap3A_1902] {strides = array<i32>} : memref<128x64xf32, #tpu.memory_space<vmem>>, vector<1x16xf32>,
        %swap3A_1904 = vector.shape_cast %swap3A_1903 : vector<1x16xf32> to vector<16xf32>
        %swap3A_1905 = vector.shape_cast %add3A_1582 : vector<16xf32> to vector<1x16xf32>
        tpu.vector_store %arg7[%swap3A_1901, %swap3A_1902], %swap3A_1905 {strides = array<i32>} : memref<128x64xf32, #tpu.memory_space<vmem>>, vector<1x16xf32>,
        %add3A_1906 = arith.constant 1 : i32
        %add3A_1907 = arith.addi %mul3A_258, %add3A_1906 : i32
        %swap3A_1908 = arith.index_cast %add3A_1907 : i32 to index
        %swap3A_1909 = arith.constant 48 : index
        %swap3A_1910 = tpu.vector_load %arg7[%swap3A_1908, %swap3A_1909] {strides = array<i32>} : memref<128x64xf32, #tpu.memory_space<vmem>>, vector<1x16xf32>,
        %swap3A_1911 = vector.shape_cast %swap3A_1910 : vector<1x16xf32> to vector<16xf32>
        %swap3A_1912 = vector.shape_cast %add3A_1593 : vector<16xf32> to vector<1x16xf32>
        tpu.vector_store %arg7[%swap3A_1908, %swap3A_1909], %swap3A_1912 {strides = array<i32>} : memref<128x64xf32, #tpu.memory_space<vmem>>, vector<1x16xf32>,
        %add3A_1913 = arith.constant 2 : i32
        %add3A_1914 = arith.addi %mul3A_258, %add3A_1913 : i32
        %swap3A_1915 = arith.index_cast %add3A_1914 : i32 to index
        %swap3A_1916 = arith.constant 0 : index
        %swap3A_1917 = tpu.vector_load %arg7[%swap3A_1915, %swap3A_1916] {strides = array<i32>} : memref<128x64xf32, #tpu.memory_space<vmem>>, vector<1x16xf32>,
        %swap3A_1918 = vector.shape_cast %swap3A_1917 : vector<1x16xf32> to vector<16xf32>
        %swap3A_1919 = vector.shape_cast %add3A_1604 : vector<16xf32> to vector<1x16xf32>
        tpu.vector_store %arg7[%swap3A_1915, %swap3A_1916], %swap3A_1919 {strides = array<i32>} : memref<128x64xf32, #tpu.memory_space<vmem>>, vector<1x16xf32>,
        %add3A_1920 = arith.constant 2 : i32
        %add3A_1921 = arith.addi %mul3A_258, %add3A_1920 : i32
        %swap3A_1922 = arith.index_cast %add3A_1921 : i32 to index
        %swap3A_1923 = arith.constant 16 : index
        %swap3A_1924 = tpu.vector_load %arg7[%swap3A_1922, %swap3A_1923] {strides = array<i32>} : memref<128x64xf32, #tpu.memory_space<vmem>>, vector<1x16xf32>,
        %swap3A_1925 = vector.shape_cast %swap3A_1924 : vector<1x16xf32> to vector<16xf32>
        %swap3A_1926 = vector.shape_cast %add3A_1615 : vector<16xf32> to vector<1x16xf32>
        tpu.vector_store %arg7[%swap3A_1922, %swap3A_1923], %swap3A_1926 {strides = array<i32>} : memref<128x64xf32, #tpu.memory_space<vmem>>, vector<1x16xf32>,
        %add3A_1927 = arith.constant 2 : i32
        %add3A_1928 = arith.addi %mul3A_258, %add3A_1927 : i32
        %swap3A_1929 = arith.index_cast %add3A_1928 : i32 to index
        %swap3A_1930 = arith.constant 32 : index
        %swap3A_1931 = tpu.vector_load %arg7[%swap3A_1929, %swap3A_1930] {strides = array<i32>} : memref<128x64xf32, #tpu.memory_space<vmem>>, vector<1x16xf32>,
        %swap3A_1932 = vector.shape_cast %swap3A_1931 : vector<1x16xf32> to vector<16xf32>
        %swap3A_1933 = vector.shape_cast %add3A_1626 : vector<16xf32> to vector<1x16xf32>
        tpu.vector_store %arg7[%swap3A_1929, %swap3A_1930], %swap3A_1933 {strides = array<i32>} : memref<128x64xf32, #tpu.memory_space<vmem>>, vector<1x16xf32>,
        %add3A_1934 = arith.constant 2 : i32
        %add3A_1935 = arith.addi %mul3A_258, %add3A_1934 : i32
        %swap3A_1936 = arith.index_cast %add3A_1935 : i32 to index
        %swap3A_1937 = arith.constant 48 : index
        %swap3A_1938 = tpu.vector_load %arg7[%swap3A_1936, %swap3A_1937] {strides = array<i32>} : memref<128x64xf32, #tpu.memory_space<vmem>>, vector<1x16xf32>,
        %swap3A_1939 = vector.shape_cast %swap3A_1938 : vector<1x16xf32> to vector<16xf32>
        %swap3A_1940 = vector.shape_cast %add3A_1637 : vector<16xf32> to vector<1x16xf32>
        tpu.vector_store %arg7[%swap3A_1936, %swap3A_1937], %swap3A_1940 {strides = array<i32>} : memref<128x64xf32, #tpu.memory_space<vmem>>, vector<1x16xf32>,
        %add3A_1941 = arith.constant 3 : i32
        %add3A_1942 = arith.addi %mul3A_258, %add3A_1941 : i32
        %swap3A_1943 = arith.index_cast %add3A_1942 : i32 to index
        %swap3A_1944 = arith.constant 0 : index
        %swap3A_1945 = tpu.vector_load %arg7[%swap3A_1943, %swap3A_1944] {strides = array<i32>} : memref<128x64xf32, #tpu.memory_space<vmem>>, vector<1x16xf32>,
        %swap3A_1946 = vector.shape_cast %swap3A_1945 : vector<1x16xf32> to vector<16xf32>
        %swap3A_1947 = vector.shape_cast %add3A_1648 : vector<16xf32> to vector<1x16xf32>
        tpu.vector_store %arg7[%swap3A_1943, %swap3A_1944], %swap3A_1947 {strides = array<i32>} : memref<128x64xf32, #tpu.memory_space<vmem>>, vector<1x16xf32>,
        %add3A_1948 = arith.constant 3 : i32
        %add3A_1949 = arith.addi %mul3A_258, %add3A_1948 : i32
        %swap3A_1950 = arith.index_cast %add3A_1949 : i32 to index
        %swap3A_1951 = arith.constant 16 : index
        %swap3A_1952 = tpu.vector_load %arg7[%swap3A_1950, %swap3A_1951] {strides = array<i32>} : memref<128x64xf32, #tpu.memory_space<vmem>>, vector<1x16xf32>,
        %swap3A_1953 = vector.shape_cast %swap3A_1952 : vector<1x16xf32> to vector<16xf32>
        %swap3A_1954 = vector.shape_cast %add3A_1659 : vector<16xf32> to vector<1x16xf32>
        tpu.vector_store %arg7[%swap3A_1950, %swap3A_1951], %swap3A_1954 {strides = array<i32>} : memref<128x64xf32, #tpu.memory_space<vmem>>, vector<1x16xf32>,
        %add3A_1955 = arith.constant 3 : i32
        %add3A_1956 = arith.addi %mul3A_258, %add3A_1955 : i32
        %swap3A_1957 = arith.index_cast %add3A_1956 : i32 to index
        %swap3A_1958 = arith.constant 32 : index
        %swap3A_1959 = tpu.vector_load %arg7[%swap3A_1957, %swap3A_1958] {strides = array<i32>} : memref<128x64xf32, #tpu.memory_space<vmem>>, vector<1x16xf32>,
        %swap3A_1960 = vector.shape_cast %swap3A_1959 : vector<1x16xf32> to vector<16xf32>
        %swap3A_1961 = vector.shape_cast %add3A_1670 : vector<16xf32> to vector<1x16xf32>
        tpu.vector_store %arg7[%swap3A_1957, %swap3A_1958], %swap3A_1961 {strides = array<i32>} : memref<128x64xf32, #tpu.memory_space<vmem>>, vector<1x16xf32>,
        %add3A_1962 = arith.constant 3 : i32
        %add3A_1963 = arith.addi %mul3A_258, %add3A_1962 : i32
        %swap3A_1964 = arith.index_cast %add3A_1963 : i32 to index
        %swap3A_1965 = arith.constant 48 : index
        %swap3A_1966 = tpu.vector_load %arg7[%swap3A_1964, %swap3A_1965] {strides = array<i32>} : memref<128x64xf32, #tpu.memory_space<vmem>>, vector<1x16xf32>,
        %swap3A_1967 = vector.shape_cast %swap3A_1966 : vector<1x16xf32> to vector<16xf32>
        %swap3A_1968 = vector.shape_cast %add3A_1681 : vector<16xf32> to vector<1x16xf32>
        tpu.vector_store %arg7[%swap3A_1964, %swap3A_1965], %swap3A_1968 {strides = array<i32>} : memref<128x64xf32, #tpu.memory_space<vmem>>, vector<1x16xf32>,
        %add3A_1969 = arith.constant 4 : i32
        %add3A_1970 = arith.addi %mul3A_258, %add3A_1969 : i32
        %swap3A_1971 = arith.index_cast %add3A_1970 : i32 to index
        %swap3A_1972 = arith.constant 0 : index
        %swap3A_1973 = tpu.vector_load %arg7[%swap3A_1971, %swap3A_1972] {strides = array<i32>} : memref<128x64xf32, #tpu.memory_space<vmem>>, vector<1x16xf32>,
        %swap3A_1974 = vector.shape_cast %swap3A_1973 : vector<1x16xf32> to vector<16xf32>
        %swap3A_1975 = vector.shape_cast %add3A_1692 : vector<16xf32> to vector<1x16xf32>
        tpu.vector_store %arg7[%swap3A_1971, %swap3A_1972], %swap3A_1975 {strides = array<i32>} : memref<128x64xf32, #tpu.memory_space<vmem>>, vector<1x16xf32>,
        %add3A_1976 = arith.constant 4 : i32
        %add3A_1977 = arith.addi %mul3A_258, %add3A_1976 : i32
        %swap3A_1978 = arith.index_cast %add3A_1977 : i32 to index
        %swap3A_1979 = arith.constant 16 : index
        %swap3A_1980 = tpu.vector_load %arg7[%swap3A_1978, %swap3A_1979] {strides = array<i32>} : memref<128x64xf32, #tpu.memory_space<vmem>>, vector<1x16xf32>,
        %swap3A_1981 = vector.shape_cast %swap3A_1980 : vector<1x16xf32> to vector<16xf32>
        %swap3A_1982 = vector.shape_cast %add3A_1703 : vector<16xf32> to vector<1x16xf32>
        tpu.vector_store %arg7[%swap3A_1978, %swap3A_1979], %swap3A_1982 {strides = array<i32>} : memref<128x64xf32, #tpu.memory_space<vmem>>, vector<1x16xf32>,
        %add3A_1983 = arith.constant 4 : i32
        %add3A_1984 = arith.addi %mul3A_258, %add3A_1983 : i32
        %swap3A_1985 = arith.index_cast %add3A_1984 : i32 to index
        %swap3A_1986 = arith.constant 32 : index
        %swap3A_1987 = tpu.vector_load %arg7[%swap3A_1985, %swap3A_1986] {strides = array<i32>} : memref<128x64xf32, #tpu.memory_space<vmem>>, vector<1x16xf32>,
        %swap3A_1988 = vector.shape_cast %swap3A_1987 : vector<1x16xf32> to vector<16xf32>
        %swap3A_1989 = vector.shape_cast %add3A_1714 : vector<16xf32> to vector<1x16xf32>
        tpu.vector_store %arg7[%swap3A_1985, %swap3A_1986], %swap3A_1989 {strides = array<i32>} : memref<128x64xf32, #tpu.memory_space<vmem>>, vector<1x16xf32>,
        %add3A_1990 = arith.constant 4 : i32
        %add3A_1991 = arith.addi %mul3A_258, %add3A_1990 : i32
        %swap3A_1992 = arith.index_cast %add3A_1991 : i32 to index
        %swap3A_1993 = arith.constant 48 : index
        %swap3A_1994 = tpu.vector_load %arg7[%swap3A_1992, %swap3A_1993] {strides = array<i32>} : memref<128x64xf32, #tpu.memory_space<vmem>>, vector<1x16xf32>,
        %swap3A_1995 = vector.shape_cast %swap3A_1994 : vector<1x16xf32> to vector<16xf32>
        %swap3A_1996 = vector.shape_cast %add3A_1725 : vector<16xf32> to vector<1x16xf32>
        tpu.vector_store %arg7[%swap3A_1992, %swap3A_1993], %swap3A_1996 {strides = array<i32>} : memref<128x64xf32, #tpu.memory_space<vmem>>, vector<1x16xf32>,
        %add3A_1997 = arith.constant 5 : i32
        %add3A_1998 = arith.addi %mul3A_258, %add3A_1997 : i32
        %swap3A_1999 = arith.index_cast %add3A_1998 : i32 to index
        %swap3A_2000 = arith.constant 0 : index
        %swap3A_2001 = tpu.vector_load %arg7[%swap3A_1999, %swap3A_2000] {strides = array<i32>} : memref<128x64xf32, #tpu.memory_space<vmem>>, vector<1x16xf32>,
        %swap3A_2002 = vector.shape_cast %swap3A_2001 : vector<1x16xf32> to vector<16xf32>
        %swap3A_2003 = vector.shape_cast %add3A_1736 : vector<16xf32> to vector<1x16xf32>
        tpu.vector_store %arg7[%swap3A_1999, %swap3A_2000], %swap3A_2003 {strides = array<i32>} : memref<128x64xf32, #tpu.memory_space<vmem>>, vector<1x16xf32>,
        %add3A_2004 = arith.constant 5 : i32
        %add3A_2005 = arith.addi %mul3A_258, %add3A_2004 : i32
        %swap3A_2006 = arith.index_cast %add3A_2005 : i32 to index
        %swap3A_2007 = arith.constant 16 : index
        %swap3A_2008 = tpu.vector_load %arg7[%swap3A_2006, %swap3A_2007] {strides = array<i32>} : memref<128x64xf32, #tpu.memory_space<vmem>>, vector<1x16xf32>,
        %swap3A_2009 = vector.shape_cast %swap3A_2008 : vector<1x16xf32> to vector<16xf32>
        %swap3A_2010 = vector.shape_cast %add3A_1747 : vector<16xf32> to vector<1x16xf32>
        tpu.vector_store %arg7[%swap3A_2006, %swap3A_2007], %swap3A_2010 {strides = array<i32>} : memref<128x64xf32, #tpu.memory_space<vmem>>, vector<1x16xf32>,
        %add3A_2011 = arith.constant 5 : i32
        %add3A_2012 = arith.addi %mul3A_258, %add3A_2011 : i32
        %swap3A_2013 = arith.index_cast %add3A_2012 : i32 to index
        %swap3A_2014 = arith.constant 32 : index
        %swap3A_2015 = tpu.vector_load %arg7[%swap3A_2013, %swap3A_2014] {strides = array<i32>} : memref<128x64xf32, #tpu.memory_space<vmem>>, vector<1x16xf32>,
        %swap3A_2016 = vector.shape_cast %swap3A_2015 : vector<1x16xf32> to vector<16xf32>
        %swap3A_2017 = vector.shape_cast %add3A_1758 : vector<16xf32> to vector<1x16xf32>
        tpu.vector_store %arg7[%swap3A_2013, %swap3A_2014], %swap3A_2017 {strides = array<i32>} : memref<128x64xf32, #tpu.memory_space<vmem>>, vector<1x16xf32>,
        %add3A_2018 = arith.constant 5 : i32
        %add3A_2019 = arith.addi %mul3A_258, %add3A_2018 : i32
        %swap3A_2020 = arith.index_cast %add3A_2019 : i32 to index
        %swap3A_2021 = arith.constant 48 : index
        %swap3A_2022 = tpu.vector_load %arg7[%swap3A_2020, %swap3A_2021] {strides = array<i32>} : memref<128x64xf32, #tpu.memory_space<vmem>>, vector<1x16xf32>,
        %swap3A_2023 = vector.shape_cast %swap3A_2022 : vector<1x16xf32> to vector<16xf32>
        %swap3A_2024 = vector.shape_cast %add3A_1769 : vector<16xf32> to vector<1x16xf32>
        tpu.vector_store %arg7[%swap3A_2020, %swap3A_2021], %swap3A_2024 {strides = array<i32>} : memref<128x64xf32, #tpu.memory_space<vmem>>, vector<1x16xf32>,
        %add3A_2025 = arith.constant 6 : i32
        %add3A_2026 = arith.addi %mul3A_258, %add3A_2025 : i32
        %swap3A_2027 = arith.index_cast %add3A_2026 : i32 to index
        %swap3A_2028 = arith.constant 0 : index
        %swap3A_2029 = tpu.vector_load %arg7[%swap3A_2027, %swap3A_2028] {strides = array<i32>} : memref<128x64xf32, #tpu.memory_space<vmem>>, vector<1x16xf32>,
        %swap3A_2030 = vector.shape_cast %swap3A_2029 : vector<1x16xf32> to vector<16xf32>
        %swap3A_2031 = vector.shape_cast %add3A_1780 : vector<16xf32> to vector<1x16xf32>
        tpu.vector_store %arg7[%swap3A_2027, %swap3A_2028], %swap3A_2031 {strides = array<i32>} : memref<128x64xf32, #tpu.memory_space<vmem>>, vector<1x16xf32>,
        %add3A_2032 = arith.constant 6 : i32
        %add3A_2033 = arith.addi %mul3A_258, %add3A_2032 : i32
        %swap3A_2034 = arith.index_cast %add3A_2033 : i32 to index
        %swap3A_2035 = arith.constant 16 : index
        %swap3A_2036 = tpu.vector_load %arg7[%swap3A_2034, %swap3A_2035] {strides = array<i32>} : memref<128x64xf32, #tpu.memory_space<vmem>>, vector<1x16xf32>,
        %swap3A_2037 = vector.shape_cast %swap3A_2036 : vector<1x16xf32> to vector<16xf32>
        %swap3A_2038 = vector.shape_cast %add3A_1791 : vector<16xf32> to vector<1x16xf32>
        tpu.vector_store %arg7[%swap3A_2034, %swap3A_2035], %swap3A_2038 {strides = array<i32>} : memref<128x64xf32, #tpu.memory_space<vmem>>, vector<1x16xf32>,
        %add3A_2039 = arith.constant 6 : i32
        %add3A_2040 = arith.addi %mul3A_258, %add3A_2039 : i32
        %swap3A_2041 = arith.index_cast %add3A_2040 : i32 to index
        %swap3A_2042 = arith.constant 32 : index
        %swap3A_2043 = tpu.vector_load %arg7[%swap3A_2041, %swap3A_2042] {strides = array<i32>} : memref<128x64xf32, #tpu.memory_space<vmem>>, vector<1x16xf32>,
        %swap3A_2044 = vector.shape_cast %swap3A_2043 : vector<1x16xf32> to vector<16xf32>
        %swap3A_2045 = vector.shape_cast %add3A_1802 : vector<16xf32> to vector<1x16xf32>
        tpu.vector_store %arg7[%swap3A_2041, %swap3A_2042], %swap3A_2045 {strides = array<i32>} : memref<128x64xf32, #tpu.memory_space<vmem>>, vector<1x16xf32>,
        %add3A_2046 = arith.constant 6 : i32
        %add3A_2047 = arith.addi %mul3A_258, %add3A_2046 : i32
        %swap3A_2048 = arith.index_cast %add3A_2047 : i32 to index
        %swap3A_2049 = arith.constant 48 : index
        %swap3A_2050 = tpu.vector_load %arg7[%swap3A_2048, %swap3A_2049] {strides = array<i32>} : memref<128x64xf32, #tpu.memory_space<vmem>>, vector<1x16xf32>,
        %swap3A_2051 = vector.shape_cast %swap3A_2050 : vector<1x16xf32> to vector<16xf32>
        %swap3A_2052 = vector.shape_cast %add3A_1813 : vector<16xf32> to vector<1x16xf32>
        tpu.vector_store %arg7[%swap3A_2048, %swap3A_2049], %swap3A_2052 {strides = array<i32>} : memref<128x64xf32, #tpu.memory_space<vmem>>, vector<1x16xf32>,
        %add3A_2053 = arith.constant 7 : i32
        %add3A_2054 = arith.addi %mul3A_258, %add3A_2053 : i32
        %swap3A_2055 = arith.index_cast %add3A_2054 : i32 to index
        %swap3A_2056 = arith.constant 0 : index
        %swap3A_2057 = tpu.vector_load %arg7[%swap3A_2055, %swap3A_2056] {strides = array<i32>} : memref<128x64xf32, #tpu.memory_space<vmem>>, vector<1x16xf32>,
        %swap3A_2058 = vector.shape_cast %swap3A_2057 : vector<1x16xf32> to vector<16xf32>
        %swap3A_2059 = vector.shape_cast %add3A_1824 : vector<16xf32> to vector<1x16xf32>
        tpu.vector_store %arg7[%swap3A_2055, %swap3A_2056], %swap3A_2059 {strides = array<i32>} : memref<128x64xf32, #tpu.memory_space<vmem>>, vector<1x16xf32>,
        %add3A_2060 = arith.constant 7 : i32
        %add3A_2061 = arith.addi %mul3A_258, %add3A_2060 : i32
        %swap3A_2062 = arith.index_cast %add3A_2061 : i32 to index
        %swap3A_2063 = arith.constant 16 : index
        %swap3A_2064 = tpu.vector_load %arg7[%swap3A_2062, %swap3A_2063] {strides = array<i32>} : memref<128x64xf32, #tpu.memory_space<vmem>>, vector<1x16xf32>,
        %swap3A_2065 = vector.shape_cast %swap3A_2064 : vector<1x16xf32> to vector<16xf32>
        %swap3A_2066 = vector.shape_cast %add3A_1835 : vector<16xf32> to vector<1x16xf32>
        tpu.vector_store %arg7[%swap3A_2062, %swap3A_2063], %swap3A_2066 {strides = array<i32>} : memref<128x64xf32, #tpu.memory_space<vmem>>, vector<1x16xf32>,
        %add3A_2067 = arith.constant 7 : i32
        %add3A_2068 = arith.addi %mul3A_258, %add3A_2067 : i32
        %swap3A_2069 = arith.index_cast %add3A_2068 : i32 to index
        %swap3A_2070 = arith.constant 32 : index
        %swap3A_2071 = tpu.vector_load %arg7[%swap3A_2069, %swap3A_2070] {strides = array<i32>} : memref<128x64xf32, #tpu.memory_space<vmem>>, vector<1x16xf32>,
        %swap3A_2072 = vector.shape_cast %swap3A_2071 : vector<1x16xf32> to vector<16xf32>
        %swap3A_2073 = vector.shape_cast %add3A_1846 : vector<16xf32> to vector<1x16xf32>
        tpu.vector_store %arg7[%swap3A_2069, %swap3A_2070], %swap3A_2073 {strides = array<i32>} : memref<128x64xf32, #tpu.memory_space<vmem>>, vector<1x16xf32>,
        %add3A_2074 = arith.constant 7 : i32
        %add3A_2075 = arith.addi %mul3A_258, %add3A_2074 : i32
        %swap3A_2076 = arith.index_cast %add3A_2075 : i32 to index
        %swap3A_2077 = arith.constant 48 : index
        %swap3A_2078 = tpu.vector_load %arg7[%swap3A_2076, %swap3A_2077] {strides = array<i32>} : memref<128x64xf32, #tpu.memory_space<vmem>>, vector<1x16xf32>,
        %swap3A_2079 = vector.shape_cast %swap3A_2078 : vector<1x16xf32> to vector<16xf32>
        %swap3A_2080 = vector.shape_cast %add3A_1857 : vector<16xf32> to vector<1x16xf32>
        tpu.vector_store %arg7[%swap3A_2076, %swap3A_2077], %swap3A_2080 {strides = array<i32>} : memref<128x64xf32, #tpu.memory_space<vmem>>, vector<1x16xf32>,
      }
      %scan3A_251 = arith.constant 16 : i32
    }
    %scan3A_63 = arith.constant 25 : i32
    "tpu.region"() ({
      %run_scoped3A = tpu.sem_alloc : memref<!tpu.dma_semaphore, #tpu.memory_space<semaphore_mem>>
      %dma_start3A_64 = arith.constant 0 : i32
      %dma_start3A_65 = tpu.memref_slice %arg4[%mul3A_2, %dma_start3A_64] : memref<4096x64xf32, #tpu.memory_space<hbm>> -> memref<128x64xf32, #tpu.memory_space<hbm>>
      %dma_start3A_66 = arith.constant 0 : i32
      %dma_start3A_67 = tpu.memref_slice %arg4[%mul3A_2, %dma_start3A_66] : memref<4096x64xf32, #tpu.memory_space<hbm>> -> memref<128x64xf32, #tpu.memory_space<hbm>>
      tpu.enqueue_dma source(%arg7 : memref<128x64xf32, #tpu.memory_space<vmem>>) target(%dma_start3A_67 : memref<128x64xf32, #tpu.memory_space<hbm>>) target_semaphore(%run_scoped3A : memref<!tpu.dma_semaphore, #tpu.memory_space<semaphore_mem>>)
      %dma_wait3A = arith.constant 0 : i32
      %dma_wait3A_68 = tpu.memref_slice %arg4[%mul3A_2, %dma_wait3A] : memref<4096x64xf32, #tpu.memory_space<hbm>> -> memref<128x64xf32, #tpu.memory_space<hbm>>
      %dma_wait3A_69 = arith.constant 0 : i32
      %dma_wait3A_70 = tpu.memref_slice %arg4[%mul3A_2, %dma_wait3A_69] : memref<4096x64xf32, #tpu.memory_space<hbm>> -> memref<128x64xf32, #tpu.memory_space<hbm>>
      tpu.wait_dma2 semaphore(%run_scoped3A : memref<!tpu.dma_semaphore, #tpu.memory_space<semaphore_mem>>) src(%arg7 : memref<128x64xf32, #tpu.memory_space<vmem>>) dst(%dma_wait3A_70 : memref<128x64xf32, #tpu.memory_space<hbm>>)
      tpu.yield
    }) : () -> ()
    return
  }
}

module attributes {stable_mosaic.version = 14 : i64} {
  func.func @_mm_body(%arg0: i32, %arg1: memref<512x64xf32, #tpu.memory_space<vmem>>, %arg2: memref<64x1000xf32, #tpu.memory_space<vmem>>, %arg3: memref<1x1000xf32, #tpu.memory_space<vmem>>, %arg4: memref<512x1000xf32, #tpu.memory_space<vmem>>) attributes {dimension_semantics = [#tpu.dimension_semantics<arbitrary>], iteration_bounds = array<i64: 8>, scalar_prefetch = 0 : i64, scratch_operands = 0 : i64, tpu.core_type = #tpu.core_type<tc>, window_params = [{transform_indices = @transform_0, window_bounds = array<i64: 512, 64>}, {pipeline_mode = #tpu.pipeline_mode<synchronous>, transform_indices = @transform_1, window_bounds = array<i64: 64, 1000>}, {pipeline_mode = #tpu.pipeline_mode<synchronous>, transform_indices = @transform_2, window_bounds = array<i64: 1, 1000>}, {transform_indices = @transform_3, window_bounds = array<i64: 512, 1000>}]} {
    %get3A = arith.constant 0 : index
    %get3A_0 = arith.constant 0 : index
    %get3A_1 = vector.load %arg1[%get3A, %get3A_0] : memref<512x64xf32, #tpu.memory_space<vmem>>, vector<512x64xf32>
    %mul3A = arith.constant 5.000000e-03 : f32
    %mul3A_2 = vector.broadcast %mul3A : f32 to vector<512x64xf32>
    %mul3A_3 = arith.mulf %get3A_1, %mul3A_2 : vector<512x64xf32>
    %get3A_4 = arith.constant 0 : index
    %get3A_5 = arith.constant 0 : index
    %get3A_6 = vector.load %arg2[%get3A_4, %get3A_5] : memref<64x1000xf32, #tpu.memory_space<vmem>>, vector<64x1000xf32>
    %dot_general3A = arith.constant dense<0.000000e+00> : vector<512x1000xf32>
    %dot_general3A_7 = tpu.matmul %mul3A_3, %get3A_6, %dot_general3A {dimension_numbers = #tpu.dot_dimension_numbers<[1], [0], [0], [1], [0, 0, 1, 1], [], []>, transpose_lhs_hint = false} : vector<512x64xf32>, vector<64x1000xf32>, vector<512x1000xf32> -> vector<512x1000xf32>
    %get3A_8 = arith.constant 0 : index
    %get3A_9 = arith.constant 0 : index
    %get3A_10 = vector.load %arg3[%get3A_8, %get3A_9] : memref<1x1000xf32, #tpu.memory_space<vmem>>, vector<1x1000xf32>
    %add3A = vector.broadcast %get3A_10 : vector<1x1000xf32> to vector<512x1000xf32>
    %add3A_11 = arith.addf %dot_general3A_7, %add3A : vector<512x1000xf32>
    %swap3A = arith.constant 0 : index
    %swap3A_12 = arith.constant 0 : index
    %swap3A_13 = vector.load %arg4[%swap3A, %swap3A_12] : memref<512x1000xf32, #tpu.memory_space<vmem>>, vector<512x1000xf32>
    tpu.vector_store %arg4[%swap3A, %swap3A_12], %add3A_11 {strides = array<i32>} : memref<512x1000xf32, #tpu.memory_space<vmem>>, vector<512x1000xf32>,
    return
  }
  func.func @transform_0(%arg0: i32) -> (i32, i32) {
    %c0_i32 = arith.constant 0 : i32
    %c0_i32_0 = arith.constant 0 : i32
    return %arg0, %c0_i32 : i32, i32
  }
  func.func @transform_1(%arg0: i32) -> (i32, i32) {
    %c0_i32 = arith.constant 0 : i32
    %c0_i32_0 = arith.constant 0 : i32
    %c0_i32_1 = arith.constant 0 : i32
    return %c0_i32, %c0_i32_0 : i32, i32
  }
  func.func @transform_2(%arg0: i32) -> (i32, i32) {
    %c0_i32 = arith.constant 0 : i32
    %c0_i32_0 = arith.constant 0 : i32
    %c0_i32_1 = arith.constant 0 : i32
    return %c0_i32, %c0_i32_0 : i32, i32
  }
  func.func @transform_3(%arg0: i32) -> (i32, i32) {
    %c0_i32 = arith.constant 0 : i32
    %c0_i32_0 = arith.constant 0 : i32
    return %arg0, %c0_i32 : i32, i32
  }
}

</mosaic_0001>

<sc_bundles>
// kernel: kernel.4.cloned.1.call-start
scs
__scs_entry_jumppad:
0x0: {  	(pc) =	sbr.rel $0x88, $3  }
0x1: {  	(tag) =	ssettag $0x0;
	lr =	simm.s32 $0x1  }
0x2: {  	[smem:$0x3F9D] =	sst lr;
	_ =	strace $0xD0000000  }
0x3: {  	_ = 	snop  }
0x4: {  	_ = 	snop  }
0x5: {  	_ = 	snop  }
0x6: {  	_ = 	snop  }
0x7: {  	_ = 	snop  }
__scs_overlays_trampoline_lowered:
0x8: {  	[smem:$0x3FAC] =	sst s0  }
0x9: {  	[smem:$0x3FAD] =	sst s1  }
0xa: {  	[smem:$0x3FAE] =	sst s2  }
0xb: {  	[smem:$0x3FAF] =	sst s3  }
0xc: {  	[smem:$0x3FB0] =	sst s4  }
0xd: {  	[smem:$0x3FB1] =	sst s5  }
0xe: {  	[smem:$0x3FB2] =	sst s6  }
0xf: {  	[smem:$0x3FB3] =	sst s7  }
0x10: {  	[smem:$0x3FB4] =	sst s8  }
0x11: {  	[smem:$0x3FB5] =	sst s9;
	s0 =	simm.s32 @!p0 $0x0  }
0x12: {  	s1 =	sld [smem:$0x3F9B];
	s0 =	simm.s32 @p0 $0x1  }
0x13: {  	[smem:$0x3FB6] =	sst s0;
	s0 =	simm.s32 @!p1 $0x0  }
0x14: {  	s2 =	sld [smem:$0x3F9A];
	s0 =	simm.s32 @p1 $0x1  }
0x15: {  	[smem:$0x3FB7] =	sst s0;
	s0 =	simm.s32 @!p2 $0x0  }
0x16: {  	s3 =	sld [smem:$0x3FDB];
	s0 =	simm.s32 @p2 $0x1  }
0x17: {  	s4 =	simm.s32 $0x1BF5;
	[smem:$0x3FB9] =	sst s0  }
0x18: {  	s0 =	sld [smem:$0x3F9C];
	_ =	swait.ge [sflag:s4], $0x0  }
0x19: {  	s7 =	sld [smem:$0x3F9D]  }
0x1a: {  	s8 =	sadd.s32 $0xFFFFE003, lr  }
0x1b: {  	s9 =	sadd.s32 $0xFFFFFEF7, lr;
	s5 =	simm.s32 $0xFFFFFFFF;
	p2 =	slt.u32 s8, $0xFFFFF086  }
0x1c: {  	p1 =	slt.u32 s9, $0xF7A;
	s5 =	simm.s32 @!p2 $0x0  }
0x1d: {  	s5 =	simm.s32 @p1 $0x1;
	p0 =	seq.s32 s7, s2  }
0x1e: {  	s7 =	smul.u32 @!p0 $0xF7A, s2;
	p2 =	seq.s32 @!p0 s5, $0x0  }
0x1f: {  	s9 =	smul.u32 $0xF7A, s1;
	s8 =	simm.s32 @!p0 $0x1BF5;
	p2 =	por !p2, p0  }
0x20: {  	[sflag:s8] =	ssyncset.s32 @!p0 $0xFFFFF086;
	s6 =	sadd.s32 @!p0 s3, s7;
	s7 =	simm.s32 @!p0 $0x108  }
0x21: {  	s3 =	sadd.s32 s3, s9;
	s6 =	sadd.s32 @!p0 $0x88, s6;
	s7 =	simm.s32 @p2 $0x1082  }
0x22: {  	[simem:s7], [sflag:s8] =	dma.local @!p0 [hbm:s6], $0xF7A  }
0x23: {  	s9 =	sor.u32 $0xD0000000, s2;
	s6 =	simm.s32 $0x108;
	_ =	swait.ge @!p0 [sflag:s8], $0x0  }
0x24: {  	s3 =	sadd.s32 $0x88, s3;
	s6 =	simm.s32 @!p1 $0x1082;
	[sflag:s4] =	ssyncset.s32 $0xFFFFF086  }
0x25: {  	[simem:s6], [sflag:s4] =	dma.local [hbm:s3], $0xF7A  }
0x26: {  	[smem:$0x3F9D] =	sst s1;
	(tag) =	ssettag s2;
	_ =	strace s9  }
0x27: {  	s1 =	sld [smem:$0x3FAD]  }
0x28: {  	s2 =	sld [smem:$0x3FAE]  }
0x29: {  	s4 =	sld [smem:$0x3FB0]  }
0x2a: {  	p0 =	seq.s32 s5, $0x0;
	s5 =	sld [smem:$0x3FB1]  }
0x2b: {  	s6 =	sld [smem:$0x3FB2]  }
0x2c: {  	s7 =	sld [smem:$0x3FB3]  }
0x2d: {  	s3 =	simm.s32 $0x108;
	s8 =	sld [smem:$0x3FB4]  }
0x2e: {  	s3 =	simm.s32 @!p0 $0x1082;
	s9 =	sld [smem:$0x3FB5]  }
0x2f: {  	lr =	sadd.s32 s0, s3;
	s0 =	sld [smem:$0x3FAC]  }
0x30: {  	s3 =	sld [smem:$0x3FAF]  }
0x31: {  	[smem:$0x3FB8] =	sst s10  }
0x32: {  	s10 =	sld [smem:$0x3FB6];
	_ =	sdelay $0x3  }
0x33: {  	p0 =	seq.s32 s10, $0x1;
	s10 =	sld [smem:$0x3FB8];
	_ =	sdelay $0x3  }
0x34: {  	[smem:$0x3FB8] =	sst s10  }
0x35: {  	s10 =	sld [smem:$0x3FB7];
	_ =	sdelay $0x3  }
0x36: {  	p1 =	seq.s32 s10, $0x1;
	s10 =	sld [smem:$0x3FB8];
	_ =	sdelay $0x3  }
0x37: {  	[smem:$0x3FB8] =	sst s10  }
0x38: {  	s10 =	sld [smem:$0x3FB9]  }
0x39: {  	_ = 	snop;
	(pc) =	sbr.ind lr, $3  }
0x3a: {  	_ = 	snop  }
0x3b: {  	_ = 	snop  }
0x3c: {  	p2 =	seq.s32 s10, $0x1;
	s10 =	sld [smem:$0x3FB8]  }
0x3d: {  	_ =	shalt  }
0x3e: {  	_ =	shalt  }
0x3f: {  	_ =	shalt  }
0x40: {  	_ =	shalt  }
0x41: {  	_ =	shalt  }
0x42: {  	_ =	shalt  }
0x43: {  	_ =	shalt  }
0x44: {  	_ =	shalt  }
0x45: {  	_ =	shalt  }
0x46: {  	_ =	shalt  }
0x47: {  	_ =	shalt  }
0x48: {  	_ =	shalt  }
0x49: {  	_ =	shalt  }
0x4a: {  	_ =	shalt  }
0x4b: {  	_ =	shalt  }
0x4c: {  	_ =	shalt  }
0x4d: {  	_ =	shalt  }
0x4e: {  	_ =	shalt  }
0x4f: {  	_ =	shalt  }
0x50: {  	_ =	shalt  }
0x51: {  	_ =	shalt  }
0x52: {  	_ =	shalt  }
0x53: {  	_ =	shalt  }
0x54: {  	_ =	shalt  }
0x55: {  	_ =	shalt  }
0x56: {  	_ =	shalt  }
0x57: {  	_ =	shalt  }
0x58: {  	_ =	shalt  }
0x59: {  	_ =	shalt  }
0x5a: {  	_ =	shalt  }
0x5b: {  	_ =	shalt  }
0x5c: {  	_ =	shalt  }
0x5d: {  	_ =	shalt  }
0x5e: {  	_ =	shalt  }
0x5f: {  	_ =	shalt  }
0x60: {  	_ =	shalt  }
0x61: {  	_ =	shalt  }
0x62: {  	_ =	shalt  }
0x63: {  	_ =	shalt  }
0x64: {  	_ =	shalt  }
0x65: {  	_ =	shalt  }
0x66: {  	_ =	shalt  }
0x67: {  	_ =	shalt  }
0x68: {  	_ =	shalt  }
0x69: {  	_ =	shalt  }
0x6a: {  	_ =	shalt  }
0x6b: {  	_ =	shalt  }
0x6c: {  	_ =	shalt  }
0x6d: {  	_ =	shalt  }
0x6e: {  	_ =	shalt  }
0x6f: {  	_ =	shalt  }
0x70: {  	_ =	shalt  }
0x71: {  	_ =	shalt  }
0x72: {  	_ =	shalt  }
0x73: {  	_ =	shalt  }
0x74: {  	_ =	shalt  }
0x75: {  	_ =	shalt  }
0x76: {  	_ =	shalt  }
0x77: {  	_ =	shalt  }
0x78: {  	_ =	shalt  }
0x79: {  	_ =	shalt  }
0x7a: {  	_ =	shalt  }
0x7b: {  	_ =	shalt  }
0x7c: {  	_ =	shalt  }
0x7d: {  	_ =	shalt  }
0x7e: {  	_ =	shalt  }
0x7f: {  	_ =	shalt  }
0x80: {  	_ =	shalt  }
0x81: {  	_ =	shalt  }
0x82: {  	_ =	shalt  }
0x83: {  	_ =	shalt  }
0x84: {  	_ =	shalt  }
0x85: {  	_ =	shalt  }
0x86: {  	_ =	shalt  }
0x87: {  	_ =	shalt  }
.Lfunc_end0:
.L_simem_size_0:
called_computation_lowered:
.L_overlay_start_0:
0x88: {  	s2 =	sld [smem:$0x3FD9]  }
0x89: {  	s3 =	sld [smem:$0x3FFE];
	_ =	sdelay $0x1  }
0x8a: {  	s1 =	srdreg.scid  }
0x8b: {  	s0 =	sand.u32 $0x1, s1  }
0x8c: {  	s17 =	sshll.u32 s0, $0xA;
	s2 =	sadd.s32 s3, s2  }
0x8d: {  	s2 =	sadd.s32 s2, s17  }
0x8e: {  	[smem:$0x3FC4] =	sst s2  }
0x8f: {  	_ = 	snop  }
0x90: {  	s2 =	sld [smem:$0x3FD0];
	(tm) =	ssettm $0x1  }
0x91: {  	s18 =	sld [smem:$0x3FFB];
	_ =	sdelay $0x3  }
0x92: {  	_ =	strace s18  }
0x93: {  	s3 =	sld [smem:$0x3FFC];
	_ =	sdelay $0x3  }
0x94: {  	_ =	strace s3  }
0x95: {  	s3 =	sld [smem:$0x3FFD];
	_ =	sdelay $0x3  }
0x96: {  	_ =	strace s3  }
0x97: {  	_ =	strace $0x8FFFFFFF  }
0x98: {  	s19 =	sld [smem:$0x3FDB];
	_ =	sdelay $0x1  }
0x99: {  	s4 =	simm.s32 $_scs_section_size  }
0x9a: {  	s5 =	simm.s32 $_size__tile_overlayer_lowered;
	s6 =	simm.s32 $_tile_overlayer_lowered  }
0x9b: {  	s22 =	simm.s32 $0x1BFF;
	s21 =	sshll.u32 s6, $0x1;
	s3 =	sadd.s32 s4, s19  }
0x9c: {  	s7 =	simm.s32 $0x0;
	s20 =	sshll.u32 s5, $0x1;
	s5 =	sadd.s32 s21, s3  }
0x9d: {  	[timem:s7], [sflag:s22] =	dma.local [hbm:s5], s20  }
0x9e: {  	_ =	swait.ge [sflag:s22], s20  }
0x9f: {  	s4 =	ssub.s32 $0x0, s20;
	[sflag:s22] =	ssyncset.done $0x0  }
0xa0: {  	[sflag:s22] =	ssyncadd.s32 s4;
	_ =	sdelay $0x1  }
0xa1: {  	s23 =	simm.s32 $0x1B8B  }
0xa2: {  	_ =	swait.ge [sflag:s23], $0x1  }
0xa3: {  	[sflag:s23] =	ssyncset.done $0x0  }
0xa4: {  	s25 =	simm.s32 $0x1B8E;
	s24 =	sld [smem:$0x3FFE];
	[sflag:s23] =	ssyncadd.s32 $0xFFFFFFFF  }
0xa5: {  	s26 =	simm.s32 $execute0_lowered;
	[smem:$0x3FD2] =	sst s25  }
0xa6: {  	s5 =	sshll.u32 s26, $0x1;
	_ =	strace $0x80000046;
	[dreg:$0x1] =	wrdreg $0xFFFFFFFF  }
0xa7: {  	s28 =	simm.s32 $_size_execute0_lowered;
	s3 =	sadd.s32 s3, s5;
	[dreg:$0x0] =	wrdreg $0x0  }
0xa8: {  	s5 =	sshll.u32 s28, $0x1;
	[dreg:$0x2] =	wrdreg s3  }
0xa9: {  	[dreg:$0x3] =	wrdreg s5  }
0xaa: {  	[dreg:$0x4] =	wrdreg $0xC0  }
0xab: {  	_ =	task [dreg:s7], $0x5FFFF  }
0xac: {  	[dreg:$0x1] =	wrdreg $0xFFFFFFFF  }
0xad: {  	[dreg:$0x0] =	wrdreg $0x60  }
0xae: {  	[dreg:$0x2] =	wrdreg s2  }
0xaf: {  	[dreg:$0x3] =	wrdreg s24  }
0xb0: {  	[dreg:$0x4] =	wrdreg $0x9  }
0xb1: {  	_ =	task.clear_ibuf [dreg:s7], $0x5FFFF;
	_ =	strace $0x90000046  }
0xb2: {  	s29 =	simm.s32 $0x9;
	_ =	strace $0x80000048  }
0xb3: {  	_ =	swait.ge [sflag:s29], $0x1  }
0xb4: {  	[sflag:s29] =	ssyncadd.s32 $0xFFFFFFFF  }
0xb5: {  	_ =	strace $0x90000048  }
0xb6: {  	_ =	sfence  }
0xb7: {  	s30 =	sld [smem:$0x0];
	_ =	sdelay $0x2  }
0xb8: {  	s31 =	sshll.u32 s1, $0xD;
	s1 =	sshrl.u32 s1, $0x2  }
0xb9: {  	s3 =	sand.u32 $0x4000, s31;
	s1 =	sadd.s32 s1, s30  }
0xba: {  	s0 =	sor.u32 s3, s0;
	s1 =	sshll.u32 s1, $0x11  }
0xbb: {  	s0 =	sor.u32 s1, s0  }
0xbc: {  	s0 =	sadd.s32 $0x8F2B, s0  }
0xbd: {  	[sflag:s0] =	ssyncadd.remote.s32 $0x1  }
0xbe: {  	_ =	sfence.sel $0xFFFF  }
0xbf: {  	[dreg:$0x0] =	wrdreg $0xFFFFFFFF;
	(pc) =	sbr.abs _section_cstart, $3  }
0xc0: {  	[dreg:$0x1] =	wrdreg $0xFFFFFFFF  }
0xc1: {  	_ =	task.clear_ibuf [dreg:s7], $0x2FFFF;
	_ =	strace $0x9FFFFFFF  }
0xc2: {  	(tm) =	ssettm $0x7FFFFFFF  }
0xc3: {  	_ =	shalt  }
tec
execute0_lowered:
.L_overlay_start_1:
0x0: {  	(tag) =	ssettag $0x1  }
0x1: {  	s4 =	rddreg [dreg:$0x0]  }
0x2: {  	s5 =	rddreg [dreg:$0x1]  }
0x3: {  	s0 =	rddreg [dreg:$0x2]  }
0x4: {  	s3 =	srdreg.scid;
	s2 =	simm.s32 $0x0;
	s1 =	stileid.u32  }
0x5: {  	s9 =	simm.s32 $0x3;
	s10 =	simm.s32 $0x6400;
	s11 =	simm.s32 $0x8400  }
0x6: {  	s12 =	simm.s32 $0x100;
	s13 =	simm.s32 $0xA400;
	s14 =	simm.s32 $0x180  }
0x7: {  	s15 =	simm.s32 $0xC400;
	s16 =	simm.s32 $0xE400;
	s17 =	simm.s32 $0x10400  }
0x8: {  	s18 =	simm.s32 $0x12400;
	s19 =	simm.s32 $0x14400;
	s20 =	simm.s32 $0x1  }
0x9: {  	s21 =	simm.s32 $0x2;
	s22 =	simm.s32 $0x16400;
	s23 =	simm.s32 $0x0  }
0xa: {  	s6 =	sand.u32 $0x1, s3;
	[smem:$0x7FF] =	sst s2;
	s30 =	sshll.u32 s1, $0x8  }
0xb: {  	s3 =	sadd.s32 $0x187400, s5;
	s7 =	sshll.u32 s6, $0x7;
	s6 =	ssub.s32 $0x2, s6  }
0xc: {  	_ =	strace $0x80000047;
	s7 =	sor.u32 s7, s30;
	s31 =	sshrl.u32 s6, $0x1  }
0xd: {  	s8 =	sshll.u32 s7, $0x3;
	s7 =	sshrl.u32 s7, $0x3;
	s6 =	ssub.s32 s6, s31  }
0xe: {  	s5 =	sadd.s32 s8, s5;
	s4 =	sadd.s32 s4, s7;
	s6 =	smax.u32 s6, $0x1  }
0xf: {  	v0 =	vimm.f32 $0.0e+00;
	s7 =	simm.s32 $0x80;
	s8 =	simm.s32 $0x1000;
	s5 =	sadd.s32 $0xA00, s5  }
.LBB2_1:
0x10: {  	[tilespmem:s2], [sflag:$0x3] =	stream.strided.gather [hbm4b:s4+s7], $0x6400, s8, s7, $0x38;
	[tilespmem:$0x18400] =	vst v63  }
0x11: {  	_ =	swait.ge [sflag:s9], $0x6400  }
0x12: {  	[sflag:s9] =	ssyncset.done $0x0  }
0x13: {  	s25 =	simm.s32 $0x100;
	s24 =	simm.s32 $0x0;
	[sflag:s9] =	ssyncadd.s32 $0xFFFF9C00  }
.LBB2_2:
0x14: {  	p0 =	sne.s32 s25, $0x7F00;
	[tilespmem:s24+$0x16430] =	vst v0;
	s26 =	smov.u32 s25;
	s25 =	sadd.s32 $0x100, s25  }
.Ltmp0:
0x15: {  	[tilespmem:s24+$0x16420] =	vst v0;
	(pc) =	sbr.rel @p0 .LBB2_2-.Ltmp0, $3  }
0x16: {  	[tilespmem:s24+$0x16400] =	vst v0  }
0x17: {  	[tilespmem:s24+$0x16410] =	vst v0;
	_ =	sdelay $0x1  }
0x18: {  	s24 =	sshra.s32 s26, $0x2  }
0x19: {  	[tilespmem:s24+$0x16430] =	vst v0  }
0x1a: {  	[tilespmem:s24+$0x16420] =	vst v0  }
0x1b: {  	[tilespmem:s24+$0x16400] =	vst v0  }
0x1c: {  	[tilespmem:s24+$0x16410] =	vst v0;
	s24 =	simm.s32 $0x0  }
0x1d: {  	[tilespmem:s10], [sflag:$0x1] =	stream.indirect.gather [hbm4b:s3+s7], $0x40, s24, s7, $0xb8;
	[tilespmem:$0x18400] =	vst v63  }
0x1e: {  	_ = 	snop  }
0x1f: {  	[tilespmem:s11], [sflag:$0x1] =	stream.indirect.gather [hbm4b:s3+s7], $0x40, s7, s7, $0xb8;
	[tilespmem:$0x18400] =	vst v63  }
0x20: {  	_ = 	snop  }
0x21: {  	[tilespmem:s13], [sflag:$0x1] =	stream.indirect.gather [hbm4b:s3+s7], $0x40, s12, s7, $0xb8;
	[tilespmem:$0x18400] =	vst v63  }
0x22: {  	_ = 	snop  }
0x23: {  	[tilespmem:s15], [sflag:$0x1] =	stream.indirect.gather [hbm4b:s3+s7], $0x40, s14, s7, $0xb8;
	[tilespmem:$0x18400] =	vst v63  }
.LBB2_4:
0x24: {  	s25 =	sshll.u32 s24, $0xA  }
0x25: {  	s25 =	sand.u32 $0x3FFFFC00, s25  }
0x26: {  	s26 =	sor.u32 $0x200, s25  }
0x27: {  	[tilespmem:s16], [sflag:$0x2] =	stream.indirect.gather [hbm4b:s3+s7], $0x40, s26, s7, $0xb8;
	[tilespmem:$0x18400] =	vst v63  }
0x28: {  	s29 =	sor.u32 $0x280, s25  }
0x29: {  	[tilespmem:s17], [sflag:$0x2] =	stream.indirect.gather [hbm4b:s3+s7], $0x40, s29, s7, $0xb8;
	[tilespmem:$0x18400] =	vst v63  }
0x2a: {  	s30 =	sor.u32 $0x300, s25  }
0x2b: {  	[tilespmem:s18], [sflag:$0x2] =	stream.indirect.gather [hbm4b:s3+s7], $0x40, s30, s7, $0xb8;
	[tilespmem:$0x18400] =	vst v63  }
0x2c: {  	s31 =	sor.u32 $0x380, s25  }
0x2d: {  	[tilespmem:s19], [sflag:$0x2] =	stream.indirect.gather [hbm4b:s3+s7], $0x40, s31, s7, $0xb8;
	[tilespmem:$0x18400] =	vst v63  }
0x2e: {  	_ =	swait.ge [sflag:s20], $0x2000  }
0x2f: {  	[sflag:s20] =	ssyncset.done $0x0  }
0x30: {  	[sflag:s20] =	ssyncadd.s32 $0xFFFFE000  }
0x31: {  	_ =	swait.ge [sflag:s20], $0x2000  }
0x32: {  	[sflag:s20] =	ssyncset.done $0x0  }
0x33: {  	[sflag:s20] =	ssyncadd.s32 $0xFFFFE000  }
0x34: {  	_ =	swait.ge [sflag:s20], $0x2000  }
0x35: {  	[sflag:s20] =	ssyncset.done $0x0  }
0x36: {  	[sflag:s20] =	ssyncadd.s32 $0xFFFFE000  }
0x37: {  	_ =	swait.ge [sflag:s20], $0x2000  }
0x38: {  	[sflag:s20] =	ssyncset.done $0x0  }
0x39: {  	s26 =	simm.s32 $0x0;
	[sflag:s20] =	ssyncadd.s32 $0xFFFFE000  }
0x3a: {  	v0 =	vld [tilespmem:s26+$0xC440];
	_ =	sdelay $0x4  }
0x3b: {  	[tilespmem:$0x1FD10] =	vst v0;
	v0 =	vld [tilespmem:s26+$0xC450];
	_ =	sdelay $0x4  }
0x3c: {  	[tilespmem:$0x1FD20] =	vst v0;
	v0 =	vld [tilespmem:s26+$0xC460];
	_ =	sdelay $0x4  }
0x3d: {  	[tilespmem:$0x1FD30] =	vst v0;
	v0 =	vld [tilespmem:s26+$0xC470];
	_ =	sdelay $0x4  }
0x3e: {  	[tilespmem:$0x1FD40] =	vst v0;
	v0 =	vld [tilespmem:s26+$0xC480];
	_ =	sdelay $0x4  }
0x3f: {  	[tilespmem:$0x1FD50] =	vst v0;
	v0 =	vld [tilespmem:s26+$0xC490];
	_ =	sdelay $0x4  }
0x40: {  	[tilespmem:$0x1FD70] =	vst v0;
	v0 =	vld [tilespmem:s26+$0xC4A0];
	_ =	sdelay $0x4  }
0x41: {  	[tilespmem:$0x1FD80] =	vst v0;
	v0 =	vld [tilespmem:s26+$0xC4B0];
	_ =	sdelay $0x4  }
0x42: {  	[tilespmem:$0x1FD90] =	vst v0;
	v0 =	vld [tilespmem:s26+$0xC4C0];
	_ =	sdelay $0x4  }
0x43: {  	[tilespmem:$0x1FDD0] =	vst v0;
	v0 =	vld [tilespmem:s26+$0xC4D0];
	_ =	sdelay $0x4  }
0x44: {  	[tilespmem:$0x1FDF0] =	vst v0;
	v0 =	vld [tilespmem:s26+$0xC4E0];
	_ =	sdelay $0x4  }
0x45: {  	[tilespmem:$0x1FE00] =	vst v0;
	v0 =	vld [tilespmem:s26+$0xC4F0];
	_ =	sdelay $0x4  }
0x46: {  	[tilespmem:$0x1FE10] =	vst v0;
	v0 =	vld [tilespmem:s26+$0xC500];
	_ =	sdelay $0x4  }
0x47: {  	[tilespmem:$0x1FE90] =	vst v0;
	v0 =	vld [tilespmem:s26+$0xC510];
	_ =	sdelay $0x4  }
0x48: {  	[tilespmem:$0x1FEB0] =	vst v0;
	v0 =	vld [tilespmem:s26+$0xC520];
	_ =	sdelay $0x4  }
0x49: {  	[tilespmem:$0x1FEC0] =	vst v0;
	v0 =	vld [tilespmem:s26+$0xC530];
	_ =	sdelay $0x4  }
0x4a: {  	[tilespmem:$0x1FED0] =	vst v0;
	v0 =	vld [tilespmem:s26+$0xC540];
	_ =	sdelay $0x4  }
0x4b: {  	[tilespmem:$0x1FF50] =	vst v0;
	v0 =	vld [tilespmem:s26+$0xC550];
	_ =	sdelay $0x4  }
0x4c: {  	[tilespmem:$0x1FF70] =	vst v0;
	v0 =	vld [tilespmem:s26+$0xC560];
	_ =	sdelay $0x4  }
0x4d: {  	[tilespmem:$0x1FF80] =	vst v0;
	v0 =	vld [tilespmem:s26+$0xC570];
	_ =	sdelay $0x4  }
0x4e: {  	[tilespmem:$0x1FF90] =	vst v0;
	v0 =	vld [tilespmem:s26+$0xC580];
	_ =	sdelay $0x4  }
0x4f: {  	[tilespmem:$0x1FCB0] =	vst v0;
	v0 =	vld [tilespmem:s26+$0xC590];
	_ =	sdelay $0x4  }
0x50: {  	[tilespmem:$0x1FCC0] =	vst v0;
	v0 =	vld [tilespmem:s26+$0xA4B0];
	_ =	sdelay $0x4  }
0x51: {  	[tilespmem:$0x1FD60] =	vst v0;
	v0 =	vld [tilespmem:s26+$0xA4C0];
	_ =	sdelay $0x4  }
0x52: {  	[tilespmem:$0x1FDA0] =	vst v0;
	v0 =	vld [tilespmem:s26+$0xA4D0];
	_ =	sdelay $0x4  }
0x53: {  	[tilespmem:$0x1FDB0] =	vst v0;
	v0 =	vld [tilespmem:s26+$0xA4E0];
	_ =	sdelay $0x4  }
0x54: {  	[tilespmem:$0x1FDC0] =	vst v0;
	v0 =	vld [tilespmem:s26+$0xA4F0];
	_ =	sdelay $0x4  }
0x55: {  	[tilespmem:$0x1FDE0] =	vst v0;
	v0 =	vld [tilespmem:s26+$0xA500];
	_ =	sdelay $0x4  }
0x56: {  	[tilespmem:$0x1FE50] =	vst v0;
	v0 =	vld [tilespmem:s26+$0xA510];
	_ =	sdelay $0x4  }
0x57: {  	[tilespmem:$0x1FE70] =	vst v0;
	v0 =	vld [tilespmem:s26+$0xA520];
	_ =	sdelay $0x4  }
0x58: {  	[tilespmem:$0x1FE80] =	vst v0;
	v0 =	vld [tilespmem:s26+$0xA530];
	_ =	sdelay $0x4  }
0x59: {  	[tilespmem:$0x1FEA0] =	vst v0;
	v0 =	vld [tilespmem:s26+$0xA540];
	_ =	sdelay $0x4  }
0x5a: {  	[tilespmem:$0x1FF10] =	vst v0;
	v0 =	vld [tilespmem:s26+$0xA550];
	_ =	sdelay $0x4  }
0x5b: {  	[tilespmem:$0x1FF30] =	vst v0;
	v0 =	vld [tilespmem:s26+$0xA560];
	_ =	sdelay $0x4  }
0x5c: {  	[tilespmem:$0x1FF40] =	vst v0;
	v0 =	vld [tilespmem:s26+$0xA570];
	_ =	sdelay $0x4  }
0x5d: {  	[tilespmem:$0x1FF60] =	vst v0;
	v0 =	vld [tilespmem:s26+$0xA580];
	_ =	sdelay $0x4  }
0x5e: {  	[tilespmem:$0x1FFD0] =	vst v0;
	v0 =	vld [tilespmem:s26+$0xA590];
	_ =	sdelay $0x4  }
0x5f: {  	[tilespmem:$0x1FFF0] =	vst v0;
	v0 =	vld [tilespmem:s26+$0xA5A0];
	_ =	sdelay $0x4  }
0x60: {  	[tilespmem:$0x1FCD0] =	vst v0;
	v0 =	vld [tilespmem:s26+$0xA5B0];
	_ =	sdelay $0x4  }
0x61: {  	[tilespmem:$0x1FCE0] =	vst v0;
	v0 =	vld [tilespmem:s26+$0xA5C0];
	_ =	sdelay $0x4  }
0x62: {  	[tilespmem:$0x1FCF0] =	vst v0;
	v0 =	vld [tilespmem:s26+$0xA5D0];
	_ =	sdelay $0x4  }
0x63: {  	[tilespmem:$0x1FD00] =	vst v0;
	v0 =	vld [tilespmem:s26+$0x8500];
	_ =	sdelay $0x4  }
0x64: {  	[tilespmem:$0x1FE20] =	vst v0;
	v0 =	vld [tilespmem:s26+$0x8510];
	_ =	sdelay $0x4  }
0x65: {  	[tilespmem:$0x1FE30] =	vst v0;
	v0 =	vld [tilespmem:s26+$0x8520];
	_ =	sdelay $0x4  }
0x66: {  	[tilespmem:$0x1FE40] =	vst v0;
	v0 =	vld [tilespmem:s26+$0x8530];
	_ =	sdelay $0x4  }
0x67: {  	[tilespmem:$0x1FE60] =	vst v0;
	v0 =	vld [tilespmem:s26+$0x8540];
	_ =	sdelay $0x2  }
0x68: {  	v59 =	vld [tilespmem:s26+$0xC400]  }
0x69: {  	v53 =	vld [tilespmem:s26+$0xC410]  }
0x6a: {  	[tilespmem:$0x1FEE0] =	vst v0;
	v0 =	vld [tilespmem:s26+$0x8550]  }
0x6b: {  	v57 =	vld [tilespmem:s26+$0xC420]  }
0x6c: {  	v55 =	vld [tilespmem:s26+$0xC430]  }
0x6d: {  	v39 =	vld [tilespmem:s26+$0xC5A0]  }
0x6e: {  	v60 =	vld [tilespmem:s26+$0xA400]  }
0x6f: {  	[tilespmem:$0x1FEF0] =	vst v0;
	v0 =	vld [tilespmem:s26+$0x8560]  }
0x70: {  	v61 =	vld [tilespmem:s26+$0xA410]  }
0x71: {  	v62 =	vld [tilespmem:s26+$0xA420]  }
0x72: {  	v63 =	vld [tilespmem:s26+$0xA430]  }
0x73: {  	v45 =	vld [tilespmem:s26+$0xA440]  }
0x74: {  	[tilespmem:$0x1FF00] =	vst v0;
	v0 =	vld [tilespmem:s26+$0x8570]  }
0x75: {  	v46 =	vld [tilespmem:s26+$0xA450]  }
0x76: {  	v49 =	vld [tilespmem:s26+$0xA470]  }
0x77: {  	v58 =	vld [tilespmem:s26+$0xA480]  }
0x78: {  	v56 =	vld [tilespmem:s26+$0xA490]  }
0x79: {  	[tilespmem:$0x1FF20] =	vst v0;
	v0 =	vld [tilespmem:s26+$0x8580]  }
0x7a: {  	v54 =	vld [tilespmem:s26+$0xA4A0]  }
0x7b: {  	v9 =	vld [tilespmem:s26+$0x8400]  }
0x7c: {  	v28 =	vld [tilespmem:s26+$0x8410]  }
0x7d: {  	v29 =	vld [tilespmem:s26+$0x8420]  }
0x7e: {  	[tilespmem:$0x1FFA0] =	vst v0;
	v0 =	vld [tilespmem:s26+$0x8590]  }
0x7f: {  	v30 =	vld [tilespmem:s26+$0x8430]  }
0x80: {  	v32 =	vld [tilespmem:s26+$0x8440]  }
0x81: {  	v34 =	vld [tilespmem:s26+$0x8450]  }
0x82: {  	v40 =	vld [tilespmem:s26+$0x8480]  }
0x83: {  	[tilespmem:$0x1FFB0] =	vst v0;
	v0 =	vld [tilespmem:s26+$0x85A0]  }
0x84: {  	v42 =	vld [tilespmem:s26+$0x8490]  }
0x85: {  	v43 =	vld [tilespmem:s26+$0x84A0]  }
0x86: {  	v3 =	vld [tilespmem:s26+$0x6400]  }
0x87: {  	v5 =	vld [tilespmem:s26+$0x6410]  }
0x88: {  	[tilespmem:$0x1FFC0] =	vst v0;
	v0 =	vld [tilespmem:s26+$0x85B0]  }
0x89: {  	v6 =	vld [tilespmem:s26+$0x6420]  }
0x8a: {  	v7 =	vld [tilespmem:s26+$0x6430]  }
0x8b: {  	v4 =	vld [tilespmem:s26+$0x16430]  }
0x8c: {  	v2 =	vld [tilespmem:s26+$0x16420]  }
0x8d: {  	[tilespmem:$0x1FFE0] =	vst v0;
	v0 =	vld [tilespmem:s26+$0x16400]  }
0x8e: {  	v1 =	vld [tilespmem:s26+$0x16410]  }
0x8f: {  	v8 =	vld [tilespmem:s26+$0x64A0]  }
0x90: {  	v24 =	vld [tilespmem:s26+$0x164A0];
	v4 =	vadd.f32 v7, v4  }
0x91: {  	v31 =	vld [tilespmem:s26+$0x64C0];
	v2 =	vadd.f32 v6, v2  }
0x92: {  	v11 =	vld [tilespmem:s26+$0x64E0];
	v4 =	vadd.f32 v30, v4;
	v0 =	vadd.f32 v3, v0  }
0x93: {  	v1 =	vadd.f32 v5, v1;
	v7 =	vld [tilespmem:s26+$0x164E0];
	v2 =	vadd.f32 v29, v2  }
0x94: {  	v5 =	vld [tilespmem:s26+$0x164C0];
	v4 =	vadd.f32 v63, v4;
	v0 =	vadd.f32 v9, v0  }
0x95: {  	v48 =	vld [tilespmem:s26+$0x84C0];
	v2 =	vadd.f32 v62, v2  }
0x96: {  	v10 =	vld [tilespmem:s26+$0x64D0];
	v4 =	vadd.f32 v55, v4;
	v0 =	vadd.f32 v60, v0  }
0x97: {  	v6 =	vld [tilespmem:s26+$0x164D0];
	v24 =	vadd.f32 v8, v24;
	v2 =	vadd.f32 v57, v2  }
0x98: {  	[tilespmem:s26+$0x16430] =	vst v4;
	v4 =	vadd.f32 v11, v7;
	v7 =	vld [tilespmem:$0x1FDA0];
	v0 =	vadd.f32 v59, v0  }
0x99: {  	[tilespmem:s26+$0x16420] =	vst v2;
	v2 =	vadd.f32 v31, v5;
	v5 =	vld [tilespmem:$0x1FD80]  }
0x9a: {  	v50 =	vld [tilespmem:s26+$0x84D0];
	[tilespmem:s26+$0x16400] =	vst v0;
	v0 =	vadd.f32 v43, v24  }
0x9b: {  	v51 =	vld [tilespmem:s26+$0x84E0];
	v2 =	vadd.f32 v48, v2  }
0x9c: {  	v52 =	vld [tilespmem:s26+$0x84F0];
	v0 =	vadd.f32 v54, v0  }
0x9d: {  	v2 =	vadd.f32 v7, v2;
	v7 =	vld [tilespmem:$0x1FDB0]  }
0x9e: {  	v15 =	vld [tilespmem:s26+$0x6440];
	v0 =	vadd.f32 v5, v0;
	v5 =	vadd.f32 v10, v6  }
0x9f: {  	v17 =	vld [tilespmem:s26+$0x6450]  }
0xa0: {  	v19 =	vld [tilespmem:s26+$0x6460];
	v5 =	vadd.f32 v50, v5  }
0xa1: {  	v20 =	vld [tilespmem:s26+$0x6470]  }
0xa2: {  	v5 =	vadd.f32 v7, v5;
	v7 =	vld [tilespmem:$0x1FDC0]  }
0xa3: {  	v13 =	vld [tilespmem:s26+$0x16440]  }
0xa4: {  	v14 =	vld [tilespmem:s26+$0x16450]  }
0xa5: {  	v16 =	vld [tilespmem:s26+$0x16460];
	v4 =	vadd.f32 v51, v4  }
0xa6: {  	v3 =	vld [tilespmem:s26+$0x64F0]  }
0xa7: {  	v4 =	vadd.f32 v7, v4;
	v7 =	vld [tilespmem:$0x1FDD0]  }
0xa8: {  	v9 =	vld [tilespmem:s26+$0x164F0]  }
0xa9: {  	v18 =	vld [tilespmem:s26+$0x16470]  }
0xaa: {  	v23 =	vld [tilespmem:s26+$0x6480]  }
0xab: {  	v21 =	vld [tilespmem:s26+$0x16480]  }
0xac: {  	v1 =	vadd.f32 v28, v1;
	v7 =	vadd.f32 v7, v2;
	v2 =	vld [tilespmem:$0x1FDE0]  }
0xad: {  	v25 =	vld [tilespmem:s26+$0x6490];
	v3 =	vadd.f32 v3, v9  }
0xae: {  	v22 =	vld [tilespmem:s26+$0x16490];
	v13 =	vadd.f32 v15, v13;
	v1 =	vadd.f32 v61, v1  }
0xaf: {  	v16 =	vadd.f32 v19, v16;
	v61 =	vld [tilespmem:$0x1FD10];
	v3 =	vadd.f32 v52, v3  }
0xb0: {  	v19 =	vld [tilespmem:s26+$0x16510];
	v13 =	vadd.f32 v32, v13;
	v1 =	vadd.f32 v53, v1  }
0xb1: {  	v21 =	vadd.f32 v23, v21;
	v2 =	vadd.f32 v2, v3;
	v3 =	vld [tilespmem:$0x1FDF0]  }
0xb2: {  	v13 =	vadd.f32 v45, v13;
	[tilespmem:s26+$0x16410] =	vst v1;
	v1 =	vld [tilespmem:$0x1FD50]  }
0xb3: {  	v18 =	vadd.f32 v20, v18;
	v20 =	vld [tilespmem:s26+$0x16520];
	v21 =	vadd.f32 v40, v21  }
0xb4: {  	v29 =	vld [tilespmem:s26+$0x6510];
	v13 =	vadd.f32 v61, v13  }
0xb5: {  	v21 =	vadd.f32 v58, v21;
	v55 =	vld [tilespmem:$0x1FE10]  }
0xb6: {  	v22 =	vadd.f32 v25, v22;
	[tilespmem:s26+$0x16440] =	vst v13;
	v13 =	vadd.f32 v3, v5;
	v5 =	vld [tilespmem:$0x1FE00]  }
0xb7: {  	v1 =	vadd.f32 v1, v21;
	v59 =	vld [tilespmem:s26+$0x6520]  }
0xb8: {  	v14 =	vadd.f32 v17, v14;
	v17 =	vld [tilespmem:s26+$0x16500];
	v22 =	vadd.f32 v42, v22  }
0xb9: {  	[tilespmem:s26+$0x16480] =	vst v1;
	v1 =	vld [tilespmem:$0x1FE40]  }
0xba: {  	v28 =	vld [tilespmem:s26+$0x6500];
	v14 =	vadd.f32 v34, v14;
	v22 =	vadd.f32 v56, v22  }
0xbb: {  	v15 =	vld [tilespmem:s26+$0x6530];
	v4 =	vadd.f32 v5, v4;
	v5 =	vadd.f32 v29, v19  }
0xbc: {  	v56 =	vld [tilespmem:$0x1FE20];
	v19 =	vadd.f32 v55, v2;
	v2 =	vadd.f32 v59, v20  }
0xbd: {  	v14 =	vadd.f32 v46, v14;
	v46 =	vld [tilespmem:$0x1FD70]  }
0xbe: {  	v1 =	vadd.f32 v1, v2;
	v2 =	vld [tilespmem:$0x1FE50]  }
0xbf: {  	v62 =	vld [tilespmem:$0x1FD20];
	v3 =	vadd.f32 v28, v17  }
0xc0: {  	v61 =	vld [tilespmem:$0x1FE90]  }
0xc1: {  	v60 =	vld [tilespmem:s26+$0x16530];
	v3 =	vadd.f32 v56, v3  }
0xc2: {  	v36 =	vld [tilespmem:s26+$0x8460]  }
0xc3: {  	v22 =	vadd.f32 v46, v22;
	v2 =	vadd.f32 v2, v3;
	v3 =	vld [tilespmem:$0x1FE60]  }
0xc4: {  	v38 =	vld [tilespmem:s26+$0x8470];
	v14 =	vadd.f32 v62, v14  }
0xc5: {  	[tilespmem:s26+$0x16490] =	vst v22;
	v22 =	vadd.f32 v61, v2;
	v2 =	vld [tilespmem:$0x1FEA0]  }
0xc6: {  	[tilespmem:s26+$0x16450] =	vst v14;
	v57 =	vld [tilespmem:$0x1FE30];
	v14 =	vadd.f32 v15, v60  }
0xc7: {  	v27 =	vld [tilespmem:s26+$0x64B0]  }
0xc8: {  	v59 =	vld [tilespmem:$0x1FE70];
	v3 =	vadd.f32 v3, v14  }
0xc9: {  	v63 =	vld [tilespmem:$0x1FD40]  }
0xca: {  	v3 =	vadd.f32 v2, v3;
	v2 =	vld [tilespmem:$0x1FEB0]  }
0xcb: {  	v26 =	vld [tilespmem:s26+$0x164B0];
	v18 =	vadd.f32 v38, v18;
	v5 =	vadd.f32 v57, v5  }
0xcc: {  	v8 =	vld [tilespmem:s26+$0x16550]  }
0xcd: {  	v18 =	vadd.f32 v49, v18;
	v60 =	vld [tilespmem:$0x1FE80];
	v5 =	vadd.f32 v59, v5  }
0xce: {  	v16 =	vadd.f32 v36, v16;
	v36 =	vld [tilespmem:s26+$0x6550]  }
0xcf: {  	v18 =	vadd.f32 v63, v18;
	v63 =	vadd.f32 v2, v5;
	v2 =	vld [tilespmem:$0x1FEC0]  }
0xd0: {  	v37 =	vld [tilespmem:s26+$0xC5B0]  }
0xd1: {  	v44 =	vld [tilespmem:s26+$0x84B0]  }
0xd2: {  	v35 =	vld [tilespmem:s26+$0xC5C0];
	v1 =	vadd.f32 v60, v1  }
0xd3: {  	v26 =	vadd.f32 v27, v26;
	v45 =	vld [tilespmem:$0x1FD60]  }
0xd4: {  	v2 =	vadd.f32 v2, v1;
	v1 =	vadd.f32 v36, v8;
	v8 =	vld [tilespmem:$0x1FED0]  }
0xd5: {  	v6 =	vld [tilespmem:$0x1FD90]  }
0xd6: {  	v47 =	vld [tilespmem:s26+$0xA460];
	v26 =	vadd.f32 v44, v26  }
0xd7: {  	v25 =	vld [tilespmem:s26+$0x16540]  }
0xd8: {  	v34 =	vld [tilespmem:s26+$0x6540];
	v26 =	vadd.f32 v45, v26  }
0xd9: {  	v3 =	vadd.f32 v8, v3;
	v8 =	vld [tilespmem:$0x1FEF0]  }
0xda: {  	v23 =	vld [tilespmem:$0x1FD30];
	v6 =	vadd.f32 v6, v26  }
0xdb: {  	v33 =	vld [tilespmem:s26+$0xC5D0]  }
0xdc: {  	[tilespmem:s26+$0x164B0] =	vst v6;
	v6 =	vld [tilespmem:$0x1FEE0]  }
0xdd: {  	v38 =	vld [tilespmem:s26+$0x6560];
	v16 =	vadd.f32 v47, v16  }
0xde: {  	v1 =	vadd.f32 v8, v1;
	v8 =	vld [tilespmem:$0x1FF10]  }
0xdf: {  	v16 =	vadd.f32 v23, v16;
	v23 =	vld [tilespmem:s26+$0x6570];
	[tilespmem:s26+$0x164A0] =	vst v0;
	v0 =	vadd.f32 v34, v25  }
0xe0: {  	v21 =	vld [tilespmem:s26+$0x16570]  }
0xe1: {  	v43 =	vld [tilespmem:s26+$0x16560];
	v0 =	vadd.f32 v6, v0  }
0xe2: {  	[tilespmem:s26+$0x164C0] =	vst v7;
	v7 =	vld [tilespmem:$0x1FF00]  }
0xe3: {  	v0 =	vadd.f32 v8, v0;
	v8 =	vld [tilespmem:$0x1FF20];
	_ =	sdelay $0x2  }
0xe4: {  	v15 =	vadd.f32 v23, v21;
	v14 =	vadd.f32 v38, v43;
	_ =	sdelay $0x1  }
0xe5: {  	v7 =	vadd.f32 v7, v14;
	v14 =	vadd.f32 v8, v15;
	v8 =	vld [tilespmem:$0x1FF30];
	_ =	sdelay $0x4  }
0xe6: {  	v1 =	vadd.f32 v8, v1;
	v8 =	vld [tilespmem:$0x1FF40];
	_ =	sdelay $0x4  }
0xe7: {  	v7 =	vadd.f32 v8, v7;
	v8 =	vld [tilespmem:$0x1FF50];
	_ =	sdelay $0x4  }
0xe8: {  	[tilespmem:s26+$0x16470] =	vst v18;
	v18 =	vadd.f32 v8, v0;
	v0 =	vld [tilespmem:$0x1FF60]  }
0xe9: {  	v8 =	vld [tilespmem:$0x1FF70];
	_ =	sdelay $0x1  }
0xea: {  	v47 =	vld [tilespmem:s26+$0x6580]  }
0xeb: {  	v17 =	vld [tilespmem:s26+$0x16580];
	_ =	sdelay $0x1  }
0xec: {  	v0 =	vadd.f32 v0, v14;
	v14 =	vadd.f32 v8, v1;
	v8 =	vld [tilespmem:$0x1FFA0]  }
0xed: {  	v49 =	vld [tilespmem:s26+$0x6590]  }
0xee: {  	v20 =	vld [tilespmem:s26+$0x16590]  }
0xef: {  	[tilespmem:s26+$0x164E0] =	vst v4;
	v4 =	vadd.f32 v47, v17;
	v1 =	vld [tilespmem:$0x1FF80];
	_ =	sdelay $0x1  }
0xf0: {  	v4 =	vadd.f32 v8, v4;
	v8 =	vld [tilespmem:$0x1FFB0]  }
0xf1: {  	v58 =	vld [tilespmem:s26+$0x165A0]  }
0xf2: {  	v53 =	vld [tilespmem:s26+$0x65A0]  }
0xf3: {  	v17 =	vadd.f32 v49, v20;
	v7 =	vadd.f32 v1, v7;
	v1 =	vld [tilespmem:$0x1FF90];
	_ =	sdelay $0x1  }
0xf4: {  	v17 =	vadd.f32 v8, v17;
	v8 =	vld [tilespmem:$0x1FFC0];
	_ =	sdelay $0x1  }
0xf5: {  	v62 =	vld [tilespmem:s26+$0x165B0]  }
0xf6: {  	v54 =	vld [tilespmem:s26+$0x65B0];
	v1 =	vadd.f32 v1, v0;
	v0 =	vadd.f32 v53, v58  }
0xf7: {  	v12 =	vld [tilespmem:s26+$0x85C0]  }
0xf8: {  	v20 =	vadd.f32 v8, v0;
	v8 =	vld [tilespmem:$0x1FFE0]  }
0xf9: {  	v41 =	vld [tilespmem:s26+$0x85D0]  }
0xfa: {  	[tilespmem:s26+$0x16460] =	vst v16;
	v16 =	vld [tilespmem:s26+$0x65E0]  }
0xfb: {  	v21 =	vadd.f32 v54, v62;
	v6 =	vld [tilespmem:s26+$0x65D0]  }
0xfc: {  	v0 =	vld [tilespmem:$0x1FFD0]  }
0xfd: {  	v21 =	vadd.f32 v8, v21;
	v8 =	vld [tilespmem:$0x1FFF0]  }
0xfe: {  	[tilespmem:s26+$0x164D0] =	vst v13;
	v13 =	vld [tilespmem:s26+$0x165C0]  }
0xff: {  	[tilespmem:s26+$0x164F0] =	vst v19;
	v19 =	vld [tilespmem:s26+$0x165D0]  }
0x100: {  	v5 =	vld [tilespmem:s26+$0x65C0]  }
0x101: {  	[tilespmem:s26+$0x16500] =	vst v22;
	v15 =	vld [tilespmem:s26+$0x65F0]  }
0x102: {  	s28 =	simm.s32 $0x800;
	[tilespmem:s26+$0x16510] =	vst v63;
	v4 =	vadd.f32 v0, v4;
	v0 =	vld [tilespmem:s26+$0x165E0];
	v17 =	vadd.f32 v8, v17  }
.LBB2_5:
0x103: {  	v8 =	vld [tilespmem:$0x1FCD0];
	_ =	sdelay $0x4  }
0x104: {  	v10 =	vadd.f32 v8, v20;
	v8 =	vld [tilespmem:$0x1FCB0];
	_ =	sdelay $0x4  }
0x105: {  	v4 =	vadd.f32 v8, v4;
	v8 =	vld [tilespmem:$0x1FCE0];
	_ =	sdelay $0x1  }
0x106: {  	v22 =	vld [tilespmem:s26+$0x165F0]  }
0x107: {  	[tilespmem:s26+$0x16520] =	vst v2;
	v2 =	vld [tilespmem:s26+$0x85E0]  }
0x108: {  	v11 =	vld [tilespmem:s26+$0xC5E0]  }
0x109: {  	v9 =	vadd.f32 v8, v21;
	v8 =	vld [tilespmem:$0x1FCC0]  }
0x10a: {  	[tilespmem:s26+$0x16570] =	vst v1;
	v1 =	vld [tilespmem:$0x1FCF0]  }
0x10b: {  	[tilespmem:s26+$0x16530] =	vst v3;
	v3 =	vadd.f32 v5, v13;
	v5 =	vld [tilespmem:s26+$0x85F0];
	v6 =	vadd.f32 v6, v19  }
0x10c: {  	v0 =	vadd.f32 v16, v0;
	[tilespmem:s26+$0x16580] =	vst v4;
	v4 =	vld [tilespmem:$0x1FD00]  }
0x10d: {  	[tilespmem:s26+$0x16540] =	vst v18;
	v13 =	vld [tilespmem:s26+$0xA5E0];
	v3 =	vadd.f32 v12, v3;
	v6 =	vadd.f32 v41, v6  }
0x10e: {  	[tilespmem:s26+$0x16550] =	vst v14;
	v12 =	vld [tilespmem:s26+$0xA5F0];
	v0 =	vadd.f32 v2, v0;
	v17 =	vadd.f32 v8, v17  }
0x10f: {  	[tilespmem:s26+$0x16560] =	vst v7;
	s29 =	sshra.s32 s28, $0x2;
	v2 =	vld [tilespmem:s26+$0xC5F0];
	v10 =	vadd.f32 v39, v10;
	v1 =	vadd.f32 v1, v3  }
0x110: {  	v47 =	vld [tilespmem:s29+$0xC400];
	v9 =	vadd.f32 v37, v9;
	[tilespmem:s26+$0x16590] =	vst v17  }
0x111: {  	v1 =	vadd.f32 v35, v1;
	v4 =	vadd.f32 v4, v6;
	v48 =	vld [tilespmem:s29+$0xC410];
	[tilespmem:s26+$0x165A0] =	vst v10  }
0x112: {  	v0 =	vadd.f32 v13, v0;
	v49 =	vld [tilespmem:s29+$0xC420];
	[tilespmem:s26+$0x165B0] =	vst v9  }
0x113: {  	v7 =	vadd.f32 v15, v22;
	v4 =	vadd.f32 v33, v4;
	v50 =	vld [tilespmem:s29+$0xC430];
	[tilespmem:s26+$0x165C0] =	vst v1  }
0x114: {  	v0 =	vadd.f32 v11, v0;
	v1 =	vld [tilespmem:s29+$0xC440]  }
0x115: {  	v3 =	vadd.f32 v5, v7;
	[tilespmem:s26+$0x165D0] =	vst v4  }
0x116: {  	v42 =	vld [tilespmem:s29+$0xC450];
	[tilespmem:s26+$0x165E0] =	vst v0  }
0x117: {  	v3 =	vadd.f32 v12, v3;
	v0 =	vld [tilespmem:s29+$0xC460];
	_ =	sdelay $0x1  }
0x118: {  	[tilespmem:$0x1FAE0] =	vst v1;
	v1 =	vadd.f32 v2, v3;
	_ =	sdelay $0x1  }
0x119: {  	[tilespmem:s26+$0x165F0] =	vst v1;
	s26 =	smov.u32 s29  }
0x11a: {  	[tilespmem:$0x1FAF0] =	vst v0;
	v0 =	vld [tilespmem:s26+$0xC470];
	_ =	sdelay $0x4  }
0x11b: {  	[tilespmem:$0x1FB00] =	vst v0;
	v0 =	vld [tilespmem:s26+$0xC480];
	_ =	sdelay $0x4  }
0x11c: {  	[tilespmem:$0x1FB10] =	vst v0;
	v0 =	vld [tilespmem:s26+$0xC490];
	_ =	sdelay $0x4  }
0x11d: {  	[tilespmem:$0x1FB20] =	vst v0;
	v0 =	vld [tilespmem:s26+$0xC4A0];
	_ =	sdelay $0x4  }
0x11e: {  	[tilespmem:$0x1FB30] =	vst v0;
	v0 =	vld [tilespmem:s26+$0xC4B0];
	_ =	sdelay $0x4  }
0x11f: {  	[tilespmem:$0x1FB40] =	vst v0;
	v0 =	vld [tilespmem:s26+$0xC4C0];
	_ =	sdelay $0x4  }
0x120: {  	[tilespmem:$0x1FB50] =	vst v0;
	v0 =	vld [tilespmem:s26+$0xC4D0];
	_ =	sdelay $0x4  }
0x121: {  	[tilespmem:$0x1FB60] =	vst v0;
	v0 =	vld [tilespmem:s26+$0xC4E0];
	_ =	sdelay $0x4  }
0x122: {  	[tilespmem:$0x1FB70] =	vst v0;
	v0 =	vld [tilespmem:s26+$0xC4F0];
	_ =	sdelay $0x4  }
0x123: {  	[tilespmem:$0x1FB80] =	vst v0;
	v0 =	vld [tilespmem:s26+$0xC500];
	_ =	sdelay $0x4  }
0x124: {  	[tilespmem:$0x1FBB0] =	vst v0;
	v0 =	vld [tilespmem:s26+$0xC510];
	_ =	sdelay $0x2  }
0x125: {  	v40 =	vld [tilespmem:s26+$0xC5A0]  }
0x126: {  	v39 =	vld [tilespmem:s26+$0xC5B0]  }
0x127: {  	[tilespmem:$0x1FBD0] =	vst v0;
	v0 =	vld [tilespmem:s26+$0xC520]  }
0x128: {  	v38 =	vld [tilespmem:s26+$0xC5C0]  }
0x129: {  	v37 =	vld [tilespmem:s26+$0xC5D0]  }
0x12a: {  	v21 =	vld [tilespmem:s26+$0xA400]  }
0x12b: {  	v5 =	vld [tilespmem:s26+$0xA410]  }
0x12c: {  	[tilespmem:$0x1FBE0] =	vst v0;
	v0 =	vld [tilespmem:s26+$0xC530]  }
0x12d: {  	v20 =	vld [tilespmem:s26+$0xA420]  }
0x12e: {  	v19 =	vld [tilespmem:s26+$0xA430]  }
0x12f: {  	v2 =	vld [tilespmem:s26+$0xA440]  }
0x130: {  	v16 =	vld [tilespmem:s26+$0xA450]  }
0x131: {  	[tilespmem:$0x1FBF0] =	vst v0;
	v0 =	vld [tilespmem:s26+$0xC540]  }
0x132: {  	v15 =	vld [tilespmem:s26+$0xA460]  }
0x133: {  	v13 =	vld [tilespmem:s26+$0xA470]  }
0x134: {  	v62 =	vld [tilespmem:s26+$0xA480]  }
0x135: {  	v61 =	vld [tilespmem:s26+$0xA490]  }
0x136: {  	[tilespmem:$0x1FC30] =	vst v0;
	v0 =	vld [tilespmem:s26+$0xC550]  }
0x137: {  	v60 =	vld [tilespmem:s26+$0xA4A0]  }
0x138: {  	v59 =	vld [tilespmem:s26+$0xA4B0]  }
0x139: {  	v54 =	vld [tilespmem:s26+$0xA4C0]  }
0x13a: {  	v53 =	vld [tilespmem:s26+$0xA4D0]  }
0x13b: {  	[tilespmem:$0x1FC50] =	vst v0;
	v0 =	vld [tilespmem:s26+$0xC560]  }
0x13c: {  	v52 =	vld [tilespmem:s26+$0xA4E0]  }
0x13d: {  	v51 =	vld [tilespmem:s26+$0xA4F0]  }
0x13e: {  	v43 =	vld [tilespmem:s26+$0xA500]  }
0x13f: {  	v24 =	vld [tilespmem:s26+$0x8400]  }
0x140: {  	[tilespmem:$0x1FC60] =	vst v0;
	v0 =	vld [tilespmem:s26+$0xC570]  }
0x141: {  	v25 =	vld [tilespmem:s26+$0x8410]  }
0x142: {  	v26 =	vld [tilespmem:s26+$0x8420]  }
0x143: {  	v27 =	vld [tilespmem:s26+$0x8430]  }
0x144: {  	v8 =	vld [tilespmem:s26+$0x8440]  }
0x145: {  	[tilespmem:$0x1FC70] =	vst v0;
	v0 =	vld [tilespmem:s26+$0xC580]  }
0x146: {  	v28 =	vld [tilespmem:s26+$0x8450]  }
0x147: {  	v9 =	vld [tilespmem:s26+$0x8460]  }
0x148: {  	v29 =	vld [tilespmem:s26+$0x8470]  }
0x149: {  	v23 =	vld [tilespmem:s26+$0x8480]  }
0x14a: {  	[tilespmem:$0x1FCB0] =	vst v0;
	v0 =	vld [tilespmem:s26+$0xC590]  }
0x14b: {  	v7 =	vld [tilespmem:s26+$0x8490]  }
0x14c: {  	v22 =	vld [tilespmem:s26+$0x84A0]  }
0x14d: {  	v6 =	vld [tilespmem:s26+$0x84B0]  }
0x14e: {  	v4 =	vld [tilespmem:s26+$0x84C0]  }
0x14f: {  	[tilespmem:$0x1FCC0] =	vst v0;
	v0 =	vld [tilespmem:s26+$0xA510]  }
0x150: {  	v18 =	vld [tilespmem:s26+$0x84D0]  }
0x151: {  	v17 =	vld [tilespmem:s26+$0x84E0]  }
0x152: {  	v3 =	vld [tilespmem:s26+$0x84F0]  }
0x153: {  	v14 =	vld [tilespmem:s26+$0x8500]  }
0x154: {  	[tilespmem:$0x1FB90] =	vst v0;
	v0 =	vld [tilespmem:s26+$0xA520]  }
0x155: {  	v1 =	vld [tilespmem:s26+$0x8510]  }
0x156: {  	v63 =	vld [tilespmem:s26+$0x8530]  }
0x157: {  	v58 =	vld [tilespmem:s26+$0x8540]  }
0x158: {  	v57 =	vld [tilespmem:s26+$0x8550]  }
0x159: {  	[tilespmem:$0x1FBA0] =	vst v0;
	v0 =	vld [tilespmem:s26+$0xA530]  }
0x15a: {  	v56 =	vld [tilespmem:s26+$0x8560]  }
0x15b: {  	v55 =	vld [tilespmem:s26+$0x8570]  }
0x15c: {  	v10 =	vld [tilespmem:s26+$0x85B0]  }
0x15d: {  	v30 =	vld [tilespmem:s26+$0x6400]  }
0x15e: {  	[tilespmem:$0x1FBC0] =	vst v0;
	v0 =	vld [tilespmem:s26+$0xA540]  }
0x15f: {  	v31 =	vld [tilespmem:s26+$0x6410]  }
0x160: {  	v32 =	vld [tilespmem:s26+$0x6420]  }
0x161: {  	v33 =	vld [tilespmem:s26+$0x6430]  }
0x162: {  	v34 =	vld [tilespmem:s26+$0x16400]  }
0x163: {  	[tilespmem:$0x1FC00] =	vst v0;
	v0 =	vld [tilespmem:s26+$0xA550]  }
0x164: {  	v11 =	vld [tilespmem:s26+$0x16420]  }
0x165: {  	v35 =	vld [tilespmem:s26+$0x16430]  }
0x166: {  	v36 =	vld [tilespmem:s26+$0x6440]  }
0x167: {  	[tilespmem:$0x1FC90] =	vst v10;
	v10 =	vld [tilespmem:s26+$0x16410]  }
0x168: {  	[tilespmem:$0x1FC10] =	vst v0;
	v0 =	vld [tilespmem:s26+$0xA560]  }
0x169: {  	v30 =	vadd.f32 v30, v34;
	v34 =	vld [tilespmem:s26+$0x6450]  }
0x16a: {  	v11 =	vadd.f32 v32, v11;
	v32 =	vld [tilespmem:s26+$0x6470]  }
0x16b: {  	v33 =	vadd.f32 v33, v35;
	v35 =	vmov v38;
	v38 =	vld [tilespmem:s26+$0x164B0]  }
0x16c: {  	v24 =	vadd.f32 v24, v30;
	v30 =	vld [tilespmem:s26+$0x16440]  }
0x16d: {  	[tilespmem:$0x1FC20] =	vst v0;
	v0 =	vld [tilespmem:s26+$0xA570]  }
0x16e: {  	v21 =	vadd.f32 v21, v24;
	v24 =	vld [tilespmem:s26+$0x16460]  }
0x16f: {  	v11 =	vadd.f32 v26, v11;
	v26 =	vadd.f32 v27, v33;
	v33 =	vmovc v37;
	v37 =	vmovc v39;
	v39 =	vmov v40;
	v40 =	vld [tilespmem:s26+$0x16470]  }
0x170: {  	v10 =	vadd.f32 v31, v10;
	v31 =	vld [tilespmem:s26+$0x6460]  }
0x171: {  	v11 =	vadd.f32 v20, v11;
	v20 =	vadd.f32 v47, v21;
	v21 =	vld [tilespmem:s26+$0x6480]  }
0x172: {  	v19 =	vadd.f32 v19, v26;
	[tilespmem:$0x1FC40] =	vst v0;
	v0 =	vld [tilespmem:s26+$0xA580]  }
0x173: {  	v11 =	vadd.f32 v49, v11;
	v49 =	vld [tilespmem:s26+$0x64A0]  }
0x174: {  	v19 =	vadd.f32 v50, v19;
	v50 =	vld [tilespmem:s26+$0x64B0]  }
0x175: {  	v10 =	vadd.f32 v25, v10;
	v25 =	vld [tilespmem:s26+$0x16450]  }
0x176: {  	v47 =	vadd.f32 v36, v30;
	v36 =	vld [tilespmem:s26+$0x16490]  }
0x177: {  	v5 =	vadd.f32 v5, v10;
	[tilespmem:$0x1FC80] =	vst v0;
	v0 =	vld [tilespmem:s26+$0xA590]  }
0x178: {  	v8 =	vadd.f32 v8, v47;
	v47 =	vld [tilespmem:s26+$0x64E0]  }
0x179: {  	v24 =	vadd.f32 v31, v24;
	v5 =	vadd.f32 v48, v5;
	v48 =	vld [tilespmem:s26+$0x6490]  }
0x17a: {  	v2 =	vadd.f32 v2, v8;
	v8 =	vld [tilespmem:s26+$0x164A0];
	v25 =	vadd.f32 v34, v25  }
0x17b: {  	v10 =	vadd.f32 v32, v40;
	v34 =	vld [tilespmem:s26+$0x16480];
	v9 =	vadd.f32 v9, v24  }
0x17c: {  	v25 =	vadd.f32 v28, v25;
	[tilespmem:$0x1FCA0] =	vst v0;
	v0 =	vld [tilespmem:s26+$0xA5A0]  }
0x17d: {  	v10 =	vadd.f32 v29, v10;
	v9 =	vadd.f32 v15, v9;
	v15 =	vld [tilespmem:$0x1FAE0]  }
0x17e: {  	v32 =	vld [tilespmem:s26+$0x6500];
	v16 =	vadd.f32 v16, v25  }
0x17f: {  	v24 =	vadd.f32 v50, v38;
	v50 =	vld [tilespmem:s26+$0x164D0];
	v10 =	vadd.f32 v13, v10  }
0x180: {  	v8 =	vadd.f32 v49, v8;
	v49 =	vld [tilespmem:s26+$0x64F0];
	v13 =	vadd.f32 v42, v16  }
0x181: {  	v16 =	vadd.f32 v21, v34;
	v42 =	vadd.f32 v48, v36;
	[tilespmem:$0x1FCD0] =	vst v0;
	v0 =	vld [tilespmem:s26+$0xA5B0]  }
0x182: {  	v15 =	vadd.f32 v15, v2;
	v2 =	vld [tilespmem:s26+$0x64C0]  }
0x183: {  	v16 =	vadd.f32 v23, v16;
	v23 =	vld [tilespmem:s26+$0x164C0];
	v7 =	vadd.f32 v7, v42  }
0x184: {  	v8 =	vadd.f32 v22, v8;
	v22 =	vld [tilespmem:s26+$0x164E0]  }
0x185: {  	v7 =	vadd.f32 v61, v7;
	v61 =	vld [tilespmem:s26+$0x164F0]  }
0x186: {  	[tilespmem:$0x1FCE0] =	vst v0;
	v0 =	vld [tilespmem:s26+$0xA5C0]  }
0x187: {  	v38 =	vld [tilespmem:s26+$0x6520]  }
0x188: {  	v21 =	vld [tilespmem:s26+$0x64D0];
	v2 =	vadd.f32 v2, v23  }
0x189: {  	v6 =	vadd.f32 v6, v24;
	v48 =	vld [tilespmem:$0x1FB00]  }
0x18a: {  	v2 =	vadd.f32 v4, v2;
	v4 =	vld [tilespmem:s26+$0x16500];
	v24 =	vadd.f32 v49, v61  }
0x18b: {  	v22 =	vadd.f32 v47, v22;
	[tilespmem:$0x1FCF0] =	vst v0;
	v0 =	vld [tilespmem:s26+$0xA5D0]  }
0x18c: {  	v42 =	vld [tilespmem:s26+$0x6530];
	v3 =	vadd.f32 v3, v24  }
0x18d: {  	v17 =	vadd.f32 v17, v22;
	v22 =	vld [tilespmem:s26+$0x16520]  }
0x18e: {  	v3 =	vadd.f32 v51, v3;
	v51 =	vld [tilespmem:$0x1FB80]  }
0x18f: {  	v47 =	vld [tilespmem:s26+$0x16530]  }
0x190: {  	v4 =	vadd.f32 v32, v4;
	[tilespmem:$0x1FD00] =	vst v0;
	v0 =	vld [tilespmem:s26+$0x8520]  }
0x191: {  	v46 =	vld [tilespmem:s26+$0x8580];
	v10 =	vadd.f32 v48, v10  }
0x192: {  	v2 =	vadd.f32 v54, v2;
	v4 =	vadd.f32 v14, v4;
	v54 =	vld [tilespmem:$0x1FBB0]  }
0x193: {  	v48 =	vld [tilespmem:$0x1FB50];
	v28 =	vadd.f32 v51, v3;
	v3 =	vadd.f32 v38, v22  }
0x194: {  	[tilespmem:s26+$0x16410] =	vst v5;
	v5 =	vld [tilespmem:s26+$0x16570];
	v21 =	vadd.f32 v21, v50;
	v24 =	vadd.f32 v42, v47  }
0x195: {  	v23 =	vld [tilespmem:s26+$0x6510];
	v0 =	vadd.f32 v0, v3;
	v3 =	vadd.f32 v43, v4  }
0x196: {  	v18 =	vadd.f32 v18, v21;
	v21 =	vld [tilespmem:s26+$0x16510]  }
0x197: {  	[tilespmem:s26+$0x16400] =	vst v20;
	v20 =	vadd.f32 v63, v24;
	v24 =	vadd.f32 v54, v3;
	v3 =	vld [tilespmem:$0x1FBC0]  }
0x198: {  	v27 =	vadd.f32 v48, v2;
	v2 =	vld [tilespmem:s26+$0x6540]  }
0x199: {  	v49 =	vld [tilespmem:$0x1FB60]  }
0x19a: {  	v17 =	vadd.f32 v52, v17;
	v52 =	vld [tilespmem:$0x1FB90]  }
0x19b: {  	v21 =	vadd.f32 v23, v21;
	v14 =	vld [tilespmem:s26+$0x16540]  }
0x19c: {  	v18 =	vadd.f32 v53, v18;
	v3 =	vadd.f32 v3, v20;
	v20 =	vld [tilespmem:$0x1FBD0]  }
0x19d: {  	v1 =	vadd.f32 v1, v21;
	v21 =	vld [tilespmem:s26+$0x16550]  }
0x19e: {  	v29 =	vadd.f32 v49, v18;
	v18 =	vld [tilespmem:s26+$0x6550]  }
0x19f: {  	v22 =	vld [tilespmem:s26+$0x6570];
	v1 =	vadd.f32 v52, v1  }
0x1a0: {  	v8 =	vadd.f32 v60, v8;
	v53 =	vld [tilespmem:$0x1FBA0]  }
0x1a1: {  	v60 =	vadd.f32 v20, v1;
	v1 =	vadd.f32 v2, v14;
	v14 =	vld [tilespmem:$0x1FBF0]  }
0x1a2: {  	v2 =	vld [tilespmem:$0x1FBE0]  }
0x1a3: {  	v45 =	vld [tilespmem:s26+$0x8590]  }
0x1a4: {  	v44 =	vld [tilespmem:s26+$0x85A0];
	v5 =	vadd.f32 v22, v5  }
0x1a5: {  	v23 =	vld [tilespmem:s26+$0x6560];
	v0 =	vadd.f32 v53, v0  }
0x1a6: {  	v3 =	vadd.f32 v14, v3;
	v14 =	vadd.f32 v55, v5;
	v5 =	vld [tilespmem:$0x1FC10]  }
0x1a7: {  	v4 =	vld [tilespmem:s26+$0x16560];
	v2 =	vadd.f32 v2, v0;
	v0 =	vadd.f32 v18, v21  }
0x1a8: {  	v12 =	vld [tilespmem:s26+$0x85C0]  }
0x1a9: {  	v41 =	vld [tilespmem:s26+$0x85D0];
	v0 =	vadd.f32 v57, v0  }
0x1aa: {  	v40 =	vld [tilespmem:$0x1FAF0]  }
0x1ab: {  	v0 =	vadd.f32 v5, v0;
	v5 =	vld [tilespmem:$0x1FC20]  }
0x1ac: {  	[tilespmem:s26+$0x16430] =	vst v19;
	v19 =	vld [tilespmem:s26+$0x6590];
	v4 =	vadd.f32 v23, v4  }
0x1ad: {  	v34 =	vld [tilespmem:$0x1FB20]  }
0x1ae: {  	[tilespmem:s26+$0x16450] =	vst v13;
	v13 =	vld [tilespmem:$0x1FC00];
	v4 =	vadd.f32 v56, v4  }
0x1af: {  	v36 =	vld [tilespmem:$0x1FB30]  }
0x1b0: {  	v4 =	vadd.f32 v5, v4;
	v5 =	vld [tilespmem:$0x1FC30]  }
0x1b1: {  	v9 =	vadd.f32 v40, v9;
	v40 =	vld [tilespmem:$0x1FB40];
	v1 =	vadd.f32 v58, v1  }
0x1b2: {  	v16 =	vadd.f32 v62, v16;
	v62 =	vld [tilespmem:$0x1FB10];
	v7 =	vadd.f32 v34, v7  }
0x1b3: {  	[tilespmem:s26+$0x16440] =	vst v15;
	v15 =	vld [tilespmem:s26+$0x65A0];
	v1 =	vadd.f32 v13, v1  }
0x1b4: {  	v8 =	vadd.f32 v36, v8;
	[tilespmem:s26+$0x16490] =	vst v7;
	v7 =	vld [tilespmem:$0x1FC50]  }
0x1b5: {  	v18 =	vadd.f32 v5, v1;
	v1 =	vld [tilespmem:$0x1FC40]  }
0x1b6: {  	[tilespmem:s26+$0x164A0] =	vst v8;
	v8 =	vld [tilespmem:$0x1FC70]  }
0x1b7: {  	v13 =	vld [tilespmem:s26+$0x165A0]  }
0x1b8: {  	v20 =	vld [tilespmem:s26+$0x65B0]  }
0x1b9: {  	v21 =	vld [tilespmem:s26+$0x165B0]  }
0x1ba: {  	v16 =	vadd.f32 v62, v16;
	v62 =	vld [tilespmem:s26+$0x16590];
	v1 =	vadd.f32 v1, v14  }
0x1bb: {  	v6 =	vadd.f32 v59, v6;
	v14 =	vadd.f32 v7, v0;
	v7 =	vld [tilespmem:$0x1FC60]  }
0x1bc: {  	v59 =	vld [tilespmem:s26+$0x6580];
	v1 =	vadd.f32 v8, v1;
	v8 =	vadd.f32 v15, v13  }
0x1bd: {  	v50 =	vld [tilespmem:$0x1FB70]  }
0x1be: {  	[tilespmem:s26+$0x16420] =	vst v11;
	v63 =	vadd.f32 v20, v21;
	v20 =	vadd.f32 v44, v8;
	v8 =	vld [tilespmem:$0x1FC90]  }
0x1bf: {  	v6 =	vadd.f32 v40, v6;
	v61 =	vld [tilespmem:s26+$0x16580];
	[tilespmem:s26+$0x16460] =	vst v9  }
0x1c0: {  	[tilespmem:s26+$0x16480] =	vst v16;
	v16 =	vld [tilespmem:s26+$0x65E0];
	v7 =	vadd.f32 v7, v4;
	v4 =	vadd.f32 v19, v62  }
0x1c1: {  	[tilespmem:s26+$0x164B0] =	vst v6;
	v6 =	vld [tilespmem:s26+$0x65D0]  }
0x1c2: {  	[tilespmem:s26+$0x16470] =	vst v10;
	v10 =	vadd.f32 v45, v4;
	v4 =	vld [tilespmem:$0x1FC80]  }
0x1c3: {  	p0 =	sne.s32 s28, $0x7800;
	v17 =	vadd.f32 v50, v17;
	[tilespmem:s26+$0x164C0] =	vst v27;
	v21 =	vadd.f32 v8, v63;
	v8 =	vld [tilespmem:$0x1FCA0]  }
.Ltmp1:
0x1c4: {  	[tilespmem:s26+$0x164D0] =	vst v29;
	v5 =	vld [tilespmem:s26+$0x65C0];
	v0 =	vadd.f32 v59, v61;
	(pc) =	sbr.rel @p0 .LBB2_5-.Ltmp1, $4  }
0x1c5: {  	[tilespmem:s26+$0x164E0] =	vst v17;
	v15 =	vld [tilespmem:s26+$0x65F0]  }
0x1c6: {  	[tilespmem:s26+$0x164F0] =	vst v28;
	v0 =	vadd.f32 v46, v0;
	v13 =	vld [tilespmem:s26+$0x165C0]  }
0x1c7: {  	[tilespmem:s26+$0x16500] =	vst v24;
	v19 =	vld [tilespmem:s26+$0x165D0]  }
0x1c8: {  	s28 =	sadd.s32 $0x800, s28;
	[tilespmem:s26+$0x16510] =	vst v60;
	v4 =	vadd.f32 v4, v0;
	v0 =	vld [tilespmem:s26+$0x165E0];
	v17 =	vadd.f32 v8, v10  }
0x1c9: {  	v8 =	vld [tilespmem:s26+$0x165F0]  }
0x1ca: {  	[tilespmem:s26+$0x16520] =	vst v2;
	v2 =	vld [tilespmem:s26+$0x85E0]  }
0x1cb: {  	[tilespmem:s26+$0x16530] =	vst v3;
	v3 =	vld [tilespmem:s26+$0x85F0]  }
0x1cc: {  	v9 =	vld [tilespmem:s26+$0xA5E0]  }
0x1cd: {  	[tilespmem:s26+$0x16550] =	vst v14;
	v14 =	vld [tilespmem:$0x1FCC0]  }
0x1ce: {  	v10 =	vld [tilespmem:$0x1FCD0]  }
0x1cf: {  	v11 =	vld [tilespmem:$0x1FCB0]  }
0x1d0: {  	v57 =	vld [tilespmem:$0x1FCE0]  }
0x1d1: {  	v58 =	vld [tilespmem:s26+$0xC5E0];
	v5 =	vadd.f32 v5, v13;
	v6 =	vadd.f32 v6, v19  }
0x1d2: {  	v0 =	vadd.f32 v16, v0;
	v14 =	vadd.f32 v14, v17;
	v17 =	vld [tilespmem:s26+$0xA5F0]  }
0x1d3: {  	[tilespmem:s26+$0x16570] =	vst v1;
	v5 =	vadd.f32 v12, v5;
	v1 =	vadd.f32 v15, v8;
	v8 =	vld [tilespmem:s26+$0xC5F0]  }
0x1d4: {  	v10 =	vadd.f32 v10, v20;
	v0 =	vadd.f32 v2, v0;
	v2 =	vld [tilespmem:$0x1FCF0]  }
0x1d5: {  	[tilespmem:s26+$0x16540] =	vst v18;
	v4 =	vadd.f32 v11, v4;
	v1 =	vadd.f32 v3, v1;
	v3 =	vld [tilespmem:$0x1FD00]  }
0x1d6: {  	[tilespmem:s26+$0x16560] =	vst v7;
	v11 =	vadd.f32 v57, v21;
	v6 =	vadd.f32 v41, v6  }
0x1d7: {  	v10 =	vadd.f32 v39, v10;
	[tilespmem:s26+$0x16580] =	vst v4;
	v0 =	vadd.f32 v9, v0  }
0x1d8: {  	v7 =	vadd.f32 v37, v11;
	[tilespmem:s26+$0x16590] =	vst v14;
	v1 =	vadd.f32 v17, v1  }
0x1d9: {  	[tilespmem:s26+$0x165A0] =	vst v10;
	v0 =	vadd.f32 v58, v0;
	v2 =	vadd.f32 v2, v5  }
0x1da: {  	[tilespmem:s26+$0x165B0] =	vst v7;
	v3 =	vadd.f32 v3, v6;
	v1 =	vadd.f32 v8, v1  }
0x1db: {  	[tilespmem:s26+$0x165E0] =	vst v0;
	v2 =	vadd.f32 v35, v2  }
0x1dc: {  	v3 =	vadd.f32 v33, v3;
	[tilespmem:s26+$0x165F0] =	vst v1  }
0x1dd: {  	p0 =	seq.s32 s24, $0x18;
	[tilespmem:s26+$0x165C0] =	vst v2  }
0x1de: {  	s28 =	simm.s32 @!p0 $0x80;
	s29 =	simm.s32 @!p0 $0x6400;
	[tilespmem:s26+$0x165D0] =	vst v3;
	s26 =	sadd.s32 @!p0 $0x400, s25  }
0x1df: {  	[tilespmem:s29], [sflag:$0x1] =	stream.indirect.gather @!p0 [hbm4b:s3+s28], $0x40, s26, s28, $0xb8;
	[tilespmem:$0x18400] =	vst v63  }
0x1e0: {  	s26 =	sadd.s32 @!p0 $0x480, s25;
	s29 =	simm.s32 @!p0 $0x8400  }
0x1e1: {  	[tilespmem:s29], [sflag:$0x1] =	stream.indirect.gather @!p0 [hbm4b:s3+s28], $0x40, s26, s28, $0xb8;
	[tilespmem:$0x18400] =	vst v63  }
0x1e2: {  	s26 =	sadd.s32 @!p0 $0x500, s25;
	s29 =	simm.s32 @!p0 $0xA400  }
0x1e3: {  	[tilespmem:s29], [sflag:$0x1] =	stream.indirect.gather @!p0 [hbm4b:s3+s28], $0x40, s26, s28, $0xb8;
	[tilespmem:$0x18400] =	vst v63  }
0x1e4: {  	s25 =	sadd.s32 @!p0 $0x580, s25;
	s26 =	simm.s32 @!p0 $0xC400  }
0x1e5: {  	[tilespmem:s26], [sflag:$0x1] =	stream.indirect.gather @!p0 [hbm4b:s3+s28], $0x40, s25, s28, $0xb8;
	[tilespmem:$0x18400] =	vst v63  }
0x1e6: {  	_ =	swait.ge [sflag:s21], $0x2000  }
0x1e7: {  	[sflag:s21] =	ssyncset.done $0x0  }
0x1e8: {  	[sflag:s21] =	ssyncadd.s32 $0xFFFFE000  }
0x1e9: {  	_ =	swait.ge [sflag:s21], $0x2000  }
0x1ea: {  	[sflag:s21] =	ssyncset.done $0x0  }
0x1eb: {  	[sflag:s21] =	ssyncadd.s32 $0xFFFFE000  }
0x1ec: {  	_ =	swait.ge [sflag:s21], $0x2000  }
0x1ed: {  	[sflag:s21] =	ssyncset.done $0x0  }
0x1ee: {  	[sflag:s21] =	ssyncadd.s32 $0xFFFFE000  }
0x1ef: {  	_ =	swait.ge [sflag:s21], $0x2000  }
0x1f0: {  	[sflag:s21] =	ssyncset.done $0x0  }
0x1f1: {  	s25 =	simm.s32 $0x0;
	[sflag:s21] =	ssyncadd.s32 $0xFFFFE000  }
0x1f2: {  	v0 =	vld [tilespmem:s25+$0x14440];
	_ =	sdelay $0x4  }
0x1f3: {  	[tilespmem:$0x1F7F0] =	vst v0;
	v0 =	vld [tilespmem:s25+$0x14450];
	_ =	sdelay $0x4  }
0x1f4: {  	[tilespmem:$0x1F800] =	vst v0;
	v0 =	vld [tilespmem:s25+$0x14460];
	_ =	sdelay $0x4  }
0x1f5: {  	[tilespmem:$0x1F810] =	vst v0;
	v0 =	vld [tilespmem:s25+$0x14470];
	_ =	sdelay $0x4  }
0x1f6: {  	[tilespmem:$0x1F820] =	vst v0;
	v0 =	vld [tilespmem:s25+$0x14480];
	_ =	sdelay $0x4  }
0x1f7: {  	[tilespmem:$0x1F830] =	vst v0;
	v0 =	vld [tilespmem:s25+$0x14490];
	_ =	sdelay $0x4  }
0x1f8: {  	[tilespmem:$0x1F850] =	vst v0;
	v0 =	vld [tilespmem:s25+$0x144A0];
	_ =	sdelay $0x4  }
0x1f9: {  	[tilespmem:$0x1F860] =	vst v0;
	v0 =	vld [tilespmem:s25+$0x144B0];
	_ =	sdelay $0x4  }
0x1fa: {  	[tilespmem:$0x1F870] =	vst v0;
	v0 =	vld [tilespmem:s25+$0x144C0];
	_ =	sdelay $0x4  }
0x1fb: {  	[tilespmem:$0x1F8B0] =	vst v0;
	v0 =	vld [tilespmem:s25+$0x144D0];
	_ =	sdelay $0x4  }
0x1fc: {  	[tilespmem:$0x1F8D0] =	vst v0;
	v0 =	vld [tilespmem:s25+$0x144E0];
	_ =	sdelay $0x4  }
0x1fd: {  	[tilespmem:$0x1F8E0] =	vst v0;
	v0 =	vld [tilespmem:s25+$0x144F0];
	_ =	sdelay $0x4  }
0x1fe: {  	[tilespmem:$0x1F8F0] =	vst v0;
	v0 =	vld [tilespmem:s25+$0x14500];
	_ =	sdelay $0x4  }
0x1ff: {  	[tilespmem:$0x1F970] =	vst v0;
	v0 =	vld [tilespmem:s25+$0x14510];
	_ =	sdelay $0x4  }
0x200: {  	[tilespmem:$0x1F990] =	vst v0;
	v0 =	vld [tilespmem:s25+$0x14520];
	_ =	sdelay $0x4  }
0x201: {  	[tilespmem:$0x1F9A0] =	vst v0;
	v0 =	vld [tilespmem:s25+$0x14530];
	_ =	sdelay $0x4  }
0x202: {  	[tilespmem:$0x1F9B0] =	vst v0;
	v0 =	vld [tilespmem:s25+$0x14540];
	_ =	sdelay $0x4  }
0x203: {  	[tilespmem:$0x1FA30] =	vst v0;
	v0 =	vld [tilespmem:s25+$0x14550];
	_ =	sdelay $0x4  }
0x204: {  	[tilespmem:$0x1FA50] =	vst v0;
	v0 =	vld [tilespmem:s25+$0x14560];
	_ =	sdelay $0x4  }
0x205: {  	[tilespmem:$0x1FA60] =	vst v0;
	v0 =	vld [tilespmem:s25+$0x14570];
	_ =	sdelay $0x4  }
0x206: {  	[tilespmem:$0x1FA70] =	vst v0;
	v0 =	vld [tilespmem:s25+$0x14580];
	_ =	sdelay $0x4  }
0x207: {  	[tilespmem:$0x1F790] =	vst v0;
	v0 =	vld [tilespmem:s25+$0x14590];
	_ =	sdelay $0x4  }
0x208: {  	[tilespmem:$0x1F7A0] =	vst v0;
	v0 =	vld [tilespmem:s25+$0x124B0];
	_ =	sdelay $0x4  }
0x209: {  	[tilespmem:$0x1F840] =	vst v0;
	v0 =	vld [tilespmem:s25+$0x124C0];
	_ =	sdelay $0x4  }
0x20a: {  	[tilespmem:$0x1F880] =	vst v0;
	v0 =	vld [tilespmem:s25+$0x124D0];
	_ =	sdelay $0x4  }
0x20b: {  	[tilespmem:$0x1F890] =	vst v0;
	v0 =	vld [tilespmem:s25+$0x124E0];
	_ =	sdelay $0x4  }
0x20c: {  	[tilespmem:$0x1F8A0] =	vst v0;
	v0 =	vld [tilespmem:s25+$0x124F0];
	_ =	sdelay $0x4  }
0x20d: {  	[tilespmem:$0x1F8C0] =	vst v0;
	v0 =	vld [tilespmem:s25+$0x12500];
	_ =	sdelay $0x4  }
0x20e: {  	[tilespmem:$0x1F930] =	vst v0;
	v0 =	vld [tilespmem:s25+$0x12510];
	_ =	sdelay $0x4  }
0x20f: {  	[tilespmem:$0x1F950] =	vst v0;
	v0 =	vld [tilespmem:s25+$0x12520];
	_ =	sdelay $0x4  }
0x210: {  	[tilespmem:$0x1F960] =	vst v0;
	v0 =	vld [tilespmem:s25+$0x12530];
	_ =	sdelay $0x4  }
0x211: {  	[tilespmem:$0x1F980] =	vst v0;
	v0 =	vld [tilespmem:s25+$0x12540];
	_ =	sdelay $0x4  }
0x212: {  	[tilespmem:$0x1F9F0] =	vst v0;
	v0 =	vld [tilespmem:s25+$0x12550];
	_ =	sdelay $0x4  }
0x213: {  	[tilespmem:$0x1FA10] =	vst v0;
	v0 =	vld [tilespmem:s25+$0x12560];
	_ =	sdelay $0x4  }
0x214: {  	[tilespmem:$0x1FA20] =	vst v0;
	v0 =	vld [tilespmem:s25+$0x12570];
	_ =	sdelay $0x4  }
0x215: {  	[tilespmem:$0x1FA40] =	vst v0;
	v0 =	vld [tilespmem:s25+$0x12580];
	_ =	sdelay $0x4  }
0x216: {  	[tilespmem:$0x1FAB0] =	vst v0;
	v0 =	vld [tilespmem:s25+$0x12590];
	_ =	sdelay $0x4  }
0x217: {  	[tilespmem:$0x1FAD0] =	vst v0;
	v0 =	vld [tilespmem:s25+$0x125A0];
	_ =	sdelay $0x4  }
0x218: {  	[tilespmem:$0x1F7B0] =	vst v0;
	v0 =	vld [tilespmem:s25+$0x125B0];
	_ =	sdelay $0x4  }
0x219: {  	[tilespmem:$0x1F7C0] =	vst v0;
	v0 =	vld [tilespmem:s25+$0x125C0];
	_ =	sdelay $0x4  }
0x21a: {  	[tilespmem:$0x1F7D0] =	vst v0;
	v0 =	vld [tilespmem:s25+$0x125D0];
	_ =	sdelay $0x4  }
0x21b: {  	[tilespmem:$0x1F7E0] =	vst v0;
	v0 =	vld [tilespmem:s25+$0x10500];
	_ =	sdelay $0x4  }
0x21c: {  	[tilespmem:$0x1F900] =	vst v0;
	v0 =	vld [tilespmem:s25+$0x10510];
	_ =	sdelay $0x4  }
0x21d: {  	[tilespmem:$0x1F910] =	vst v0;
	v0 =	vld [tilespmem:s25+$0x10520];
	_ =	sdelay $0x4  }
0x21e: {  	[tilespmem:$0x1F920] =	vst v0;
	v0 =	vld [tilespmem:s25+$0x10530];
	_ =	sdelay $0x4  }
0x21f: {  	[tilespmem:$0x1F940] =	vst v0;
	v0 =	vld [tilespmem:s25+$0x10540];
	_ =	sdelay $0x2  }
0x220: {  	v59 =	vld [tilespmem:s25+$0x14400]  }
0x221: {  	v53 =	vld [tilespmem:s25+$0x14410]  }
0x222: {  	[tilespmem:$0x1F9C0] =	vst v0;
	v0 =	vld [tilespmem:s25+$0x10550]  }
0x223: {  	v57 =	vld [tilespmem:s25+$0x14420]  }
0x224: {  	v55 =	vld [tilespmem:s25+$0x14430]  }
0x225: {  	v39 =	vld [tilespmem:s25+$0x145A0]  }
0x226: {  	v60 =	vld [tilespmem:s25+$0x12400]  }
0x227: {  	[tilespmem:$0x1F9D0] =	vst v0;
	v0 =	vld [tilespmem:s25+$0x10560]  }
0x228: {  	v61 =	vld [tilespmem:s25+$0x12410]  }
0x229: {  	v62 =	vld [tilespmem:s25+$0x12420]  }
0x22a: {  	v63 =	vld [tilespmem:s25+$0x12430]  }
0x22b: {  	v45 =	vld [tilespmem:s25+$0x12440]  }
0x22c: {  	[tilespmem:$0x1F9E0] =	vst v0;
	v0 =	vld [tilespmem:s25+$0x10570]  }
0x22d: {  	v46 =	vld [tilespmem:s25+$0x12450]  }
0x22e: {  	v49 =	vld [tilespmem:s25+$0x12470]  }
0x22f: {  	v58 =	vld [tilespmem:s25+$0x12480]  }
0x230: {  	v56 =	vld [tilespmem:s25+$0x12490]  }
0x231: {  	[tilespmem:$0x1FA00] =	vst v0;
	v0 =	vld [tilespmem:s25+$0x10580]  }
0x232: {  	v54 =	vld [tilespmem:s25+$0x124A0]  }
0x233: {  	v9 =	vld [tilespmem:s25+$0x10400]  }
0x234: {  	v28 =	vld [tilespmem:s25+$0x10410]  }
0x235: {  	v29 =	vld [tilespmem:s25+$0x10420]  }
0x236: {  	[tilespmem:$0x1FA80] =	vst v0;
	v0 =	vld [tilespmem:s25+$0x10590]  }
0x237: {  	v30 =	vld [tilespmem:s25+$0x10430]  }
0x238: {  	v32 =	vld [tilespmem:s25+$0x10440]  }
0x239: {  	v34 =	vld [tilespmem:s25+$0x10450]  }
0x23a: {  	v40 =	vld [tilespmem:s25+$0x10480]  }
0x23b: {  	[tilespmem:$0x1FA90] =	vst v0;
	v0 =	vld [tilespmem:s25+$0x105A0]  }
0x23c: {  	v42 =	vld [tilespmem:s25+$0x10490]  }
0x23d: {  	v43 =	vld [tilespmem:s25+$0x104A0]  }
0x23e: {  	v3 =	vld [tilespmem:s25+$0xE400]  }
0x23f: {  	v5 =	vld [tilespmem:s25+$0xE410]  }
0x240: {  	[tilespmem:$0x1FAA0] =	vst v0;
	v0 =	vld [tilespmem:s25+$0x105B0]  }
0x241: {  	v6 =	vld [tilespmem:s25+$0xE420]  }
0x242: {  	v7 =	vld [tilespmem:s25+$0xE430]  }
0x243: {  	v4 =	vld [tilespmem:s25+$0x16430]  }
0x244: {  	v2 =	vld [tilespmem:s25+$0x16420]  }
0x245: {  	[tilespmem:$0x1FAC0] =	vst v0;
	v0 =	vld [tilespmem:s25+$0x16400]  }
0x246: {  	v1 =	vld [tilespmem:s25+$0x16410]  }
0x247: {  	v8 =	vld [tilespmem:s25+$0xE4A0]  }
0x248: {  	v24 =	vld [tilespmem:s25+$0x164A0];
	v4 =	vadd.f32 v7, v4  }
0x249: {  	v31 =	vld [tilespmem:s25+$0xE4C0];
	v2 =	vadd.f32 v6, v2  }
0x24a: {  	v11 =	vld [tilespmem:s25+$0xE4E0];
	v4 =	vadd.f32 v30, v4;
	v0 =	vadd.f32 v3, v0  }
0x24b: {  	v1 =	vadd.f32 v5, v1;
	v7 =	vld [tilespmem:s25+$0x164E0];
	v2 =	vadd.f32 v29, v2  }
0x24c: {  	v5 =	vld [tilespmem:s25+$0x164C0];
	v4 =	vadd.f32 v63, v4;
	v0 =	vadd.f32 v9, v0  }
0x24d: {  	v48 =	vld [tilespmem:s25+$0x104C0];
	v2 =	vadd.f32 v62, v2  }
0x24e: {  	v10 =	vld [tilespmem:s25+$0xE4D0];
	v4 =	vadd.f32 v55, v4;
	v0 =	vadd.f32 v60, v0  }
0x24f: {  	v6 =	vld [tilespmem:s25+$0x164D0];
	v24 =	vadd.f32 v8, v24;
	v2 =	vadd.f32 v57, v2  }
0x250: {  	[tilespmem:s25+$0x16430] =	vst v4;
	v4 =	vadd.f32 v11, v7;
	v7 =	vld [tilespmem:$0x1F880];
	v0 =	vadd.f32 v59, v0  }
0x251: {  	[tilespmem:s25+$0x16420] =	vst v2;
	v2 =	vadd.f32 v31, v5;
	v5 =	vld [tilespmem:$0x1F860]  }
0x252: {  	v50 =	vld [tilespmem:s25+$0x104D0];
	[tilespmem:s25+$0x16400] =	vst v0;
	v0 =	vadd.f32 v43, v24  }
0x253: {  	v51 =	vld [tilespmem:s25+$0x104E0];
	v2 =	vadd.f32 v48, v2  }
0x254: {  	v52 =	vld [tilespmem:s25+$0x104F0];
	v0 =	vadd.f32 v54, v0  }
0x255: {  	v2 =	vadd.f32 v7, v2;
	v7 =	vld [tilespmem:$0x1F890]  }
0x256: {  	v15 =	vld [tilespmem:s25+$0xE440];
	v0 =	vadd.f32 v5, v0;
	v5 =	vadd.f32 v10, v6  }
0x257: {  	v17 =	vld [tilespmem:s25+$0xE450]  }
0x258: {  	v19 =	vld [tilespmem:s25+$0xE460];
	v5 =	vadd.f32 v50, v5  }
0x259: {  	v20 =	vld [tilespmem:s25+$0xE470]  }
0x25a: {  	v5 =	vadd.f32 v7, v5;
	v7 =	vld [tilespmem:$0x1F8A0]  }
0x25b: {  	v13 =	vld [tilespmem:s25+$0x16440]  }
0x25c: {  	v14 =	vld [tilespmem:s25+$0x16450]  }
0x25d: {  	v16 =	vld [tilespmem:s25+$0x16460];
	v4 =	vadd.f32 v51, v4  }
0x25e: {  	v3 =	vld [tilespmem:s25+$0xE4F0]  }
0x25f: {  	v4 =	vadd.f32 v7, v4;
	v7 =	vld [tilespmem:$0x1F8B0]  }
0x260: {  	v9 =	vld [tilespmem:s25+$0x164F0]  }
0x261: {  	v18 =	vld [tilespmem:s25+$0x16470]  }
0x262: {  	v23 =	vld [tilespmem:s25+$0xE480]  }
0x263: {  	v21 =	vld [tilespmem:s25+$0x16480]  }
0x264: {  	v1 =	vadd.f32 v28, v1;
	v7 =	vadd.f32 v7, v2;
	v2 =	vld [tilespmem:$0x1F8C0]  }
0x265: {  	v25 =	vld [tilespmem:s25+$0xE490];
	v3 =	vadd.f32 v3, v9  }
0x266: {  	v22 =	vld [tilespmem:s25+$0x16490];
	v13 =	vadd.f32 v15, v13;
	v1 =	vadd.f32 v61, v1  }
0x267: {  	v16 =	vadd.f32 v19, v16;
	v61 =	vld [tilespmem:$0x1F7F0];
	v3 =	vadd.f32 v52, v3  }
0x268: {  	v19 =	vld [tilespmem:s25+$0x16510];
	v13 =	vadd.f32 v32, v13;
	v1 =	vadd.f32 v53, v1  }
0x269: {  	v21 =	vadd.f32 v23, v21;
	v2 =	vadd.f32 v2, v3;
	v3 =	vld [tilespmem:$0x1F8D0]  }
0x26a: {  	v13 =	vadd.f32 v45, v13;
	[tilespmem:s25+$0x16410] =	vst v1;
	v1 =	vld [tilespmem:$0x1F830]  }
0x26b: {  	v18 =	vadd.f32 v20, v18;
	v20 =	vld [tilespmem:s25+$0x16520];
	v21 =	vadd.f32 v40, v21  }
0x26c: {  	v29 =	vld [tilespmem:s25+$0xE510];
	v13 =	vadd.f32 v61, v13  }
0x26d: {  	v21 =	vadd.f32 v58, v21;
	v55 =	vld [tilespmem:$0x1F8F0]  }
0x26e: {  	v22 =	vadd.f32 v25, v22;
	[tilespmem:s25+$0x16440] =	vst v13;
	v13 =	vadd.f32 v3, v5;
	v5 =	vld [tilespmem:$0x1F8E0]  }
0x26f: {  	v1 =	vadd.f32 v1, v21;
	v59 =	vld [tilespmem:s25+$0xE520]  }
0x270: {  	v14 =	vadd.f32 v17, v14;
	v17 =	vld [tilespmem:s25+$0x16500];
	v22 =	vadd.f32 v42, v22  }
0x271: {  	[tilespmem:s25+$0x16480] =	vst v1;
	v1 =	vld [tilespmem:$0x1F920]  }
0x272: {  	v28 =	vld [tilespmem:s25+$0xE500];
	v14 =	vadd.f32 v34, v14;
	v22 =	vadd.f32 v56, v22  }
0x273: {  	v15 =	vld [tilespmem:s25+$0xE530];
	v4 =	vadd.f32 v5, v4;
	v5 =	vadd.f32 v29, v19  }
0x274: {  	v56 =	vld [tilespmem:$0x1F900];
	v19 =	vadd.f32 v55, v2;
	v2 =	vadd.f32 v59, v20  }
0x275: {  	v14 =	vadd.f32 v46, v14;
	v46 =	vld [tilespmem:$0x1F850]  }
0x276: {  	v1 =	vadd.f32 v1, v2;
	v2 =	vld [tilespmem:$0x1F930]  }
0x277: {  	v62 =	vld [tilespmem:$0x1F800];
	v3 =	vadd.f32 v28, v17  }
0x278: {  	v61 =	vld [tilespmem:$0x1F970]  }
0x279: {  	v60 =	vld [tilespmem:s25+$0x16530];
	v3 =	vadd.f32 v56, v3  }
0x27a: {  	v36 =	vld [tilespmem:s25+$0x10460]  }
0x27b: {  	v22 =	vadd.f32 v46, v22;
	v2 =	vadd.f32 v2, v3;
	v3 =	vld [tilespmem:$0x1F940]  }
0x27c: {  	v38 =	vld [tilespmem:s25+$0x10470];
	v14 =	vadd.f32 v62, v14  }
0x27d: {  	[tilespmem:s25+$0x16490] =	vst v22;
	v22 =	vadd.f32 v61, v2;
	v2 =	vld [tilespmem:$0x1F980]  }
0x27e: {  	[tilespmem:s25+$0x16450] =	vst v14;
	v57 =	vld [tilespmem:$0x1F910];
	v14 =	vadd.f32 v15, v60  }
0x27f: {  	v27 =	vld [tilespmem:s25+$0xE4B0]  }
0x280: {  	v59 =	vld [tilespmem:$0x1F950];
	v3 =	vadd.f32 v3, v14  }
0x281: {  	v63 =	vld [tilespmem:$0x1F820]  }
0x282: {  	v3 =	vadd.f32 v2, v3;
	v2 =	vld [tilespmem:$0x1F990]  }
0x283: {  	v26 =	vld [tilespmem:s25+$0x164B0];
	v18 =	vadd.f32 v38, v18;
	v5 =	vadd.f32 v57, v5  }
0x284: {  	v8 =	vld [tilespmem:s25+$0x16550]  }
0x285: {  	v18 =	vadd.f32 v49, v18;
	v60 =	vld [tilespmem:$0x1F960];
	v5 =	vadd.f32 v59, v5  }
0x286: {  	v16 =	vadd.f32 v36, v16;
	v36 =	vld [tilespmem:s25+$0xE550]  }
0x287: {  	v18 =	vadd.f32 v63, v18;
	v63 =	vadd.f32 v2, v5;
	v2 =	vld [tilespmem:$0x1F9A0]  }
0x288: {  	v37 =	vld [tilespmem:s25+$0x145B0]  }
0x289: {  	v44 =	vld [tilespmem:s25+$0x104B0]  }
0x28a: {  	v35 =	vld [tilespmem:s25+$0x145C0];
	v1 =	vadd.f32 v60, v1  }
0x28b: {  	v26 =	vadd.f32 v27, v26;
	v45 =	vld [tilespmem:$0x1F840]  }
0x28c: {  	v2 =	vadd.f32 v2, v1;
	v1 =	vadd.f32 v36, v8;
	v8 =	vld [tilespmem:$0x1F9B0]  }
0x28d: {  	v6 =	vld [tilespmem:$0x1F870]  }
0x28e: {  	v47 =	vld [tilespmem:s25+$0x12460];
	v26 =	vadd.f32 v44, v26  }
0x28f: {  	v25 =	vld [tilespmem:s25+$0x16540]  }
0x290: {  	v34 =	vld [tilespmem:s25+$0xE540];
	v26 =	vadd.f32 v45, v26  }
0x291: {  	v3 =	vadd.f32 v8, v3;
	v8 =	vld [tilespmem:$0x1F9D0]  }
0x292: {  	v23 =	vld [tilespmem:$0x1F810];
	v6 =	vadd.f32 v6, v26  }
0x293: {  	v33 =	vld [tilespmem:s25+$0x145D0]  }
0x294: {  	[tilespmem:s25+$0x164B0] =	vst v6;
	v6 =	vld [tilespmem:$0x1F9C0]  }
0x295: {  	v38 =	vld [tilespmem:s25+$0xE560];
	v16 =	vadd.f32 v47, v16  }
0x296: {  	v1 =	vadd.f32 v8, v1;
	v8 =	vld [tilespmem:$0x1F9F0]  }
0x297: {  	v16 =	vadd.f32 v23, v16;
	v23 =	vld [tilespmem:s25+$0xE570];
	[tilespmem:s25+$0x164A0] =	vst v0;
	v0 =	vadd.f32 v34, v25  }
0x298: {  	v21 =	vld [tilespmem:s25+$0x16570]  }
0x299: {  	v43 =	vld [tilespmem:s25+$0x16560];
	v0 =	vadd.f32 v6, v0  }
0x29a: {  	[tilespmem:s25+$0x164C0] =	vst v7;
	v7 =	vld [tilespmem:$0x1F9E0]  }
0x29b: {  	v0 =	vadd.f32 v8, v0;
	v8 =	vld [tilespmem:$0x1FA00];
	_ =	sdelay $0x2  }
0x29c: {  	v15 =	vadd.f32 v23, v21;
	v14 =	vadd.f32 v38, v43;
	_ =	sdelay $0x1  }
0x29d: {  	v7 =	vadd.f32 v7, v14;
	v14 =	vadd.f32 v8, v15;
	v8 =	vld [tilespmem:$0x1FA10];
	_ =	sdelay $0x4  }
0x29e: {  	v1 =	vadd.f32 v8, v1;
	v8 =	vld [tilespmem:$0x1FA20];
	_ =	sdelay $0x4  }
0x29f: {  	v7 =	vadd.f32 v8, v7;
	v8 =	vld [tilespmem:$0x1FA30];
	_ =	sdelay $0x4  }
0x2a0: {  	[tilespmem:s25+$0x16470] =	vst v18;
	v18 =	vadd.f32 v8, v0;
	v0 =	vld [tilespmem:$0x1FA40]  }
0x2a1: {  	v8 =	vld [tilespmem:$0x1FA50];
	_ =	sdelay $0x1  }
0x2a2: {  	v47 =	vld [tilespmem:s25+$0xE580]  }
0x2a3: {  	v17 =	vld [tilespmem:s25+$0x16580];
	_ =	sdelay $0x1  }
0x2a4: {  	v0 =	vadd.f32 v0, v14;
	v14 =	vadd.f32 v8, v1;
	v8 =	vld [tilespmem:$0x1FA80]  }
0x2a5: {  	v49 =	vld [tilespmem:s25+$0xE590]  }
0x2a6: {  	v20 =	vld [tilespmem:s25+$0x16590]  }
0x2a7: {  	[tilespmem:s25+$0x164E0] =	vst v4;
	v4 =	vadd.f32 v47, v17;
	v1 =	vld [tilespmem:$0x1FA60];
	_ =	sdelay $0x1  }
0x2a8: {  	v4 =	vadd.f32 v8, v4;
	v8 =	vld [tilespmem:$0x1FA90]  }
0x2a9: {  	v58 =	vld [tilespmem:s25+$0x165A0]  }
0x2aa: {  	v53 =	vld [tilespmem:s25+$0xE5A0]  }
0x2ab: {  	v17 =	vadd.f32 v49, v20;
	v7 =	vadd.f32 v1, v7;
	v1 =	vld [tilespmem:$0x1FA70];
	_ =	sdelay $0x1  }
0x2ac: {  	v17 =	vadd.f32 v8, v17;
	v8 =	vld [tilespmem:$0x1FAA0];
	_ =	sdelay $0x1  }
0x2ad: {  	v62 =	vld [tilespmem:s25+$0x165B0]  }
0x2ae: {  	v54 =	vld [tilespmem:s25+$0xE5B0];
	v1 =	vadd.f32 v1, v0;
	v0 =	vadd.f32 v53, v58  }
0x2af: {  	v12 =	vld [tilespmem:s25+$0x105C0]  }
0x2b0: {  	v20 =	vadd.f32 v8, v0;
	v8 =	vld [tilespmem:$0x1FAC0]  }
0x2b1: {  	v41 =	vld [tilespmem:s25+$0x105D0]  }
0x2b2: {  	[tilespmem:s25+$0x16460] =	vst v16;
	v16 =	vld [tilespmem:s25+$0xE5E0]  }
0x2b3: {  	v21 =	vadd.f32 v54, v62;
	v6 =	vld [tilespmem:s25+$0xE5D0]  }
0x2b4: {  	v0 =	vld [tilespmem:$0x1FAB0]  }
0x2b5: {  	v21 =	vadd.f32 v8, v21;
	v8 =	vld [tilespmem:$0x1FAD0]  }
0x2b6: {  	[tilespmem:s25+$0x164D0] =	vst v13;
	v13 =	vld [tilespmem:s25+$0x165C0]  }
0x2b7: {  	[tilespmem:s25+$0x164F0] =	vst v19;
	v19 =	vld [tilespmem:s25+$0x165D0]  }
0x2b8: {  	v5 =	vld [tilespmem:s25+$0xE5C0]  }
0x2b9: {  	[tilespmem:s25+$0x16500] =	vst v22;
	v15 =	vld [tilespmem:s25+$0xE5F0]  }
0x2ba: {  	s26 =	simm.s32 $0x800;
	[tilespmem:s25+$0x16510] =	vst v63;
	v4 =	vadd.f32 v0, v4;
	v0 =	vld [tilespmem:s25+$0x165E0];
	v17 =	vadd.f32 v8, v17  }
.LBB2_7:
0x2bb: {  	v8 =	vld [tilespmem:$0x1F7B0];
	_ =	sdelay $0x4  }
0x2bc: {  	v10 =	vadd.f32 v8, v20;
	v8 =	vld [tilespmem:$0x1F790];
	_ =	sdelay $0x4  }
0x2bd: {  	v4 =	vadd.f32 v8, v4;
	v8 =	vld [tilespmem:$0x1F7C0];
	_ =	sdelay $0x1  }
0x2be: {  	v22 =	vld [tilespmem:s25+$0x165F0]  }
0x2bf: {  	[tilespmem:s25+$0x16520] =	vst v2;
	v2 =	vld [tilespmem:s25+$0x105E0]  }
0x2c0: {  	v11 =	vld [tilespmem:s25+$0x145E0]  }
0x2c1: {  	v9 =	vadd.f32 v8, v21;
	v8 =	vld [tilespmem:$0x1F7A0]  }
0x2c2: {  	[tilespmem:s25+$0x16570] =	vst v1;
	v1 =	vld [tilespmem:$0x1F7D0]  }
0x2c3: {  	[tilespmem:s25+$0x16530] =	vst v3;
	v3 =	vadd.f32 v5, v13;
	v5 =	vld [tilespmem:s25+$0x105F0];
	v6 =	vadd.f32 v6, v19  }
0x2c4: {  	v0 =	vadd.f32 v16, v0;
	[tilespmem:s25+$0x16580] =	vst v4;
	v4 =	vld [tilespmem:$0x1F7E0]  }
0x2c5: {  	[tilespmem:s25+$0x16540] =	vst v18;
	v13 =	vld [tilespmem:s25+$0x125E0];
	v3 =	vadd.f32 v12, v3;
	v6 =	vadd.f32 v41, v6  }
0x2c6: {  	[tilespmem:s25+$0x16550] =	vst v14;
	v12 =	vld [tilespmem:s25+$0x125F0];
	v0 =	vadd.f32 v2, v0;
	v17 =	vadd.f32 v8, v17  }
0x2c7: {  	[tilespmem:s25+$0x16560] =	vst v7;
	s28 =	sshra.s32 s26, $0x2;
	v2 =	vld [tilespmem:s25+$0x145F0];
	v10 =	vadd.f32 v39, v10;
	v1 =	vadd.f32 v1, v3  }
0x2c8: {  	v47 =	vld [tilespmem:s28+$0x14400];
	v9 =	vadd.f32 v37, v9;
	[tilespmem:s25+$0x16590] =	vst v17  }
0x2c9: {  	v1 =	vadd.f32 v35, v1;
	v4 =	vadd.f32 v4, v6;
	v48 =	vld [tilespmem:s28+$0x14410];
	[tilespmem:s25+$0x165A0] =	vst v10  }
0x2ca: {  	v0 =	vadd.f32 v13, v0;
	v49 =	vld [tilespmem:s28+$0x14420];
	[tilespmem:s25+$0x165B0] =	vst v9  }
0x2cb: {  	v7 =	vadd.f32 v15, v22;
	v4 =	vadd.f32 v33, v4;
	v50 =	vld [tilespmem:s28+$0x14430];
	[tilespmem:s25+$0x165C0] =	vst v1  }
0x2cc: {  	v0 =	vadd.f32 v11, v0;
	v1 =	vld [tilespmem:s28+$0x14440]  }
0x2cd: {  	v3 =	vadd.f32 v5, v7;
	[tilespmem:s25+$0x165D0] =	vst v4  }
0x2ce: {  	v42 =	vld [tilespmem:s28+$0x14450];
	[tilespmem:s25+$0x165E0] =	vst v0  }
0x2cf: {  	v3 =	vadd.f32 v12, v3;
	v0 =	vld [tilespmem:s28+$0x14460];
	_ =	sdelay $0x1  }
0x2d0: {  	[tilespmem:$0x1F5C0] =	vst v1;
	v1 =	vadd.f32 v2, v3;
	_ =	sdelay $0x1  }
0x2d1: {  	[tilespmem:s25+$0x165F0] =	vst v1;
	s25 =	smov.u32 s28  }
0x2d2: {  	[tilespmem:$0x1F5D0] =	vst v0;
	v0 =	vld [tilespmem:s25+$0x14470];
	_ =	sdelay $0x4  }
0x2d3: {  	[tilespmem:$0x1F5E0] =	vst v0;
	v0 =	vld [tilespmem:s25+$0x14480];
	_ =	sdelay $0x4  }
0x2d4: {  	[tilespmem:$0x1F5F0] =	vst v0;
	v0 =	vld [tilespmem:s25+$0x14490];
	_ =	sdelay $0x4  }
0x2d5: {  	[tilespmem:$0x1F600] =	vst v0;
	v0 =	vld [tilespmem:s25+$0x144A0];
	_ =	sdelay $0x4  }
0x2d6: {  	[tilespmem:$0x1F610] =	vst v0;
	v0 =	vld [tilespmem:s25+$0x144B0];
	_ =	sdelay $0x4  }
0x2d7: {  	[tilespmem:$0x1F620] =	vst v0;
	v0 =	vld [tilespmem:s25+$0x144C0];
	_ =	sdelay $0x4  }
0x2d8: {  	[tilespmem:$0x1F630] =	vst v0;
	v0 =	vld [tilespmem:s25+$0x144D0];
	_ =	sdelay $0x4  }
0x2d9: {  	[tilespmem:$0x1F640] =	vst v0;
	v0 =	vld [tilespmem:s25+$0x144E0];
	_ =	sdelay $0x4  }
0x2da: {  	[tilespmem:$0x1F650] =	vst v0;
	v0 =	vld [tilespmem:s25+$0x144F0];
	_ =	sdelay $0x4  }
0x2db: {  	[tilespmem:$0x1F660] =	vst v0;
	v0 =	vld [tilespmem:s25+$0x14500];
	_ =	sdelay $0x4  }
0x2dc: {  	[tilespmem:$0x1F690] =	vst v0;
	v0 =	vld [tilespmem:s25+$0x14510];
	_ =	sdelay $0x2  }
0x2dd: {  	v40 =	vld [tilespmem:s25+$0x145A0]  }
0x2de: {  	v39 =	vld [tilespmem:s25+$0x145B0]  }
0x2df: {  	[tilespmem:$0x1F6B0] =	vst v0;
	v0 =	vld [tilespmem:s25+$0x14520]  }
0x2e0: {  	v38 =	vld [tilespmem:s25+$0x145C0]  }
0x2e1: {  	v37 =	vld [tilespmem:s25+$0x145D0]  }
0x2e2: {  	v21 =	vld [tilespmem:s25+$0x12400]  }
0x2e3: {  	v5 =	vld [tilespmem:s25+$0x12410]  }
0x2e4: {  	[tilespmem:$0x1F6C0] =	vst v0;
	v0 =	vld [tilespmem:s25+$0x14530]  }
0x2e5: {  	v20 =	vld [tilespmem:s25+$0x12420]  }
0x2e6: {  	v19 =	vld [tilespmem:s25+$0x12430]  }
0x2e7: {  	v2 =	vld [tilespmem:s25+$0x12440]  }
0x2e8: {  	v16 =	vld [tilespmem:s25+$0x12450]  }
0x2e9: {  	[tilespmem:$0x1F6D0] =	vst v0;
	v0 =	vld [tilespmem:s25+$0x14540]  }
0x2ea: {  	v15 =	vld [tilespmem:s25+$0x12460]  }
0x2eb: {  	v13 =	vld [tilespmem:s25+$0x12470]  }
0x2ec: {  	v62 =	vld [tilespmem:s25+$0x12480]  }
0x2ed: {  	v61 =	vld [tilespmem:s25+$0x12490]  }
0x2ee: {  	[tilespmem:$0x1F710] =	vst v0;
	v0 =	vld [tilespmem:s25+$0x14550]  }
0x2ef: {  	v60 =	vld [tilespmem:s25+$0x124A0]  }
0x2f0: {  	v59 =	vld [tilespmem:s25+$0x124B0]  }
0x2f1: {  	v54 =	vld [tilespmem:s25+$0x124C0]  }
0x2f2: {  	v53 =	vld [tilespmem:s25+$0x124D0]  }
0x2f3: {  	[tilespmem:$0x1F730] =	vst v0;
	v0 =	vld [tilespmem:s25+$0x14560]  }
0x2f4: {  	v52 =	vld [tilespmem:s25+$0x124E0]  }
0x2f5: {  	v51 =	vld [tilespmem:s25+$0x124F0]  }
0x2f6: {  	v43 =	vld [tilespmem:s25+$0x12500]  }
0x2f7: {  	v24 =	vld [tilespmem:s25+$0x10400]  }
0x2f8: {  	[tilespmem:$0x1F740] =	vst v0;
	v0 =	vld [tilespmem:s25+$0x14570]  }
0x2f9: {  	v25 =	vld [tilespmem:s25+$0x10410]  }
0x2fa: {  	v26 =	vld [tilespmem:s25+$0x10420]  }
0x2fb: {  	v27 =	vld [tilespmem:s25+$0x10430]  }
0x2fc: {  	v8 =	vld [tilespmem:s25+$0x10440]  }
0x2fd: {  	[tilespmem:$0x1F750] =	vst v0;
	v0 =	vld [tilespmem:s25+$0x14580]  }
0x2fe: {  	v28 =	vld [tilespmem:s25+$0x10450]  }
0x2ff: {  	v9 =	vld [tilespmem:s25+$0x10460]  }
0x300: {  	v29 =	vld [tilespmem:s25+$0x10470]  }
0x301: {  	v23 =	vld [tilespmem:s25+$0x10480]  }
0x302: {  	[tilespmem:$0x1F790] =	vst v0;
	v0 =	vld [tilespmem:s25+$0x14590]  }
0x303: {  	v7 =	vld [tilespmem:s25+$0x10490]  }
0x304: {  	v22 =	vld [tilespmem:s25+$0x104A0]  }
0x305: {  	v6 =	vld [tilespmem:s25+$0x104B0]  }
0x306: {  	v4 =	vld [tilespmem:s25+$0x104C0]  }
0x307: {  	[tilespmem:$0x1F7A0] =	vst v0;
	v0 =	vld [tilespmem:s25+$0x12510]  }
0x308: {  	v18 =	vld [tilespmem:s25+$0x104D0]  }
0x309: {  	v17 =	vld [tilespmem:s25+$0x104E0]  }
0x30a: {  	v3 =	vld [tilespmem:s25+$0x104F0]  }
0x30b: {  	v14 =	vld [tilespmem:s25+$0x10500]  }
0x30c: {  	[tilespmem:$0x1F670] =	vst v0;
	v0 =	vld [tilespmem:s25+$0x12520]  }
0x30d: {  	v1 =	vld [tilespmem:s25+$0x10510]  }
0x30e: {  	v63 =	vld [tilespmem:s25+$0x10530]  }
0x30f: {  	v58 =	vld [tilespmem:s25+$0x10540]  }
0x310: {  	v57 =	vld [tilespmem:s25+$0x10550]  }
0x311: {  	[tilespmem:$0x1F680] =	vst v0;
	v0 =	vld [tilespmem:s25+$0x12530]  }
0x312: {  	v56 =	vld [tilespmem:s25+$0x10560]  }
0x313: {  	v55 =	vld [tilespmem:s25+$0x10570]  }
0x314: {  	v10 =	vld [tilespmem:s25+$0x105B0]  }
0x315: {  	v30 =	vld [tilespmem:s25+$0xE400]  }
0x316: {  	[tilespmem:$0x1F6A0] =	vst v0;
	v0 =	vld [tilespmem:s25+$0x12540]  }
0x317: {  	v31 =	vld [tilespmem:s25+$0xE410]  }
0x318: {  	v32 =	vld [tilespmem:s25+$0xE420]  }
0x319: {  	v33 =	vld [tilespmem:s25+$0xE430]  }
0x31a: {  	v34 =	vld [tilespmem:s25+$0x16400]  }
0x31b: {  	[tilespmem:$0x1F6E0] =	vst v0;
	v0 =	vld [tilespmem:s25+$0x12550]  }
0x31c: {  	v11 =	vld [tilespmem:s25+$0x16420]  }
0x31d: {  	v35 =	vld [tilespmem:s25+$0x16430]  }
0x31e: {  	v36 =	vld [tilespmem:s25+$0xE440]  }
0x31f: {  	[tilespmem:$0x1F770] =	vst v10;
	v10 =	vld [tilespmem:s25+$0x16410]  }
0x320: {  	[tilespmem:$0x1F6F0] =	vst v0;
	v0 =	vld [tilespmem:s25+$0x12560]  }
0x321: {  	v30 =	vadd.f32 v30, v34;
	v34 =	vld [tilespmem:s25+$0xE450]  }
0x322: {  	v11 =	vadd.f32 v32, v11;
	v32 =	vld [tilespmem:s25+$0xE470]  }
0x323: {  	v33 =	vadd.f32 v33, v35;
	v35 =	vmov v38;
	v38 =	vld [tilespmem:s25+$0x164B0]  }
0x324: {  	v24 =	vadd.f32 v24, v30;
	v30 =	vld [tilespmem:s25+$0x16440]  }
0x325: {  	[tilespmem:$0x1F700] =	vst v0;
	v0 =	vld [tilespmem:s25+$0x12570]  }
0x326: {  	v21 =	vadd.f32 v21, v24;
	v24 =	vld [tilespmem:s25+$0x16460]  }
0x327: {  	v11 =	vadd.f32 v26, v11;
	v26 =	vadd.f32 v27, v33;
	v33 =	vmovc v37;
	v37 =	vmovc v39;
	v39 =	vmov v40;
	v40 =	vld [tilespmem:s25+$0x16470]  }
0x328: {  	v10 =	vadd.f32 v31, v10;
	v31 =	vld [tilespmem:s25+$0xE460]  }
0x329: {  	v11 =	vadd.f32 v20, v11;
	v20 =	vadd.f32 v47, v21;
	v21 =	vld [tilespmem:s25+$0xE480]  }
0x32a: {  	v19 =	vadd.f32 v19, v26;
	[tilespmem:$0x1F720] =	vst v0;
	v0 =	vld [tilespmem:s25+$0x12580]  }
0x32b: {  	v11 =	vadd.f32 v49, v11;
	v49 =	vld [tilespmem:s25+$0xE4A0]  }
0x32c: {  	v19 =	vadd.f32 v50, v19;
	v50 =	vld [tilespmem:s25+$0xE4B0]  }
0x32d: {  	v10 =	vadd.f32 v25, v10;
	v25 =	vld [tilespmem:s25+$0x16450]  }
0x32e: {  	v47 =	vadd.f32 v36, v30;
	v36 =	vld [tilespmem:s25+$0x16490]  }
0x32f: {  	v5 =	vadd.f32 v5, v10;
	[tilespmem:$0x1F760] =	vst v0;
	v0 =	vld [tilespmem:s25+$0x12590]  }
0x330: {  	v8 =	vadd.f32 v8, v47;
	v47 =	vld [tilespmem:s25+$0xE4E0]  }
0x331: {  	v24 =	vadd.f32 v31, v24;
	v5 =	vadd.f32 v48, v5;
	v48 =	vld [tilespmem:s25+$0xE490]  }
0x332: {  	v2 =	vadd.f32 v2, v8;
	v8 =	vld [tilespmem:s25+$0x164A0];
	v25 =	vadd.f32 v34, v25  }
0x333: {  	v10 =	vadd.f32 v32, v40;
	v34 =	vld [tilespmem:s25+$0x16480];
	v9 =	vadd.f32 v9, v24  }
0x334: {  	v25 =	vadd.f32 v28, v25;
	[tilespmem:$0x1F780] =	vst v0;
	v0 =	vld [tilespmem:s25+$0x125A0]  }
0x335: {  	v10 =	vadd.f32 v29, v10;
	v9 =	vadd.f32 v15, v9;
	v15 =	vld [tilespmem:$0x1F5C0]  }
0x336: {  	v32 =	vld [tilespmem:s25+$0xE500];
	v16 =	vadd.f32 v16, v25  }
0x337: {  	v24 =	vadd.f32 v50, v38;
	v50 =	vld [tilespmem:s25+$0x164D0];
	v10 =	vadd.f32 v13, v10  }
0x338: {  	v8 =	vadd.f32 v49, v8;
	v49 =	vld [tilespmem:s25+$0xE4F0];
	v13 =	vadd.f32 v42, v16  }
0x339: {  	v16 =	vadd.f32 v21, v34;
	v42 =	vadd.f32 v48, v36;
	[tilespmem:$0x1F7B0] =	vst v0;
	v0 =	vld [tilespmem:s25+$0x125B0]  }
0x33a: {  	v15 =	vadd.f32 v15, v2;
	v2 =	vld [tilespmem:s25+$0xE4C0]  }
0x33b: {  	v16 =	vadd.f32 v23, v16;
	v23 =	vld [tilespmem:s25+$0x164C0];
	v7 =	vadd.f32 v7, v42  }
0x33c: {  	v8 =	vadd.f32 v22, v8;
	v22 =	vld [tilespmem:s25+$0x164E0]  }
0x33d: {  	v7 =	vadd.f32 v61, v7;
	v61 =	vld [tilespmem:s25+$0x164F0]  }
0x33e: {  	[tilespmem:$0x1F7C0] =	vst v0;
	v0 =	vld [tilespmem:s25+$0x125C0]  }
0x33f: {  	v38 =	vld [tilespmem:s25+$0xE520]  }
0x340: {  	v21 =	vld [tilespmem:s25+$0xE4D0];
	v2 =	vadd.f32 v2, v23  }
0x341: {  	v6 =	vadd.f32 v6, v24;
	v48 =	vld [tilespmem:$0x1F5E0]  }
0x342: {  	v2 =	vadd.f32 v4, v2;
	v4 =	vld [tilespmem:s25+$0x16500];
	v24 =	vadd.f32 v49, v61  }
0x343: {  	v22 =	vadd.f32 v47, v22;
	[tilespmem:$0x1F7D0] =	vst v0;
	v0 =	vld [tilespmem:s25+$0x125D0]  }
0x344: {  	v42 =	vld [tilespmem:s25+$0xE530];
	v3 =	vadd.f32 v3, v24  }
0x345: {  	v17 =	vadd.f32 v17, v22;
	v22 =	vld [tilespmem:s25+$0x16520]  }
0x346: {  	v3 =	vadd.f32 v51, v3;
	v51 =	vld [tilespmem:$0x1F660]  }
0x347: {  	v47 =	vld [tilespmem:s25+$0x16530]  }
0x348: {  	v4 =	vadd.f32 v32, v4;
	[tilespmem:$0x1F7E0] =	vst v0;
	v0 =	vld [tilespmem:s25+$0x10520]  }
0x349: {  	v46 =	vld [tilespmem:s25+$0x10580];
	v10 =	vadd.f32 v48, v10  }
0x34a: {  	v2 =	vadd.f32 v54, v2;
	v4 =	vadd.f32 v14, v4;
	v54 =	vld [tilespmem:$0x1F690]  }
0x34b: {  	v48 =	vld [tilespmem:$0x1F630];
	v28 =	vadd.f32 v51, v3;
	v3 =	vadd.f32 v38, v22  }
0x34c: {  	[tilespmem:s25+$0x16410] =	vst v5;
	v5 =	vld [tilespmem:s25+$0x16570];
	v21 =	vadd.f32 v21, v50;
	v24 =	vadd.f32 v42, v47  }
0x34d: {  	v23 =	vld [tilespmem:s25+$0xE510];
	v0 =	vadd.f32 v0, v3;
	v3 =	vadd.f32 v43, v4  }
0x34e: {  	v18 =	vadd.f32 v18, v21;
	v21 =	vld [tilespmem:s25+$0x16510]  }
0x34f: {  	[tilespmem:s25+$0x16400] =	vst v20;
	v20 =	vadd.f32 v63, v24;
	v24 =	vadd.f32 v54, v3;
	v3 =	vld [tilespmem:$0x1F6A0]  }
0x350: {  	v27 =	vadd.f32 v48, v2;
	v2 =	vld [tilespmem:s25+$0xE540]  }
0x351: {  	v49 =	vld [tilespmem:$0x1F640]  }
0x352: {  	v17 =	vadd.f32 v52, v17;
	v52 =	vld [tilespmem:$0x1F670]  }
0x353: {  	v21 =	vadd.f32 v23, v21;
	v14 =	vld [tilespmem:s25+$0x16540]  }
0x354: {  	v18 =	vadd.f32 v53, v18;
	v3 =	vadd.f32 v3, v20;
	v20 =	vld [tilespmem:$0x1F6B0]  }
0x355: {  	v1 =	vadd.f32 v1, v21;
	v21 =	vld [tilespmem:s25+$0x16550]  }
0x356: {  	v29 =	vadd.f32 v49, v18;
	v18 =	vld [tilespmem:s25+$0xE550]  }
0x357: {  	v22 =	vld [tilespmem:s25+$0xE570];
	v1 =	vadd.f32 v52, v1  }
0x358: {  	v8 =	vadd.f32 v60, v8;
	v53 =	vld [tilespmem:$0x1F680]  }
0x359: {  	v60 =	vadd.f32 v20, v1;
	v1 =	vadd.f32 v2, v14;
	v14 =	vld [tilespmem:$0x1F6D0]  }
0x35a: {  	v2 =	vld [tilespmem:$0x1F6C0]  }
0x35b: {  	v45 =	vld [tilespmem:s25+$0x10590]  }
0x35c: {  	v44 =	vld [tilespmem:s25+$0x105A0];
	v5 =	vadd.f32 v22, v5  }
0x35d: {  	v23 =	vld [tilespmem:s25+$0xE560];
	v0 =	vadd.f32 v53, v0  }
0x35e: {  	v3 =	vadd.f32 v14, v3;
	v14 =	vadd.f32 v55, v5;
	v5 =	vld [tilespmem:$0x1F6F0]  }
0x35f: {  	v4 =	vld [tilespmem:s25+$0x16560];
	v2 =	vadd.f32 v2, v0;
	v0 =	vadd.f32 v18, v21  }
0x360: {  	v12 =	vld [tilespmem:s25+$0x105C0]  }
0x361: {  	v41 =	vld [tilespmem:s25+$0x105D0];
	v0 =	vadd.f32 v57, v0  }
0x362: {  	v40 =	vld [tilespmem:$0x1F5D0]  }
0x363: {  	v0 =	vadd.f32 v5, v0;
	v5 =	vld [tilespmem:$0x1F700]  }
0x364: {  	[tilespmem:s25+$0x16430] =	vst v19;
	v19 =	vld [tilespmem:s25+$0xE590];
	v4 =	vadd.f32 v23, v4  }
0x365: {  	v34 =	vld [tilespmem:$0x1F600]  }
0x366: {  	[tilespmem:s25+$0x16450] =	vst v13;
	v13 =	vld [tilespmem:$0x1F6E0];
	v4 =	vadd.f32 v56, v4  }
0x367: {  	v36 =	vld [tilespmem:$0x1F610]  }
0x368: {  	v4 =	vadd.f32 v5, v4;
	v5 =	vld [tilespmem:$0x1F710]  }
0x369: {  	v9 =	vadd.f32 v40, v9;
	v40 =	vld [tilespmem:$0x1F620];
	v1 =	vadd.f32 v58, v1  }
0x36a: {  	v16 =	vadd.f32 v62, v16;
	v62 =	vld [tilespmem:$0x1F5F0];
	v7 =	vadd.f32 v34, v7  }
0x36b: {  	[tilespmem:s25+$0x16440] =	vst v15;
	v15 =	vld [tilespmem:s25+$0xE5A0];
	v1 =	vadd.f32 v13, v1  }
0x36c: {  	v8 =	vadd.f32 v36, v8;
	[tilespmem:s25+$0x16490] =	vst v7;
	v7 =	vld [tilespmem:$0x1F730]  }
0x36d: {  	v18 =	vadd.f32 v5, v1;
	v1 =	vld [tilespmem:$0x1F720]  }
0x36e: {  	[tilespmem:s25+$0x164A0] =	vst v8;
	v8 =	vld [tilespmem:$0x1F750]  }
0x36f: {  	v13 =	vld [tilespmem:s25+$0x165A0]  }
0x370: {  	v20 =	vld [tilespmem:s25+$0xE5B0]  }
0x371: {  	v21 =	vld [tilespmem:s25+$0x165B0]  }
0x372: {  	v16 =	vadd.f32 v62, v16;
	v62 =	vld [tilespmem:s25+$0x16590];
	v1 =	vadd.f32 v1, v14  }
0x373: {  	v6 =	vadd.f32 v59, v6;
	v14 =	vadd.f32 v7, v0;
	v7 =	vld [tilespmem:$0x1F740]  }
0x374: {  	v59 =	vld [tilespmem:s25+$0xE580];
	v1 =	vadd.f32 v8, v1;
	v8 =	vadd.f32 v15, v13  }
0x375: {  	v50 =	vld [tilespmem:$0x1F650]  }
0x376: {  	[tilespmem:s25+$0x16420] =	vst v11;
	v63 =	vadd.f32 v20, v21;
	v20 =	vadd.f32 v44, v8;
	v8 =	vld [tilespmem:$0x1F770]  }
0x377: {  	v6 =	vadd.f32 v40, v6;
	v61 =	vld [tilespmem:s25+$0x16580];
	[tilespmem:s25+$0x16460] =	vst v9  }
0x378: {  	[tilespmem:s25+$0x16480] =	vst v16;
	v16 =	vld [tilespmem:s25+$0xE5E0];
	v7 =	vadd.f32 v7, v4;
	v4 =	vadd.f32 v19, v62  }
0x379: {  	[tilespmem:s25+$0x164B0] =	vst v6;
	v6 =	vld [tilespmem:s25+$0xE5D0]  }
0x37a: {  	[tilespmem:s25+$0x16470] =	vst v10;
	v10 =	vadd.f32 v45, v4;
	v4 =	vld [tilespmem:$0x1F760]  }
0x37b: {  	p0 =	sne.s32 s26, $0x7800;
	v17 =	vadd.f32 v50, v17;
	[tilespmem:s25+$0x164C0] =	vst v27;
	v21 =	vadd.f32 v8, v63;
	v8 =	vld [tilespmem:$0x1F780]  }
.Ltmp2:
0x37c: {  	[tilespmem:s25+$0x164D0] =	vst v29;
	v5 =	vld [tilespmem:s25+$0xE5C0];
	v0 =	vadd.f32 v59, v61;
	(pc) =	sbr.rel @p0 .LBB2_7-.Ltmp2, $4  }
0x37d: {  	[tilespmem:s25+$0x164E0] =	vst v17;
	v15 =	vld [tilespmem:s25+$0xE5F0]  }
0x37e: {  	[tilespmem:s25+$0x164F0] =	vst v28;
	v0 =	vadd.f32 v46, v0;
	v13 =	vld [tilespmem:s25+$0x165C0]  }
0x37f: {  	[tilespmem:s25+$0x16500] =	vst v24;
	v19 =	vld [tilespmem:s25+$0x165D0]  }
0x380: {  	s26 =	sadd.s32 $0x800, s26;
	[tilespmem:s25+$0x16510] =	vst v60;
	v4 =	vadd.f32 v4, v0;
	v0 =	vld [tilespmem:s25+$0x165E0];
	v17 =	vadd.f32 v8, v10  }
0x381: {  	v8 =	vld [tilespmem:s25+$0x165F0]  }
0x382: {  	v10 =	vld [tilespmem:$0x1F7B0]  }
0x383: {  	v11 =	vld [tilespmem:$0x1F790]  }
0x384: {  	v55 =	vld [tilespmem:$0x1F7C0]  }
0x385: {  	v56 =	vld [tilespmem:$0x1F7A0]  }
0x386: {  	v53 =	vld [tilespmem:s25+$0x105E0];
	v5 =	vadd.f32 v5, v13  }
0x387: {  	[tilespmem:s25+$0x16520] =	vst v2;
	v62 =	vld [tilespmem:$0x1F7D0];
	v6 =	vadd.f32 v6, v19  }
0x388: {  	[tilespmem:s25+$0x16530] =	vst v3;
	v54 =	vld [tilespmem:s25+$0x105F0];
	v0 =	vadd.f32 v16, v0;
	v5 =	vadd.f32 v12, v5  }
0x389: {  	[tilespmem:s25+$0x16540] =	vst v18;
	v63 =	vld [tilespmem:$0x1F7E0];
	v10 =	vadd.f32 v10, v20;
	v4 =	vadd.f32 v11, v4  }
0x38a: {  	v9 =	vld [tilespmem:s25+$0x125E0];
	[tilespmem:s25+$0x16550] =	vst v14;
	v11 =	vadd.f32 v55, v21;
	v14 =	vadd.f32 v56, v17  }
0x38b: {  	v57 =	vld [tilespmem:s25+$0x125F0];
	[tilespmem:s25+$0x16560] =	vst v7;
	v60 =	vadd.f32 v15, v8;
	v6 =	vadd.f32 v41, v6  }
0x38c: {  	v59 =	vld [tilespmem:s25+$0x145E0];
	[tilespmem:s25+$0x16570] =	vst v1;
	v0 =	vadd.f32 v53, v0;
	v2 =	vadd.f32 v62, v5  }
0x38d: {  	v61 =	vld [tilespmem:s25+$0x145F0];
	v10 =	vadd.f32 v39, v10;
	v58 =	vadd.f32 v37, v11;
	[tilespmem:s25+$0x16580] =	vst v4  }
0x38e: {  	s24 =	sadd.s32 $0x1, s24;
	v1 =	vadd.f32 v54, v60;
	v3 =	vadd.f32 v63, v6;
	[tilespmem:s25+$0x16590] =	vst v14  }
0x38f: {  	p0 =	sne.s32 s24, $0x19;
	v0 =	vadd.f32 v9, v0;
	v2 =	vadd.f32 v35, v2;
	[tilespmem:s25+$0x165A0] =	vst v10  }
.Ltmp3:
0x390: {  	v1 =	vadd.f32 v57, v1;
	v3 =	vadd.f32 v33, v3;
	[tilespmem:s25+$0x165B0] =	vst v58;
	(pc) =	sbr.rel @p0 .LBB2_4-.Ltmp3, $4  }
0x391: {  	v0 =	vadd.f32 v59, v0;
	[tilespmem:s25+$0x165C0] =	vst v2  }
0x392: {  	v1 =	vadd.f32 v61, v1;
	[tilespmem:s25+$0x165D0] =	vst v3  }
0x393: {  	[tilespmem:s25+$0x165E0] =	vst v0  }
0x394: {  	[tilespmem:s25+$0x165F0] =	vst v1  }
0x395: {  	s23 =	sadd.s32 $0x1, s23  }
0x396: {  	p0 =	sne.s32 s23, s6  }
.Ltmp4:
0x397: {  	_ = 	snop;
	(pc) =	sbr.rel @p0 .LBB2_1-.Ltmp4, $4  }
0x398: {  	[hbm4b:s5+s2] =	stream.linear.scatter [tilespmem:s22], [sflag:$0x3], $0x2000, $0x38;
	[tilespmem:$0x18400] =	vst v63  }
0x399: {  	_ =	swait.ge [sflag:s9], $0x2000  }
0x39a: {  	[sflag:s9] =	ssyncset.done $0x0  }
0x39b: {  	v0 =	vimm.f32 $0.0e+00;
	[sflag:s9] =	ssyncadd.s32 $0xFFFFE000  }
0x39c: {  	_ =	sfence.sel $0x180000  }
0x39d: {  	[bflag:$0x0] =	sbarrier.arrive $0xFFFF  }
0x39e: {  	p0 =	sne.s32 s1, $0x0;
	_ =	strace $0x90000047  }
0x39f: {  	s0 =	sadd.s32 @!p0 $0x100000, s0;
	[bflag:$0x2] =	sbarrier.arrive $0xFFFF  }
0x3a0: {  	[sflag:s0] =	ssyncadd.tile.s32 @!p0 $0x1;
	_ =	shalt  }
.Lfunc_end2:
_tile_overlayer_lowered:
.L_overlay_start_2:
0x3a1: {  	(tag) =	ssettag $0x2  }
0x3a2: {  	s0 =	rddreg [dreg:$0x0];
	s2 =	stileid.u32  }
0x3a3: {  	s1 =	rddreg [dreg:$0x1];
	p0 =	sne.s32 s2, $0x0  }
0x3a4: {  	s3 =	rddreg [dreg:$0x2];
	[bflag:$0x3] =	sbarrier.arrive $0xFFFF;
	s2 =	simm.s32 @!p0 $0x1C03  }
0x3a5: {  	[timem:s3], [sflag:s2] =	dma.local @!p0 [hbm:s0], s1  }
0x3a6: {  	s0 =	simm.s32 @!p0 $0x3  }
0x3a7: {  	_ =	swait.ge @!p0 [sflag:s0], s1  }
0x3a8: {  	s1 =	ssub.s32 @!p0 $0x0, s1;
	[sflag:s0] =	ssyncset.done @!p0 $0x0  }
0x3a9: {  	[sflag:s0] =	ssyncadd.s32 @!p0 s1  }
0x3aa: {  	[bflag:$0x3] =	sbarrier.arrive $0xFFFF  }
0x3ab: {  	_ =	shalt  }

</sc_bundles>
